<compile_context>
chip_gen: v7x
topology: tpu7x:2x2x1
jax: 0.10.2.dev20260603
libtpu: 0.0.44.dev20260713+nightly
codegen_flags: <defaults>
</compile_context>

<pallas_src>
import jax
import jax.numpy as jnp
from jax import lax
from jax.experimental import pallas as pl
from jax.experimental.pallas import tpu as pltpu
from jax.experimental.pallas import tpu_sc as plsc

NC = 2
NS = 16
L = 16
NW = NC * NS
B = 16
N = 512 * 512
HALF = N // 2
CH = 8192
NCHUNK = HALF // CH
LOG2K = 13
K = 1 << LOG2K
NH = 2 * K
XLIM = 8.0
SCALE = K / (2.0 * XLIM)
BIAS = K / 2.0
IMGS_PER_CORE = B // NC


ROWLEN = 512
CROWS = CH // ROWLEN
WROWS = HALF // ROWLEN


def _hist_body(x_hbm, t_hbm, hist_hbm, xbuf, tbuf, hist_ref, xsem, tsem):
    c = lax.axis_index("c")
    s = lax.axis_index("s")
    wid = c * NS + s
    base = wid * WROWS

    zero16 = jnp.zeros((L,), jnp.float32)
    ones16 = jnp.ones((L,), jnp.float32)

    @plsc.parallel_loop(0, NH, step=L, unroll=4)
    def _zero(i):
        hist_ref[pl.ds(i, L)] = zero16

    descs = {}
    descs[0] = (
        pltpu.async_copy(x_hbm.at[pl.ds(base, CROWS)], xbuf.at[0], xsem),
        pltpu.async_copy(t_hbm.at[pl.ds(base, CROWS)], tbuf.at[0], tsem),
    )
    for i in range(NCHUNK):
        b = i % 2
        if i + 1 < NCHUNK:
            off = base + (i + 1) * CROWS
            descs[i + 1] = (
                pltpu.async_copy(x_hbm.at[pl.ds(off, CROWS)], xbuf.at[1 - b], xsem),
                pltpu.async_copy(t_hbm.at[pl.ds(off, CROWS)], tbuf.at[1 - b], tsem),
            )
        dx, dt = descs.pop(i)
        dx.wait()
        dt.wait()

        @plsc.parallel_loop(0, CH, step=L, unroll=8)
        def _proc(j, _b=b):
            r = lax.shift_right_logical(j, 9)
            col = jnp.bitwise_and(j, ROWLEN - 1)
            xv = xbuf[_b, r, pl.ds(col, L)]
            tv = tbuf[_b, r, pl.ds(col, L)]
            xs = xv * SCALE + BIAS
            xs = jnp.minimum(jnp.maximum(xs, 0.0), float(K - 1))
            ki = xs.astype(jnp.int32) + lax.shift_left(tv, LOG2K)
            plsc.addupdate_scatter(hist_ref, [ki], ones16)

    pltpu.sync_copy(hist_ref, hist_hbm.at[wid])


def _scan_body(hist_hbm, out_hbm, ha_ref, hb_ref, cnt_ref, phat_ref,
               outbuf, sem):
    c = lax.axis_index("c")
    s = lax.axis_index("s")

    @pl.when(s < IMGS_PER_CORE)
    def _scan():
        image = c * IMGS_PER_CORE + s
        w0 = 2 * image
        pltpu.sync_copy(hist_hbm.at[w0], ha_ref)
        pltpu.sync_copy(hist_hbm.at[w0 + 1], hb_ref)

        ii = lax.iota(jnp.int32, L)
        iif = ii.astype(jnp.float32)
        zero16 = jnp.zeros((L,), jnp.float32)

        def abody(j, carry):
            t0, t1, sp0, sp1 = carry
            jf = j.astype(jnp.float32)
            xc = (jf + iif + 0.5 - BIAS) * (1.0 / SCALE)
            ph = 1.0 / (1.0 + jnp.exp(-xc))
            cn = ha_ref[pl.ds(j, L)] + hb_ref[pl.ds(j, L)]
            cp = ha_ref[pl.ds(j + K, L)] + hb_ref[pl.ds(j + K, L)]
            cnt_ref[pl.ds(j, L)] = cn
            phat_ref[pl.ds(j, L)] = ph
            return t1, t0 + cp, sp1, sp0 + cp * ph

        t0, t1, sp0, sp1 = plsc.parallel_loop(
            0, K, step=L, unroll=4,
            carry=(zero16, zero16, zero16, zero16))(abody)
        Tt = jnp.sum(t0 + t1)
        SPP = jnp.sum(sp0 + sp1)

        def sbody(j, carry):
            A, acc = carry
            off = K - L - j * L
            cnt_v = cnt_ref[pl.ds(off, L)]
            cnt_r = lax.rev(cnt_v, (0,))
            ph_r = lax.rev(phat_ref[pl.ds(off, L)], (0,))
            incl = plsc.cumsum(cnt_r)
            A_vec = A + incl - cnt_r
            lo = A_vec / jnp.maximum(Tt + A_vec, 1.0)
            hi = (A_vec + cnt_r) / jnp.maximum(Tt + A_vec + cnt_r, 1.0)
            acc = acc + (1.0 + ph_r) * (hi - lo)
            A = A + jnp.sum(cnt_v)
            return A, acc

        _, acc = lax.fori_loop(0, K // L, sbody, (jnp.float32(0.0), zero16))
        C = jnp.sum(acc)
        loss = C + (Tt - SPP) * (1.0 / float(N))
        outbuf[...] = jnp.broadcast_to(loss, (L,))
        pltpu.sync_copy(outbuf, out_hbm.at[image])


@jax.jit
def _sc_losses(xflat, tflat):
    mesh = plsc.VectorSubcoreMesh(core_axis_name="c", subcore_axis_name="s")
    params = pltpu.CompilerParams(needs_layout_passes=False,
                                  use_tc_tiling_on_sc=True)
    hist = pl.kernel(
        _hist_body,
        out_type=jax.ShapeDtypeStruct((NW, NH), jnp.float32),
        mesh=mesh,
        scratch_types=[
            pltpu.VMEM((2, CROWS, ROWLEN), jnp.float32),
            pltpu.VMEM((2, CROWS, ROWLEN), jnp.int32),
            pltpu.VMEM((NH,), jnp.float32),
            pltpu.SemaphoreType.DMA,
            pltpu.SemaphoreType.DMA,
        ],
        compiler_params=params,
    )
    histo = hist(xflat, tflat)
    scan = pl.kernel(
        _scan_body,
        out_type=jax.ShapeDtypeStruct((B, L), jnp.float32),
        mesh=mesh,
        scratch_types=[
            pltpu.VMEM((NH,), jnp.float32),
            pltpu.VMEM((NH,), jnp.float32),
            pltpu.VMEM((K,), jnp.float32),
            pltpu.VMEM((K,), jnp.float32),
            pltpu.VMEM((L,), jnp.float32),
            pltpu.SemaphoreType.DMA,
        ],
        compiler_params=params,
    )
    return scan(histo)


def kernel(input, target):
    x2 = input.reshape(B * 512, ROWLEN)
    t2 = target.reshape(B * 512, ROWLEN).astype(jnp.int32)
    losses = _sc_losses(x2, t2)
    return jnp.mean(losses[:, 0])

# --- scband reference (transcript-rebuilt; emitter-appended) ---
"""Pipeline reference for scband-lovasz-hinge-loss-43843026158080 (READ-ONLY COPY).

The authoritative reference and input builder live on the scoring server;
editing this copy changes nothing except your own understanding.
"""

import jax, jax.numpy as jnp
import numpy as np


def setup_inputs(seed: int = 0) -> dict:
    key = jax.random.key(seed)
    k1, k2 = jax.random.split(key)
    inp = jax.random.normal(k1, (16, 1, 512, 512), dtype=jnp.float32)
    target = jax.random.randint(k2, (16, 512, 512), 0, 2, dtype=jnp.int64 if jax.config.jax_enable_x64 else jnp.int32).astype(jnp.int32)
    return {"input": inp, "target": target}


def reference(input, target):
    B = input.shape[0]
    input_flatten = input.reshape(B, -1)
    target_flatten = target.reshape(B, -1).astype(jnp.float32)
    N = input_flatten.shape[1]
    input_prob = jax.nn.sigmoid(input_flatten)
    signs = 2.0 * target_flatten - 1.0
    errors = 1.0 - input_prob * signs
    permutation = jnp.argsort(-errors, axis=1)
    errors_sorted = jnp.take_along_axis(errors, permutation, axis=1)
    target_sorted = jnp.take_along_axis(target_flatten, permutation, axis=1)
    target_sorted_sum = target_sorted.sum(axis=1, keepdims=True)
    intersection = target_sorted_sum - jnp.cumsum(target_sorted, axis=1)
    union = target_sorted_sum + jnp.cumsum(1.0 - target_sorted, axis=1)
    gradient = 1.0 - intersection / union
    if N > 1:
        gradient = jnp.concatenate([gradient[:, :1], gradient[:, 1:] - gradient[:, :-1]], axis=1)
    loss = (jax.nn.relu(errors_sorted) * gradient).sum(axis=1).mean()
    return loss

if __name__ == "__main__":
    import jax
    _d = setup_inputs()
    print(jax.jit(kernel)(*tuple(_d.values())))

</pallas_src>

<mosaic_0001>
#map = affine_map<(d0, d1) -> (0, 0)>
module attributes {stable_mosaic.version = 14 : i64} {
  func.func @_hist_body(%arg0: i32, %arg1: i32, %arg2: memref<8192x512xf32, #tpu.memory_space<hbm>>, %arg3: memref<8192x512xi32, #tpu.memory_space<hbm>>, %arg4: memref<32x16384xf32, #tpu.memory_space<hbm>>, %arg5: memref<2x16x512xf32, #tpu.memory_space<vmem>>, %arg6: memref<2x16x512xi32, #tpu.memory_space<vmem>>, %arg7: memref<16384xf32, #tpu.memory_space<vmem>>, %arg8: memref<!tpu.dma_semaphore, #tpu.memory_space<semaphore_mem>>, %arg9: memref<!tpu.dma_semaphore, #tpu.memory_space<semaphore_mem>>) attributes {dimension_semantics = [#tpu.dimension_semantics<core_parallel>, #tpu.dimension_semantics<subcore_parallel>], iteration_bounds = array<i64: 2, 16>, scalar_prefetch = 0 : i64, scratch_operands = 5 : i64, tpu.core_type = #tpu.core_type<sc_vector_subcore>, window_params = [{transform_indices = #map}, {transform_indices = #map}, {transform_indices = #map}]} {
    %mul3A = arith.constant 16 : i32
    %mul3A_0 = arith.muli %arg0, %mul3A : i32
    %add3A = arith.addi %mul3A_0, %arg1 : i32
    %mul3A_1 = arith.constant 256 : i32
    %mul3A_2 = arith.muli %add3A, %mul3A_1 : i32
    %broadcast_in_dim3A = arith.constant 0.000000e+00 : f32
    %broadcast_in_dim3A_3 = vector.broadcast %broadcast_in_dim3A : f32 to vector<16xf32>
    %broadcast_in_dim3A_4 = arith.constant 1.000000e+00 : f32
    %broadcast_in_dim3A_5 = vector.broadcast %broadcast_in_dim3A_4 : f32 to vector<16xf32>
    %parallel_loop3A = arith.constant 0 : i32
    %parallel_loop3A_6 = arith.constant 16384 : i32
    %parallel_loop3A_7 = arith.constant 16 : i32
    scf.for %parallel_loop3A_916 = %parallel_loop3A to %parallel_loop3A_6 step %parallel_loop3A_7  : i32 {
      %parallel_loop3A_917 = arith.index_cast %parallel_loop3A_916 : i32 to index
      %parallel_loop3A_918 = tpu.vector_load %arg7[%parallel_loop3A_917] {strides = array<i32>} : memref<16384xf32, #tpu.memory_space<vmem>>, vector<16xf32>,
      tpu.vector_store %arg7[%parallel_loop3A_917], %broadcast_in_dim3A_3 {strides = array<i32>} : memref<16384xf32, #tpu.memory_space<vmem>>, vector<16xf32>,
    } {sc.loop_unroll_factor = 4 : i64, sc.parallel_access}
    %dma_start3A = arith.constant 0 : i32
    %dma_start3A_8 = arith.constant 0 : i32
    %dma_start3A_9 = arith.constant 0 : i32
    %dma_start3A_10 = tpu.memref_slice %arg5[%dma_start3A, %dma_start3A_8, %dma_start3A_9] : memref<2x16x512xf32, #tpu.memory_space<vmem>> -> memref<1x16x512xf32, #tpu.memory_space<vmem>>
    %dma_start3A_11 = tpu.memref_squeeze %dma_start3A_10 : memref<1x16x512xf32, #tpu.memory_space<vmem>> -> memref<16x512xf32, #tpu.memory_space<vmem>>
    %dma_start3A_12 = arith.constant 0 : i32
    %dma_start3A_13 = tpu.memref_slice %arg2[%mul3A_2, %dma_start3A_12] : memref<8192x512xf32, #tpu.memory_space<hbm>> -> memref<16x512xf32, #tpu.memory_space<hbm>>
    %dma_start3A_14 = arith.constant 0 : i32
    %dma_start3A_15 = arith.constant 0 : i32
    %dma_start3A_16 = tpu.memref_slice %arg5[%dma_start3A, %dma_start3A_14, %dma_start3A_15] : memref<2x16x512xf32, #tpu.memory_space<vmem>> -> memref<1x16x512xf32, #tpu.memory_space<vmem>>
    %dma_start3A_17 = tpu.memref_squeeze %dma_start3A_16 : memref<1x16x512xf32, #tpu.memory_space<vmem>> -> memref<16x512xf32, #tpu.memory_space<vmem>>
    %dma_start3A_18 = arith.constant 0 : i32
    %dma_start3A_19 = tpu.memref_slice %arg2[%mul3A_2, %dma_start3A_18] : memref<8192x512xf32, #tpu.memory_space<hbm>> -> memref<16x512xf32, #tpu.memory_space<hbm>>
    tpu.enqueue_dma source(%dma_start3A_19 : memref<16x512xf32, #tpu.memory_space<hbm>>) target(%dma_start3A_17 : memref<16x512xf32, #tpu.memory_space<vmem>>) target_semaphore(%arg8 : memref<!tpu.dma_semaphore, #tpu.memory_space<semaphore_mem>>)
    %dma_start3A_20 = arith.constant 0 : i32
    %dma_start3A_21 = arith.constant 0 : i32
    %dma_start3A_22 = arith.constant 0 : i32
    %dma_start3A_23 = tpu.memref_slice %arg6[%dma_start3A_20, %dma_start3A_21, %dma_start3A_22] : memref<2x16x512xi32, #tpu.memory_space<vmem>> -> memref<1x16x512xi32, #tpu.memory_space<vmem>>
    %dma_start3A_24 = tpu.memref_squeeze %dma_start3A_23 : memref<1x16x512xi32, #tpu.memory_space<vmem>> -> memref<16x512xi32, #tpu.memory_space<vmem>>
    %dma_start3A_25 = arith.constant 0 : i32
    %dma_start3A_26 = tpu.memref_slice %arg3[%mul3A_2, %dma_start3A_25] : memref<8192x512xi32, #tpu.memory_space<hbm>> -> memref<16x512xi32, #tpu.memory_space<hbm>>
    %dma_start3A_27 = arith.constant 0 : i32
    %dma_start3A_28 = arith.constant 0 : i32
    %dma_start3A_29 = tpu.memref_slice %arg6[%dma_start3A_20, %dma_start3A_27, %dma_start3A_28] : memref<2x16x512xi32, #tpu.memory_space<vmem>> -> memref<1x16x512xi32, #tpu.memory_space<vmem>>
    %dma_start3A_30 = tpu.memref_squeeze %dma_start3A_29 : memref<1x16x512xi32, #tpu.memory_space<vmem>> -> memref<16x512xi32, #tpu.memory_space<vmem>>
    %dma_start3A_31 = arith.constant 0 : i32
    %dma_start3A_32 = tpu.memref_slice %arg3[%mul3A_2, %dma_start3A_31] : memref<8192x512xi32, #tpu.memory_space<hbm>> -> memref<16x512xi32, #tpu.memory_space<hbm>>
    tpu.enqueue_dma source(%dma_start3A_32 : memref<16x512xi32, #tpu.memory_space<hbm>>) target(%dma_start3A_30 : memref<16x512xi32, #tpu.memory_space<vmem>>) target_semaphore(%arg9 : memref<!tpu.dma_semaphore, #tpu.memory_space<semaphore_mem>>)
    %add3A_33 = arith.constant 16 : i32
    %add3A_34 = arith.addi %mul3A_2, %add3A_33 : i32
    %dma_start3A_35 = arith.constant 1 : i32
    %dma_start3A_36 = arith.constant 0 : i32
    %dma_start3A_37 = arith.constant 0 : i32
    %dma_start3A_38 = tpu.memref_slice %arg5[%dma_start3A_35, %dma_start3A_36, %dma_start3A_37] : memref<2x16x512xf32, #tpu.memory_space<vmem>> -> memref<1x16x512xf32, #tpu.memory_space<vmem>>
    %dma_start3A_39 = tpu.memref_squeeze %dma_start3A_38 : memref<1x16x512xf32, #tpu.memory_space<vmem>> -> memref<16x512xf32, #tpu.memory_space<vmem>>
    %dma_start3A_40 = arith.constant 0 : i32
    %dma_start3A_41 = tpu.memref_slice %arg2[%add3A_34, %dma_start3A_40] : memref<8192x512xf32, #tpu.memory_space<hbm>> -> memref<16x512xf32, #tpu.memory_space<hbm>>
    %dma_start3A_42 = arith.constant 0 : i32
    %dma_start3A_43 = arith.constant 0 : i32
    %dma_start3A_44 = tpu.memref_slice %arg5[%dma_start3A_35, %dma_start3A_42, %dma_start3A_43] : memref<2x16x512xf32, #tpu.memory_space<vmem>> -> memref<1x16x512xf32, #tpu.memory_space<vmem>>
    %dma_start3A_45 = tpu.memref_squeeze %dma_start3A_44 : memref<1x16x512xf32, #tpu.memory_space<vmem>> -> memref<16x512xf32, #tpu.memory_space<vmem>>
    %dma_start3A_46 = arith.constant 0 : i32
    %dma_start3A_47 = tpu.memref_slice %arg2[%add3A_34, %dma_start3A_46] : memref<8192x512xf32, #tpu.memory_space<hbm>> -> memref<16x512xf32, #tpu.memory_space<hbm>>
    tpu.enqueue_dma source(%dma_start3A_47 : memref<16x512xf32, #tpu.memory_space<hbm>>) target(%dma_start3A_45 : memref<16x512xf32, #tpu.memory_space<vmem>>) target_semaphore(%arg8 : memref<!tpu.dma_semaphore, #tpu.memory_space<semaphore_mem>>)
    %dma_start3A_48 = arith.constant 1 : i32
    %dma_start3A_49 = arith.constant 0 : i32
    %dma_start3A_50 = arith.constant 0 : i32
    %dma_start3A_51 = tpu.memref_slice %arg6[%dma_start3A_48, %dma_start3A_49, %dma_start3A_50] : memref<2x16x512xi32, #tpu.memory_space<vmem>> -> memref<1x16x512xi32, #tpu.memory_space<vmem>>
    %dma_start3A_52 = tpu.memref_squeeze %dma_start3A_51 : memref<1x16x512xi32, #tpu.memory_space<vmem>> -> memref<16x512xi32, #tpu.memory_space<vmem>>
    %dma_start3A_53 = arith.constant 0 : i32
    %dma_start3A_54 = tpu.memref_slice %arg3[%add3A_34, %dma_start3A_53] : memref<8192x512xi32, #tpu.memory_space<hbm>> -> memref<16x512xi32, #tpu.memory_space<hbm>>
    %dma_start3A_55 = arith.constant 0 : i32
    %dma_start3A_56 = arith.constant 0 : i32
    %dma_start3A_57 = tpu.memref_slice %arg6[%dma_start3A_48, %dma_start3A_55, %dma_start3A_56] : memref<2x16x512xi32, #tpu.memory_space<vmem>> -> memref<1x16x512xi32, #tpu.memory_space<vmem>>
    %dma_start3A_58 = tpu.memref_squeeze %dma_start3A_57 : memref<1x16x512xi32, #tpu.memory_space<vmem>> -> memref<16x512xi32, #tpu.memory_space<vmem>>
    %dma_start3A_59 = arith.constant 0 : i32
    %dma_start3A_60 = tpu.memref_slice %arg3[%add3A_34, %dma_start3A_59] : memref<8192x512xi32, #tpu.memory_space<hbm>> -> memref<16x512xi32, #tpu.memory_space<hbm>>
    tpu.enqueue_dma source(%dma_start3A_60 : memref<16x512xi32, #tpu.memory_space<hbm>>) target(%dma_start3A_58 : memref<16x512xi32, #tpu.memory_space<vmem>>) target_semaphore(%arg9 : memref<!tpu.dma_semaphore, #tpu.memory_space<semaphore_mem>>)
    %dma_wait3A = arith.constant 0 : i32
    %dma_wait3A_61 = arith.constant 0 : i32
    %dma_wait3A_62 = arith.constant 0 : i32
    %dma_wait3A_63 = tpu.memref_slice %arg5[%dma_wait3A, %dma_wait3A_61, %dma_wait3A_62] : memref<2x16x512xf32, #tpu.memory_space<vmem>> -> memref<1x16x512xf32, #tpu.memory_space<vmem>>
    %dma_wait3A_64 = tpu.memref_squeeze %dma_wait3A_63 : memref<1x16x512xf32, #tpu.memory_space<vmem>> -> memref<16x512xf32, #tpu.memory_space<vmem>>
    %dma_wait3A_65 = arith.constant 0 : i32
    %dma_wait3A_66 = tpu.memref_slice %arg2[%mul3A_2, %dma_wait3A_65] : memref<8192x512xf32, #tpu.memory_space<hbm>> -> memref<16x512xf32, #tpu.memory_space<hbm>>
    %dma_wait3A_67 = arith.constant 0 : i32
    %dma_wait3A_68 = arith.constant 0 : i32
    %dma_wait3A_69 = tpu.memref_slice %arg5[%dma_wait3A, %dma_wait3A_67, %dma_wait3A_68] : memref<2x16x512xf32, #tpu.memory_space<vmem>> -> memref<1x16x512xf32, #tpu.memory_space<vmem>>
    %dma_wait3A_70 = tpu.memref_squeeze %dma_wait3A_69 : memref<1x16x512xf32, #tpu.memory_space<vmem>> -> memref<16x512xf32, #tpu.memory_space<vmem>>
    %dma_wait3A_71 = arith.constant 0 : i32
    %dma_wait3A_72 = tpu.memref_slice %arg2[%mul3A_2, %dma_wait3A_71] : memref<8192x512xf32, #tpu.memory_space<hbm>> -> memref<16x512xf32, #tpu.memory_space<hbm>>
    tpu.wait_dma2 semaphore(%arg8 : memref<!tpu.dma_semaphore, #tpu.memory_space<semaphore_mem>>) src(%dma_wait3A_72 : memref<16x512xf32, #tpu.memory_space<hbm>>) dst(%dma_wait3A_70 : memref<16x512xf32, #tpu.memory_space<vmem>>)
    %dma_wait3A_73 = arith.constant 0 : i32
    %dma_wait3A_74 = arith.constant 0 : i32
    %dma_wait3A_75 = arith.constant 0 : i32
    %dma_wait3A_76 = tpu.memref_slice %arg6[%dma_wait3A_73, %dma_wait3A_74, %dma_wait3A_75] : memref<2x16x512xi32, #tpu.memory_space<vmem>> -> memref<1x16x512xi32, #tpu.memory_space<vmem>>
    %dma_wait3A_77 = tpu.memref_squeeze %dma_wait3A_76 : memref<1x16x512xi32, #tpu.memory_space<vmem>> -> memref<16x512xi32, #tpu.memory_space<vmem>>
    %dma_wait3A_78 = arith.constant 0 : i32
    %dma_wait3A_79 = tpu.memref_slice %arg3[%mul3A_2, %dma_wait3A_78] : memref<8192x512xi32, #tpu.memory_space<hbm>> -> memref<16x512xi32, #tpu.memory_space<hbm>>
    %dma_wait3A_80 = arith.constant 0 : i32
    %dma_wait3A_81 = arith.constant 0 : i32
    %dma_wait3A_82 = tpu.memref_slice %arg6[%dma_wait3A_73, %dma_wait3A_80, %dma_wait3A_81] : memref<2x16x512xi32, #tpu.memory_space<vmem>> -> memref<1x16x512xi32, #tpu.memory_space<vmem>>
    %dma_wait3A_83 = tpu.memref_squeeze %dma_wait3A_82 : memref<1x16x512xi32, #tpu.memory_space<vmem>> -> memref<16x512xi32, #tpu.memory_space<vmem>>
    %dma_wait3A_84 = arith.constant 0 : i32
    %dma_wait3A_85 = tpu.memref_slice %arg3[%mul3A_2, %dma_wait3A_84] : memref<8192x512xi32, #tpu.memory_space<hbm>> -> memref<16x512xi32, #tpu.memory_space<hbm>>
    tpu.wait_dma2 semaphore(%arg9 : memref<!tpu.dma_semaphore, #tpu.memory_space<semaphore_mem>>) src(%dma_wait3A_85 : memref<16x512xi32, #tpu.memory_space<hbm>>) dst(%dma_wait3A_83 : memref<16x512xi32, #tpu.memory_space<vmem>>)
    %parallel_loop3A_86 = arith.constant 0 : i32
    %parallel_loop3A_87 = arith.constant 8192 : i32
    %parallel_loop3A_88 = arith.constant 16 : i32
    scf.for %parallel_loop3A_916 = %parallel_loop3A_86 to %parallel_loop3A_87 step %parallel_loop3A_88  : i32 {
      %parallel_loop3A_917 = arith.constant 9 : i32
      %parallel_loop3A_918 = arith.shrui %parallel_loop3A_916, %parallel_loop3A_917 : i32
      %parallel_loop3A_919 = arith.constant 511 : i32
      %parallel_loop3A_920 = arith.andi %parallel_loop3A_916, %parallel_loop3A_919 : i32
      %parallel_loop3A_921 = arith.constant 0 : i32
      %parallel_loop3A_922 = arith.index_cast %parallel_loop3A_921 : i32 to index
      %parallel_loop3A_923 = arith.index_cast %parallel_loop3A_918 : i32 to index
      %parallel_loop3A_924 = arith.index_cast %parallel_loop3A_920 : i32 to index
      %parallel_loop3A_925 = tpu.vector_load %arg5[%parallel_loop3A_922, %parallel_loop3A_923, %parallel_loop3A_924] {strides = array<i32>} : memref<2x16x512xf32, #tpu.memory_space<vmem>>, vector<16xf32>,
      %parallel_loop3A_926 = arith.constant 0 : i32
      %parallel_loop3A_927 = arith.index_cast %parallel_loop3A_926 : i32 to index
      %parallel_loop3A_928 = arith.index_cast %parallel_loop3A_918 : i32 to index
      %parallel_loop3A_929 = arith.index_cast %parallel_loop3A_920 : i32 to index
      %parallel_loop3A_930 = tpu.vector_load %arg6[%parallel_loop3A_927, %parallel_loop3A_928, %parallel_loop3A_929] {strides = array<i32>} : memref<2x16x512xi32, #tpu.memory_space<vmem>>, vector<16xi32>,
      %parallel_loop3A_931 = arith.constant 5.120000e+02 : f32
      %parallel_loop3A_932 = vector.broadcast %parallel_loop3A_931 : f32 to vector<16xf32>
      %parallel_loop3A_933 = arith.mulf %parallel_loop3A_925, %parallel_loop3A_932 : vector<16xf32>
      %parallel_loop3A_934 = arith.constant 4.096000e+03 : f32
      %parallel_loop3A_935 = vector.broadcast %parallel_loop3A_934 : f32 to vector<16xf32>
      %parallel_loop3A_936 = arith.addf %parallel_loop3A_933, %parallel_loop3A_935 : vector<16xf32>
      %parallel_loop3A_937 = arith.constant 0.000000e+00 : f32
      %parallel_loop3A_938 = vector.broadcast %parallel_loop3A_937 : f32 to vector<16xf32>
      %parallel_loop3A_939 = arith.maximumf %parallel_loop3A_936, %parallel_loop3A_938 : vector<16xf32>
      %parallel_loop3A_940 = arith.constant 8.191000e+03 : f32
      %parallel_loop3A_941 = vector.broadcast %parallel_loop3A_940 : f32 to vector<16xf32>
      %parallel_loop3A_942 = arith.minimumf %parallel_loop3A_939, %parallel_loop3A_941 : vector<16xf32>
      %parallel_loop3A_943 = arith.fptosi %parallel_loop3A_942 : vector<16xf32> to vector<16xi32>
      %parallel_loop3A_944 = arith.constant 13 : i32
      %parallel_loop3A_945 = vector.broadcast %parallel_loop3A_944 : i32 to vector<16xi32>
      %parallel_loop3A_946 = arith.shli %parallel_loop3A_930, %parallel_loop3A_945 : vector<16xi32>
      %parallel_loop3A_947 = arith.addi %parallel_loop3A_943, %parallel_loop3A_946 : vector<16xi32>
      tpu.vector_store_idx %arg7[%parallel_loop3A_947], %broadcast_in_dim3A_5 {add = true} : memref<16384xf32, #tpu.memory_space<vmem>>[vector<16xi32>], vector<16xf32>,
    } {sc.loop_unroll_factor = 8 : i64, sc.parallel_access}
    %add3A_89 = arith.constant 32 : i32
    %add3A_90 = arith.addi %mul3A_2, %add3A_89 : i32
    %dma_start3A_91 = arith.constant 0 : i32
    %dma_start3A_92 = arith.constant 0 : i32
    %dma_start3A_93 = arith.constant 0 : i32
    %dma_start3A_94 = tpu.memref_slice %arg5[%dma_start3A_91, %dma_start3A_92, %dma_start3A_93] : memref<2x16x512xf32, #tpu.memory_space<vmem>> -> memref<1x16x512xf32, #tpu.memory_space<vmem>>
    %dma_start3A_95 = tpu.memref_squeeze %dma_start3A_94 : memref<1x16x512xf32, #tpu.memory_space<vmem>> -> memref<16x512xf32, #tpu.memory_space<vmem>>
    %dma_start3A_96 = arith.constant 0 : i32
    %dma_start3A_97 = tpu.memref_slice %arg2[%add3A_90, %dma_start3A_96] : memref<8192x512xf32, #tpu.memory_space<hbm>> -> memref<16x512xf32, #tpu.memory_space<hbm>>
    %dma_start3A_98 = arith.constant 0 : i32
    %dma_start3A_99 = arith.constant 0 : i32
    %dma_start3A_100 = tpu.memref_slice %arg5[%dma_start3A_91, %dma_start3A_98, %dma_start3A_99] : memref<2x16x512xf32, #tpu.memory_space<vmem>> -> memref<1x16x512xf32, #tpu.memory_space<vmem>>
    %dma_start3A_101 = tpu.memref_squeeze %dma_start3A_100 : memref<1x16x512xf32, #tpu.memory_space<vmem>> -> memref<16x512xf32, #tpu.memory_space<vmem>>
    %dma_start3A_102 = arith.constant 0 : i32
    %dma_start3A_103 = tpu.memref_slice %arg2[%add3A_90, %dma_start3A_102] : memref<8192x512xf32, #tpu.memory_space<hbm>> -> memref<16x512xf32, #tpu.memory_space<hbm>>
    tpu.enqueue_dma source(%dma_start3A_103 : memref<16x512xf32, #tpu.memory_space<hbm>>) target(%dma_start3A_101 : memref<16x512xf32, #tpu.memory_space<vmem>>) target_semaphore(%arg8 : memref<!tpu.dma_semaphore, #tpu.memory_space<semaphore_mem>>)
    %dma_start3A_104 = arith.constant 0 : i32
    %dma_start3A_105 = arith.constant 0 : i32
    %dma_start3A_106 = arith.constant 0 : i32
    %dma_start3A_107 = tpu.memref_slice %arg6[%dma_start3A_104, %dma_start3A_105, %dma_start3A_106] : memref<2x16x512xi32, #tpu.memory_space<vmem>> -> memref<1x16x512xi32, #tpu.memory_space<vmem>>
    %dma_start3A_108 = tpu.memref_squeeze %dma_start3A_107 : memref<1x16x512xi32, #tpu.memory_space<vmem>> -> memref<16x512xi32, #tpu.memory_space<vmem>>
    %dma_start3A_109 = arith.constant 0 : i32
    %dma_start3A_110 = tpu.memref_slice %arg3[%add3A_90, %dma_start3A_109] : memref<8192x512xi32, #tpu.memory_space<hbm>> -> memref<16x512xi32, #tpu.memory_space<hbm>>
    %dma_start3A_111 = arith.constant 0 : i32
    %dma_start3A_112 = arith.constant 0 : i32
    %dma_start3A_113 = tpu.memref_slice %arg6[%dma_start3A_104, %dma_start3A_111, %dma_start3A_112] : memref<2x16x512xi32, #tpu.memory_space<vmem>> -> memref<1x16x512xi32, #tpu.memory_space<vmem>>
    %dma_start3A_114 = tpu.memref_squeeze %dma_start3A_113 : memref<1x16x512xi32, #tpu.memory_space<vmem>> -> memref<16x512xi32, #tpu.memory_space<vmem>>
    %dma_start3A_115 = arith.constant 0 : i32
    %dma_start3A_116 = tpu.memref_slice %arg3[%add3A_90, %dma_start3A_115] : memref<8192x512xi32, #tpu.memory_space<hbm>> -> memref<16x512xi32, #tpu.memory_space<hbm>>
    tpu.enqueue_dma source(%dma_start3A_116 : memref<16x512xi32, #tpu.memory_space<hbm>>) target(%dma_start3A_114 : memref<16x512xi32, #tpu.memory_space<vmem>>) target_semaphore(%arg9 : memref<!tpu.dma_semaphore, #tpu.memory_space<semaphore_mem>>)
    %dma_wait3A_117 = arith.constant 1 : i32
    %dma_wait3A_118 = arith.constant 0 : i32
    %dma_wait3A_119 = arith.constant 0 : i32
    %dma_wait3A_120 = tpu.memref_slice %arg5[%dma_wait3A_117, %dma_wait3A_118, %dma_wait3A_119] : memref<2x16x512xf32, #tpu.memory_space<vmem>> -> memref<1x16x512xf32, #tpu.memory_space<vmem>>
    %dma_wait3A_121 = tpu.memref_squeeze %dma_wait3A_120 : memref<1x16x512xf32, #tpu.memory_space<vmem>> -> memref<16x512xf32, #tpu.memory_space<vmem>>
    %dma_wait3A_122 = arith.constant 0 : i32
    %dma_wait3A_123 = tpu.memref_slice %arg2[%add3A_34, %dma_wait3A_122] : memref<8192x512xf32, #tpu.memory_space<hbm>> -> memref<16x512xf32, #tpu.memory_space<hbm>>
    %dma_wait3A_124 = arith.constant 0 : i32
    %dma_wait3A_125 = arith.constant 0 : i32
    %dma_wait3A_126 = tpu.memref_slice %arg5[%dma_wait3A_117, %dma_wait3A_124, %dma_wait3A_125] : memref<2x16x512xf32, #tpu.memory_space<vmem>> -> memref<1x16x512xf32, #tpu.memory_space<vmem>>
    %dma_wait3A_127 = tpu.memref_squeeze %dma_wait3A_126 : memref<1x16x512xf32, #tpu.memory_space<vmem>> -> memref<16x512xf32, #tpu.memory_space<vmem>>
    %dma_wait3A_128 = arith.constant 0 : i32
    %dma_wait3A_129 = tpu.memref_slice %arg2[%add3A_34, %dma_wait3A_128] : memref<8192x512xf32, #tpu.memory_space<hbm>> -> memref<16x512xf32, #tpu.memory_space<hbm>>
    tpu.wait_dma2 semaphore(%arg8 : memref<!tpu.dma_semaphore, #tpu.memory_space<semaphore_mem>>) src(%dma_wait3A_129 : memref<16x512xf32, #tpu.memory_space<hbm>>) dst(%dma_wait3A_127 : memref<16x512xf32, #tpu.memory_space<vmem>>)
    %dma_wait3A_130 = arith.constant 1 : i32
    %dma_wait3A_131 = arith.constant 0 : i32
    %dma_wait3A_132 = arith.constant 0 : i32
    %dma_wait3A_133 = tpu.memref_slice %arg6[%dma_wait3A_130, %dma_wait3A_131, %dma_wait3A_132] : memref<2x16x512xi32, #tpu.memory_space<vmem>> -> memref<1x16x512xi32, #tpu.memory_space<vmem>>
    %dma_wait3A_134 = tpu.memref_squeeze %dma_wait3A_133 : memref<1x16x512xi32, #tpu.memory_space<vmem>> -> memref<16x512xi32, #tpu.memory_space<vmem>>
    %dma_wait3A_135 = arith.constant 0 : i32
    %dma_wait3A_136 = tpu.memref_slice %arg3[%add3A_34, %dma_wait3A_135] : memref<8192x512xi32, #tpu.memory_space<hbm>> -> memref<16x512xi32, #tpu.memory_space<hbm>>
    %dma_wait3A_137 = arith.constant 0 : i32
    %dma_wait3A_138 = arith.constant 0 : i32
    %dma_wait3A_139 = tpu.memref_slice %arg6[%dma_wait3A_130, %dma_wait3A_137, %dma_wait3A_138] : memref<2x16x512xi32, #tpu.memory_space<vmem>> -> memref<1x16x512xi32, #tpu.memory_space<vmem>>
    %dma_wait3A_140 = tpu.memref_squeeze %dma_wait3A_139 : memref<1x16x512xi32, #tpu.memory_space<vmem>> -> memref<16x512xi32, #tpu.memory_space<vmem>>
    %dma_wait3A_141 = arith.constant 0 : i32
    %dma_wait3A_142 = tpu.memref_slice %arg3[%add3A_34, %dma_wait3A_141] : memref<8192x512xi32, #tpu.memory_space<hbm>> -> memref<16x512xi32, #tpu.memory_space<hbm>>
    tpu.wait_dma2 semaphore(%arg9 : memref<!tpu.dma_semaphore, #tpu.memory_space<semaphore_mem>>) src(%dma_wait3A_142 : memref<16x512xi32, #tpu.memory_space<hbm>>) dst(%dma_wait3A_140 : memref<16x512xi32, #tpu.memory_space<vmem>>)
    %parallel_loop3A_143 = arith.constant 0 : i32
    %parallel_loop3A_144 = arith.constant 8192 : i32
    %parallel_loop3A_145 = arith.constant 16 : i32
    scf.for %parallel_loop3A_916 = %parallel_loop3A_143 to %parallel_loop3A_144 step %parallel_loop3A_145  : i32 {
      %parallel_loop3A_917 = arith.constant 9 : i32
      %parallel_loop3A_918 = arith.shrui %parallel_loop3A_916, %parallel_loop3A_917 : i32
      %parallel_loop3A_919 = arith.constant 511 : i32
      %parallel_loop3A_920 = arith.andi %parallel_loop3A_916, %parallel_loop3A_919 : i32
      %parallel_loop3A_921 = arith.constant 1 : i32
      %parallel_loop3A_922 = arith.index_cast %parallel_loop3A_921 : i32 to index
      %parallel_loop3A_923 = arith.index_cast %parallel_loop3A_918 : i32 to index
      %parallel_loop3A_924 = arith.index_cast %parallel_loop3A_920 : i32 to index
      %parallel_loop3A_925 = tpu.vector_load %arg5[%parallel_loop3A_922, %parallel_loop3A_923, %parallel_loop3A_924] {strides = array<i32>} : memref<2x16x512xf32, #tpu.memory_space<vmem>>, vector<16xf32>,
      %parallel_loop3A_926 = arith.constant 1 : i32
      %parallel_loop3A_927 = arith.index_cast %parallel_loop3A_926 : i32 to index
      %parallel_loop3A_928 = arith.index_cast %parallel_loop3A_918 : i32 to index
      %parallel_loop3A_929 = arith.index_cast %parallel_loop3A_920 : i32 to index
      %parallel_loop3A_930 = tpu.vector_load %arg6[%parallel_loop3A_927, %parallel_loop3A_928, %parallel_loop3A_929] {strides = array<i32>} : memref<2x16x512xi32, #tpu.memory_space<vmem>>, vector<16xi32>,
      %parallel_loop3A_931 = arith.constant 5.120000e+02 : f32
      %parallel_loop3A_932 = vector.broadcast %parallel_loop3A_931 : f32 to vector<16xf32>
      %parallel_loop3A_933 = arith.mulf %parallel_loop3A_925, %parallel_loop3A_932 : vector<16xf32>
      %parallel_loop3A_934 = arith.constant 4.096000e+03 : f32
      %parallel_loop3A_935 = vector.broadcast %parallel_loop3A_934 : f32 to vector<16xf32>
      %parallel_loop3A_936 = arith.addf %parallel_loop3A_933, %parallel_loop3A_935 : vector<16xf32>
      %parallel_loop3A_937 = arith.constant 0.000000e+00 : f32
      %parallel_loop3A_938 = vector.broadcast %parallel_loop3A_937 : f32 to vector<16xf32>
      %parallel_loop3A_939 = arith.maximumf %parallel_loop3A_936, %parallel_loop3A_938 : vector<16xf32>
      %parallel_loop3A_940 = arith.constant 8.191000e+03 : f32
      %parallel_loop3A_941 = vector.broadcast %parallel_loop3A_940 : f32 to vector<16xf32>
      %parallel_loop3A_942 = arith.minimumf %parallel_loop3A_939, %parallel_loop3A_941 : vector<16xf32>
      %parallel_loop3A_943 = arith.fptosi %parallel_loop3A_942 : vector<16xf32> to vector<16xi32>
      %parallel_loop3A_944 = arith.constant 13 : i32
      %parallel_loop3A_945 = vector.broadcast %parallel_loop3A_944 : i32 to vector<16xi32>
      %parallel_loop3A_946 = arith.shli %parallel_loop3A_930, %parallel_loop3A_945 : vector<16xi32>
      %parallel_loop3A_947 = arith.addi %parallel_loop3A_943, %parallel_loop3A_946 : vector<16xi32>
      tpu.vector_store_idx %arg7[%parallel_loop3A_947], %broadcast_in_dim3A_5 {add = true} : memref<16384xf32, #tpu.memory_space<vmem>>[vector<16xi32>], vector<16xf32>,
    } {sc.loop_unroll_factor = 8 : i64, sc.parallel_access}
    %add3A_146 = arith.constant 48 : i32
    %add3A_147 = arith.addi %mul3A_2, %add3A_146 : i32
    %dma_start3A_148 = arith.constant 1 : i32
    %dma_start3A_149 = arith.constant 0 : i32
    %dma_start3A_150 = arith.constant 0 : i32
    %dma_start3A_151 = tpu.memref_slice %arg5[%dma_start3A_148, %dma_start3A_149, %dma_start3A_150] : memref<2x16x512xf32, #tpu.memory_space<vmem>> -> memref<1x16x512xf32, #tpu.memory_space<vmem>>
    %dma_start3A_152 = tpu.memref_squeeze %dma_start3A_151 : memref<1x16x512xf32, #tpu.memory_space<vmem>> -> memref<16x512xf32, #tpu.memory_space<vmem>>
    %dma_start3A_153 = arith.constant 0 : i32
    %dma_start3A_154 = tpu.memref_slice %arg2[%add3A_147, %dma_start3A_153] : memref<8192x512xf32, #tpu.memory_space<hbm>> -> memref<16x512xf32, #tpu.memory_space<hbm>>
    %dma_start3A_155 = arith.constant 0 : i32
    %dma_start3A_156 = arith.constant 0 : i32
    %dma_start3A_157 = tpu.memref_slice %arg5[%dma_start3A_148, %dma_start3A_155, %dma_start3A_156] : memref<2x16x512xf32, #tpu.memory_space<vmem>> -> memref<1x16x512xf32, #tpu.memory_space<vmem>>
    %dma_start3A_158 = tpu.memref_squeeze %dma_start3A_157 : memref<1x16x512xf32, #tpu.memory_space<vmem>> -> memref<16x512xf32, #tpu.memory_space<vmem>>
    %dma_start3A_159 = arith.constant 0 : i32
    %dma_start3A_160 = tpu.memref_slice %arg2[%add3A_147, %dma_start3A_159] : memref<8192x512xf32, #tpu.memory_space<hbm>> -> memref<16x512xf32, #tpu.memory_space<hbm>>
    tpu.enqueue_dma source(%dma_start3A_160 : memref<16x512xf32, #tpu.memory_space<hbm>>) target(%dma_start3A_158 : memref<16x512xf32, #tpu.memory_space<vmem>>) target_semaphore(%arg8 : memref<!tpu.dma_semaphore, #tpu.memory_space<semaphore_mem>>)
    %dma_start3A_161 = arith.constant 1 : i32
    %dma_start3A_162 = arith.constant 0 : i32
    %dma_start3A_163 = arith.constant 0 : i32
    %dma_start3A_164 = tpu.memref_slice %arg6[%dma_start3A_161, %dma_start3A_162, %dma_start3A_163] : memref<2x16x512xi32, #tpu.memory_space<vmem>> -> memref<1x16x512xi32, #tpu.memory_space<vmem>>
    %dma_start3A_165 = tpu.memref_squeeze %dma_start3A_164 : memref<1x16x512xi32, #tpu.memory_space<vmem>> -> memref<16x512xi32, #tpu.memory_space<vmem>>
    %dma_start3A_166 = arith.constant 0 : i32
    %dma_start3A_167 = tpu.memref_slice %arg3[%add3A_147, %dma_start3A_166] : memref<8192x512xi32, #tpu.memory_space<hbm>> -> memref<16x512xi32, #tpu.memory_space<hbm>>
    %dma_start3A_168 = arith.constant 0 : i32
    %dma_start3A_169 = arith.constant 0 : i32
    %dma_start3A_170 = tpu.memref_slice %arg6[%dma_start3A_161, %dma_start3A_168, %dma_start3A_169] : memref<2x16x512xi32, #tpu.memory_space<vmem>> -> memref<1x16x512xi32, #tpu.memory_space<vmem>>
    %dma_start3A_171 = tpu.memref_squeeze %dma_start3A_170 : memref<1x16x512xi32, #tpu.memory_space<vmem>> -> memref<16x512xi32, #tpu.memory_space<vmem>>
    %dma_start3A_172 = arith.constant 0 : i32
    %dma_start3A_173 = tpu.memref_slice %arg3[%add3A_147, %dma_start3A_172] : memref<8192x512xi32, #tpu.memory_space<hbm>> -> memref<16x512xi32, #tpu.memory_space<hbm>>
    tpu.enqueue_dma source(%dma_start3A_173 : memref<16x512xi32, #tpu.memory_space<hbm>>) target(%dma_start3A_171 : memref<16x512xi32, #tpu.memory_space<vmem>>) target_semaphore(%arg9 : memref<!tpu.dma_semaphore, #tpu.memory_space<semaphore_mem>>)
    %dma_wait3A_174 = arith.constant 0 : i32
    %dma_wait3A_175 = arith.constant 0 : i32
    %dma_wait3A_176 = arith.constant 0 : i32
    %dma_wait3A_177 = tpu.memref_slice %arg5[%dma_wait3A_174, %dma_wait3A_175, %dma_wait3A_176] : memref<2x16x512xf32, #tpu.memory_space<vmem>> -> memref<1x16x512xf32, #tpu.memory_space<vmem>>
    %dma_wait3A_178 = tpu.memref_squeeze %dma_wait3A_177 : memref<1x16x512xf32, #tpu.memory_space<vmem>> -> memref<16x512xf32, #tpu.memory_space<vmem>>
    %dma_wait3A_179 = arith.constant 0 : i32
    %dma_wait3A_180 = tpu.memref_slice %arg2[%add3A_90, %dma_wait3A_179] : memref<8192x512xf32, #tpu.memory_space<hbm>> -> memref<16x512xf32, #tpu.memory_space<hbm>>
    %dma_wait3A_181 = arith.constant 0 : i32
    %dma_wait3A_182 = arith.constant 0 : i32
    %dma_wait3A_183 = tpu.memref_slice %arg5[%dma_wait3A_174, %dma_wait3A_181, %dma_wait3A_182] : memref<2x16x512xf32, #tpu.memory_space<vmem>> -> memref<1x16x512xf32, #tpu.memory_space<vmem>>
    %dma_wait3A_184 = tpu.memref_squeeze %dma_wait3A_183 : memref<1x16x512xf32, #tpu.memory_space<vmem>> -> memref<16x512xf32, #tpu.memory_space<vmem>>
    %dma_wait3A_185 = arith.constant 0 : i32
    %dma_wait3A_186 = tpu.memref_slice %arg2[%add3A_90, %dma_wait3A_185] : memref<8192x512xf32, #tpu.memory_space<hbm>> -> memref<16x512xf32, #tpu.memory_space<hbm>>
    tpu.wait_dma2 semaphore(%arg8 : memref<!tpu.dma_semaphore, #tpu.memory_space<semaphore_mem>>) src(%dma_wait3A_186 : memref<16x512xf32, #tpu.memory_space<hbm>>) dst(%dma_wait3A_184 : memref<16x512xf32, #tpu.memory_space<vmem>>)
    %dma_wait3A_187 = arith.constant 0 : i32
    %dma_wait3A_188 = arith.constant 0 : i32
    %dma_wait3A_189 = arith.constant 0 : i32
    %dma_wait3A_190 = tpu.memref_slice %arg6[%dma_wait3A_187, %dma_wait3A_188, %dma_wait3A_189] : memref<2x16x512xi32, #tpu.memory_space<vmem>> -> memref<1x16x512xi32, #tpu.memory_space<vmem>>
    %dma_wait3A_191 = tpu.memref_squeeze %dma_wait3A_190 : memref<1x16x512xi32, #tpu.memory_space<vmem>> -> memref<16x512xi32, #tpu.memory_space<vmem>>
    %dma_wait3A_192 = arith.constant 0 : i32
    %dma_wait3A_193 = tpu.memref_slice %arg3[%add3A_90, %dma_wait3A_192] : memref<8192x512xi32, #tpu.memory_space<hbm>> -> memref<16x512xi32, #tpu.memory_space<hbm>>
    %dma_wait3A_194 = arith.constant 0 : i32
    %dma_wait3A_195 = arith.constant 0 : i32
    %dma_wait3A_196 = tpu.memref_slice %arg6[%dma_wait3A_187, %dma_wait3A_194, %dma_wait3A_195] : memref<2x16x512xi32, #tpu.memory_space<vmem>> -> memref<1x16x512xi32, #tpu.memory_space<vmem>>
    %dma_wait3A_197 = tpu.memref_squeeze %dma_wait3A_196 : memref<1x16x512xi32, #tpu.memory_space<vmem>> -> memref<16x512xi32, #tpu.memory_space<vmem>>
    %dma_wait3A_198 = arith.constant 0 : i32
    %dma_wait3A_199 = tpu.memref_slice %arg3[%add3A_90, %dma_wait3A_198] : memref<8192x512xi32, #tpu.memory_space<hbm>> -> memref<16x512xi32, #tpu.memory_space<hbm>>
    tpu.wait_dma2 semaphore(%arg9 : memref<!tpu.dma_semaphore, #tpu.memory_space<semaphore_mem>>) src(%dma_wait3A_199 : memref<16x512xi32, #tpu.memory_space<hbm>>) dst(%dma_wait3A_197 : memref<16x512xi32, #tpu.memory_space<vmem>>)
    %parallel_loop3A_200 = arith.constant 0 : i32
    %parallel_loop3A_201 = arith.constant 8192 : i32
    %parallel_loop3A_202 = arith.constant 16 : i32
    scf.for %parallel_loop3A_916 = %parallel_loop3A_200 to %parallel_loop3A_201 step %parallel_loop3A_202  : i32 {
      %parallel_loop3A_917 = arith.constant 9 : i32
      %parallel_loop3A_918 = arith.shrui %parallel_loop3A_916, %parallel_loop3A_917 : i32
      %parallel_loop3A_919 = arith.constant 511 : i32
      %parallel_loop3A_920 = arith.andi %parallel_loop3A_916, %parallel_loop3A_919 : i32
      %parallel_loop3A_921 = arith.constant 0 : i32
      %parallel_loop3A_922 = arith.index_cast %parallel_loop3A_921 : i32 to index
      %parallel_loop3A_923 = arith.index_cast %parallel_loop3A_918 : i32 to index
      %parallel_loop3A_924 = arith.index_cast %parallel_loop3A_920 : i32 to index
      %parallel_loop3A_925 = tpu.vector_load %arg5[%parallel_loop3A_922, %parallel_loop3A_923, %parallel_loop3A_924] {strides = array<i32>} : memref<2x16x512xf32, #tpu.memory_space<vmem>>, vector<16xf32>,
      %parallel_loop3A_926 = arith.constant 0 : i32
      %parallel_loop3A_927 = arith.index_cast %parallel_loop3A_926 : i32 to index
      %parallel_loop3A_928 = arith.index_cast %parallel_loop3A_918 : i32 to index
      %parallel_loop3A_929 = arith.index_cast %parallel_loop3A_920 : i32 to index
      %parallel_loop3A_930 = tpu.vector_load %arg6[%parallel_loop3A_927, %parallel_loop3A_928, %parallel_loop3A_929] {strides = array<i32>} : memref<2x16x512xi32, #tpu.memory_space<vmem>>, vector<16xi32>,
      %parallel_loop3A_931 = arith.constant 5.120000e+02 : f32
      %parallel_loop3A_932 = vector.broadcast %parallel_loop3A_931 : f32 to vector<16xf32>
      %parallel_loop3A_933 = arith.mulf %parallel_loop3A_925, %parallel_loop3A_932 : vector<16xf32>
      %parallel_loop3A_934 = arith.constant 4.096000e+03 : f32
      %parallel_loop3A_935 = vector.broadcast %parallel_loop3A_934 : f32 to vector<16xf32>
      %parallel_loop3A_936 = arith.addf %parallel_loop3A_933, %parallel_loop3A_935 : vector<16xf32>
      %parallel_loop3A_937 = arith.constant 0.000000e+00 : f32
      %parallel_loop3A_938 = vector.broadcast %parallel_loop3A_937 : f32 to vector<16xf32>
      %parallel_loop3A_939 = arith.maximumf %parallel_loop3A_936, %parallel_loop3A_938 : vector<16xf32>
      %parallel_loop3A_940 = arith.constant 8.191000e+03 : f32
      %parallel_loop3A_941 = vector.broadcast %parallel_loop3A_940 : f32 to vector<16xf32>
      %parallel_loop3A_942 = arith.minimumf %parallel_loop3A_939, %parallel_loop3A_941 : vector<16xf32>
      %parallel_loop3A_943 = arith.fptosi %parallel_loop3A_942 : vector<16xf32> to vector<16xi32>
      %parallel_loop3A_944 = arith.constant 13 : i32
      %parallel_loop3A_945 = vector.broadcast %parallel_loop3A_944 : i32 to vector<16xi32>
      %parallel_loop3A_946 = arith.shli %parallel_loop3A_930, %parallel_loop3A_945 : vector<16xi32>
      %parallel_loop3A_947 = arith.addi %parallel_loop3A_943, %parallel_loop3A_946 : vector<16xi32>
      tpu.vector_store_idx %arg7[%parallel_loop3A_947], %broadcast_in_dim3A_5 {add = true} : memref<16384xf32, #tpu.memory_space<vmem>>[vector<16xi32>], vector<16xf32>,
    } {sc.loop_unroll_factor = 8 : i64, sc.parallel_access}
    %add3A_203 = arith.constant 64 : i32
    %add3A_204 = arith.addi %mul3A_2, %add3A_203 : i32
    %dma_start3A_205 = arith.constant 0 : i32
    %dma_start3A_206 = arith.constant 0 : i32
    %dma_start3A_207 = arith.constant 0 : i32
    %dma_start3A_208 = tpu.memref_slice %arg5[%dma_start3A_205, %dma_start3A_206, %dma_start3A_207] : memref<2x16x512xf32, #tpu.memory_space<vmem>> -> memref<1x16x512xf32, #tpu.memory_space<vmem>>
    %dma_start3A_209 = tpu.memref_squeeze %dma_start3A_208 : memref<1x16x512xf32, #tpu.memory_space<vmem>> -> memref<16x512xf32, #tpu.memory_space<vmem>>
    %dma_start3A_210 = arith.constant 0 : i32
    %dma_start3A_211 = tpu.memref_slice %arg2[%add3A_204, %dma_start3A_210] : memref<8192x512xf32, #tpu.memory_space<hbm>> -> memref<16x512xf32, #tpu.memory_space<hbm>>
    %dma_start3A_212 = arith.constant 0 : i32
    %dma_start3A_213 = arith.constant 0 : i32
    %dma_start3A_214 = tpu.memref_slice %arg5[%dma_start3A_205, %dma_start3A_212, %dma_start3A_213] : memref<2x16x512xf32, #tpu.memory_space<vmem>> -> memref<1x16x512xf32, #tpu.memory_space<vmem>>
    %dma_start3A_215 = tpu.memref_squeeze %dma_start3A_214 : memref<1x16x512xf32, #tpu.memory_space<vmem>> -> memref<16x512xf32, #tpu.memory_space<vmem>>
    %dma_start3A_216 = arith.constant 0 : i32
    %dma_start3A_217 = tpu.memref_slice %arg2[%add3A_204, %dma_start3A_216] : memref<8192x512xf32, #tpu.memory_space<hbm>> -> memref<16x512xf32, #tpu.memory_space<hbm>>
    tpu.enqueue_dma source(%dma_start3A_217 : memref<16x512xf32, #tpu.memory_space<hbm>>) target(%dma_start3A_215 : memref<16x512xf32, #tpu.memory_space<vmem>>) target_semaphore(%arg8 : memref<!tpu.dma_semaphore, #tpu.memory_space<semaphore_mem>>)
    %dma_start3A_218 = arith.constant 0 : i32
    %dma_start3A_219 = arith.constant 0 : i32
    %dma_start3A_220 = arith.constant 0 : i32
    %dma_start3A_221 = tpu.memref_slice %arg6[%dma_start3A_218, %dma_start3A_219, %dma_start3A_220] : memref<2x16x512xi32, #tpu.memory_space<vmem>> -> memref<1x16x512xi32, #tpu.memory_space<vmem>>
    %dma_start3A_222 = tpu.memref_squeeze %dma_start3A_221 : memref<1x16x512xi32, #tpu.memory_space<vmem>> -> memref<16x512xi32, #tpu.memory_space<vmem>>
    %dma_start3A_223 = arith.constant 0 : i32
    %dma_start3A_224 = tpu.memref_slice %arg3[%add3A_204, %dma_start3A_223] : memref<8192x512xi32, #tpu.memory_space<hbm>> -> memref<16x512xi32, #tpu.memory_space<hbm>>
    %dma_start3A_225 = arith.constant 0 : i32
    %dma_start3A_226 = arith.constant 0 : i32
    %dma_start3A_227 = tpu.memref_slice %arg6[%dma_start3A_218, %dma_start3A_225, %dma_start3A_226] : memref<2x16x512xi32, #tpu.memory_space<vmem>> -> memref<1x16x512xi32, #tpu.memory_space<vmem>>
    %dma_start3A_228 = tpu.memref_squeeze %dma_start3A_227 : memref<1x16x512xi32, #tpu.memory_space<vmem>> -> memref<16x512xi32, #tpu.memory_space<vmem>>
    %dma_start3A_229 = arith.constant 0 : i32
    %dma_start3A_230 = tpu.memref_slice %arg3[%add3A_204, %dma_start3A_229] : memref<8192x512xi32, #tpu.memory_space<hbm>> -> memref<16x512xi32, #tpu.memory_space<hbm>>
    tpu.enqueue_dma source(%dma_start3A_230 : memref<16x512xi32, #tpu.memory_space<hbm>>) target(%dma_start3A_228 : memref<16x512xi32, #tpu.memory_space<vmem>>) target_semaphore(%arg9 : memref<!tpu.dma_semaphore, #tpu.memory_space<semaphore_mem>>)
    %dma_wait3A_231 = arith.constant 1 : i32
    %dma_wait3A_232 = arith.constant 0 : i32
    %dma_wait3A_233 = arith.constant 0 : i32
    %dma_wait3A_234 = tpu.memref_slice %arg5[%dma_wait3A_231, %dma_wait3A_232, %dma_wait3A_233] : memref<2x16x512xf32, #tpu.memory_space<vmem>> -> memref<1x16x512xf32, #tpu.memory_space<vmem>>
    %dma_wait3A_235 = tpu.memref_squeeze %dma_wait3A_234 : memref<1x16x512xf32, #tpu.memory_space<vmem>> -> memref<16x512xf32, #tpu.memory_space<vmem>>
    %dma_wait3A_236 = arith.constant 0 : i32
    %dma_wait3A_237 = tpu.memref_slice %arg2[%add3A_147, %dma_wait3A_236] : memref<8192x512xf32, #tpu.memory_space<hbm>> -> memref<16x512xf32, #tpu.memory_space<hbm>>
    %dma_wait3A_238 = arith.constant 0 : i32
    %dma_wait3A_239 = arith.constant 0 : i32
    %dma_wait3A_240 = tpu.memref_slice %arg5[%dma_wait3A_231, %dma_wait3A_238, %dma_wait3A_239] : memref<2x16x512xf32, #tpu.memory_space<vmem>> -> memref<1x16x512xf32, #tpu.memory_space<vmem>>
    %dma_wait3A_241 = tpu.memref_squeeze %dma_wait3A_240 : memref<1x16x512xf32, #tpu.memory_space<vmem>> -> memref<16x512xf32, #tpu.memory_space<vmem>>
    %dma_wait3A_242 = arith.constant 0 : i32
    %dma_wait3A_243 = tpu.memref_slice %arg2[%add3A_147, %dma_wait3A_242] : memref<8192x512xf32, #tpu.memory_space<hbm>> -> memref<16x512xf32, #tpu.memory_space<hbm>>
    tpu.wait_dma2 semaphore(%arg8 : memref<!tpu.dma_semaphore, #tpu.memory_space<semaphore_mem>>) src(%dma_wait3A_243 : memref<16x512xf32, #tpu.memory_space<hbm>>) dst(%dma_wait3A_241 : memref<16x512xf32, #tpu.memory_space<vmem>>)
    %dma_wait3A_244 = arith.constant 1 : i32
    %dma_wait3A_245 = arith.constant 0 : i32
    %dma_wait3A_246 = arith.constant 0 : i32
    %dma_wait3A_247 = tpu.memref_slice %arg6[%dma_wait3A_244, %dma_wait3A_245, %dma_wait3A_246] : memref<2x16x512xi32, #tpu.memory_space<vmem>> -> memref<1x16x512xi32, #tpu.memory_space<vmem>>
    %dma_wait3A_248 = tpu.memref_squeeze %dma_wait3A_247 : memref<1x16x512xi32, #tpu.memory_space<vmem>> -> memref<16x512xi32, #tpu.memory_space<vmem>>
    %dma_wait3A_249 = arith.constant 0 : i32
    %dma_wait3A_250 = tpu.memref_slice %arg3[%add3A_147, %dma_wait3A_249] : memref<8192x512xi32, #tpu.memory_space<hbm>> -> memref<16x512xi32, #tpu.memory_space<hbm>>
    %dma_wait3A_251 = arith.constant 0 : i32
    %dma_wait3A_252 = arith.constant 0 : i32
    %dma_wait3A_253 = tpu.memref_slice %arg6[%dma_wait3A_244, %dma_wait3A_251, %dma_wait3A_252] : memref<2x16x512xi32, #tpu.memory_space<vmem>> -> memref<1x16x512xi32, #tpu.memory_space<vmem>>
    %dma_wait3A_254 = tpu.memref_squeeze %dma_wait3A_253 : memref<1x16x512xi32, #tpu.memory_space<vmem>> -> memref<16x512xi32, #tpu.memory_space<vmem>>
    %dma_wait3A_255 = arith.constant 0 : i32
    %dma_wait3A_256 = tpu.memref_slice %arg3[%add3A_147, %dma_wait3A_255] : memref<8192x512xi32, #tpu.memory_space<hbm>> -> memref<16x512xi32, #tpu.memory_space<hbm>>
    tpu.wait_dma2 semaphore(%arg9 : memref<!tpu.dma_semaphore, #tpu.memory_space<semaphore_mem>>) src(%dma_wait3A_256 : memref<16x512xi32, #tpu.memory_space<hbm>>) dst(%dma_wait3A_254 : memref<16x512xi32, #tpu.memory_space<vmem>>)
    %parallel_loop3A_257 = arith.constant 0 : i32
    %parallel_loop3A_258 = arith.constant 8192 : i32
    %parallel_loop3A_259 = arith.constant 16 : i32
    scf.for %parallel_loop3A_916 = %parallel_loop3A_257 to %parallel_loop3A_258 step %parallel_loop3A_259  : i32 {
      %parallel_loop3A_917 = arith.constant 9 : i32
      %parallel_loop3A_918 = arith.shrui %parallel_loop3A_916, %parallel_loop3A_917 : i32
      %parallel_loop3A_919 = arith.constant 511 : i32
      %parallel_loop3A_920 = arith.andi %parallel_loop3A_916, %parallel_loop3A_919 : i32
      %parallel_loop3A_921 = arith.constant 1 : i32
      %parallel_loop3A_922 = arith.index_cast %parallel_loop3A_921 : i32 to index
      %parallel_loop3A_923 = arith.index_cast %parallel_loop3A_918 : i32 to index
      %parallel_loop3A_924 = arith.index_cast %parallel_loop3A_920 : i32 to index
      %parallel_loop3A_925 = tpu.vector_load %arg5[%parallel_loop3A_922, %parallel_loop3A_923, %parallel_loop3A_924] {strides = array<i32>} : memref<2x16x512xf32, #tpu.memory_space<vmem>>, vector<16xf32>,
      %parallel_loop3A_926 = arith.constant 1 : i32
      %parallel_loop3A_927 = arith.index_cast %parallel_loop3A_926 : i32 to index
      %parallel_loop3A_928 = arith.index_cast %parallel_loop3A_918 : i32 to index
      %parallel_loop3A_929 = arith.index_cast %parallel_loop3A_920 : i32 to index
      %parallel_loop3A_930 = tpu.vector_load %arg6[%parallel_loop3A_927, %parallel_loop3A_928, %parallel_loop3A_929] {strides = array<i32>} : memref<2x16x512xi32, #tpu.memory_space<vmem>>, vector<16xi32>,
      %parallel_loop3A_931 = arith.constant 5.120000e+02 : f32
      %parallel_loop3A_932 = vector.broadcast %parallel_loop3A_931 : f32 to vector<16xf32>
      %parallel_loop3A_933 = arith.mulf %parallel_loop3A_925, %parallel_loop3A_932 : vector<16xf32>
      %parallel_loop3A_934 = arith.constant 4.096000e+03 : f32
      %parallel_loop3A_935 = vector.broadcast %parallel_loop3A_934 : f32 to vector<16xf32>
      %parallel_loop3A_936 = arith.addf %parallel_loop3A_933, %parallel_loop3A_935 : vector<16xf32>
      %parallel_loop3A_937 = arith.constant 0.000000e+00 : f32
      %parallel_loop3A_938 = vector.broadcast %parallel_loop3A_937 : f32 to vector<16xf32>
      %parallel_loop3A_939 = arith.maximumf %parallel_loop3A_936, %parallel_loop3A_938 : vector<16xf32>
      %parallel_loop3A_940 = arith.constant 8.191000e+03 : f32
      %parallel_loop3A_941 = vector.broadcast %parallel_loop3A_940 : f32 to vector<16xf32>
      %parallel_loop3A_942 = arith.minimumf %parallel_loop3A_939, %parallel_loop3A_941 : vector<16xf32>
      %parallel_loop3A_943 = arith.fptosi %parallel_loop3A_942 : vector<16xf32> to vector<16xi32>
      %parallel_loop3A_944 = arith.constant 13 : i32
      %parallel_loop3A_945 = vector.broadcast %parallel_loop3A_944 : i32 to vector<16xi32>
      %parallel_loop3A_946 = arith.shli %parallel_loop3A_930, %parallel_loop3A_945 : vector<16xi32>
      %parallel_loop3A_947 = arith.addi %parallel_loop3A_943, %parallel_loop3A_946 : vector<16xi32>
      tpu.vector_store_idx %arg7[%parallel_loop3A_947], %broadcast_in_dim3A_5 {add = true} : memref<16384xf32, #tpu.memory_space<vmem>>[vector<16xi32>], vector<16xf32>,
    } {sc.loop_unroll_factor = 8 : i64, sc.parallel_access}
    %add3A_260 = arith.constant 80 : i32
    %add3A_261 = arith.addi %mul3A_2, %add3A_260 : i32
    %dma_start3A_262 = arith.constant 1 : i32
    %dma_start3A_263 = arith.constant 0 : i32
    %dma_start3A_264 = arith.constant 0 : i32
    %dma_start3A_265 = tpu.memref_slice %arg5[%dma_start3A_262, %dma_start3A_263, %dma_start3A_264] : memref<2x16x512xf32, #tpu.memory_space<vmem>> -> memref<1x16x512xf32, #tpu.memory_space<vmem>>
    %dma_start3A_266 = tpu.memref_squeeze %dma_start3A_265 : memref<1x16x512xf32, #tpu.memory_space<vmem>> -> memref<16x512xf32, #tpu.memory_space<vmem>>
    %dma_start3A_267 = arith.constant 0 : i32
    %dma_start3A_268 = tpu.memref_slice %arg2[%add3A_261, %dma_start3A_267] : memref<8192x512xf32, #tpu.memory_space<hbm>> -> memref<16x512xf32, #tpu.memory_space<hbm>>
    %dma_start3A_269 = arith.constant 0 : i32
    %dma_start3A_270 = arith.constant 0 : i32
    %dma_start3A_271 = tpu.memref_slice %arg5[%dma_start3A_262, %dma_start3A_269, %dma_start3A_270] : memref<2x16x512xf32, #tpu.memory_space<vmem>> -> memref<1x16x512xf32, #tpu.memory_space<vmem>>
    %dma_start3A_272 = tpu.memref_squeeze %dma_start3A_271 : memref<1x16x512xf32, #tpu.memory_space<vmem>> -> memref<16x512xf32, #tpu.memory_space<vmem>>
    %dma_start3A_273 = arith.constant 0 : i32
    %dma_start3A_274 = tpu.memref_slice %arg2[%add3A_261, %dma_start3A_273] : memref<8192x512xf32, #tpu.memory_space<hbm>> -> memref<16x512xf32, #tpu.memory_space<hbm>>
    tpu.enqueue_dma source(%dma_start3A_274 : memref<16x512xf32, #tpu.memory_space<hbm>>) target(%dma_start3A_272 : memref<16x512xf32, #tpu.memory_space<vmem>>) target_semaphore(%arg8 : memref<!tpu.dma_semaphore, #tpu.memory_space<semaphore_mem>>)
    %dma_start3A_275 = arith.constant 1 : i32
    %dma_start3A_276 = arith.constant 0 : i32
    %dma_start3A_277 = arith.constant 0 : i32
    %dma_start3A_278 = tpu.memref_slice %arg6[%dma_start3A_275, %dma_start3A_276, %dma_start3A_277] : memref<2x16x512xi32, #tpu.memory_space<vmem>> -> memref<1x16x512xi32, #tpu.memory_space<vmem>>
    %dma_start3A_279 = tpu.memref_squeeze %dma_start3A_278 : memref<1x16x512xi32, #tpu.memory_space<vmem>> -> memref<16x512xi32, #tpu.memory_space<vmem>>
    %dma_start3A_280 = arith.constant 0 : i32
    %dma_start3A_281 = tpu.memref_slice %arg3[%add3A_261, %dma_start3A_280] : memref<8192x512xi32, #tpu.memory_space<hbm>> -> memref<16x512xi32, #tpu.memory_space<hbm>>
    %dma_start3A_282 = arith.constant 0 : i32
    %dma_start3A_283 = arith.constant 0 : i32
    %dma_start3A_284 = tpu.memref_slice %arg6[%dma_start3A_275, %dma_start3A_282, %dma_start3A_283] : memref<2x16x512xi32, #tpu.memory_space<vmem>> -> memref<1x16x512xi32, #tpu.memory_space<vmem>>
    %dma_start3A_285 = tpu.memref_squeeze %dma_start3A_284 : memref<1x16x512xi32, #tpu.memory_space<vmem>> -> memref<16x512xi32, #tpu.memory_space<vmem>>
    %dma_start3A_286 = arith.constant 0 : i32
    %dma_start3A_287 = tpu.memref_slice %arg3[%add3A_261, %dma_start3A_286] : memref<8192x512xi32, #tpu.memory_space<hbm>> -> memref<16x512xi32, #tpu.memory_space<hbm>>
    tpu.enqueue_dma source(%dma_start3A_287 : memref<16x512xi32, #tpu.memory_space<hbm>>) target(%dma_start3A_285 : memref<16x512xi32, #tpu.memory_space<vmem>>) target_semaphore(%arg9 : memref<!tpu.dma_semaphore, #tpu.memory_space<semaphore_mem>>)
    %dma_wait3A_288 = arith.constant 0 : i32
    %dma_wait3A_289 = arith.constant 0 : i32
    %dma_wait3A_290 = arith.constant 0 : i32
    %dma_wait3A_291 = tpu.memref_slice %arg5[%dma_wait3A_288, %dma_wait3A_289, %dma_wait3A_290] : memref<2x16x512xf32, #tpu.memory_space<vmem>> -> memref<1x16x512xf32, #tpu.memory_space<vmem>>
    %dma_wait3A_292 = tpu.memref_squeeze %dma_wait3A_291 : memref<1x16x512xf32, #tpu.memory_space<vmem>> -> memref<16x512xf32, #tpu.memory_space<vmem>>
    %dma_wait3A_293 = arith.constant 0 : i32
    %dma_wait3A_294 = tpu.memref_slice %arg2[%add3A_204, %dma_wait3A_293] : memref<8192x512xf32, #tpu.memory_space<hbm>> -> memref<16x512xf32, #tpu.memory_space<hbm>>
    %dma_wait3A_295 = arith.constant 0 : i32
    %dma_wait3A_296 = arith.constant 0 : i32
    %dma_wait3A_297 = tpu.memref_slice %arg5[%dma_wait3A_288, %dma_wait3A_295, %dma_wait3A_296] : memref<2x16x512xf32, #tpu.memory_space<vmem>> -> memref<1x16x512xf32, #tpu.memory_space<vmem>>
    %dma_wait3A_298 = tpu.memref_squeeze %dma_wait3A_297 : memref<1x16x512xf32, #tpu.memory_space<vmem>> -> memref<16x512xf32, #tpu.memory_space<vmem>>
    %dma_wait3A_299 = arith.constant 0 : i32
    %dma_wait3A_300 = tpu.memref_slice %arg2[%add3A_204, %dma_wait3A_299] : memref<8192x512xf32, #tpu.memory_space<hbm>> -> memref<16x512xf32, #tpu.memory_space<hbm>>
    tpu.wait_dma2 semaphore(%arg8 : memref<!tpu.dma_semaphore, #tpu.memory_space<semaphore_mem>>) src(%dma_wait3A_300 : memref<16x512xf32, #tpu.memory_space<hbm>>) dst(%dma_wait3A_298 : memref<16x512xf32, #tpu.memory_space<vmem>>)
    %dma_wait3A_301 = arith.constant 0 : i32
    %dma_wait3A_302 = arith.constant 0 : i32
    %dma_wait3A_303 = arith.constant 0 : i32
    %dma_wait3A_304 = tpu.memref_slice %arg6[%dma_wait3A_301, %dma_wait3A_302, %dma_wait3A_303] : memref<2x16x512xi32, #tpu.memory_space<vmem>> -> memref<1x16x512xi32, #tpu.memory_space<vmem>>
    %dma_wait3A_305 = tpu.memref_squeeze %dma_wait3A_304 : memref<1x16x512xi32, #tpu.memory_space<vmem>> -> memref<16x512xi32, #tpu.memory_space<vmem>>
    %dma_wait3A_306 = arith.constant 0 : i32
    %dma_wait3A_307 = tpu.memref_slice %arg3[%add3A_204, %dma_wait3A_306] : memref<8192x512xi32, #tpu.memory_space<hbm>> -> memref<16x512xi32, #tpu.memory_space<hbm>>
    %dma_wait3A_308 = arith.constant 0 : i32
    %dma_wait3A_309 = arith.constant 0 : i32
    %dma_wait3A_310 = tpu.memref_slice %arg6[%dma_wait3A_301, %dma_wait3A_308, %dma_wait3A_309] : memref<2x16x512xi32, #tpu.memory_space<vmem>> -> memref<1x16x512xi32, #tpu.memory_space<vmem>>
    %dma_wait3A_311 = tpu.memref_squeeze %dma_wait3A_310 : memref<1x16x512xi32, #tpu.memory_space<vmem>> -> memref<16x512xi32, #tpu.memory_space<vmem>>
    %dma_wait3A_312 = arith.constant 0 : i32
    %dma_wait3A_313 = tpu.memref_slice %arg3[%add3A_204, %dma_wait3A_312] : memref<8192x512xi32, #tpu.memory_space<hbm>> -> memref<16x512xi32, #tpu.memory_space<hbm>>
    tpu.wait_dma2 semaphore(%arg9 : memref<!tpu.dma_semaphore, #tpu.memory_space<semaphore_mem>>) src(%dma_wait3A_313 : memref<16x512xi32, #tpu.memory_space<hbm>>) dst(%dma_wait3A_311 : memref<16x512xi32, #tpu.memory_space<vmem>>)
    %parallel_loop3A_314 = arith.constant 0 : i32
    %parallel_loop3A_315 = arith.constant 8192 : i32
    %parallel_loop3A_316 = arith.constant 16 : i32
    scf.for %parallel_loop3A_916 = %parallel_loop3A_314 to %parallel_loop3A_315 step %parallel_loop3A_316  : i32 {
      %parallel_loop3A_917 = arith.constant 9 : i32
      %parallel_loop3A_918 = arith.shrui %parallel_loop3A_916, %parallel_loop3A_917 : i32
      %parallel_loop3A_919 = arith.constant 511 : i32
      %parallel_loop3A_920 = arith.andi %parallel_loop3A_916, %parallel_loop3A_919 : i32
      %parallel_loop3A_921 = arith.constant 0 : i32
      %parallel_loop3A_922 = arith.index_cast %parallel_loop3A_921 : i32 to index
      %parallel_loop3A_923 = arith.index_cast %parallel_loop3A_918 : i32 to index
      %parallel_loop3A_924 = arith.index_cast %parallel_loop3A_920 : i32 to index
      %parallel_loop3A_925 = tpu.vector_load %arg5[%parallel_loop3A_922, %parallel_loop3A_923, %parallel_loop3A_924] {strides = array<i32>} : memref<2x16x512xf32, #tpu.memory_space<vmem>>, vector<16xf32>,
      %parallel_loop3A_926 = arith.constant 0 : i32
      %parallel_loop3A_927 = arith.index_cast %parallel_loop3A_926 : i32 to index
      %parallel_loop3A_928 = arith.index_cast %parallel_loop3A_918 : i32 to index
      %parallel_loop3A_929 = arith.index_cast %parallel_loop3A_920 : i32 to index
      %parallel_loop3A_930 = tpu.vector_load %arg6[%parallel_loop3A_927, %parallel_loop3A_928, %parallel_loop3A_929] {strides = array<i32>} : memref<2x16x512xi32, #tpu.memory_space<vmem>>, vector<16xi32>,
      %parallel_loop3A_931 = arith.constant 5.120000e+02 : f32
      %parallel_loop3A_932 = vector.broadcast %parallel_loop3A_931 : f32 to vector<16xf32>
      %parallel_loop3A_933 = arith.mulf %parallel_loop3A_925, %parallel_loop3A_932 : vector<16xf32>
      %parallel_loop3A_934 = arith.constant 4.096000e+03 : f32
      %parallel_loop3A_935 = vector.broadcast %parallel_loop3A_934 : f32 to vector<16xf32>
      %parallel_loop3A_936 = arith.addf %parallel_loop3A_933, %parallel_loop3A_935 : vector<16xf32>
      %parallel_loop3A_937 = arith.constant 0.000000e+00 : f32
      %parallel_loop3A_938 = vector.broadcast %parallel_loop3A_937 : f32 to vector<16xf32>
      %parallel_loop3A_939 = arith.maximumf %parallel_loop3A_936, %parallel_loop3A_938 : vector<16xf32>
      %parallel_loop3A_940 = arith.constant 8.191000e+03 : f32
      %parallel_loop3A_941 = vector.broadcast %parallel_loop3A_940 : f32 to vector<16xf32>
      %parallel_loop3A_942 = arith.minimumf %parallel_loop3A_939, %parallel_loop3A_941 : vector<16xf32>
      %parallel_loop3A_943 = arith.fptosi %parallel_loop3A_942 : vector<16xf32> to vector<16xi32>
      %parallel_loop3A_944 = arith.constant 13 : i32
      %parallel_loop3A_945 = vector.broadcast %parallel_loop3A_944 : i32 to vector<16xi32>
      %parallel_loop3A_946 = arith.shli %parallel_loop3A_930, %parallel_loop3A_945 : vector<16xi32>
      %parallel_loop3A_947 = arith.addi %parallel_loop3A_943, %parallel_loop3A_946 : vector<16xi32>
      tpu.vector_store_idx %arg7[%parallel_loop3A_947], %broadcast_in_dim3A_5 {add = true} : memref<16384xf32, #tpu.memory_space<vmem>>[vector<16xi32>], vector<16xf32>,
    } {sc.loop_unroll_factor = 8 : i64, sc.parallel_access}
    %add3A_317 = arith.constant 96 : i32
    %add3A_318 = arith.addi %mul3A_2, %add3A_317 : i32
    %dma_start3A_319 = arith.constant 0 : i32
    %dma_start3A_320 = arith.constant 0 : i32
    %dma_start3A_321 = arith.constant 0 : i32
    %dma_start3A_322 = tpu.memref_slice %arg5[%dma_start3A_319, %dma_start3A_320, %dma_start3A_321] : memref<2x16x512xf32, #tpu.memory_space<vmem>> -> memref<1x16x512xf32, #tpu.memory_space<vmem>>
    %dma_start3A_323 = tpu.memref_squeeze %dma_start3A_322 : memref<1x16x512xf32, #tpu.memory_space<vmem>> -> memref<16x512xf32, #tpu.memory_space<vmem>>
    %dma_start3A_324 = arith.constant 0 : i32
    %dma_start3A_325 = tpu.memref_slice %arg2[%add3A_318, %dma_start3A_324] : memref<8192x512xf32, #tpu.memory_space<hbm>> -> memref<16x512xf32, #tpu.memory_space<hbm>>
    %dma_start3A_326 = arith.constant 0 : i32
    %dma_start3A_327 = arith.constant 0 : i32
    %dma_start3A_328 = tpu.memref_slice %arg5[%dma_start3A_319, %dma_start3A_326, %dma_start3A_327] : memref<2x16x512xf32, #tpu.memory_space<vmem>> -> memref<1x16x512xf32, #tpu.memory_space<vmem>>
    %dma_start3A_329 = tpu.memref_squeeze %dma_start3A_328 : memref<1x16x512xf32, #tpu.memory_space<vmem>> -> memref<16x512xf32, #tpu.memory_space<vmem>>
    %dma_start3A_330 = arith.constant 0 : i32
    %dma_start3A_331 = tpu.memref_slice %arg2[%add3A_318, %dma_start3A_330] : memref<8192x512xf32, #tpu.memory_space<hbm>> -> memref<16x512xf32, #tpu.memory_space<hbm>>
    tpu.enqueue_dma source(%dma_start3A_331 : memref<16x512xf32, #tpu.memory_space<hbm>>) target(%dma_start3A_329 : memref<16x512xf32, #tpu.memory_space<vmem>>) target_semaphore(%arg8 : memref<!tpu.dma_semaphore, #tpu.memory_space<semaphore_mem>>)
    %dma_start3A_332 = arith.constant 0 : i32
    %dma_start3A_333 = arith.constant 0 : i32
    %dma_start3A_334 = arith.constant 0 : i32
    %dma_start3A_335 = tpu.memref_slice %arg6[%dma_start3A_332, %dma_start3A_333, %dma_start3A_334] : memref<2x16x512xi32, #tpu.memory_space<vmem>> -> memref<1x16x512xi32, #tpu.memory_space<vmem>>
    %dma_start3A_336 = tpu.memref_squeeze %dma_start3A_335 : memref<1x16x512xi32, #tpu.memory_space<vmem>> -> memref<16x512xi32, #tpu.memory_space<vmem>>
    %dma_start3A_337 = arith.constant 0 : i32
    %dma_start3A_338 = tpu.memref_slice %arg3[%add3A_318, %dma_start3A_337] : memref<8192x512xi32, #tpu.memory_space<hbm>> -> memref<16x512xi32, #tpu.memory_space<hbm>>
    %dma_start3A_339 = arith.constant 0 : i32
    %dma_start3A_340 = arith.constant 0 : i32
    %dma_start3A_341 = tpu.memref_slice %arg6[%dma_start3A_332, %dma_start3A_339, %dma_start3A_340] : memref<2x16x512xi32, #tpu.memory_space<vmem>> -> memref<1x16x512xi32, #tpu.memory_space<vmem>>
    %dma_start3A_342 = tpu.memref_squeeze %dma_start3A_341 : memref<1x16x512xi32, #tpu.memory_space<vmem>> -> memref<16x512xi32, #tpu.memory_space<vmem>>
    %dma_start3A_343 = arith.constant 0 : i32
    %dma_start3A_344 = tpu.memref_slice %arg3[%add3A_318, %dma_start3A_343] : memref<8192x512xi32, #tpu.memory_space<hbm>> -> memref<16x512xi32, #tpu.memory_space<hbm>>
    tpu.enqueue_dma source(%dma_start3A_344 : memref<16x512xi32, #tpu.memory_space<hbm>>) target(%dma_start3A_342 : memref<16x512xi32, #tpu.memory_space<vmem>>) target_semaphore(%arg9 : memref<!tpu.dma_semaphore, #tpu.memory_space<semaphore_mem>>)
    %dma_wait3A_345 = arith.constant 1 : i32
    %dma_wait3A_346 = arith.constant 0 : i32
    %dma_wait3A_347 = arith.constant 0 : i32
    %dma_wait3A_348 = tpu.memref_slice %arg5[%dma_wait3A_345, %dma_wait3A_346, %dma_wait3A_347] : memref<2x16x512xf32, #tpu.memory_space<vmem>> -> memref<1x16x512xf32, #tpu.memory_space<vmem>>
    %dma_wait3A_349 = tpu.memref_squeeze %dma_wait3A_348 : memref<1x16x512xf32, #tpu.memory_space<vmem>> -> memref<16x512xf32, #tpu.memory_space<vmem>>
    %dma_wait3A_350 = arith.constant 0 : i32
    %dma_wait3A_351 = tpu.memref_slice %arg2[%add3A_261, %dma_wait3A_350] : memref<8192x512xf32, #tpu.memory_space<hbm>> -> memref<16x512xf32, #tpu.memory_space<hbm>>
    %dma_wait3A_352 = arith.constant 0 : i32
    %dma_wait3A_353 = arith.constant 0 : i32
    %dma_wait3A_354 = tpu.memref_slice %arg5[%dma_wait3A_345, %dma_wait3A_352, %dma_wait3A_353] : memref<2x16x512xf32, #tpu.memory_space<vmem>> -> memref<1x16x512xf32, #tpu.memory_space<vmem>>
    %dma_wait3A_355 = tpu.memref_squeeze %dma_wait3A_354 : memref<1x16x512xf32, #tpu.memory_space<vmem>> -> memref<16x512xf32, #tpu.memory_space<vmem>>
    %dma_wait3A_356 = arith.constant 0 : i32
    %dma_wait3A_357 = tpu.memref_slice %arg2[%add3A_261, %dma_wait3A_356] : memref<8192x512xf32, #tpu.memory_space<hbm>> -> memref<16x512xf32, #tpu.memory_space<hbm>>
    tpu.wait_dma2 semaphore(%arg8 : memref<!tpu.dma_semaphore, #tpu.memory_space<semaphore_mem>>) src(%dma_wait3A_357 : memref<16x512xf32, #tpu.memory_space<hbm>>) dst(%dma_wait3A_355 : memref<16x512xf32, #tpu.memory_space<vmem>>)
    %dma_wait3A_358 = arith.constant 1 : i32
    %dma_wait3A_359 = arith.constant 0 : i32
    %dma_wait3A_360 = arith.constant 0 : i32
    %dma_wait3A_361 = tpu.memref_slice %arg6[%dma_wait3A_358, %dma_wait3A_359, %dma_wait3A_360] : memref<2x16x512xi32, #tpu.memory_space<vmem>> -> memref<1x16x512xi32, #tpu.memory_space<vmem>>
    %dma_wait3A_362 = tpu.memref_squeeze %dma_wait3A_361 : memref<1x16x512xi32, #tpu.memory_space<vmem>> -> memref<16x512xi32, #tpu.memory_space<vmem>>
    %dma_wait3A_363 = arith.constant 0 : i32
    %dma_wait3A_364 = tpu.memref_slice %arg3[%add3A_261, %dma_wait3A_363] : memref<8192x512xi32, #tpu.memory_space<hbm>> -> memref<16x512xi32, #tpu.memory_space<hbm>>
    %dma_wait3A_365 = arith.constant 0 : i32
    %dma_wait3A_366 = arith.constant 0 : i32
    %dma_wait3A_367 = tpu.memref_slice %arg6[%dma_wait3A_358, %dma_wait3A_365, %dma_wait3A_366] : memref<2x16x512xi32, #tpu.memory_space<vmem>> -> memref<1x16x512xi32, #tpu.memory_space<vmem>>
    %dma_wait3A_368 = tpu.memref_squeeze %dma_wait3A_367 : memref<1x16x512xi32, #tpu.memory_space<vmem>> -> memref<16x512xi32, #tpu.memory_space<vmem>>
    %dma_wait3A_369 = arith.constant 0 : i32
    %dma_wait3A_370 = tpu.memref_slice %arg3[%add3A_261, %dma_wait3A_369] : memref<8192x512xi32, #tpu.memory_space<hbm>> -> memref<16x512xi32, #tpu.memory_space<hbm>>
    tpu.wait_dma2 semaphore(%arg9 : memref<!tpu.dma_semaphore, #tpu.memory_space<semaphore_mem>>) src(%dma_wait3A_370 : memref<16x512xi32, #tpu.memory_space<hbm>>) dst(%dma_wait3A_368 : memref<16x512xi32, #tpu.memory_space<vmem>>)
    %parallel_loop3A_371 = arith.constant 0 : i32
    %parallel_loop3A_372 = arith.constant 8192 : i32
    %parallel_loop3A_373 = arith.constant 16 : i32
    scf.for %parallel_loop3A_916 = %parallel_loop3A_371 to %parallel_loop3A_372 step %parallel_loop3A_373  : i32 {
      %parallel_loop3A_917 = arith.constant 9 : i32
      %parallel_loop3A_918 = arith.shrui %parallel_loop3A_916, %parallel_loop3A_917 : i32
      %parallel_loop3A_919 = arith.constant 511 : i32
      %parallel_loop3A_920 = arith.andi %parallel_loop3A_916, %parallel_loop3A_919 : i32
      %parallel_loop3A_921 = arith.constant 1 : i32
      %parallel_loop3A_922 = arith.index_cast %parallel_loop3A_921 : i32 to index
      %parallel_loop3A_923 = arith.index_cast %parallel_loop3A_918 : i32 to index
      %parallel_loop3A_924 = arith.index_cast %parallel_loop3A_920 : i32 to index
      %parallel_loop3A_925 = tpu.vector_load %arg5[%parallel_loop3A_922, %parallel_loop3A_923, %parallel_loop3A_924] {strides = array<i32>} : memref<2x16x512xf32, #tpu.memory_space<vmem>>, vector<16xf32>,
      %parallel_loop3A_926 = arith.constant 1 : i32
      %parallel_loop3A_927 = arith.index_cast %parallel_loop3A_926 : i32 to index
      %parallel_loop3A_928 = arith.index_cast %parallel_loop3A_918 : i32 to index
      %parallel_loop3A_929 = arith.index_cast %parallel_loop3A_920 : i32 to index
      %parallel_loop3A_930 = tpu.vector_load %arg6[%parallel_loop3A_927, %parallel_loop3A_928, %parallel_loop3A_929] {strides = array<i32>} : memref<2x16x512xi32, #tpu.memory_space<vmem>>, vector<16xi32>,
      %parallel_loop3A_931 = arith.constant 5.120000e+02 : f32
      %parallel_loop3A_932 = vector.broadcast %parallel_loop3A_931 : f32 to vector<16xf32>
      %parallel_loop3A_933 = arith.mulf %parallel_loop3A_925, %parallel_loop3A_932 : vector<16xf32>
      %parallel_loop3A_934 = arith.constant 4.096000e+03 : f32
      %parallel_loop3A_935 = vector.broadcast %parallel_loop3A_934 : f32 to vector<16xf32>
      %parallel_loop3A_936 = arith.addf %parallel_loop3A_933, %parallel_loop3A_935 : vector<16xf32>
      %parallel_loop3A_937 = arith.constant 0.000000e+00 : f32
      %parallel_loop3A_938 = vector.broadcast %parallel_loop3A_937 : f32 to vector<16xf32>
      %parallel_loop3A_939 = arith.maximumf %parallel_loop3A_936, %parallel_loop3A_938 : vector<16xf32>
      %parallel_loop3A_940 = arith.constant 8.191000e+03 : f32
      %parallel_loop3A_941 = vector.broadcast %parallel_loop3A_940 : f32 to vector<16xf32>
      %parallel_loop3A_942 = arith.minimumf %parallel_loop3A_939, %parallel_loop3A_941 : vector<16xf32>
      %parallel_loop3A_943 = arith.fptosi %parallel_loop3A_942 : vector<16xf32> to vector<16xi32>
      %parallel_loop3A_944 = arith.constant 13 : i32
      %parallel_loop3A_945 = vector.broadcast %parallel_loop3A_944 : i32 to vector<16xi32>
      %parallel_loop3A_946 = arith.shli %parallel_loop3A_930, %parallel_loop3A_945 : vector<16xi32>
      %parallel_loop3A_947 = arith.addi %parallel_loop3A_943, %parallel_loop3A_946 : vector<16xi32>
      tpu.vector_store_idx %arg7[%parallel_loop3A_947], %broadcast_in_dim3A_5 {add = true} : memref<16384xf32, #tpu.memory_space<vmem>>[vector<16xi32>], vector<16xf32>,
    } {sc.loop_unroll_factor = 8 : i64, sc.parallel_access}
    %add3A_374 = arith.constant 112 : i32
    %add3A_375 = arith.addi %mul3A_2, %add3A_374 : i32
    %dma_start3A_376 = arith.constant 1 : i32
    %dma_start3A_377 = arith.constant 0 : i32
    %dma_start3A_378 = arith.constant 0 : i32
    %dma_start3A_379 = tpu.memref_slice %arg5[%dma_start3A_376, %dma_start3A_377, %dma_start3A_378] : memref<2x16x512xf32, #tpu.memory_space<vmem>> -> memref<1x16x512xf32, #tpu.memory_space<vmem>>
    %dma_start3A_380 = tpu.memref_squeeze %dma_start3A_379 : memref<1x16x512xf32, #tpu.memory_space<vmem>> -> memref<16x512xf32, #tpu.memory_space<vmem>>
    %dma_start3A_381 = arith.constant 0 : i32
    %dma_start3A_382 = tpu.memref_slice %arg2[%add3A_375, %dma_start3A_381] : memref<8192x512xf32, #tpu.memory_space<hbm>> -> memref<16x512xf32, #tpu.memory_space<hbm>>
    %dma_start3A_383 = arith.constant 0 : i32
    %dma_start3A_384 = arith.constant 0 : i32
    %dma_start3A_385 = tpu.memref_slice %arg5[%dma_start3A_376, %dma_start3A_383, %dma_start3A_384] : memref<2x16x512xf32, #tpu.memory_space<vmem>> -> memref<1x16x512xf32, #tpu.memory_space<vmem>>
    %dma_start3A_386 = tpu.memref_squeeze %dma_start3A_385 : memref<1x16x512xf32, #tpu.memory_space<vmem>> -> memref<16x512xf32, #tpu.memory_space<vmem>>
    %dma_start3A_387 = arith.constant 0 : i32
    %dma_start3A_388 = tpu.memref_slice %arg2[%add3A_375, %dma_start3A_387] : memref<8192x512xf32, #tpu.memory_space<hbm>> -> memref<16x512xf32, #tpu.memory_space<hbm>>
    tpu.enqueue_dma source(%dma_start3A_388 : memref<16x512xf32, #tpu.memory_space<hbm>>) target(%dma_start3A_386 : memref<16x512xf32, #tpu.memory_space<vmem>>) target_semaphore(%arg8 : memref<!tpu.dma_semaphore, #tpu.memory_space<semaphore_mem>>)
    %dma_start3A_389 = arith.constant 1 : i32
    %dma_start3A_390 = arith.constant 0 : i32
    %dma_start3A_391 = arith.constant 0 : i32
    %dma_start3A_392 = tpu.memref_slice %arg6[%dma_start3A_389, %dma_start3A_390, %dma_start3A_391] : memref<2x16x512xi32, #tpu.memory_space<vmem>> -> memref<1x16x512xi32, #tpu.memory_space<vmem>>
    %dma_start3A_393 = tpu.memref_squeeze %dma_start3A_392 : memref<1x16x512xi32, #tpu.memory_space<vmem>> -> memref<16x512xi32, #tpu.memory_space<vmem>>
    %dma_start3A_394 = arith.constant 0 : i32
    %dma_start3A_395 = tpu.memref_slice %arg3[%add3A_375, %dma_start3A_394] : memref<8192x512xi32, #tpu.memory_space<hbm>> -> memref<16x512xi32, #tpu.memory_space<hbm>>
    %dma_start3A_396 = arith.constant 0 : i32
    %dma_start3A_397 = arith.constant 0 : i32
    %dma_start3A_398 = tpu.memref_slice %arg6[%dma_start3A_389, %dma_start3A_396, %dma_start3A_397] : memref<2x16x512xi32, #tpu.memory_space<vmem>> -> memref<1x16x512xi32, #tpu.memory_space<vmem>>
    %dma_start3A_399 = tpu.memref_squeeze %dma_start3A_398 : memref<1x16x512xi32, #tpu.memory_space<vmem>> -> memref<16x512xi32, #tpu.memory_space<vmem>>
    %dma_start3A_400 = arith.constant 0 : i32
    %dma_start3A_401 = tpu.memref_slice %arg3[%add3A_375, %dma_start3A_400] : memref<8192x512xi32, #tpu.memory_space<hbm>> -> memref<16x512xi32, #tpu.memory_space<hbm>>
    tpu.enqueue_dma source(%dma_start3A_401 : memref<16x512xi32, #tpu.memory_space<hbm>>) target(%dma_start3A_399 : memref<16x512xi32, #tpu.memory_space<vmem>>) target_semaphore(%arg9 : memref<!tpu.dma_semaphore, #tpu.memory_space<semaphore_mem>>)
    %dma_wait3A_402 = arith.constant 0 : i32
    %dma_wait3A_403 = arith.constant 0 : i32
    %dma_wait3A_404 = arith.constant 0 : i32
    %dma_wait3A_405 = tpu.memref_slice %arg5[%dma_wait3A_402, %dma_wait3A_403, %dma_wait3A_404] : memref<2x16x512xf32, #tpu.memory_space<vmem>> -> memref<1x16x512xf32, #tpu.memory_space<vmem>>
    %dma_wait3A_406 = tpu.memref_squeeze %dma_wait3A_405 : memref<1x16x512xf32, #tpu.memory_space<vmem>> -> memref<16x512xf32, #tpu.memory_space<vmem>>
    %dma_wait3A_407 = arith.constant 0 : i32
    %dma_wait3A_408 = tpu.memref_slice %arg2[%add3A_318, %dma_wait3A_407] : memref<8192x512xf32, #tpu.memory_space<hbm>> -> memref<16x512xf32, #tpu.memory_space<hbm>>
    %dma_wait3A_409 = arith.constant 0 : i32
    %dma_wait3A_410 = arith.constant 0 : i32
    %dma_wait3A_411 = tpu.memref_slice %arg5[%dma_wait3A_402, %dma_wait3A_409, %dma_wait3A_410] : memref<2x16x512xf32, #tpu.memory_space<vmem>> -> memref<1x16x512xf32, #tpu.memory_space<vmem>>
    %dma_wait3A_412 = tpu.memref_squeeze %dma_wait3A_411 : memref<1x16x512xf32, #tpu.memory_space<vmem>> -> memref<16x512xf32, #tpu.memory_space<vmem>>
    %dma_wait3A_413 = arith.constant 0 : i32
    %dma_wait3A_414 = tpu.memref_slice %arg2[%add3A_318, %dma_wait3A_413] : memref<8192x512xf32, #tpu.memory_space<hbm>> -> memref<16x512xf32, #tpu.memory_space<hbm>>
    tpu.wait_dma2 semaphore(%arg8 : memref<!tpu.dma_semaphore, #tpu.memory_space<semaphore_mem>>) src(%dma_wait3A_414 : memref<16x512xf32, #tpu.memory_space<hbm>>) dst(%dma_wait3A_412 : memref<16x512xf32, #tpu.memory_space<vmem>>)
    %dma_wait3A_415 = arith.constant 0 : i32
    %dma_wait3A_416 = arith.constant 0 : i32
    %dma_wait3A_417 = arith.constant 0 : i32
    %dma_wait3A_418 = tpu.memref_slice %arg6[%dma_wait3A_415, %dma_wait3A_416, %dma_wait3A_417] : memref<2x16x512xi32, #tpu.memory_space<vmem>> -> memref<1x16x512xi32, #tpu.memory_space<vmem>>
    %dma_wait3A_419 = tpu.memref_squeeze %dma_wait3A_418 : memref<1x16x512xi32, #tpu.memory_space<vmem>> -> memref<16x512xi32, #tpu.memory_space<vmem>>
    %dma_wait3A_420 = arith.constant 0 : i32
    %dma_wait3A_421 = tpu.memref_slice %arg3[%add3A_318, %dma_wait3A_420] : memref<8192x512xi32, #tpu.memory_space<hbm>> -> memref<16x512xi32, #tpu.memory_space<hbm>>
    %dma_wait3A_422 = arith.constant 0 : i32
    %dma_wait3A_423 = arith.constant 0 : i32
    %dma_wait3A_424 = tpu.memref_slice %arg6[%dma_wait3A_415, %dma_wait3A_422, %dma_wait3A_423] : memref<2x16x512xi32, #tpu.memory_space<vmem>> -> memref<1x16x512xi32, #tpu.memory_space<vmem>>
    %dma_wait3A_425 = tpu.memref_squeeze %dma_wait3A_424 : memref<1x16x512xi32, #tpu.memory_space<vmem>> -> memref<16x512xi32, #tpu.memory_space<vmem>>
    %dma_wait3A_426 = arith.constant 0 : i32
    %dma_wait3A_427 = tpu.memref_slice %arg3[%add3A_318, %dma_wait3A_426] : memref<8192x512xi32, #tpu.memory_space<hbm>> -> memref<16x512xi32, #tpu.memory_space<hbm>>
    tpu.wait_dma2 semaphore(%arg9 : memref<!tpu.dma_semaphore, #tpu.memory_space<semaphore_mem>>) src(%dma_wait3A_427 : memref<16x512xi32, #tpu.memory_space<hbm>>) dst(%dma_wait3A_425 : memref<16x512xi32, #tpu.memory_space<vmem>>)
    %parallel_loop3A_428 = arith.constant 0 : i32
    %parallel_loop3A_429 = arith.constant 8192 : i32
    %parallel_loop3A_430 = arith.constant 16 : i32
    scf.for %parallel_loop3A_916 = %parallel_loop3A_428 to %parallel_loop3A_429 step %parallel_loop3A_430  : i32 {
      %parallel_loop3A_917 = arith.constant 9 : i32
      %parallel_loop3A_918 = arith.shrui %parallel_loop3A_916, %parallel_loop3A_917 : i32
      %parallel_loop3A_919 = arith.constant 511 : i32
      %parallel_loop3A_920 = arith.andi %parallel_loop3A_916, %parallel_loop3A_919 : i32
      %parallel_loop3A_921 = arith.constant 0 : i32
      %parallel_loop3A_922 = arith.index_cast %parallel_loop3A_921 : i32 to index
      %parallel_loop3A_923 = arith.index_cast %parallel_loop3A_918 : i32 to index
      %parallel_loop3A_924 = arith.index_cast %parallel_loop3A_920 : i32 to index
      %parallel_loop3A_925 = tpu.vector_load %arg5[%parallel_loop3A_922, %parallel_loop3A_923, %parallel_loop3A_924] {strides = array<i32>} : memref<2x16x512xf32, #tpu.memory_space<vmem>>, vector<16xf32>,
      %parallel_loop3A_926 = arith.constant 0 : i32
      %parallel_loop3A_927 = arith.index_cast %parallel_loop3A_926 : i32 to index
      %parallel_loop3A_928 = arith.index_cast %parallel_loop3A_918 : i32 to index
      %parallel_loop3A_929 = arith.index_cast %parallel_loop3A_920 : i32 to index
      %parallel_loop3A_930 = tpu.vector_load %arg6[%parallel_loop3A_927, %parallel_loop3A_928, %parallel_loop3A_929] {strides = array<i32>} : memref<2x16x512xi32, #tpu.memory_space<vmem>>, vector<16xi32>,
      %parallel_loop3A_931 = arith.constant 5.120000e+02 : f32
      %parallel_loop3A_932 = vector.broadcast %parallel_loop3A_931 : f32 to vector<16xf32>
      %parallel_loop3A_933 = arith.mulf %parallel_loop3A_925, %parallel_loop3A_932 : vector<16xf32>
      %parallel_loop3A_934 = arith.constant 4.096000e+03 : f32
      %parallel_loop3A_935 = vector.broadcast %parallel_loop3A_934 : f32 to vector<16xf32>
      %parallel_loop3A_936 = arith.addf %parallel_loop3A_933, %parallel_loop3A_935 : vector<16xf32>
      %parallel_loop3A_937 = arith.constant 0.000000e+00 : f32
      %parallel_loop3A_938 = vector.broadcast %parallel_loop3A_937 : f32 to vector<16xf32>
      %parallel_loop3A_939 = arith.maximumf %parallel_loop3A_936, %parallel_loop3A_938 : vector<16xf32>
      %parallel_loop3A_940 = arith.constant 8.191000e+03 : f32
      %parallel_loop3A_941 = vector.broadcast %parallel_loop3A_940 : f32 to vector<16xf32>
      %parallel_loop3A_942 = arith.minimumf %parallel_loop3A_939, %parallel_loop3A_941 : vector<16xf32>
      %parallel_loop3A_943 = arith.fptosi %parallel_loop3A_942 : vector<16xf32> to vector<16xi32>
      %parallel_loop3A_944 = arith.constant 13 : i32
      %parallel_loop3A_945 = vector.broadcast %parallel_loop3A_944 : i32 to vector<16xi32>
      %parallel_loop3A_946 = arith.shli %parallel_loop3A_930, %parallel_loop3A_945 : vector<16xi32>
      %parallel_loop3A_947 = arith.addi %parallel_loop3A_943, %parallel_loop3A_946 : vector<16xi32>
      tpu.vector_store_idx %arg7[%parallel_loop3A_947], %broadcast_in_dim3A_5 {add = true} : memref<16384xf32, #tpu.memory_space<vmem>>[vector<16xi32>], vector<16xf32>,
    } {sc.loop_unroll_factor = 8 : i64, sc.parallel_access}
    %add3A_431 = arith.constant 128 : i32
    %add3A_432 = arith.addi %mul3A_2, %add3A_431 : i32
    %dma_start3A_433 = arith.constant 0 : i32
    %dma_start3A_434 = arith.constant 0 : i32
    %dma_start3A_435 = arith.constant 0 : i32
    %dma_start3A_436 = tpu.memref_slice %arg5[%dma_start3A_433, %dma_start3A_434, %dma_start3A_435] : memref<2x16x512xf32, #tpu.memory_space<vmem>> -> memref<1x16x512xf32, #tpu.memory_space<vmem>>
    %dma_start3A_437 = tpu.memref_squeeze %dma_start3A_436 : memref<1x16x512xf32, #tpu.memory_space<vmem>> -> memref<16x512xf32, #tpu.memory_space<vmem>>
    %dma_start3A_438 = arith.constant 0 : i32
    %dma_start3A_439 = tpu.memref_slice %arg2[%add3A_432, %dma_start3A_438] : memref<8192x512xf32, #tpu.memory_space<hbm>> -> memref<16x512xf32, #tpu.memory_space<hbm>>
    %dma_start3A_440 = arith.constant 0 : i32
    %dma_start3A_441 = arith.constant 0 : i32
    %dma_start3A_442 = tpu.memref_slice %arg5[%dma_start3A_433, %dma_start3A_440, %dma_start3A_441] : memref<2x16x512xf32, #tpu.memory_space<vmem>> -> memref<1x16x512xf32, #tpu.memory_space<vmem>>
    %dma_start3A_443 = tpu.memref_squeeze %dma_start3A_442 : memref<1x16x512xf32, #tpu.memory_space<vmem>> -> memref<16x512xf32, #tpu.memory_space<vmem>>
    %dma_start3A_444 = arith.constant 0 : i32
    %dma_start3A_445 = tpu.memref_slice %arg2[%add3A_432, %dma_start3A_444] : memref<8192x512xf32, #tpu.memory_space<hbm>> -> memref<16x512xf32, #tpu.memory_space<hbm>>
    tpu.enqueue_dma source(%dma_start3A_445 : memref<16x512xf32, #tpu.memory_space<hbm>>) target(%dma_start3A_443 : memref<16x512xf32, #tpu.memory_space<vmem>>) target_semaphore(%arg8 : memref<!tpu.dma_semaphore, #tpu.memory_space<semaphore_mem>>)
    %dma_start3A_446 = arith.constant 0 : i32
    %dma_start3A_447 = arith.constant 0 : i32
    %dma_start3A_448 = arith.constant 0 : i32
    %dma_start3A_449 = tpu.memref_slice %arg6[%dma_start3A_446, %dma_start3A_447, %dma_start3A_448] : memref<2x16x512xi32, #tpu.memory_space<vmem>> -> memref<1x16x512xi32, #tpu.memory_space<vmem>>
    %dma_start3A_450 = tpu.memref_squeeze %dma_start3A_449 : memref<1x16x512xi32, #tpu.memory_space<vmem>> -> memref<16x512xi32, #tpu.memory_space<vmem>>
    %dma_start3A_451 = arith.constant 0 : i32
    %dma_start3A_452 = tpu.memref_slice %arg3[%add3A_432, %dma_start3A_451] : memref<8192x512xi32, #tpu.memory_space<hbm>> -> memref<16x512xi32, #tpu.memory_space<hbm>>
    %dma_start3A_453 = arith.constant 0 : i32
    %dma_start3A_454 = arith.constant 0 : i32
    %dma_start3A_455 = tpu.memref_slice %arg6[%dma_start3A_446, %dma_start3A_453, %dma_start3A_454] : memref<2x16x512xi32, #tpu.memory_space<vmem>> -> memref<1x16x512xi32, #tpu.memory_space<vmem>>
    %dma_start3A_456 = tpu.memref_squeeze %dma_start3A_455 : memref<1x16x512xi32, #tpu.memory_space<vmem>> -> memref<16x512xi32, #tpu.memory_space<vmem>>
    %dma_start3A_457 = arith.constant 0 : i32
    %dma_start3A_458 = tpu.memref_slice %arg3[%add3A_432, %dma_start3A_457] : memref<8192x512xi32, #tpu.memory_space<hbm>> -> memref<16x512xi32, #tpu.memory_space<hbm>>
    tpu.enqueue_dma source(%dma_start3A_458 : memref<16x512xi32, #tpu.memory_space<hbm>>) target(%dma_start3A_456 : memref<16x512xi32, #tpu.memory_space<vmem>>) target_semaphore(%arg9 : memref<!tpu.dma_semaphore, #tpu.memory_space<semaphore_mem>>)
    %dma_wait3A_459 = arith.constant 1 : i32
    %dma_wait3A_460 = arith.constant 0 : i32
    %dma_wait3A_461 = arith.constant 0 : i32
    %dma_wait3A_462 = tpu.memref_slice %arg5[%dma_wait3A_459, %dma_wait3A_460, %dma_wait3A_461] : memref<2x16x512xf32, #tpu.memory_space<vmem>> -> memref<1x16x512xf32, #tpu.memory_space<vmem>>
    %dma_wait3A_463 = tpu.memref_squeeze %dma_wait3A_462 : memref<1x16x512xf32, #tpu.memory_space<vmem>> -> memref<16x512xf32, #tpu.memory_space<vmem>>
    %dma_wait3A_464 = arith.constant 0 : i32
    %dma_wait3A_465 = tpu.memref_slice %arg2[%add3A_375, %dma_wait3A_464] : memref<8192x512xf32, #tpu.memory_space<hbm>> -> memref<16x512xf32, #tpu.memory_space<hbm>>
    %dma_wait3A_466 = arith.constant 0 : i32
    %dma_wait3A_467 = arith.constant 0 : i32
    %dma_wait3A_468 = tpu.memref_slice %arg5[%dma_wait3A_459, %dma_wait3A_466, %dma_wait3A_467] : memref<2x16x512xf32, #tpu.memory_space<vmem>> -> memref<1x16x512xf32, #tpu.memory_space<vmem>>
    %dma_wait3A_469 = tpu.memref_squeeze %dma_wait3A_468 : memref<1x16x512xf32, #tpu.memory_space<vmem>> -> memref<16x512xf32, #tpu.memory_space<vmem>>
    %dma_wait3A_470 = arith.constant 0 : i32
    %dma_wait3A_471 = tpu.memref_slice %arg2[%add3A_375, %dma_wait3A_470] : memref<8192x512xf32, #tpu.memory_space<hbm>> -> memref<16x512xf32, #tpu.memory_space<hbm>>
    tpu.wait_dma2 semaphore(%arg8 : memref<!tpu.dma_semaphore, #tpu.memory_space<semaphore_mem>>) src(%dma_wait3A_471 : memref<16x512xf32, #tpu.memory_space<hbm>>) dst(%dma_wait3A_469 : memref<16x512xf32, #tpu.memory_space<vmem>>)
    %dma_wait3A_472 = arith.constant 1 : i32
    %dma_wait3A_473 = arith.constant 0 : i32
    %dma_wait3A_474 = arith.constant 0 : i32
    %dma_wait3A_475 = tpu.memref_slice %arg6[%dma_wait3A_472, %dma_wait3A_473, %dma_wait3A_474] : memref<2x16x512xi32, #tpu.memory_space<vmem>> -> memref<1x16x512xi32, #tpu.memory_space<vmem>>
    %dma_wait3A_476 = tpu.memref_squeeze %dma_wait3A_475 : memref<1x16x512xi32, #tpu.memory_space<vmem>> -> memref<16x512xi32, #tpu.memory_space<vmem>>
    %dma_wait3A_477 = arith.constant 0 : i32
    %dma_wait3A_478 = tpu.memref_slice %arg3[%add3A_375, %dma_wait3A_477] : memref<8192x512xi32, #tpu.memory_space<hbm>> -> memref<16x512xi32, #tpu.memory_space<hbm>>
    %dma_wait3A_479 = arith.constant 0 : i32
    %dma_wait3A_480 = arith.constant 0 : i32
    %dma_wait3A_481 = tpu.memref_slice %arg6[%dma_wait3A_472, %dma_wait3A_479, %dma_wait3A_480] : memref<2x16x512xi32, #tpu.memory_space<vmem>> -> memref<1x16x512xi32, #tpu.memory_space<vmem>>
    %dma_wait3A_482 = tpu.memref_squeeze %dma_wait3A_481 : memref<1x16x512xi32, #tpu.memory_space<vmem>> -> memref<16x512xi32, #tpu.memory_space<vmem>>
    %dma_wait3A_483 = arith.constant 0 : i32
    %dma_wait3A_484 = tpu.memref_slice %arg3[%add3A_375, %dma_wait3A_483] : memref<8192x512xi32, #tpu.memory_space<hbm>> -> memref<16x512xi32, #tpu.memory_space<hbm>>
    tpu.wait_dma2 semaphore(%arg9 : memref<!tpu.dma_semaphore, #tpu.memory_space<semaphore_mem>>) src(%dma_wait3A_484 : memref<16x512xi32, #tpu.memory_space<hbm>>) dst(%dma_wait3A_482 : memref<16x512xi32, #tpu.memory_space<vmem>>)
    %parallel_loop3A_485 = arith.constant 0 : i32
    %parallel_loop3A_486 = arith.constant 8192 : i32
    %parallel_loop3A_487 = arith.constant 16 : i32
    scf.for %parallel_loop3A_916 = %parallel_loop3A_485 to %parallel_loop3A_486 step %parallel_loop3A_487  : i32 {
      %parallel_loop3A_917 = arith.constant 9 : i32
      %parallel_loop3A_918 = arith.shrui %parallel_loop3A_916, %parallel_loop3A_917 : i32
      %parallel_loop3A_919 = arith.constant 511 : i32
      %parallel_loop3A_920 = arith.andi %parallel_loop3A_916, %parallel_loop3A_919 : i32
      %parallel_loop3A_921 = arith.constant 1 : i32
      %parallel_loop3A_922 = arith.index_cast %parallel_loop3A_921 : i32 to index
      %parallel_loop3A_923 = arith.index_cast %parallel_loop3A_918 : i32 to index
      %parallel_loop3A_924 = arith.index_cast %parallel_loop3A_920 : i32 to index
      %parallel_loop3A_925 = tpu.vector_load %arg5[%parallel_loop3A_922, %parallel_loop3A_923, %parallel_loop3A_924] {strides = array<i32>} : memref<2x16x512xf32, #tpu.memory_space<vmem>>, vector<16xf32>,
      %parallel_loop3A_926 = arith.constant 1 : i32
      %parallel_loop3A_927 = arith.index_cast %parallel_loop3A_926 : i32 to index
      %parallel_loop3A_928 = arith.index_cast %parallel_loop3A_918 : i32 to index
      %parallel_loop3A_929 = arith.index_cast %parallel_loop3A_920 : i32 to index
      %parallel_loop3A_930 = tpu.vector_load %arg6[%parallel_loop3A_927, %parallel_loop3A_928, %parallel_loop3A_929] {strides = array<i32>} : memref<2x16x512xi32, #tpu.memory_space<vmem>>, vector<16xi32>,
      %parallel_loop3A_931 = arith.constant 5.120000e+02 : f32
      %parallel_loop3A_932 = vector.broadcast %parallel_loop3A_931 : f32 to vector<16xf32>
      %parallel_loop3A_933 = arith.mulf %parallel_loop3A_925, %parallel_loop3A_932 : vector<16xf32>
      %parallel_loop3A_934 = arith.constant 4.096000e+03 : f32
      %parallel_loop3A_935 = vector.broadcast %parallel_loop3A_934 : f32 to vector<16xf32>
      %parallel_loop3A_936 = arith.addf %parallel_loop3A_933, %parallel_loop3A_935 : vector<16xf32>
      %parallel_loop3A_937 = arith.constant 0.000000e+00 : f32
      %parallel_loop3A_938 = vector.broadcast %parallel_loop3A_937 : f32 to vector<16xf32>
      %parallel_loop3A_939 = arith.maximumf %parallel_loop3A_936, %parallel_loop3A_938 : vector<16xf32>
      %parallel_loop3A_940 = arith.constant 8.191000e+03 : f32
      %parallel_loop3A_941 = vector.broadcast %parallel_loop3A_940 : f32 to vector<16xf32>
      %parallel_loop3A_942 = arith.minimumf %parallel_loop3A_939, %parallel_loop3A_941 : vector<16xf32>
      %parallel_loop3A_943 = arith.fptosi %parallel_loop3A_942 : vector<16xf32> to vector<16xi32>
      %parallel_loop3A_944 = arith.constant 13 : i32
      %parallel_loop3A_945 = vector.broadcast %parallel_loop3A_944 : i32 to vector<16xi32>
      %parallel_loop3A_946 = arith.shli %parallel_loop3A_930, %parallel_loop3A_945 : vector<16xi32>
      %parallel_loop3A_947 = arith.addi %parallel_loop3A_943, %parallel_loop3A_946 : vector<16xi32>
      tpu.vector_store_idx %arg7[%parallel_loop3A_947], %broadcast_in_dim3A_5 {add = true} : memref<16384xf32, #tpu.memory_space<vmem>>[vector<16xi32>], vector<16xf32>,
    } {sc.loop_unroll_factor = 8 : i64, sc.parallel_access}
    %add3A_488 = arith.constant 144 : i32
    %add3A_489 = arith.addi %mul3A_2, %add3A_488 : i32
    %dma_start3A_490 = arith.constant 1 : i32
    %dma_start3A_491 = arith.constant 0 : i32
    %dma_start3A_492 = arith.constant 0 : i32
    %dma_start3A_493 = tpu.memref_slice %arg5[%dma_start3A_490, %dma_start3A_491, %dma_start3A_492] : memref<2x16x512xf32, #tpu.memory_space<vmem>> -> memref<1x16x512xf32, #tpu.memory_space<vmem>>
    %dma_start3A_494 = tpu.memref_squeeze %dma_start3A_493 : memref<1x16x512xf32, #tpu.memory_space<vmem>> -> memref<16x512xf32, #tpu.memory_space<vmem>>
    %dma_start3A_495 = arith.constant 0 : i32
    %dma_start3A_496 = tpu.memref_slice %arg2[%add3A_489, %dma_start3A_495] : memref<8192x512xf32, #tpu.memory_space<hbm>> -> memref<16x512xf32, #tpu.memory_space<hbm>>
    %dma_start3A_497 = arith.constant 0 : i32
    %dma_start3A_498 = arith.constant 0 : i32
    %dma_start3A_499 = tpu.memref_slice %arg5[%dma_start3A_490, %dma_start3A_497, %dma_start3A_498] : memref<2x16x512xf32, #tpu.memory_space<vmem>> -> memref<1x16x512xf32, #tpu.memory_space<vmem>>
    %dma_start3A_500 = tpu.memref_squeeze %dma_start3A_499 : memref<1x16x512xf32, #tpu.memory_space<vmem>> -> memref<16x512xf32, #tpu.memory_space<vmem>>
    %dma_start3A_501 = arith.constant 0 : i32
    %dma_start3A_502 = tpu.memref_slice %arg2[%add3A_489, %dma_start3A_501] : memref<8192x512xf32, #tpu.memory_space<hbm>> -> memref<16x512xf32, #tpu.memory_space<hbm>>
    tpu.enqueue_dma source(%dma_start3A_502 : memref<16x512xf32, #tpu.memory_space<hbm>>) target(%dma_start3A_500 : memref<16x512xf32, #tpu.memory_space<vmem>>) target_semaphore(%arg8 : memref<!tpu.dma_semaphore, #tpu.memory_space<semaphore_mem>>)
    %dma_start3A_503 = arith.constant 1 : i32
    %dma_start3A_504 = arith.constant 0 : i32
    %dma_start3A_505 = arith.constant 0 : i32
    %dma_start3A_506 = tpu.memref_slice %arg6[%dma_start3A_503, %dma_start3A_504, %dma_start3A_505] : memref<2x16x512xi32, #tpu.memory_space<vmem>> -> memref<1x16x512xi32, #tpu.memory_space<vmem>>
    %dma_start3A_507 = tpu.memref_squeeze %dma_start3A_506 : memref<1x16x512xi32, #tpu.memory_space<vmem>> -> memref<16x512xi32, #tpu.memory_space<vmem>>
    %dma_start3A_508 = arith.constant 0 : i32
    %dma_start3A_509 = tpu.memref_slice %arg3[%add3A_489, %dma_start3A_508] : memref<8192x512xi32, #tpu.memory_space<hbm>> -> memref<16x512xi32, #tpu.memory_space<hbm>>
    %dma_start3A_510 = arith.constant 0 : i32
    %dma_start3A_511 = arith.constant 0 : i32
    %dma_start3A_512 = tpu.memref_slice %arg6[%dma_start3A_503, %dma_start3A_510, %dma_start3A_511] : memref<2x16x512xi32, #tpu.memory_space<vmem>> -> memref<1x16x512xi32, #tpu.memory_space<vmem>>
    %dma_start3A_513 = tpu.memref_squeeze %dma_start3A_512 : memref<1x16x512xi32, #tpu.memory_space<vmem>> -> memref<16x512xi32, #tpu.memory_space<vmem>>
    %dma_start3A_514 = arith.constant 0 : i32
    %dma_start3A_515 = tpu.memref_slice %arg3[%add3A_489, %dma_start3A_514] : memref<8192x512xi32, #tpu.memory_space<hbm>> -> memref<16x512xi32, #tpu.memory_space<hbm>>
    tpu.enqueue_dma source(%dma_start3A_515 : memref<16x512xi32, #tpu.memory_space<hbm>>) target(%dma_start3A_513 : memref<16x512xi32, #tpu.memory_space<vmem>>) target_semaphore(%arg9 : memref<!tpu.dma_semaphore, #tpu.memory_space<semaphore_mem>>)
    %dma_wait3A_516 = arith.constant 0 : i32
    %dma_wait3A_517 = arith.constant 0 : i32
    %dma_wait3A_518 = arith.constant 0 : i32
    %dma_wait3A_519 = tpu.memref_slice %arg5[%dma_wait3A_516, %dma_wait3A_517, %dma_wait3A_518] : memref<2x16x512xf32, #tpu.memory_space<vmem>> -> memref<1x16x512xf32, #tpu.memory_space<vmem>>
    %dma_wait3A_520 = tpu.memref_squeeze %dma_wait3A_519 : memref<1x16x512xf32, #tpu.memory_space<vmem>> -> memref<16x512xf32, #tpu.memory_space<vmem>>
    %dma_wait3A_521 = arith.constant 0 : i32
    %dma_wait3A_522 = tpu.memref_slice %arg2[%add3A_432, %dma_wait3A_521] : memref<8192x512xf32, #tpu.memory_space<hbm>> -> memref<16x512xf32, #tpu.memory_space<hbm>>
    %dma_wait3A_523 = arith.constant 0 : i32
    %dma_wait3A_524 = arith.constant 0 : i32
    %dma_wait3A_525 = tpu.memref_slice %arg5[%dma_wait3A_516, %dma_wait3A_523, %dma_wait3A_524] : memref<2x16x512xf32, #tpu.memory_space<vmem>> -> memref<1x16x512xf32, #tpu.memory_space<vmem>>
    %dma_wait3A_526 = tpu.memref_squeeze %dma_wait3A_525 : memref<1x16x512xf32, #tpu.memory_space<vmem>> -> memref<16x512xf32, #tpu.memory_space<vmem>>
    %dma_wait3A_527 = arith.constant 0 : i32
    %dma_wait3A_528 = tpu.memref_slice %arg2[%add3A_432, %dma_wait3A_527] : memref<8192x512xf32, #tpu.memory_space<hbm>> -> memref<16x512xf32, #tpu.memory_space<hbm>>
    tpu.wait_dma2 semaphore(%arg8 : memref<!tpu.dma_semaphore, #tpu.memory_space<semaphore_mem>>) src(%dma_wait3A_528 : memref<16x512xf32, #tpu.memory_space<hbm>>) dst(%dma_wait3A_526 : memref<16x512xf32, #tpu.memory_space<vmem>>)
    %dma_wait3A_529 = arith.constant 0 : i32
    %dma_wait3A_530 = arith.constant 0 : i32
    %dma_wait3A_531 = arith.constant 0 : i32
    %dma_wait3A_532 = tpu.memref_slice %arg6[%dma_wait3A_529, %dma_wait3A_530, %dma_wait3A_531] : memref<2x16x512xi32, #tpu.memory_space<vmem>> -> memref<1x16x512xi32, #tpu.memory_space<vmem>>
    %dma_wait3A_533 = tpu.memref_squeeze %dma_wait3A_532 : memref<1x16x512xi32, #tpu.memory_space<vmem>> -> memref<16x512xi32, #tpu.memory_space<vmem>>
    %dma_wait3A_534 = arith.constant 0 : i32
    %dma_wait3A_535 = tpu.memref_slice %arg3[%add3A_432, %dma_wait3A_534] : memref<8192x512xi32, #tpu.memory_space<hbm>> -> memref<16x512xi32, #tpu.memory_space<hbm>>
    %dma_wait3A_536 = arith.constant 0 : i32
    %dma_wait3A_537 = arith.constant 0 : i32
    %dma_wait3A_538 = tpu.memref_slice %arg6[%dma_wait3A_529, %dma_wait3A_536, %dma_wait3A_537] : memref<2x16x512xi32, #tpu.memory_space<vmem>> -> memref<1x16x512xi32, #tpu.memory_space<vmem>>
    %dma_wait3A_539 = tpu.memref_squeeze %dma_wait3A_538 : memref<1x16x512xi32, #tpu.memory_space<vmem>> -> memref<16x512xi32, #tpu.memory_space<vmem>>
    %dma_wait3A_540 = arith.constant 0 : i32
    %dma_wait3A_541 = tpu.memref_slice %arg3[%add3A_432, %dma_wait3A_540] : memref<8192x512xi32, #tpu.memory_space<hbm>> -> memref<16x512xi32, #tpu.memory_space<hbm>>
    tpu.wait_dma2 semaphore(%arg9 : memref<!tpu.dma_semaphore, #tpu.memory_space<semaphore_mem>>) src(%dma_wait3A_541 : memref<16x512xi32, #tpu.memory_space<hbm>>) dst(%dma_wait3A_539 : memref<16x512xi32, #tpu.memory_space<vmem>>)
    %parallel_loop3A_542 = arith.constant 0 : i32
    %parallel_loop3A_543 = arith.constant 8192 : i32
    %parallel_loop3A_544 = arith.constant 16 : i32
    scf.for %parallel_loop3A_916 = %parallel_loop3A_542 to %parallel_loop3A_543 step %parallel_loop3A_544  : i32 {
      %parallel_loop3A_917 = arith.constant 9 : i32
      %parallel_loop3A_918 = arith.shrui %parallel_loop3A_916, %parallel_loop3A_917 : i32
      %parallel_loop3A_919 = arith.constant 511 : i32
      %parallel_loop3A_920 = arith.andi %parallel_loop3A_916, %parallel_loop3A_919 : i32
      %parallel_loop3A_921 = arith.constant 0 : i32
      %parallel_loop3A_922 = arith.index_cast %parallel_loop3A_921 : i32 to index
      %parallel_loop3A_923 = arith.index_cast %parallel_loop3A_918 : i32 to index
      %parallel_loop3A_924 = arith.index_cast %parallel_loop3A_920 : i32 to index
      %parallel_loop3A_925 = tpu.vector_load %arg5[%parallel_loop3A_922, %parallel_loop3A_923, %parallel_loop3A_924] {strides = array<i32>} : memref<2x16x512xf32, #tpu.memory_space<vmem>>, vector<16xf32>,
      %parallel_loop3A_926 = arith.constant 0 : i32
      %parallel_loop3A_927 = arith.index_cast %parallel_loop3A_926 : i32 to index
      %parallel_loop3A_928 = arith.index_cast %parallel_loop3A_918 : i32 to index
      %parallel_loop3A_929 = arith.index_cast %parallel_loop3A_920 : i32 to index
      %parallel_loop3A_930 = tpu.vector_load %arg6[%parallel_loop3A_927, %parallel_loop3A_928, %parallel_loop3A_929] {strides = array<i32>} : memref<2x16x512xi32, #tpu.memory_space<vmem>>, vector<16xi32>,
      %parallel_loop3A_931 = arith.constant 5.120000e+02 : f32
      %parallel_loop3A_932 = vector.broadcast %parallel_loop3A_931 : f32 to vector<16xf32>
      %parallel_loop3A_933 = arith.mulf %parallel_loop3A_925, %parallel_loop3A_932 : vector<16xf32>
      %parallel_loop3A_934 = arith.constant 4.096000e+03 : f32
      %parallel_loop3A_935 = vector.broadcast %parallel_loop3A_934 : f32 to vector<16xf32>
      %parallel_loop3A_936 = arith.addf %parallel_loop3A_933, %parallel_loop3A_935 : vector<16xf32>
      %parallel_loop3A_937 = arith.constant 0.000000e+00 : f32
      %parallel_loop3A_938 = vector.broadcast %parallel_loop3A_937 : f32 to vector<16xf32>
      %parallel_loop3A_939 = arith.maximumf %parallel_loop3A_936, %parallel_loop3A_938 : vector<16xf32>
      %parallel_loop3A_940 = arith.constant 8.191000e+03 : f32
      %parallel_loop3A_941 = vector.broadcast %parallel_loop3A_940 : f32 to vector<16xf32>
      %parallel_loop3A_942 = arith.minimumf %parallel_loop3A_939, %parallel_loop3A_941 : vector<16xf32>
      %parallel_loop3A_943 = arith.fptosi %parallel_loop3A_942 : vector<16xf32> to vector<16xi32>
      %parallel_loop3A_944 = arith.constant 13 : i32
      %parallel_loop3A_945 = vector.broadcast %parallel_loop3A_944 : i32 to vector<16xi32>
      %parallel_loop3A_946 = arith.shli %parallel_loop3A_930, %parallel_loop3A_945 : vector<16xi32>
      %parallel_loop3A_947 = arith.addi %parallel_loop3A_943, %parallel_loop3A_946 : vector<16xi32>
      tpu.vector_store_idx %arg7[%parallel_loop3A_947], %broadcast_in_dim3A_5 {add = true} : memref<16384xf32, #tpu.memory_space<vmem>>[vector<16xi32>], vector<16xf32>,
    } {sc.loop_unroll_factor = 8 : i64, sc.parallel_access}
    %add3A_545 = arith.constant 160 : i32
    %add3A_546 = arith.addi %mul3A_2, %add3A_545 : i32
    %dma_start3A_547 = arith.constant 0 : i32
    %dma_start3A_548 = arith.constant 0 : i32
    %dma_start3A_549 = arith.constant 0 : i32
    %dma_start3A_550 = tpu.memref_slice %arg5[%dma_start3A_547, %dma_start3A_548, %dma_start3A_549] : memref<2x16x512xf32, #tpu.memory_space<vmem>> -> memref<1x16x512xf32, #tpu.memory_space<vmem>>
    %dma_start3A_551 = tpu.memref_squeeze %dma_start3A_550 : memref<1x16x512xf32, #tpu.memory_space<vmem>> -> memref<16x512xf32, #tpu.memory_space<vmem>>
    %dma_start3A_552 = arith.constant 0 : i32
    %dma_start3A_553 = tpu.memref_slice %arg2[%add3A_546, %dma_start3A_552] : memref<8192x512xf32, #tpu.memory_space<hbm>> -> memref<16x512xf32, #tpu.memory_space<hbm>>
    %dma_start3A_554 = arith.constant 0 : i32
    %dma_start3A_555 = arith.constant 0 : i32
    %dma_start3A_556 = tpu.memref_slice %arg5[%dma_start3A_547, %dma_start3A_554, %dma_start3A_555] : memref<2x16x512xf32, #tpu.memory_space<vmem>> -> memref<1x16x512xf32, #tpu.memory_space<vmem>>
    %dma_start3A_557 = tpu.memref_squeeze %dma_start3A_556 : memref<1x16x512xf32, #tpu.memory_space<vmem>> -> memref<16x512xf32, #tpu.memory_space<vmem>>
    %dma_start3A_558 = arith.constant 0 : i32
    %dma_start3A_559 = tpu.memref_slice %arg2[%add3A_546, %dma_start3A_558] : memref<8192x512xf32, #tpu.memory_space<hbm>> -> memref<16x512xf32, #tpu.memory_space<hbm>>
    tpu.enqueue_dma source(%dma_start3A_559 : memref<16x512xf32, #tpu.memory_space<hbm>>) target(%dma_start3A_557 : memref<16x512xf32, #tpu.memory_space<vmem>>) target_semaphore(%arg8 : memref<!tpu.dma_semaphore, #tpu.memory_space<semaphore_mem>>)
    %dma_start3A_560 = arith.constant 0 : i32
    %dma_start3A_561 = arith.constant 0 : i32
    %dma_start3A_562 = arith.constant 0 : i32
    %dma_start3A_563 = tpu.memref_slice %arg6[%dma_start3A_560, %dma_start3A_561, %dma_start3A_562] : memref<2x16x512xi32, #tpu.memory_space<vmem>> -> memref<1x16x512xi32, #tpu.memory_space<vmem>>
    %dma_start3A_564 = tpu.memref_squeeze %dma_start3A_563 : memref<1x16x512xi32, #tpu.memory_space<vmem>> -> memref<16x512xi32, #tpu.memory_space<vmem>>
    %dma_start3A_565 = arith.constant 0 : i32
    %dma_start3A_566 = tpu.memref_slice %arg3[%add3A_546, %dma_start3A_565] : memref<8192x512xi32, #tpu.memory_space<hbm>> -> memref<16x512xi32, #tpu.memory_space<hbm>>
    %dma_start3A_567 = arith.constant 0 : i32
    %dma_start3A_568 = arith.constant 0 : i32
    %dma_start3A_569 = tpu.memref_slice %arg6[%dma_start3A_560, %dma_start3A_567, %dma_start3A_568] : memref<2x16x512xi32, #tpu.memory_space<vmem>> -> memref<1x16x512xi32, #tpu.memory_space<vmem>>
    %dma_start3A_570 = tpu.memref_squeeze %dma_start3A_569 : memref<1x16x512xi32, #tpu.memory_space<vmem>> -> memref<16x512xi32, #tpu.memory_space<vmem>>
    %dma_start3A_571 = arith.constant 0 : i32
    %dma_start3A_572 = tpu.memref_slice %arg3[%add3A_546, %dma_start3A_571] : memref<8192x512xi32, #tpu.memory_space<hbm>> -> memref<16x512xi32, #tpu.memory_space<hbm>>
    tpu.enqueue_dma source(%dma_start3A_572 : memref<16x512xi32, #tpu.memory_space<hbm>>) target(%dma_start3A_570 : memref<16x512xi32, #tpu.memory_space<vmem>>) target_semaphore(%arg9 : memref<!tpu.dma_semaphore, #tpu.memory_space<semaphore_mem>>)
    %dma_wait3A_573 = arith.constant 1 : i32
    %dma_wait3A_574 = arith.constant 0 : i32
    %dma_wait3A_575 = arith.constant 0 : i32
    %dma_wait3A_576 = tpu.memref_slice %arg5[%dma_wait3A_573, %dma_wait3A_574, %dma_wait3A_575] : memref<2x16x512xf32, #tpu.memory_space<vmem>> -> memref<1x16x512xf32, #tpu.memory_space<vmem>>
    %dma_wait3A_577 = tpu.memref_squeeze %dma_wait3A_576 : memref<1x16x512xf32, #tpu.memory_space<vmem>> -> memref<16x512xf32, #tpu.memory_space<vmem>>
    %dma_wait3A_578 = arith.constant 0 : i32
    %dma_wait3A_579 = tpu.memref_slice %arg2[%add3A_489, %dma_wait3A_578] : memref<8192x512xf32, #tpu.memory_space<hbm>> -> memref<16x512xf32, #tpu.memory_space<hbm>>
    %dma_wait3A_580 = arith.constant 0 : i32
    %dma_wait3A_581 = arith.constant 0 : i32
    %dma_wait3A_582 = tpu.memref_slice %arg5[%dma_wait3A_573, %dma_wait3A_580, %dma_wait3A_581] : memref<2x16x512xf32, #tpu.memory_space<vmem>> -> memref<1x16x512xf32, #tpu.memory_space<vmem>>
    %dma_wait3A_583 = tpu.memref_squeeze %dma_wait3A_582 : memref<1x16x512xf32, #tpu.memory_space<vmem>> -> memref<16x512xf32, #tpu.memory_space<vmem>>
    %dma_wait3A_584 = arith.constant 0 : i32
    %dma_wait3A_585 = tpu.memref_slice %arg2[%add3A_489, %dma_wait3A_584] : memref<8192x512xf32, #tpu.memory_space<hbm>> -> memref<16x512xf32, #tpu.memory_space<hbm>>
    tpu.wait_dma2 semaphore(%arg8 : memref<!tpu.dma_semaphore, #tpu.memory_space<semaphore_mem>>) src(%dma_wait3A_585 : memref<16x512xf32, #tpu.memory_space<hbm>>) dst(%dma_wait3A_583 : memref<16x512xf32, #tpu.memory_space<vmem>>)
    %dma_wait3A_586 = arith.constant 1 : i32
    %dma_wait3A_587 = arith.constant 0 : i32
    %dma_wait3A_588 = arith.constant 0 : i32
    %dma_wait3A_589 = tpu.memref_slice %arg6[%dma_wait3A_586, %dma_wait3A_587, %dma_wait3A_588] : memref<2x16x512xi32, #tpu.memory_space<vmem>> -> memref<1x16x512xi32, #tpu.memory_space<vmem>>
    %dma_wait3A_590 = tpu.memref_squeeze %dma_wait3A_589 : memref<1x16x512xi32, #tpu.memory_space<vmem>> -> memref<16x512xi32, #tpu.memory_space<vmem>>
    %dma_wait3A_591 = arith.constant 0 : i32
    %dma_wait3A_592 = tpu.memref_slice %arg3[%add3A_489, %dma_wait3A_591] : memref<8192x512xi32, #tpu.memory_space<hbm>> -> memref<16x512xi32, #tpu.memory_space<hbm>>
    %dma_wait3A_593 = arith.constant 0 : i32
    %dma_wait3A_594 = arith.constant 0 : i32
    %dma_wait3A_595 = tpu.memref_slice %arg6[%dma_wait3A_586, %dma_wait3A_593, %dma_wait3A_594] : memref<2x16x512xi32, #tpu.memory_space<vmem>> -> memref<1x16x512xi32, #tpu.memory_space<vmem>>
    %dma_wait3A_596 = tpu.memref_squeeze %dma_wait3A_595 : memref<1x16x512xi32, #tpu.memory_space<vmem>> -> memref<16x512xi32, #tpu.memory_space<vmem>>
    %dma_wait3A_597 = arith.constant 0 : i32
    %dma_wait3A_598 = tpu.memref_slice %arg3[%add3A_489, %dma_wait3A_597] : memref<8192x512xi32, #tpu.memory_space<hbm>> -> memref<16x512xi32, #tpu.memory_space<hbm>>
    tpu.wait_dma2 semaphore(%arg9 : memref<!tpu.dma_semaphore, #tpu.memory_space<semaphore_mem>>) src(%dma_wait3A_598 : memref<16x512xi32, #tpu.memory_space<hbm>>) dst(%dma_wait3A_596 : memref<16x512xi32, #tpu.memory_space<vmem>>)
    %parallel_loop3A_599 = arith.constant 0 : i32
    %parallel_loop3A_600 = arith.constant 8192 : i32
    %parallel_loop3A_601 = arith.constant 16 : i32
    scf.for %parallel_loop3A_916 = %parallel_loop3A_599 to %parallel_loop3A_600 step %parallel_loop3A_601  : i32 {
      %parallel_loop3A_917 = arith.constant 9 : i32
      %parallel_loop3A_918 = arith.shrui %parallel_loop3A_916, %parallel_loop3A_917 : i32
      %parallel_loop3A_919 = arith.constant 511 : i32
      %parallel_loop3A_920 = arith.andi %parallel_loop3A_916, %parallel_loop3A_919 : i32
      %parallel_loop3A_921 = arith.constant 1 : i32
      %parallel_loop3A_922 = arith.index_cast %parallel_loop3A_921 : i32 to index
      %parallel_loop3A_923 = arith.index_cast %parallel_loop3A_918 : i32 to index
      %parallel_loop3A_924 = arith.index_cast %parallel_loop3A_920 : i32 to index
      %parallel_loop3A_925 = tpu.vector_load %arg5[%parallel_loop3A_922, %parallel_loop3A_923, %parallel_loop3A_924] {strides = array<i32>} : memref<2x16x512xf32, #tpu.memory_space<vmem>>, vector<16xf32>,
      %parallel_loop3A_926 = arith.constant 1 : i32
      %parallel_loop3A_927 = arith.index_cast %parallel_loop3A_926 : i32 to index
      %parallel_loop3A_928 = arith.index_cast %parallel_loop3A_918 : i32 to index
      %parallel_loop3A_929 = arith.index_cast %parallel_loop3A_920 : i32 to index
      %parallel_loop3A_930 = tpu.vector_load %arg6[%parallel_loop3A_927, %parallel_loop3A_928, %parallel_loop3A_929] {strides = array<i32>} : memref<2x16x512xi32, #tpu.memory_space<vmem>>, vector<16xi32>,
      %parallel_loop3A_931 = arith.constant 5.120000e+02 : f32
      %parallel_loop3A_932 = vector.broadcast %parallel_loop3A_931 : f32 to vector<16xf32>
      %parallel_loop3A_933 = arith.mulf %parallel_loop3A_925, %parallel_loop3A_932 : vector<16xf32>
      %parallel_loop3A_934 = arith.constant 4.096000e+03 : f32
      %parallel_loop3A_935 = vector.broadcast %parallel_loop3A_934 : f32 to vector<16xf32>
      %parallel_loop3A_936 = arith.addf %parallel_loop3A_933, %parallel_loop3A_935 : vector<16xf32>
      %parallel_loop3A_937 = arith.constant 0.000000e+00 : f32
      %parallel_loop3A_938 = vector.broadcast %parallel_loop3A_937 : f32 to vector<16xf32>
      %parallel_loop3A_939 = arith.maximumf %parallel_loop3A_936, %parallel_loop3A_938 : vector<16xf32>
      %parallel_loop3A_940 = arith.constant 8.191000e+03 : f32
      %parallel_loop3A_941 = vector.broadcast %parallel_loop3A_940 : f32 to vector<16xf32>
      %parallel_loop3A_942 = arith.minimumf %parallel_loop3A_939, %parallel_loop3A_941 : vector<16xf32>
      %parallel_loop3A_943 = arith.fptosi %parallel_loop3A_942 : vector<16xf32> to vector<16xi32>
      %parallel_loop3A_944 = arith.constant 13 : i32
      %parallel_loop3A_945 = vector.broadcast %parallel_loop3A_944 : i32 to vector<16xi32>
      %parallel_loop3A_946 = arith.shli %parallel_loop3A_930, %parallel_loop3A_945 : vector<16xi32>
      %parallel_loop3A_947 = arith.addi %parallel_loop3A_943, %parallel_loop3A_946 : vector<16xi32>
      tpu.vector_store_idx %arg7[%parallel_loop3A_947], %broadcast_in_dim3A_5 {add = true} : memref<16384xf32, #tpu.memory_space<vmem>>[vector<16xi32>], vector<16xf32>,
    } {sc.loop_unroll_factor = 8 : i64, sc.parallel_access}
    %add3A_602 = arith.constant 176 : i32
    %add3A_603 = arith.addi %mul3A_2, %add3A_602 : i32
    %dma_start3A_604 = arith.constant 1 : i32
    %dma_start3A_605 = arith.constant 0 : i32
    %dma_start3A_606 = arith.constant 0 : i32
    %dma_start3A_607 = tpu.memref_slice %arg5[%dma_start3A_604, %dma_start3A_605, %dma_start3A_606] : memref<2x16x512xf32, #tpu.memory_space<vmem>> -> memref<1x16x512xf32, #tpu.memory_space<vmem>>
    %dma_start3A_608 = tpu.memref_squeeze %dma_start3A_607 : memref<1x16x512xf32, #tpu.memory_space<vmem>> -> memref<16x512xf32, #tpu.memory_space<vmem>>
    %dma_start3A_609 = arith.constant 0 : i32
    %dma_start3A_610 = tpu.memref_slice %arg2[%add3A_603, %dma_start3A_609] : memref<8192x512xf32, #tpu.memory_space<hbm>> -> memref<16x512xf32, #tpu.memory_space<hbm>>
    %dma_start3A_611 = arith.constant 0 : i32
    %dma_start3A_612 = arith.constant 0 : i32
    %dma_start3A_613 = tpu.memref_slice %arg5[%dma_start3A_604, %dma_start3A_611, %dma_start3A_612] : memref<2x16x512xf32, #tpu.memory_space<vmem>> -> memref<1x16x512xf32, #tpu.memory_space<vmem>>
    %dma_start3A_614 = tpu.memref_squeeze %dma_start3A_613 : memref<1x16x512xf32, #tpu.memory_space<vmem>> -> memref<16x512xf32, #tpu.memory_space<vmem>>
    %dma_start3A_615 = arith.constant 0 : i32
    %dma_start3A_616 = tpu.memref_slice %arg2[%add3A_603, %dma_start3A_615] : memref<8192x512xf32, #tpu.memory_space<hbm>> -> memref<16x512xf32, #tpu.memory_space<hbm>>
    tpu.enqueue_dma source(%dma_start3A_616 : memref<16x512xf32, #tpu.memory_space<hbm>>) target(%dma_start3A_614 : memref<16x512xf32, #tpu.memory_space<vmem>>) target_semaphore(%arg8 : memref<!tpu.dma_semaphore, #tpu.memory_space<semaphore_mem>>)
    %dma_start3A_617 = arith.constant 1 : i32
    %dma_start3A_618 = arith.constant 0 : i32
    %dma_start3A_619 = arith.constant 0 : i32
    %dma_start3A_620 = tpu.memref_slice %arg6[%dma_start3A_617, %dma_start3A_618, %dma_start3A_619] : memref<2x16x512xi32, #tpu.memory_space<vmem>> -> memref<1x16x512xi32, #tpu.memory_space<vmem>>
    %dma_start3A_621 = tpu.memref_squeeze %dma_start3A_620 : memref<1x16x512xi32, #tpu.memory_space<vmem>> -> memref<16x512xi32, #tpu.memory_space<vmem>>
    %dma_start3A_622 = arith.constant 0 : i32
    %dma_start3A_623 = tpu.memref_slice %arg3[%add3A_603, %dma_start3A_622] : memref<8192x512xi32, #tpu.memory_space<hbm>> -> memref<16x512xi32, #tpu.memory_space<hbm>>
    %dma_start3A_624 = arith.constant 0 : i32
    %dma_start3A_625 = arith.constant 0 : i32
    %dma_start3A_626 = tpu.memref_slice %arg6[%dma_start3A_617, %dma_start3A_624, %dma_start3A_625] : memref<2x16x512xi32, #tpu.memory_space<vmem>> -> memref<1x16x512xi32, #tpu.memory_space<vmem>>
    %dma_start3A_627 = tpu.memref_squeeze %dma_start3A_626 : memref<1x16x512xi32, #tpu.memory_space<vmem>> -> memref<16x512xi32, #tpu.memory_space<vmem>>
    %dma_start3A_628 = arith.constant 0 : i32
    %dma_start3A_629 = tpu.memref_slice %arg3[%add3A_603, %dma_start3A_628] : memref<8192x512xi32, #tpu.memory_space<hbm>> -> memref<16x512xi32, #tpu.memory_space<hbm>>
    tpu.enqueue_dma source(%dma_start3A_629 : memref<16x512xi32, #tpu.memory_space<hbm>>) target(%dma_start3A_627 : memref<16x512xi32, #tpu.memory_space<vmem>>) target_semaphore(%arg9 : memref<!tpu.dma_semaphore, #tpu.memory_space<semaphore_mem>>)
    %dma_wait3A_630 = arith.constant 0 : i32
    %dma_wait3A_631 = arith.constant 0 : i32
    %dma_wait3A_632 = arith.constant 0 : i32
    %dma_wait3A_633 = tpu.memref_slice %arg5[%dma_wait3A_630, %dma_wait3A_631, %dma_wait3A_632] : memref<2x16x512xf32, #tpu.memory_space<vmem>> -> memref<1x16x512xf32, #tpu.memory_space<vmem>>
    %dma_wait3A_634 = tpu.memref_squeeze %dma_wait3A_633 : memref<1x16x512xf32, #tpu.memory_space<vmem>> -> memref<16x512xf32, #tpu.memory_space<vmem>>
    %dma_wait3A_635 = arith.constant 0 : i32
    %dma_wait3A_636 = tpu.memref_slice %arg2[%add3A_546, %dma_wait3A_635] : memref<8192x512xf32, #tpu.memory_space<hbm>> -> memref<16x512xf32, #tpu.memory_space<hbm>>
    %dma_wait3A_637 = arith.constant 0 : i32
    %dma_wait3A_638 = arith.constant 0 : i32
    %dma_wait3A_639 = tpu.memref_slice %arg5[%dma_wait3A_630, %dma_wait3A_637, %dma_wait3A_638] : memref<2x16x512xf32, #tpu.memory_space<vmem>> -> memref<1x16x512xf32, #tpu.memory_space<vmem>>
    %dma_wait3A_640 = tpu.memref_squeeze %dma_wait3A_639 : memref<1x16x512xf32, #tpu.memory_space<vmem>> -> memref<16x512xf32, #tpu.memory_space<vmem>>
    %dma_wait3A_641 = arith.constant 0 : i32
    %dma_wait3A_642 = tpu.memref_slice %arg2[%add3A_546, %dma_wait3A_641] : memref<8192x512xf32, #tpu.memory_space<hbm>> -> memref<16x512xf32, #tpu.memory_space<hbm>>
    tpu.wait_dma2 semaphore(%arg8 : memref<!tpu.dma_semaphore, #tpu.memory_space<semaphore_mem>>) src(%dma_wait3A_642 : memref<16x512xf32, #tpu.memory_space<hbm>>) dst(%dma_wait3A_640 : memref<16x512xf32, #tpu.memory_space<vmem>>)
    %dma_wait3A_643 = arith.constant 0 : i32
    %dma_wait3A_644 = arith.constant 0 : i32
    %dma_wait3A_645 = arith.constant 0 : i32
    %dma_wait3A_646 = tpu.memref_slice %arg6[%dma_wait3A_643, %dma_wait3A_644, %dma_wait3A_645] : memref<2x16x512xi32, #tpu.memory_space<vmem>> -> memref<1x16x512xi32, #tpu.memory_space<vmem>>
    %dma_wait3A_647 = tpu.memref_squeeze %dma_wait3A_646 : memref<1x16x512xi32, #tpu.memory_space<vmem>> -> memref<16x512xi32, #tpu.memory_space<vmem>>
    %dma_wait3A_648 = arith.constant 0 : i32
    %dma_wait3A_649 = tpu.memref_slice %arg3[%add3A_546, %dma_wait3A_648] : memref<8192x512xi32, #tpu.memory_space<hbm>> -> memref<16x512xi32, #tpu.memory_space<hbm>>
    %dma_wait3A_650 = arith.constant 0 : i32
    %dma_wait3A_651 = arith.constant 0 : i32
    %dma_wait3A_652 = tpu.memref_slice %arg6[%dma_wait3A_643, %dma_wait3A_650, %dma_wait3A_651] : memref<2x16x512xi32, #tpu.memory_space<vmem>> -> memref<1x16x512xi32, #tpu.memory_space<vmem>>
    %dma_wait3A_653 = tpu.memref_squeeze %dma_wait3A_652 : memref<1x16x512xi32, #tpu.memory_space<vmem>> -> memref<16x512xi32, #tpu.memory_space<vmem>>
    %dma_wait3A_654 = arith.constant 0 : i32
    %dma_wait3A_655 = tpu.memref_slice %arg3[%add3A_546, %dma_wait3A_654] : memref<8192x512xi32, #tpu.memory_space<hbm>> -> memref<16x512xi32, #tpu.memory_space<hbm>>
    tpu.wait_dma2 semaphore(%arg9 : memref<!tpu.dma_semaphore, #tpu.memory_space<semaphore_mem>>) src(%dma_wait3A_655 : memref<16x512xi32, #tpu.memory_space<hbm>>) dst(%dma_wait3A_653 : memref<16x512xi32, #tpu.memory_space<vmem>>)
    %parallel_loop3A_656 = arith.constant 0 : i32
    %parallel_loop3A_657 = arith.constant 8192 : i32
    %parallel_loop3A_658 = arith.constant 16 : i32
    scf.for %parallel_loop3A_916 = %parallel_loop3A_656 to %parallel_loop3A_657 step %parallel_loop3A_658  : i32 {
      %parallel_loop3A_917 = arith.constant 9 : i32
      %parallel_loop3A_918 = arith.shrui %parallel_loop3A_916, %parallel_loop3A_917 : i32
      %parallel_loop3A_919 = arith.constant 511 : i32
      %parallel_loop3A_920 = arith.andi %parallel_loop3A_916, %parallel_loop3A_919 : i32
      %parallel_loop3A_921 = arith.constant 0 : i32
      %parallel_loop3A_922 = arith.index_cast %parallel_loop3A_921 : i32 to index
      %parallel_loop3A_923 = arith.index_cast %parallel_loop3A_918 : i32 to index
      %parallel_loop3A_924 = arith.index_cast %parallel_loop3A_920 : i32 to index
      %parallel_loop3A_925 = tpu.vector_load %arg5[%parallel_loop3A_922, %parallel_loop3A_923, %parallel_loop3A_924] {strides = array<i32>} : memref<2x16x512xf32, #tpu.memory_space<vmem>>, vector<16xf32>,
      %parallel_loop3A_926 = arith.constant 0 : i32
      %parallel_loop3A_927 = arith.index_cast %parallel_loop3A_926 : i32 to index
      %parallel_loop3A_928 = arith.index_cast %parallel_loop3A_918 : i32 to index
      %parallel_loop3A_929 = arith.index_cast %parallel_loop3A_920 : i32 to index
      %parallel_loop3A_930 = tpu.vector_load %arg6[%parallel_loop3A_927, %parallel_loop3A_928, %parallel_loop3A_929] {strides = array<i32>} : memref<2x16x512xi32, #tpu.memory_space<vmem>>, vector<16xi32>,
      %parallel_loop3A_931 = arith.constant 5.120000e+02 : f32
      %parallel_loop3A_932 = vector.broadcast %parallel_loop3A_931 : f32 to vector<16xf32>
      %parallel_loop3A_933 = arith.mulf %parallel_loop3A_925, %parallel_loop3A_932 : vector<16xf32>
      %parallel_loop3A_934 = arith.constant 4.096000e+03 : f32
      %parallel_loop3A_935 = vector.broadcast %parallel_loop3A_934 : f32 to vector<16xf32>
      %parallel_loop3A_936 = arith.addf %parallel_loop3A_933, %parallel_loop3A_935 : vector<16xf32>
      %parallel_loop3A_937 = arith.constant 0.000000e+00 : f32
      %parallel_loop3A_938 = vector.broadcast %parallel_loop3A_937 : f32 to vector<16xf32>
      %parallel_loop3A_939 = arith.maximumf %parallel_loop3A_936, %parallel_loop3A_938 : vector<16xf32>
      %parallel_loop3A_940 = arith.constant 8.191000e+03 : f32
      %parallel_loop3A_941 = vector.broadcast %parallel_loop3A_940 : f32 to vector<16xf32>
      %parallel_loop3A_942 = arith.minimumf %parallel_loop3A_939, %parallel_loop3A_941 : vector<16xf32>
      %parallel_loop3A_943 = arith.fptosi %parallel_loop3A_942 : vector<16xf32> to vector<16xi32>
      %parallel_loop3A_944 = arith.constant 13 : i32
      %parallel_loop3A_945 = vector.broadcast %parallel_loop3A_944 : i32 to vector<16xi32>
      %parallel_loop3A_946 = arith.shli %parallel_loop3A_930, %parallel_loop3A_945 : vector<16xi32>
      %parallel_loop3A_947 = arith.addi %parallel_loop3A_943, %parallel_loop3A_946 : vector<16xi32>
      tpu.vector_store_idx %arg7[%parallel_loop3A_947], %broadcast_in_dim3A_5 {add = true} : memref<16384xf32, #tpu.memory_space<vmem>>[vector<16xi32>], vector<16xf32>,
    } {sc.loop_unroll_factor = 8 : i64, sc.parallel_access}
    %add3A_659 = arith.constant 192 : i32
    %add3A_660 = arith.addi %mul3A_2, %add3A_659 : i32
    %dma_start3A_661 = arith.constant 0 : i32
    %dma_start3A_662 = arith.constant 0 : i32
    %dma_start3A_663 = arith.constant 0 : i32
    %dma_start3A_664 = tpu.memref_slice %arg5[%dma_start3A_661, %dma_start3A_662, %dma_start3A_663] : memref<2x16x512xf32, #tpu.memory_space<vmem>> -> memref<1x16x512xf32, #tpu.memory_space<vmem>>
    %dma_start3A_665 = tpu.memref_squeeze %dma_start3A_664 : memref<1x16x512xf32, #tpu.memory_space<vmem>> -> memref<16x512xf32, #tpu.memory_space<vmem>>
    %dma_start3A_666 = arith.constant 0 : i32
    %dma_start3A_667 = tpu.memref_slice %arg2[%add3A_660, %dma_start3A_666] : memref<8192x512xf32, #tpu.memory_space<hbm>> -> memref<16x512xf32, #tpu.memory_space<hbm>>
    %dma_start3A_668 = arith.constant 0 : i32
    %dma_start3A_669 = arith.constant 0 : i32
    %dma_start3A_670 = tpu.memref_slice %arg5[%dma_start3A_661, %dma_start3A_668, %dma_start3A_669] : memref<2x16x512xf32, #tpu.memory_space<vmem>> -> memref<1x16x512xf32, #tpu.memory_space<vmem>>
    %dma_start3A_671 = tpu.memref_squeeze %dma_start3A_670 : memref<1x16x512xf32, #tpu.memory_space<vmem>> -> memref<16x512xf32, #tpu.memory_space<vmem>>
    %dma_start3A_672 = arith.constant 0 : i32
    %dma_start3A_673 = tpu.memref_slice %arg2[%add3A_660, %dma_start3A_672] : memref<8192x512xf32, #tpu.memory_space<hbm>> -> memref<16x512xf32, #tpu.memory_space<hbm>>
    tpu.enqueue_dma source(%dma_start3A_673 : memref<16x512xf32, #tpu.memory_space<hbm>>) target(%dma_start3A_671 : memref<16x512xf32, #tpu.memory_space<vmem>>) target_semaphore(%arg8 : memref<!tpu.dma_semaphore, #tpu.memory_space<semaphore_mem>>)
    %dma_start3A_674 = arith.constant 0 : i32
    %dma_start3A_675 = arith.constant 0 : i32
    %dma_start3A_676 = arith.constant 0 : i32
    %dma_start3A_677 = tpu.memref_slice %arg6[%dma_start3A_674, %dma_start3A_675, %dma_start3A_676] : memref<2x16x512xi32, #tpu.memory_space<vmem>> -> memref<1x16x512xi32, #tpu.memory_space<vmem>>
    %dma_start3A_678 = tpu.memref_squeeze %dma_start3A_677 : memref<1x16x512xi32, #tpu.memory_space<vmem>> -> memref<16x512xi32, #tpu.memory_space<vmem>>
    %dma_start3A_679 = arith.constant 0 : i32
    %dma_start3A_680 = tpu.memref_slice %arg3[%add3A_660, %dma_start3A_679] : memref<8192x512xi32, #tpu.memory_space<hbm>> -> memref<16x512xi32, #tpu.memory_space<hbm>>
    %dma_start3A_681 = arith.constant 0 : i32
    %dma_start3A_682 = arith.constant 0 : i32
    %dma_start3A_683 = tpu.memref_slice %arg6[%dma_start3A_674, %dma_start3A_681, %dma_start3A_682] : memref<2x16x512xi32, #tpu.memory_space<vmem>> -> memref<1x16x512xi32, #tpu.memory_space<vmem>>
    %dma_start3A_684 = tpu.memref_squeeze %dma_start3A_683 : memref<1x16x512xi32, #tpu.memory_space<vmem>> -> memref<16x512xi32, #tpu.memory_space<vmem>>
    %dma_start3A_685 = arith.constant 0 : i32
    %dma_start3A_686 = tpu.memref_slice %arg3[%add3A_660, %dma_start3A_685] : memref<8192x512xi32, #tpu.memory_space<hbm>> -> memref<16x512xi32, #tpu.memory_space<hbm>>
    tpu.enqueue_dma source(%dma_start3A_686 : memref<16x512xi32, #tpu.memory_space<hbm>>) target(%dma_start3A_684 : memref<16x512xi32, #tpu.memory_space<vmem>>) target_semaphore(%arg9 : memref<!tpu.dma_semaphore, #tpu.memory_space<semaphore_mem>>)
    %dma_wait3A_687 = arith.constant 1 : i32
    %dma_wait3A_688 = arith.constant 0 : i32
    %dma_wait3A_689 = arith.constant 0 : i32
    %dma_wait3A_690 = tpu.memref_slice %arg5[%dma_wait3A_687, %dma_wait3A_688, %dma_wait3A_689] : memref<2x16x512xf32, #tpu.memory_space<vmem>> -> memref<1x16x512xf32, #tpu.memory_space<vmem>>
    %dma_wait3A_691 = tpu.memref_squeeze %dma_wait3A_690 : memref<1x16x512xf32, #tpu.memory_space<vmem>> -> memref<16x512xf32, #tpu.memory_space<vmem>>
    %dma_wait3A_692 = arith.constant 0 : i32
    %dma_wait3A_693 = tpu.memref_slice %arg2[%add3A_603, %dma_wait3A_692] : memref<8192x512xf32, #tpu.memory_space<hbm>> -> memref<16x512xf32, #tpu.memory_space<hbm>>
    %dma_wait3A_694 = arith.constant 0 : i32
    %dma_wait3A_695 = arith.constant 0 : i32
    %dma_wait3A_696 = tpu.memref_slice %arg5[%dma_wait3A_687, %dma_wait3A_694, %dma_wait3A_695] : memref<2x16x512xf32, #tpu.memory_space<vmem>> -> memref<1x16x512xf32, #tpu.memory_space<vmem>>
    %dma_wait3A_697 = tpu.memref_squeeze %dma_wait3A_696 : memref<1x16x512xf32, #tpu.memory_space<vmem>> -> memref<16x512xf32, #tpu.memory_space<vmem>>
    %dma_wait3A_698 = arith.constant 0 : i32
    %dma_wait3A_699 = tpu.memref_slice %arg2[%add3A_603, %dma_wait3A_698] : memref<8192x512xf32, #tpu.memory_space<hbm>> -> memref<16x512xf32, #tpu.memory_space<hbm>>
    tpu.wait_dma2 semaphore(%arg8 : memref<!tpu.dma_semaphore, #tpu.memory_space<semaphore_mem>>) src(%dma_wait3A_699 : memref<16x512xf32, #tpu.memory_space<hbm>>) dst(%dma_wait3A_697 : memref<16x512xf32, #tpu.memory_space<vmem>>)
    %dma_wait3A_700 = arith.constant 1 : i32
    %dma_wait3A_701 = arith.constant 0 : i32
    %dma_wait3A_702 = arith.constant 0 : i32
    %dma_wait3A_703 = tpu.memref_slice %arg6[%dma_wait3A_700, %dma_wait3A_701, %dma_wait3A_702] : memref<2x16x512xi32, #tpu.memory_space<vmem>> -> memref<1x16x512xi32, #tpu.memory_space<vmem>>
    %dma_wait3A_704 = tpu.memref_squeeze %dma_wait3A_703 : memref<1x16x512xi32, #tpu.memory_space<vmem>> -> memref<16x512xi32, #tpu.memory_space<vmem>>
    %dma_wait3A_705 = arith.constant 0 : i32
    %dma_wait3A_706 = tpu.memref_slice %arg3[%add3A_603, %dma_wait3A_705] : memref<8192x512xi32, #tpu.memory_space<hbm>> -> memref<16x512xi32, #tpu.memory_space<hbm>>
    %dma_wait3A_707 = arith.constant 0 : i32
    %dma_wait3A_708 = arith.constant 0 : i32
    %dma_wait3A_709 = tpu.memref_slice %arg6[%dma_wait3A_700, %dma_wait3A_707, %dma_wait3A_708] : memref<2x16x512xi32, #tpu.memory_space<vmem>> -> memref<1x16x512xi32, #tpu.memory_space<vmem>>
    %dma_wait3A_710 = tpu.memref_squeeze %dma_wait3A_709 : memref<1x16x512xi32, #tpu.memory_space<vmem>> -> memref<16x512xi32, #tpu.memory_space<vmem>>
    %dma_wait3A_711 = arith.constant 0 : i32
    %dma_wait3A_712 = tpu.memref_slice %arg3[%add3A_603, %dma_wait3A_711] : memref<8192x512xi32, #tpu.memory_space<hbm>> -> memref<16x512xi32, #tpu.memory_space<hbm>>
    tpu.wait_dma2 semaphore(%arg9 : memref<!tpu.dma_semaphore, #tpu.memory_space<semaphore_mem>>) src(%dma_wait3A_712 : memref<16x512xi32, #tpu.memory_space<hbm>>) dst(%dma_wait3A_710 : memref<16x512xi32, #tpu.memory_space<vmem>>)
    %parallel_loop3A_713 = arith.constant 0 : i32
    %parallel_loop3A_714 = arith.constant 8192 : i32
    %parallel_loop3A_715 = arith.constant 16 : i32
    scf.for %parallel_loop3A_916 = %parallel_loop3A_713 to %parallel_loop3A_714 step %parallel_loop3A_715  : i32 {
      %parallel_loop3A_917 = arith.constant 9 : i32
      %parallel_loop3A_918 = arith.shrui %parallel_loop3A_916, %parallel_loop3A_917 : i32
      %parallel_loop3A_919 = arith.constant 511 : i32
      %parallel_loop3A_920 = arith.andi %parallel_loop3A_916, %parallel_loop3A_919 : i32
      %parallel_loop3A_921 = arith.constant 1 : i32
      %parallel_loop3A_922 = arith.index_cast %parallel_loop3A_921 : i32 to index
      %parallel_loop3A_923 = arith.index_cast %parallel_loop3A_918 : i32 to index
      %parallel_loop3A_924 = arith.index_cast %parallel_loop3A_920 : i32 to index
      %parallel_loop3A_925 = tpu.vector_load %arg5[%parallel_loop3A_922, %parallel_loop3A_923, %parallel_loop3A_924] {strides = array<i32>} : memref<2x16x512xf32, #tpu.memory_space<vmem>>, vector<16xf32>,
      %parallel_loop3A_926 = arith.constant 1 : i32
      %parallel_loop3A_927 = arith.index_cast %parallel_loop3A_926 : i32 to index
      %parallel_loop3A_928 = arith.index_cast %parallel_loop3A_918 : i32 to index
      %parallel_loop3A_929 = arith.index_cast %parallel_loop3A_920 : i32 to index
      %parallel_loop3A_930 = tpu.vector_load %arg6[%parallel_loop3A_927, %parallel_loop3A_928, %parallel_loop3A_929] {strides = array<i32>} : memref<2x16x512xi32, #tpu.memory_space<vmem>>, vector<16xi32>,
      %parallel_loop3A_931 = arith.constant 5.120000e+02 : f32
      %parallel_loop3A_932 = vector.broadcast %parallel_loop3A_931 : f32 to vector<16xf32>
      %parallel_loop3A_933 = arith.mulf %parallel_loop3A_925, %parallel_loop3A_932 : vector<16xf32>
      %parallel_loop3A_934 = arith.constant 4.096000e+03 : f32
      %parallel_loop3A_935 = vector.broadcast %parallel_loop3A_934 : f32 to vector<16xf32>
      %parallel_loop3A_936 = arith.addf %parallel_loop3A_933, %parallel_loop3A_935 : vector<16xf32>
      %parallel_loop3A_937 = arith.constant 0.000000e+00 : f32
      %parallel_loop3A_938 = vector.broadcast %parallel_loop3A_937 : f32 to vector<16xf32>
      %parallel_loop3A_939 = arith.maximumf %parallel_loop3A_936, %parallel_loop3A_938 : vector<16xf32>
      %parallel_loop3A_940 = arith.constant 8.191000e+03 : f32
      %parallel_loop3A_941 = vector.broadcast %parallel_loop3A_940 : f32 to vector<16xf32>
      %parallel_loop3A_942 = arith.minimumf %parallel_loop3A_939, %parallel_loop3A_941 : vector<16xf32>
      %parallel_loop3A_943 = arith.fptosi %parallel_loop3A_942 : vector<16xf32> to vector<16xi32>
      %parallel_loop3A_944 = arith.constant 13 : i32
      %parallel_loop3A_945 = vector.broadcast %parallel_loop3A_944 : i32 to vector<16xi32>
      %parallel_loop3A_946 = arith.shli %parallel_loop3A_930, %parallel_loop3A_945 : vector<16xi32>
      %parallel_loop3A_947 = arith.addi %parallel_loop3A_943, %parallel_loop3A_946 : vector<16xi32>
      tpu.vector_store_idx %arg7[%parallel_loop3A_947], %broadcast_in_dim3A_5 {add = true} : memref<16384xf32, #tpu.memory_space<vmem>>[vector<16xi32>], vector<16xf32>,
    } {sc.loop_unroll_factor = 8 : i64, sc.parallel_access}
    %add3A_716 = arith.constant 208 : i32
    %add3A_717 = arith.addi %mul3A_2, %add3A_716 : i32
    %dma_start3A_718 = arith.constant 1 : i32
    %dma_start3A_719 = arith.constant 0 : i32
    %dma_start3A_720 = arith.constant 0 : i32
    %dma_start3A_721 = tpu.memref_slice %arg5[%dma_start3A_718, %dma_start3A_719, %dma_start3A_720] : memref<2x16x512xf32, #tpu.memory_space<vmem>> -> memref<1x16x512xf32, #tpu.memory_space<vmem>>
    %dma_start3A_722 = tpu.memref_squeeze %dma_start3A_721 : memref<1x16x512xf32, #tpu.memory_space<vmem>> -> memref<16x512xf32, #tpu.memory_space<vmem>>
    %dma_start3A_723 = arith.constant 0 : i32
    %dma_start3A_724 = tpu.memref_slice %arg2[%add3A_717, %dma_start3A_723] : memref<8192x512xf32, #tpu.memory_space<hbm>> -> memref<16x512xf32, #tpu.memory_space<hbm>>
    %dma_start3A_725 = arith.constant 0 : i32
    %dma_start3A_726 = arith.constant 0 : i32
    %dma_start3A_727 = tpu.memref_slice %arg5[%dma_start3A_718, %dma_start3A_725, %dma_start3A_726] : memref<2x16x512xf32, #tpu.memory_space<vmem>> -> memref<1x16x512xf32, #tpu.memory_space<vmem>>
    %dma_start3A_728 = tpu.memref_squeeze %dma_start3A_727 : memref<1x16x512xf32, #tpu.memory_space<vmem>> -> memref<16x512xf32, #tpu.memory_space<vmem>>
    %dma_start3A_729 = arith.constant 0 : i32
    %dma_start3A_730 = tpu.memref_slice %arg2[%add3A_717, %dma_start3A_729] : memref<8192x512xf32, #tpu.memory_space<hbm>> -> memref<16x512xf32, #tpu.memory_space<hbm>>
    tpu.enqueue_dma source(%dma_start3A_730 : memref<16x512xf32, #tpu.memory_space<hbm>>) target(%dma_start3A_728 : memref<16x512xf32, #tpu.memory_space<vmem>>) target_semaphore(%arg8 : memref<!tpu.dma_semaphore, #tpu.memory_space<semaphore_mem>>)
    %dma_start3A_731 = arith.constant 1 : i32
    %dma_start3A_732 = arith.constant 0 : i32
    %dma_start3A_733 = arith.constant 0 : i32
    %dma_start3A_734 = tpu.memref_slice %arg6[%dma_start3A_731, %dma_start3A_732, %dma_start3A_733] : memref<2x16x512xi32, #tpu.memory_space<vmem>> -> memref<1x16x512xi32, #tpu.memory_space<vmem>>
    %dma_start3A_735 = tpu.memref_squeeze %dma_start3A_734 : memref<1x16x512xi32, #tpu.memory_space<vmem>> -> memref<16x512xi32, #tpu.memory_space<vmem>>
    %dma_start3A_736 = arith.constant 0 : i32
    %dma_start3A_737 = tpu.memref_slice %arg3[%add3A_717, %dma_start3A_736] : memref<8192x512xi32, #tpu.memory_space<hbm>> -> memref<16x512xi32, #tpu.memory_space<hbm>>
    %dma_start3A_738 = arith.constant 0 : i32
    %dma_start3A_739 = arith.constant 0 : i32
    %dma_start3A_740 = tpu.memref_slice %arg6[%dma_start3A_731, %dma_start3A_738, %dma_start3A_739] : memref<2x16x512xi32, #tpu.memory_space<vmem>> -> memref<1x16x512xi32, #tpu.memory_space<vmem>>
    %dma_start3A_741 = tpu.memref_squeeze %dma_start3A_740 : memref<1x16x512xi32, #tpu.memory_space<vmem>> -> memref<16x512xi32, #tpu.memory_space<vmem>>
    %dma_start3A_742 = arith.constant 0 : i32
    %dma_start3A_743 = tpu.memref_slice %arg3[%add3A_717, %dma_start3A_742] : memref<8192x512xi32, #tpu.memory_space<hbm>> -> memref<16x512xi32, #tpu.memory_space<hbm>>
    tpu.enqueue_dma source(%dma_start3A_743 : memref<16x512xi32, #tpu.memory_space<hbm>>) target(%dma_start3A_741 : memref<16x512xi32, #tpu.memory_space<vmem>>) target_semaphore(%arg9 : memref<!tpu.dma_semaphore, #tpu.memory_space<semaphore_mem>>)
    %dma_wait3A_744 = arith.constant 0 : i32
    %dma_wait3A_745 = arith.constant 0 : i32
    %dma_wait3A_746 = arith.constant 0 : i32
    %dma_wait3A_747 = tpu.memref_slice %arg5[%dma_wait3A_744, %dma_wait3A_745, %dma_wait3A_746] : memref<2x16x512xf32, #tpu.memory_space<vmem>> -> memref<1x16x512xf32, #tpu.memory_space<vmem>>
    %dma_wait3A_748 = tpu.memref_squeeze %dma_wait3A_747 : memref<1x16x512xf32, #tpu.memory_space<vmem>> -> memref<16x512xf32, #tpu.memory_space<vmem>>
    %dma_wait3A_749 = arith.constant 0 : i32
    %dma_wait3A_750 = tpu.memref_slice %arg2[%add3A_660, %dma_wait3A_749] : memref<8192x512xf32, #tpu.memory_space<hbm>> -> memref<16x512xf32, #tpu.memory_space<hbm>>
    %dma_wait3A_751 = arith.constant 0 : i32
    %dma_wait3A_752 = arith.constant 0 : i32
    %dma_wait3A_753 = tpu.memref_slice %arg5[%dma_wait3A_744, %dma_wait3A_751, %dma_wait3A_752] : memref<2x16x512xf32, #tpu.memory_space<vmem>> -> memref<1x16x512xf32, #tpu.memory_space<vmem>>
    %dma_wait3A_754 = tpu.memref_squeeze %dma_wait3A_753 : memref<1x16x512xf32, #tpu.memory_space<vmem>> -> memref<16x512xf32, #tpu.memory_space<vmem>>
    %dma_wait3A_755 = arith.constant 0 : i32
    %dma_wait3A_756 = tpu.memref_slice %arg2[%add3A_660, %dma_wait3A_755] : memref<8192x512xf32, #tpu.memory_space<hbm>> -> memref<16x512xf32, #tpu.memory_space<hbm>>
    tpu.wait_dma2 semaphore(%arg8 : memref<!tpu.dma_semaphore, #tpu.memory_space<semaphore_mem>>) src(%dma_wait3A_756 : memref<16x512xf32, #tpu.memory_space<hbm>>) dst(%dma_wait3A_754 : memref<16x512xf32, #tpu.memory_space<vmem>>)
    %dma_wait3A_757 = arith.constant 0 : i32
    %dma_wait3A_758 = arith.constant 0 : i32
    %dma_wait3A_759 = arith.constant 0 : i32
    %dma_wait3A_760 = tpu.memref_slice %arg6[%dma_wait3A_757, %dma_wait3A_758, %dma_wait3A_759] : memref<2x16x512xi32, #tpu.memory_space<vmem>> -> memref<1x16x512xi32, #tpu.memory_space<vmem>>
    %dma_wait3A_761 = tpu.memref_squeeze %dma_wait3A_760 : memref<1x16x512xi32, #tpu.memory_space<vmem>> -> memref<16x512xi32, #tpu.memory_space<vmem>>
    %dma_wait3A_762 = arith.constant 0 : i32
    %dma_wait3A_763 = tpu.memref_slice %arg3[%add3A_660, %dma_wait3A_762] : memref<8192x512xi32, #tpu.memory_space<hbm>> -> memref<16x512xi32, #tpu.memory_space<hbm>>
    %dma_wait3A_764 = arith.constant 0 : i32
    %dma_wait3A_765 = arith.constant 0 : i32
    %dma_wait3A_766 = tpu.memref_slice %arg6[%dma_wait3A_757, %dma_wait3A_764, %dma_wait3A_765] : memref<2x16x512xi32, #tpu.memory_space<vmem>> -> memref<1x16x512xi32, #tpu.memory_space<vmem>>
    %dma_wait3A_767 = tpu.memref_squeeze %dma_wait3A_766 : memref<1x16x512xi32, #tpu.memory_space<vmem>> -> memref<16x512xi32, #tpu.memory_space<vmem>>
    %dma_wait3A_768 = arith.constant 0 : i32
    %dma_wait3A_769 = tpu.memref_slice %arg3[%add3A_660, %dma_wait3A_768] : memref<8192x512xi32, #tpu.memory_space<hbm>> -> memref<16x512xi32, #tpu.memory_space<hbm>>
    tpu.wait_dma2 semaphore(%arg9 : memref<!tpu.dma_semaphore, #tpu.memory_space<semaphore_mem>>) src(%dma_wait3A_769 : memref<16x512xi32, #tpu.memory_space<hbm>>) dst(%dma_wait3A_767 : memref<16x512xi32, #tpu.memory_space<vmem>>)
    %parallel_loop3A_770 = arith.constant 0 : i32
    %parallel_loop3A_771 = arith.constant 8192 : i32
    %parallel_loop3A_772 = arith.constant 16 : i32
    scf.for %parallel_loop3A_916 = %parallel_loop3A_770 to %parallel_loop3A_771 step %parallel_loop3A_772  : i32 {
      %parallel_loop3A_917 = arith.constant 9 : i32
      %parallel_loop3A_918 = arith.shrui %parallel_loop3A_916, %parallel_loop3A_917 : i32
      %parallel_loop3A_919 = arith.constant 511 : i32
      %parallel_loop3A_920 = arith.andi %parallel_loop3A_916, %parallel_loop3A_919 : i32
      %parallel_loop3A_921 = arith.constant 0 : i32
      %parallel_loop3A_922 = arith.index_cast %parallel_loop3A_921 : i32 to index
      %parallel_loop3A_923 = arith.index_cast %parallel_loop3A_918 : i32 to index
      %parallel_loop3A_924 = arith.index_cast %parallel_loop3A_920 : i32 to index
      %parallel_loop3A_925 = tpu.vector_load %arg5[%parallel_loop3A_922, %parallel_loop3A_923, %parallel_loop3A_924] {strides = array<i32>} : memref<2x16x512xf32, #tpu.memory_space<vmem>>, vector<16xf32>,
      %parallel_loop3A_926 = arith.constant 0 : i32
      %parallel_loop3A_927 = arith.index_cast %parallel_loop3A_926 : i32 to index
      %parallel_loop3A_928 = arith.index_cast %parallel_loop3A_918 : i32 to index
      %parallel_loop3A_929 = arith.index_cast %parallel_loop3A_920 : i32 to index
      %parallel_loop3A_930 = tpu.vector_load %arg6[%parallel_loop3A_927, %parallel_loop3A_928, %parallel_loop3A_929] {strides = array<i32>} : memref<2x16x512xi32, #tpu.memory_space<vmem>>, vector<16xi32>,
      %parallel_loop3A_931 = arith.constant 5.120000e+02 : f32
      %parallel_loop3A_932 = vector.broadcast %parallel_loop3A_931 : f32 to vector<16xf32>
      %parallel_loop3A_933 = arith.mulf %parallel_loop3A_925, %parallel_loop3A_932 : vector<16xf32>
      %parallel_loop3A_934 = arith.constant 4.096000e+03 : f32
      %parallel_loop3A_935 = vector.broadcast %parallel_loop3A_934 : f32 to vector<16xf32>
      %parallel_loop3A_936 = arith.addf %parallel_loop3A_933, %parallel_loop3A_935 : vector<16xf32>
      %parallel_loop3A_937 = arith.constant 0.000000e+00 : f32
      %parallel_loop3A_938 = vector.broadcast %parallel_loop3A_937 : f32 to vector<16xf32>
      %parallel_loop3A_939 = arith.maximumf %parallel_loop3A_936, %parallel_loop3A_938 : vector<16xf32>
      %parallel_loop3A_940 = arith.constant 8.191000e+03 : f32
      %parallel_loop3A_941 = vector.broadcast %parallel_loop3A_940 : f32 to vector<16xf32>
      %parallel_loop3A_942 = arith.minimumf %parallel_loop3A_939, %parallel_loop3A_941 : vector<16xf32>
      %parallel_loop3A_943 = arith.fptosi %parallel_loop3A_942 : vector<16xf32> to vector<16xi32>
      %parallel_loop3A_944 = arith.constant 13 : i32
      %parallel_loop3A_945 = vector.broadcast %parallel_loop3A_944 : i32 to vector<16xi32>
      %parallel_loop3A_946 = arith.shli %parallel_loop3A_930, %parallel_loop3A_945 : vector<16xi32>
      %parallel_loop3A_947 = arith.addi %parallel_loop3A_943, %parallel_loop3A_946 : vector<16xi32>
      tpu.vector_store_idx %arg7[%parallel_loop3A_947], %broadcast_in_dim3A_5 {add = true} : memref<16384xf32, #tpu.memory_space<vmem>>[vector<16xi32>], vector<16xf32>,
    } {sc.loop_unroll_factor = 8 : i64, sc.parallel_access}
    %add3A_773 = arith.constant 224 : i32
    %add3A_774 = arith.addi %mul3A_2, %add3A_773 : i32
    %dma_start3A_775 = arith.constant 0 : i32
    %dma_start3A_776 = arith.constant 0 : i32
    %dma_start3A_777 = arith.constant 0 : i32
    %dma_start3A_778 = tpu.memref_slice %arg5[%dma_start3A_775, %dma_start3A_776, %dma_start3A_777] : memref<2x16x512xf32, #tpu.memory_space<vmem>> -> memref<1x16x512xf32, #tpu.memory_space<vmem>>
    %dma_start3A_779 = tpu.memref_squeeze %dma_start3A_778 : memref<1x16x512xf32, #tpu.memory_space<vmem>> -> memref<16x512xf32, #tpu.memory_space<vmem>>
    %dma_start3A_780 = arith.constant 0 : i32
    %dma_start3A_781 = tpu.memref_slice %arg2[%add3A_774, %dma_start3A_780] : memref<8192x512xf32, #tpu.memory_space<hbm>> -> memref<16x512xf32, #tpu.memory_space<hbm>>
    %dma_start3A_782 = arith.constant 0 : i32
    %dma_start3A_783 = arith.constant 0 : i32
    %dma_start3A_784 = tpu.memref_slice %arg5[%dma_start3A_775, %dma_start3A_782, %dma_start3A_783] : memref<2x16x512xf32, #tpu.memory_space<vmem>> -> memref<1x16x512xf32, #tpu.memory_space<vmem>>
    %dma_start3A_785 = tpu.memref_squeeze %dma_start3A_784 : memref<1x16x512xf32, #tpu.memory_space<vmem>> -> memref<16x512xf32, #tpu.memory_space<vmem>>
    %dma_start3A_786 = arith.constant 0 : i32
    %dma_start3A_787 = tpu.memref_slice %arg2[%add3A_774, %dma_start3A_786] : memref<8192x512xf32, #tpu.memory_space<hbm>> -> memref<16x512xf32, #tpu.memory_space<hbm>>
    tpu.enqueue_dma source(%dma_start3A_787 : memref<16x512xf32, #tpu.memory_space<hbm>>) target(%dma_start3A_785 : memref<16x512xf32, #tpu.memory_space<vmem>>) target_semaphore(%arg8 : memref<!tpu.dma_semaphore, #tpu.memory_space<semaphore_mem>>)
    %dma_start3A_788 = arith.constant 0 : i32
    %dma_start3A_789 = arith.constant 0 : i32
    %dma_start3A_790 = arith.constant 0 : i32
    %dma_start3A_791 = tpu.memref_slice %arg6[%dma_start3A_788, %dma_start3A_789, %dma_start3A_790] : memref<2x16x512xi32, #tpu.memory_space<vmem>> -> memref<1x16x512xi32, #tpu.memory_space<vmem>>
    %dma_start3A_792 = tpu.memref_squeeze %dma_start3A_791 : memref<1x16x512xi32, #tpu.memory_space<vmem>> -> memref<16x512xi32, #tpu.memory_space<vmem>>
    %dma_start3A_793 = arith.constant 0 : i32
    %dma_start3A_794 = tpu.memref_slice %arg3[%add3A_774, %dma_start3A_793] : memref<8192x512xi32, #tpu.memory_space<hbm>> -> memref<16x512xi32, #tpu.memory_space<hbm>>
    %dma_start3A_795 = arith.constant 0 : i32
    %dma_start3A_796 = arith.constant 0 : i32
    %dma_start3A_797 = tpu.memref_slice %arg6[%dma_start3A_788, %dma_start3A_795, %dma_start3A_796] : memref<2x16x512xi32, #tpu.memory_space<vmem>> -> memref<1x16x512xi32, #tpu.memory_space<vmem>>
    %dma_start3A_798 = tpu.memref_squeeze %dma_start3A_797 : memref<1x16x512xi32, #tpu.memory_space<vmem>> -> memref<16x512xi32, #tpu.memory_space<vmem>>
    %dma_start3A_799 = arith.constant 0 : i32
    %dma_start3A_800 = tpu.memref_slice %arg3[%add3A_774, %dma_start3A_799] : memref<8192x512xi32, #tpu.memory_space<hbm>> -> memref<16x512xi32, #tpu.memory_space<hbm>>
    tpu.enqueue_dma source(%dma_start3A_800 : memref<16x512xi32, #tpu.memory_space<hbm>>) target(%dma_start3A_798 : memref<16x512xi32, #tpu.memory_space<vmem>>) target_semaphore(%arg9 : memref<!tpu.dma_semaphore, #tpu.memory_space<semaphore_mem>>)
    %dma_wait3A_801 = arith.constant 1 : i32
    %dma_wait3A_802 = arith.constant 0 : i32
    %dma_wait3A_803 = arith.constant 0 : i32
    %dma_wait3A_804 = tpu.memref_slice %arg5[%dma_wait3A_801, %dma_wait3A_802, %dma_wait3A_803] : memref<2x16x512xf32, #tpu.memory_space<vmem>> -> memref<1x16x512xf32, #tpu.memory_space<vmem>>
    %dma_wait3A_805 = tpu.memref_squeeze %dma_wait3A_804 : memref<1x16x512xf32, #tpu.memory_space<vmem>> -> memref<16x512xf32, #tpu.memory_space<vmem>>
    %dma_wait3A_806 = arith.constant 0 : i32
    %dma_wait3A_807 = tpu.memref_slice %arg2[%add3A_717, %dma_wait3A_806] : memref<8192x512xf32, #tpu.memory_space<hbm>> -> memref<16x512xf32, #tpu.memory_space<hbm>>
    %dma_wait3A_808 = arith.constant 0 : i32
    %dma_wait3A_809 = arith.constant 0 : i32
    %dma_wait3A_810 = tpu.memref_slice %arg5[%dma_wait3A_801, %dma_wait3A_808, %dma_wait3A_809] : memref<2x16x512xf32, #tpu.memory_space<vmem>> -> memref<1x16x512xf32, #tpu.memory_space<vmem>>
    %dma_wait3A_811 = tpu.memref_squeeze %dma_wait3A_810 : memref<1x16x512xf32, #tpu.memory_space<vmem>> -> memref<16x512xf32, #tpu.memory_space<vmem>>
    %dma_wait3A_812 = arith.constant 0 : i32
    %dma_wait3A_813 = tpu.memref_slice %arg2[%add3A_717, %dma_wait3A_812] : memref<8192x512xf32, #tpu.memory_space<hbm>> -> memref<16x512xf32, #tpu.memory_space<hbm>>
    tpu.wait_dma2 semaphore(%arg8 : memref<!tpu.dma_semaphore, #tpu.memory_space<semaphore_mem>>) src(%dma_wait3A_813 : memref<16x512xf32, #tpu.memory_space<hbm>>) dst(%dma_wait3A_811 : memref<16x512xf32, #tpu.memory_space<vmem>>)
    %dma_wait3A_814 = arith.constant 1 : i32
    %dma_wait3A_815 = arith.constant 0 : i32
    %dma_wait3A_816 = arith.constant 0 : i32
    %dma_wait3A_817 = tpu.memref_slice %arg6[%dma_wait3A_814, %dma_wait3A_815, %dma_wait3A_816] : memref<2x16x512xi32, #tpu.memory_space<vmem>> -> memref<1x16x512xi32, #tpu.memory_space<vmem>>
    %dma_wait3A_818 = tpu.memref_squeeze %dma_wait3A_817 : memref<1x16x512xi32, #tpu.memory_space<vmem>> -> memref<16x512xi32, #tpu.memory_space<vmem>>
    %dma_wait3A_819 = arith.constant 0 : i32
    %dma_wait3A_820 = tpu.memref_slice %arg3[%add3A_717, %dma_wait3A_819] : memref<8192x512xi32, #tpu.memory_space<hbm>> -> memref<16x512xi32, #tpu.memory_space<hbm>>
    %dma_wait3A_821 = arith.constant 0 : i32
    %dma_wait3A_822 = arith.constant 0 : i32
    %dma_wait3A_823 = tpu.memref_slice %arg6[%dma_wait3A_814, %dma_wait3A_821, %dma_wait3A_822] : memref<2x16x512xi32, #tpu.memory_space<vmem>> -> memref<1x16x512xi32, #tpu.memory_space<vmem>>
    %dma_wait3A_824 = tpu.memref_squeeze %dma_wait3A_823 : memref<1x16x512xi32, #tpu.memory_space<vmem>> -> memref<16x512xi32, #tpu.memory_space<vmem>>
    %dma_wait3A_825 = arith.constant 0 : i32
    %dma_wait3A_826 = tpu.memref_slice %arg3[%add3A_717, %dma_wait3A_825] : memref<8192x512xi32, #tpu.memory_space<hbm>> -> memref<16x512xi32, #tpu.memory_space<hbm>>
    tpu.wait_dma2 semaphore(%arg9 : memref<!tpu.dma_semaphore, #tpu.memory_space<semaphore_mem>>) src(%dma_wait3A_826 : memref<16x512xi32, #tpu.memory_space<hbm>>) dst(%dma_wait3A_824 : memref<16x512xi32, #tpu.memory_space<vmem>>)
    %parallel_loop3A_827 = arith.constant 0 : i32
    %parallel_loop3A_828 = arith.constant 8192 : i32
    %parallel_loop3A_829 = arith.constant 16 : i32
    scf.for %parallel_loop3A_916 = %parallel_loop3A_827 to %parallel_loop3A_828 step %parallel_loop3A_829  : i32 {
      %parallel_loop3A_917 = arith.constant 9 : i32
      %parallel_loop3A_918 = arith.shrui %parallel_loop3A_916, %parallel_loop3A_917 : i32
      %parallel_loop3A_919 = arith.constant 511 : i32
      %parallel_loop3A_920 = arith.andi %parallel_loop3A_916, %parallel_loop3A_919 : i32
      %parallel_loop3A_921 = arith.constant 1 : i32
      %parallel_loop3A_922 = arith.index_cast %parallel_loop3A_921 : i32 to index
      %parallel_loop3A_923 = arith.index_cast %parallel_loop3A_918 : i32 to index
      %parallel_loop3A_924 = arith.index_cast %parallel_loop3A_920 : i32 to index
      %parallel_loop3A_925 = tpu.vector_load %arg5[%parallel_loop3A_922, %parallel_loop3A_923, %parallel_loop3A_924] {strides = array<i32>} : memref<2x16x512xf32, #tpu.memory_space<vmem>>, vector<16xf32>,
      %parallel_loop3A_926 = arith.constant 1 : i32
      %parallel_loop3A_927 = arith.index_cast %parallel_loop3A_926 : i32 to index
      %parallel_loop3A_928 = arith.index_cast %parallel_loop3A_918 : i32 to index
      %parallel_loop3A_929 = arith.index_cast %parallel_loop3A_920 : i32 to index
      %parallel_loop3A_930 = tpu.vector_load %arg6[%parallel_loop3A_927, %parallel_loop3A_928, %parallel_loop3A_929] {strides = array<i32>} : memref<2x16x512xi32, #tpu.memory_space<vmem>>, vector<16xi32>,
      %parallel_loop3A_931 = arith.constant 5.120000e+02 : f32
      %parallel_loop3A_932 = vector.broadcast %parallel_loop3A_931 : f32 to vector<16xf32>
      %parallel_loop3A_933 = arith.mulf %parallel_loop3A_925, %parallel_loop3A_932 : vector<16xf32>
      %parallel_loop3A_934 = arith.constant 4.096000e+03 : f32
      %parallel_loop3A_935 = vector.broadcast %parallel_loop3A_934 : f32 to vector<16xf32>
      %parallel_loop3A_936 = arith.addf %parallel_loop3A_933, %parallel_loop3A_935 : vector<16xf32>
      %parallel_loop3A_937 = arith.constant 0.000000e+00 : f32
      %parallel_loop3A_938 = vector.broadcast %parallel_loop3A_937 : f32 to vector<16xf32>
      %parallel_loop3A_939 = arith.maximumf %parallel_loop3A_936, %parallel_loop3A_938 : vector<16xf32>
      %parallel_loop3A_940 = arith.constant 8.191000e+03 : f32
      %parallel_loop3A_941 = vector.broadcast %parallel_loop3A_940 : f32 to vector<16xf32>
      %parallel_loop3A_942 = arith.minimumf %parallel_loop3A_939, %parallel_loop3A_941 : vector<16xf32>
      %parallel_loop3A_943 = arith.fptosi %parallel_loop3A_942 : vector<16xf32> to vector<16xi32>
      %parallel_loop3A_944 = arith.constant 13 : i32
      %parallel_loop3A_945 = vector.broadcast %parallel_loop3A_944 : i32 to vector<16xi32>
      %parallel_loop3A_946 = arith.shli %parallel_loop3A_930, %parallel_loop3A_945 : vector<16xi32>
      %parallel_loop3A_947 = arith.addi %parallel_loop3A_943, %parallel_loop3A_946 : vector<16xi32>
      tpu.vector_store_idx %arg7[%parallel_loop3A_947], %broadcast_in_dim3A_5 {add = true} : memref<16384xf32, #tpu.memory_space<vmem>>[vector<16xi32>], vector<16xf32>,
    } {sc.loop_unroll_factor = 8 : i64, sc.parallel_access}
    %add3A_830 = arith.constant 240 : i32
    %add3A_831 = arith.addi %mul3A_2, %add3A_830 : i32
    %dma_start3A_832 = arith.constant 1 : i32
    %dma_start3A_833 = arith.constant 0 : i32
    %dma_start3A_834 = arith.constant 0 : i32
    %dma_start3A_835 = tpu.memref_slice %arg5[%dma_start3A_832, %dma_start3A_833, %dma_start3A_834] : memref<2x16x512xf32, #tpu.memory_space<vmem>> -> memref<1x16x512xf32, #tpu.memory_space<vmem>>
    %dma_start3A_836 = tpu.memref_squeeze %dma_start3A_835 : memref<1x16x512xf32, #tpu.memory_space<vmem>> -> memref<16x512xf32, #tpu.memory_space<vmem>>
    %dma_start3A_837 = arith.constant 0 : i32
    %dma_start3A_838 = tpu.memref_slice %arg2[%add3A_831, %dma_start3A_837] : memref<8192x512xf32, #tpu.memory_space<hbm>> -> memref<16x512xf32, #tpu.memory_space<hbm>>
    %dma_start3A_839 = arith.constant 0 : i32
    %dma_start3A_840 = arith.constant 0 : i32
    %dma_start3A_841 = tpu.memref_slice %arg5[%dma_start3A_832, %dma_start3A_839, %dma_start3A_840] : memref<2x16x512xf32, #tpu.memory_space<vmem>> -> memref<1x16x512xf32, #tpu.memory_space<vmem>>
    %dma_start3A_842 = tpu.memref_squeeze %dma_start3A_841 : memref<1x16x512xf32, #tpu.memory_space<vmem>> -> memref<16x512xf32, #tpu.memory_space<vmem>>
    %dma_start3A_843 = arith.constant 0 : i32
    %dma_start3A_844 = tpu.memref_slice %arg2[%add3A_831, %dma_start3A_843] : memref<8192x512xf32, #tpu.memory_space<hbm>> -> memref<16x512xf32, #tpu.memory_space<hbm>>
    tpu.enqueue_dma source(%dma_start3A_844 : memref<16x512xf32, #tpu.memory_space<hbm>>) target(%dma_start3A_842 : memref<16x512xf32, #tpu.memory_space<vmem>>) target_semaphore(%arg8 : memref<!tpu.dma_semaphore, #tpu.memory_space<semaphore_mem>>)
    %dma_start3A_845 = arith.constant 1 : i32
    %dma_start3A_846 = arith.constant 0 : i32
    %dma_start3A_847 = arith.constant 0 : i32
    %dma_start3A_848 = tpu.memref_slice %arg6[%dma_start3A_845, %dma_start3A_846, %dma_start3A_847] : memref<2x16x512xi32, #tpu.memory_space<vmem>> -> memref<1x16x512xi32, #tpu.memory_space<vmem>>
    %dma_start3A_849 = tpu.memref_squeeze %dma_start3A_848 : memref<1x16x512xi32, #tpu.memory_space<vmem>> -> memref<16x512xi32, #tpu.memory_space<vmem>>
    %dma_start3A_850 = arith.constant 0 : i32
    %dma_start3A_851 = tpu.memref_slice %arg3[%add3A_831, %dma_start3A_850] : memref<8192x512xi32, #tpu.memory_space<hbm>> -> memref<16x512xi32, #tpu.memory_space<hbm>>
    %dma_start3A_852 = arith.constant 0 : i32
    %dma_start3A_853 = arith.constant 0 : i32
    %dma_start3A_854 = tpu.memref_slice %arg6[%dma_start3A_845, %dma_start3A_852, %dma_start3A_853] : memref<2x16x512xi32, #tpu.memory_space<vmem>> -> memref<1x16x512xi32, #tpu.memory_space<vmem>>
    %dma_start3A_855 = tpu.memref_squeeze %dma_start3A_854 : memref<1x16x512xi32, #tpu.memory_space<vmem>> -> memref<16x512xi32, #tpu.memory_space<vmem>>
    %dma_start3A_856 = arith.constant 0 : i32
    %dma_start3A_857 = tpu.memref_slice %arg3[%add3A_831, %dma_start3A_856] : memref<8192x512xi32, #tpu.memory_space<hbm>> -> memref<16x512xi32, #tpu.memory_space<hbm>>
    tpu.enqueue_dma source(%dma_start3A_857 : memref<16x512xi32, #tpu.memory_space<hbm>>) target(%dma_start3A_855 : memref<16x512xi32, #tpu.memory_space<vmem>>) target_semaphore(%arg9 : memref<!tpu.dma_semaphore, #tpu.memory_space<semaphore_mem>>)
    %dma_wait3A_858 = arith.constant 0 : i32
    %dma_wait3A_859 = arith.constant 0 : i32
    %dma_wait3A_860 = arith.constant 0 : i32
    %dma_wait3A_861 = tpu.memref_slice %arg5[%dma_wait3A_858, %dma_wait3A_859, %dma_wait3A_860] : memref<2x16x512xf32, #tpu.memory_space<vmem>> -> memref<1x16x512xf32, #tpu.memory_space<vmem>>
    %dma_wait3A_862 = tpu.memref_squeeze %dma_wait3A_861 : memref<1x16x512xf32, #tpu.memory_space<vmem>> -> memref<16x512xf32, #tpu.memory_space<vmem>>
    %dma_wait3A_863 = arith.constant 0 : i32
    %dma_wait3A_864 = tpu.memref_slice %arg2[%add3A_774, %dma_wait3A_863] : memref<8192x512xf32, #tpu.memory_space<hbm>> -> memref<16x512xf32, #tpu.memory_space<hbm>>
    %dma_wait3A_865 = arith.constant 0 : i32
    %dma_wait3A_866 = arith.constant 0 : i32
    %dma_wait3A_867 = tpu.memref_slice %arg5[%dma_wait3A_858, %dma_wait3A_865, %dma_wait3A_866] : memref<2x16x512xf32, #tpu.memory_space<vmem>> -> memref<1x16x512xf32, #tpu.memory_space<vmem>>
    %dma_wait3A_868 = tpu.memref_squeeze %dma_wait3A_867 : memref<1x16x512xf32, #tpu.memory_space<vmem>> -> memref<16x512xf32, #tpu.memory_space<vmem>>
    %dma_wait3A_869 = arith.constant 0 : i32
    %dma_wait3A_870 = tpu.memref_slice %arg2[%add3A_774, %dma_wait3A_869] : memref<8192x512xf32, #tpu.memory_space<hbm>> -> memref<16x512xf32, #tpu.memory_space<hbm>>
    tpu.wait_dma2 semaphore(%arg8 : memref<!tpu.dma_semaphore, #tpu.memory_space<semaphore_mem>>) src(%dma_wait3A_870 : memref<16x512xf32, #tpu.memory_space<hbm>>) dst(%dma_wait3A_868 : memref<16x512xf32, #tpu.memory_space<vmem>>)
    %dma_wait3A_871 = arith.constant 0 : i32
    %dma_wait3A_872 = arith.constant 0 : i32
    %dma_wait3A_873 = arith.constant 0 : i32
    %dma_wait3A_874 = tpu.memref_slice %arg6[%dma_wait3A_871, %dma_wait3A_872, %dma_wait3A_873] : memref<2x16x512xi32, #tpu.memory_space<vmem>> -> memref<1x16x512xi32, #tpu.memory_space<vmem>>
    %dma_wait3A_875 = tpu.memref_squeeze %dma_wait3A_874 : memref<1x16x512xi32, #tpu.memory_space<vmem>> -> memref<16x512xi32, #tpu.memory_space<vmem>>
    %dma_wait3A_876 = arith.constant 0 : i32
    %dma_wait3A_877 = tpu.memref_slice %arg3[%add3A_774, %dma_wait3A_876] : memref<8192x512xi32, #tpu.memory_space<hbm>> -> memref<16x512xi32, #tpu.memory_space<hbm>>
    %dma_wait3A_878 = arith.constant 0 : i32
    %dma_wait3A_879 = arith.constant 0 : i32
    %dma_wait3A_880 = tpu.memref_slice %arg6[%dma_wait3A_871, %dma_wait3A_878, %dma_wait3A_879] : memref<2x16x512xi32, #tpu.memory_space<vmem>> -> memref<1x16x512xi32, #tpu.memory_space<vmem>>
    %dma_wait3A_881 = tpu.memref_squeeze %dma_wait3A_880 : memref<1x16x512xi32, #tpu.memory_space<vmem>> -> memref<16x512xi32, #tpu.memory_space<vmem>>
    %dma_wait3A_882 = arith.constant 0 : i32
    %dma_wait3A_883 = tpu.memref_slice %arg3[%add3A_774, %dma_wait3A_882] : memref<8192x512xi32, #tpu.memory_space<hbm>> -> memref<16x512xi32, #tpu.memory_space<hbm>>
    tpu.wait_dma2 semaphore(%arg9 : memref<!tpu.dma_semaphore, #tpu.memory_space<semaphore_mem>>) src(%dma_wait3A_883 : memref<16x512xi32, #tpu.memory_space<hbm>>) dst(%dma_wait3A_881 : memref<16x512xi32, #tpu.memory_space<vmem>>)
    %parallel_loop3A_884 = arith.constant 0 : i32
    %parallel_loop3A_885 = arith.constant 8192 : i32
    %parallel_loop3A_886 = arith.constant 16 : i32
    scf.for %parallel_loop3A_916 = %parallel_loop3A_884 to %parallel_loop3A_885 step %parallel_loop3A_886  : i32 {
      %parallel_loop3A_917 = arith.constant 9 : i32
      %parallel_loop3A_918 = arith.shrui %parallel_loop3A_916, %parallel_loop3A_917 : i32
      %parallel_loop3A_919 = arith.constant 511 : i32
      %parallel_loop3A_920 = arith.andi %parallel_loop3A_916, %parallel_loop3A_919 : i32
      %parallel_loop3A_921 = arith.constant 0 : i32
      %parallel_loop3A_922 = arith.index_cast %parallel_loop3A_921 : i32 to index
      %parallel_loop3A_923 = arith.index_cast %parallel_loop3A_918 : i32 to index
      %parallel_loop3A_924 = arith.index_cast %parallel_loop3A_920 : i32 to index
      %parallel_loop3A_925 = tpu.vector_load %arg5[%parallel_loop3A_922, %parallel_loop3A_923, %parallel_loop3A_924] {strides = array<i32>} : memref<2x16x512xf32, #tpu.memory_space<vmem>>, vector<16xf32>,
      %parallel_loop3A_926 = arith.constant 0 : i32
      %parallel_loop3A_927 = arith.index_cast %parallel_loop3A_926 : i32 to index
      %parallel_loop3A_928 = arith.index_cast %parallel_loop3A_918 : i32 to index
      %parallel_loop3A_929 = arith.index_cast %parallel_loop3A_920 : i32 to index
      %parallel_loop3A_930 = tpu.vector_load %arg6[%parallel_loop3A_927, %parallel_loop3A_928, %parallel_loop3A_929] {strides = array<i32>} : memref<2x16x512xi32, #tpu.memory_space<vmem>>, vector<16xi32>,
      %parallel_loop3A_931 = arith.constant 5.120000e+02 : f32
      %parallel_loop3A_932 = vector.broadcast %parallel_loop3A_931 : f32 to vector<16xf32>
      %parallel_loop3A_933 = arith.mulf %parallel_loop3A_925, %parallel_loop3A_932 : vector<16xf32>
      %parallel_loop3A_934 = arith.constant 4.096000e+03 : f32
      %parallel_loop3A_935 = vector.broadcast %parallel_loop3A_934 : f32 to vector<16xf32>
      %parallel_loop3A_936 = arith.addf %parallel_loop3A_933, %parallel_loop3A_935 : vector<16xf32>
      %parallel_loop3A_937 = arith.constant 0.000000e+00 : f32
      %parallel_loop3A_938 = vector.broadcast %parallel_loop3A_937 : f32 to vector<16xf32>
      %parallel_loop3A_939 = arith.maximumf %parallel_loop3A_936, %parallel_loop3A_938 : vector<16xf32>
      %parallel_loop3A_940 = arith.constant 8.191000e+03 : f32
      %parallel_loop3A_941 = vector.broadcast %parallel_loop3A_940 : f32 to vector<16xf32>
      %parallel_loop3A_942 = arith.minimumf %parallel_loop3A_939, %parallel_loop3A_941 : vector<16xf32>
      %parallel_loop3A_943 = arith.fptosi %parallel_loop3A_942 : vector<16xf32> to vector<16xi32>
      %parallel_loop3A_944 = arith.constant 13 : i32
      %parallel_loop3A_945 = vector.broadcast %parallel_loop3A_944 : i32 to vector<16xi32>
      %parallel_loop3A_946 = arith.shli %parallel_loop3A_930, %parallel_loop3A_945 : vector<16xi32>
      %parallel_loop3A_947 = arith.addi %parallel_loop3A_943, %parallel_loop3A_946 : vector<16xi32>
      tpu.vector_store_idx %arg7[%parallel_loop3A_947], %broadcast_in_dim3A_5 {add = true} : memref<16384xf32, #tpu.memory_space<vmem>>[vector<16xi32>], vector<16xf32>,
    } {sc.loop_unroll_factor = 8 : i64, sc.parallel_access}
    %dma_wait3A_887 = arith.constant 1 : i32
    %dma_wait3A_888 = arith.constant 0 : i32
    %dma_wait3A_889 = arith.constant 0 : i32
    %dma_wait3A_890 = tpu.memref_slice %arg5[%dma_wait3A_887, %dma_wait3A_888, %dma_wait3A_889] : memref<2x16x512xf32, #tpu.memory_space<vmem>> -> memref<1x16x512xf32, #tpu.memory_space<vmem>>
    %dma_wait3A_891 = tpu.memref_squeeze %dma_wait3A_890 : memref<1x16x512xf32, #tpu.memory_space<vmem>> -> memref<16x512xf32, #tpu.memory_space<vmem>>
    %dma_wait3A_892 = arith.constant 0 : i32
    %dma_wait3A_893 = tpu.memref_slice %arg2[%add3A_831, %dma_wait3A_892] : memref<8192x512xf32, #tpu.memory_space<hbm>> -> memref<16x512xf32, #tpu.memory_space<hbm>>
    %dma_wait3A_894 = arith.constant 0 : i32
    %dma_wait3A_895 = arith.constant 0 : i32
    %dma_wait3A_896 = tpu.memref_slice %arg5[%dma_wait3A_887, %dma_wait3A_894, %dma_wait3A_895] : memref<2x16x512xf32, #tpu.memory_space<vmem>> -> memref<1x16x512xf32, #tpu.memory_space<vmem>>
    %dma_wait3A_897 = tpu.memref_squeeze %dma_wait3A_896 : memref<1x16x512xf32, #tpu.memory_space<vmem>> -> memref<16x512xf32, #tpu.memory_space<vmem>>
    %dma_wait3A_898 = arith.constant 0 : i32
    %dma_wait3A_899 = tpu.memref_slice %arg2[%add3A_831, %dma_wait3A_898] : memref<8192x512xf32, #tpu.memory_space<hbm>> -> memref<16x512xf32, #tpu.memory_space<hbm>>
    tpu.wait_dma2 semaphore(%arg8 : memref<!tpu.dma_semaphore, #tpu.memory_space<semaphore_mem>>) src(%dma_wait3A_899 : memref<16x512xf32, #tpu.memory_space<hbm>>) dst(%dma_wait3A_897 : memref<16x512xf32, #tpu.memory_space<vmem>>)
    %dma_wait3A_900 = arith.constant 1 : i32
    %dma_wait3A_901 = arith.constant 0 : i32
    %dma_wait3A_902 = arith.constant 0 : i32
    %dma_wait3A_903 = tpu.memref_slice %arg6[%dma_wait3A_900, %dma_wait3A_901, %dma_wait3A_902] : memref<2x16x512xi32, #tpu.memory_space<vmem>> -> memref<1x16x512xi32, #tpu.memory_space<vmem>>
    %dma_wait3A_904 = tpu.memref_squeeze %dma_wait3A_903 : memref<1x16x512xi32, #tpu.memory_space<vmem>> -> memref<16x512xi32, #tpu.memory_space<vmem>>
    %dma_wait3A_905 = arith.constant 0 : i32
    %dma_wait3A_906 = tpu.memref_slice %arg3[%add3A_831, %dma_wait3A_905] : memref<8192x512xi32, #tpu.memory_space<hbm>> -> memref<16x512xi32, #tpu.memory_space<hbm>>
    %dma_wait3A_907 = arith.constant 0 : i32
    %dma_wait3A_908 = arith.constant 0 : i32
    %dma_wait3A_909 = tpu.memref_slice %arg6[%dma_wait3A_900, %dma_wait3A_907, %dma_wait3A_908] : memref<2x16x512xi32, #tpu.memory_space<vmem>> -> memref<1x16x512xi32, #tpu.memory_space<vmem>>
    %dma_wait3A_910 = tpu.memref_squeeze %dma_wait3A_909 : memref<1x16x512xi32, #tpu.memory_space<vmem>> -> memref<16x512xi32, #tpu.memory_space<vmem>>
    %dma_wait3A_911 = arith.constant 0 : i32
    %dma_wait3A_912 = tpu.memref_slice %arg3[%add3A_831, %dma_wait3A_911] : memref<8192x512xi32, #tpu.memory_space<hbm>> -> memref<16x512xi32, #tpu.memory_space<hbm>>
    tpu.wait_dma2 semaphore(%arg9 : memref<!tpu.dma_semaphore, #tpu.memory_space<semaphore_mem>>) src(%dma_wait3A_912 : memref<16x512xi32, #tpu.memory_space<hbm>>) dst(%dma_wait3A_910 : memref<16x512xi32, #tpu.memory_space<vmem>>)
    %parallel_loop3A_913 = arith.constant 0 : i32
    %parallel_loop3A_914 = arith.constant 8192 : i32
    %parallel_loop3A_915 = arith.constant 16 : i32
    scf.for %parallel_loop3A_916 = %parallel_loop3A_913 to %parallel_loop3A_914 step %parallel_loop3A_915  : i32 {
      %parallel_loop3A_917 = arith.constant 9 : i32
      %parallel_loop3A_918 = arith.shrui %parallel_loop3A_916, %parallel_loop3A_917 : i32
      %parallel_loop3A_919 = arith.constant 511 : i32
      %parallel_loop3A_920 = arith.andi %parallel_loop3A_916, %parallel_loop3A_919 : i32
      %parallel_loop3A_921 = arith.constant 1 : i32
      %parallel_loop3A_922 = arith.index_cast %parallel_loop3A_921 : i32 to index
      %parallel_loop3A_923 = arith.index_cast %parallel_loop3A_918 : i32 to index
      %parallel_loop3A_924 = arith.index_cast %parallel_loop3A_920 : i32 to index
      %parallel_loop3A_925 = tpu.vector_load %arg5[%parallel_loop3A_922, %parallel_loop3A_923, %parallel_loop3A_924] {strides = array<i32>} : memref<2x16x512xf32, #tpu.memory_space<vmem>>, vector<16xf32>,
      %parallel_loop3A_926 = arith.constant 1 : i32
      %parallel_loop3A_927 = arith.index_cast %parallel_loop3A_926 : i32 to index
      %parallel_loop3A_928 = arith.index_cast %parallel_loop3A_918 : i32 to index
      %parallel_loop3A_929 = arith.index_cast %parallel_loop3A_920 : i32 to index
      %parallel_loop3A_930 = tpu.vector_load %arg6[%parallel_loop3A_927, %parallel_loop3A_928, %parallel_loop3A_929] {strides = array<i32>} : memref<2x16x512xi32, #tpu.memory_space<vmem>>, vector<16xi32>,
      %parallel_loop3A_931 = arith.constant 5.120000e+02 : f32
      %parallel_loop3A_932 = vector.broadcast %parallel_loop3A_931 : f32 to vector<16xf32>
      %parallel_loop3A_933 = arith.mulf %parallel_loop3A_925, %parallel_loop3A_932 : vector<16xf32>
      %parallel_loop3A_934 = arith.constant 4.096000e+03 : f32
      %parallel_loop3A_935 = vector.broadcast %parallel_loop3A_934 : f32 to vector<16xf32>
      %parallel_loop3A_936 = arith.addf %parallel_loop3A_933, %parallel_loop3A_935 : vector<16xf32>
      %parallel_loop3A_937 = arith.constant 0.000000e+00 : f32
      %parallel_loop3A_938 = vector.broadcast %parallel_loop3A_937 : f32 to vector<16xf32>
      %parallel_loop3A_939 = arith.maximumf %parallel_loop3A_936, %parallel_loop3A_938 : vector<16xf32>
      %parallel_loop3A_940 = arith.constant 8.191000e+03 : f32
      %parallel_loop3A_941 = vector.broadcast %parallel_loop3A_940 : f32 to vector<16xf32>
      %parallel_loop3A_942 = arith.minimumf %parallel_loop3A_939, %parallel_loop3A_941 : vector<16xf32>
      %parallel_loop3A_943 = arith.fptosi %parallel_loop3A_942 : vector<16xf32> to vector<16xi32>
      %parallel_loop3A_944 = arith.constant 13 : i32
      %parallel_loop3A_945 = vector.broadcast %parallel_loop3A_944 : i32 to vector<16xi32>
      %parallel_loop3A_946 = arith.shli %parallel_loop3A_930, %parallel_loop3A_945 : vector<16xi32>
      %parallel_loop3A_947 = arith.addi %parallel_loop3A_943, %parallel_loop3A_946 : vector<16xi32>
      tpu.vector_store_idx %arg7[%parallel_loop3A_947], %broadcast_in_dim3A_5 {add = true} : memref<16384xf32, #tpu.memory_space<vmem>>[vector<16xi32>], vector<16xf32>,
    } {sc.loop_unroll_factor = 8 : i64, sc.parallel_access}
    "tpu.region"() ({
      %run_scoped3A = tpu.sem_alloc : memref<!tpu.dma_semaphore, #tpu.memory_space<semaphore_mem>>
      %dma_start3A_916 = arith.constant 0 : i32
      %dma_start3A_917 = tpu.memref_slice %arg4[%add3A, %dma_start3A_916] : memref<32x16384xf32, #tpu.memory_space<hbm>> -> memref<1x16384xf32, #tpu.memory_space<hbm>>
      %dma_start3A_918 = tpu.memref_squeeze %dma_start3A_917 : memref<1x16384xf32, #tpu.memory_space<hbm>> -> memref<16384xf32, #tpu.memory_space<hbm>>
      %dma_start3A_919 = arith.constant 0 : i32
      %dma_start3A_920 = tpu.memref_slice %arg4[%add3A, %dma_start3A_919] : memref<32x16384xf32, #tpu.memory_space<hbm>> -> memref<1x16384xf32, #tpu.memory_space<hbm>>
      %dma_start3A_921 = tpu.memref_squeeze %dma_start3A_920 : memref<1x16384xf32, #tpu.memory_space<hbm>> -> memref<16384xf32, #tpu.memory_space<hbm>>
      tpu.enqueue_dma source(%arg7 : memref<16384xf32, #tpu.memory_space<vmem>>) target(%dma_start3A_921 : memref<16384xf32, #tpu.memory_space<hbm>>) target_semaphore(%run_scoped3A : memref<!tpu.dma_semaphore, #tpu.memory_space<semaphore_mem>>)
      %dma_wait3A_922 = arith.constant 0 : i32
      %dma_wait3A_923 = tpu.memref_slice %arg4[%add3A, %dma_wait3A_922] : memref<32x16384xf32, #tpu.memory_space<hbm>> -> memref<1x16384xf32, #tpu.memory_space<hbm>>
      %dma_wait3A_924 = tpu.memref_squeeze %dma_wait3A_923 : memref<1x16384xf32, #tpu.memory_space<hbm>> -> memref<16384xf32, #tpu.memory_space<hbm>>
      %dma_wait3A_925 = arith.constant 0 : i32
      %dma_wait3A_926 = tpu.memref_slice %arg4[%add3A, %dma_wait3A_925] : memref<32x16384xf32, #tpu.memory_space<hbm>> -> memref<1x16384xf32, #tpu.memory_space<hbm>>
      %dma_wait3A_927 = tpu.memref_squeeze %dma_wait3A_926 : memref<1x16384xf32, #tpu.memory_space<hbm>> -> memref<16384xf32, #tpu.memory_space<hbm>>
      tpu.wait_dma2 semaphore(%run_scoped3A : memref<!tpu.dma_semaphore, #tpu.memory_space<semaphore_mem>>) src(%arg7 : memref<16384xf32, #tpu.memory_space<vmem>>) dst(%dma_wait3A_927 : memref<16384xf32, #tpu.memory_space<hbm>>)
      tpu.yield
    }) : () -> ()
    return
  }
}

#map = affine_map<(d0, d1) -> (0, 0)>
module attributes {stable_mosaic.version = 14 : i64} {
  func.func @_scan_body(%arg0: i32, %arg1: i32, %arg2: memref<32x16384xf32, #tpu.memory_space<hbm>>, %arg3: memref<16x16xf32, #tpu.memory_space<hbm>>, %arg4: memref<16384xf32, #tpu.memory_space<vmem>>, %arg5: memref<16384xf32, #tpu.memory_space<vmem>>, %arg6: memref<8192xf32, #tpu.memory_space<vmem>>, %arg7: memref<8192xf32, #tpu.memory_space<vmem>>, %arg8: memref<16xf32, #tpu.memory_space<vmem>>, %arg9: memref<!tpu.dma_semaphore, #tpu.memory_space<semaphore_mem>>) attributes {dimension_semantics = [#tpu.dimension_semantics<core_parallel>, #tpu.dimension_semantics<subcore_parallel>], iteration_bounds = array<i64: 2, 16>, scalar_prefetch = 0 : i64, scratch_operands = 6 : i64, tpu.core_type = #tpu.core_type<sc_vector_subcore>, window_params = [{transform_indices = #map}, {transform_indices = #map}]} {
    %lt3A = arith.constant 8 : i32
    %lt3A_0 = arith.cmpi slt, %arg1, %lt3A : i32
    %convert_element_type3A = arith.extui %lt3A_0 : i1 to i32
    %cond3A = arith.constant 0 : i32
    %cond3A_1 = arith.cmpi ne, %convert_element_type3A, %cond3A : i32
    scf.if %cond3A_1 {
      %mul3A = arith.constant 8 : i32
      %mul3A_2 = arith.muli %arg0, %mul3A : i32
      %add3A = arith.addi %mul3A_2, %arg1 : i32
      %mul3A_3 = arith.constant 2 : i32
      %mul3A_4 = arith.muli %mul3A_3, %add3A : i32
      "tpu.region"() ({
        %run_scoped3A = tpu.sem_alloc : memref<!tpu.dma_semaphore, #tpu.memory_space<semaphore_mem>>
        %dma_start3A = arith.constant 0 : i32
        %dma_start3A_36 = tpu.memref_slice %arg2[%mul3A_4, %dma_start3A] : memref<32x16384xf32, #tpu.memory_space<hbm>> -> memref<1x16384xf32, #tpu.memory_space<hbm>>
        %dma_start3A_37 = tpu.memref_squeeze %dma_start3A_36 : memref<1x16384xf32, #tpu.memory_space<hbm>> -> memref<16384xf32, #tpu.memory_space<hbm>>
        %dma_start3A_38 = arith.constant 0 : i32
        %dma_start3A_39 = tpu.memref_slice %arg2[%mul3A_4, %dma_start3A_38] : memref<32x16384xf32, #tpu.memory_space<hbm>> -> memref<1x16384xf32, #tpu.memory_space<hbm>>
        %dma_start3A_40 = tpu.memref_squeeze %dma_start3A_39 : memref<1x16384xf32, #tpu.memory_space<hbm>> -> memref<16384xf32, #tpu.memory_space<hbm>>
        tpu.enqueue_dma source(%dma_start3A_40 : memref<16384xf32, #tpu.memory_space<hbm>>) target(%arg4 : memref<16384xf32, #tpu.memory_space<vmem>>) target_semaphore(%run_scoped3A : memref<!tpu.dma_semaphore, #tpu.memory_space<semaphore_mem>>)
        %dma_wait3A = arith.constant 0 : i32
        %dma_wait3A_41 = tpu.memref_slice %arg2[%mul3A_4, %dma_wait3A] : memref<32x16384xf32, #tpu.memory_space<hbm>> -> memref<1x16384xf32, #tpu.memory_space<hbm>>
        %dma_wait3A_42 = tpu.memref_squeeze %dma_wait3A_41 : memref<1x16384xf32, #tpu.memory_space<hbm>> -> memref<16384xf32, #tpu.memory_space<hbm>>
        %dma_wait3A_43 = arith.constant 0 : i32
        %dma_wait3A_44 = tpu.memref_slice %arg2[%mul3A_4, %dma_wait3A_43] : memref<32x16384xf32, #tpu.memory_space<hbm>> -> memref<1x16384xf32, #tpu.memory_space<hbm>>
        %dma_wait3A_45 = tpu.memref_squeeze %dma_wait3A_44 : memref<1x16384xf32, #tpu.memory_space<hbm>> -> memref<16384xf32, #tpu.memory_space<hbm>>
        tpu.wait_dma2 semaphore(%run_scoped3A : memref<!tpu.dma_semaphore, #tpu.memory_space<semaphore_mem>>) src(%dma_wait3A_45 : memref<16384xf32, #tpu.memory_space<hbm>>) dst(%arg4 : memref<16384xf32, #tpu.memory_space<vmem>>)
        tpu.yield
      }) : () -> ()
      %add3A_5 = arith.constant 1 : i32
      %add3A_6 = arith.addi %mul3A_4, %add3A_5 : i32
      "tpu.region"() ({
        %run_scoped3A = tpu.sem_alloc : memref<!tpu.dma_semaphore, #tpu.memory_space<semaphore_mem>>
        %dma_start3A = arith.constant 0 : i32
        %dma_start3A_36 = tpu.memref_slice %arg2[%add3A_6, %dma_start3A] : memref<32x16384xf32, #tpu.memory_space<hbm>> -> memref<1x16384xf32, #tpu.memory_space<hbm>>
        %dma_start3A_37 = tpu.memref_squeeze %dma_start3A_36 : memref<1x16384xf32, #tpu.memory_space<hbm>> -> memref<16384xf32, #tpu.memory_space<hbm>>
        %dma_start3A_38 = arith.constant 0 : i32
        %dma_start3A_39 = tpu.memref_slice %arg2[%add3A_6, %dma_start3A_38] : memref<32x16384xf32, #tpu.memory_space<hbm>> -> memref<1x16384xf32, #tpu.memory_space<hbm>>
        %dma_start3A_40 = tpu.memref_squeeze %dma_start3A_39 : memref<1x16384xf32, #tpu.memory_space<hbm>> -> memref<16384xf32, #tpu.memory_space<hbm>>
        tpu.enqueue_dma source(%dma_start3A_40 : memref<16384xf32, #tpu.memory_space<hbm>>) target(%arg5 : memref<16384xf32, #tpu.memory_space<vmem>>) target_semaphore(%run_scoped3A : memref<!tpu.dma_semaphore, #tpu.memory_space<semaphore_mem>>)
        %dma_wait3A = arith.constant 0 : i32
        %dma_wait3A_41 = tpu.memref_slice %arg2[%add3A_6, %dma_wait3A] : memref<32x16384xf32, #tpu.memory_space<hbm>> -> memref<1x16384xf32, #tpu.memory_space<hbm>>
        %dma_wait3A_42 = tpu.memref_squeeze %dma_wait3A_41 : memref<1x16384xf32, #tpu.memory_space<hbm>> -> memref<16384xf32, #tpu.memory_space<hbm>>
        %dma_wait3A_43 = arith.constant 0 : i32
        %dma_wait3A_44 = tpu.memref_slice %arg2[%add3A_6, %dma_wait3A_43] : memref<32x16384xf32, #tpu.memory_space<hbm>> -> memref<1x16384xf32, #tpu.memory_space<hbm>>
        %dma_wait3A_45 = tpu.memref_squeeze %dma_wait3A_44 : memref<1x16384xf32, #tpu.memory_space<hbm>> -> memref<16384xf32, #tpu.memory_space<hbm>>
        tpu.wait_dma2 semaphore(%run_scoped3A : memref<!tpu.dma_semaphore, #tpu.memory_space<semaphore_mem>>) src(%dma_wait3A_45 : memref<16384xf32, #tpu.memory_space<hbm>>) dst(%arg5 : memref<16384xf32, #tpu.memory_space<vmem>>)
        tpu.yield
      }) : () -> ()
      %iota3A = tpu.iota {dimensions = array<i32: 0>} : vector<16xi32>
      %convert_element_type3A_7 = arith.sitofp %iota3A : vector<16xi32> to vector<16xf32>
      %broadcast_in_dim3A = arith.constant 0.000000e+00 : f32
      %broadcast_in_dim3A_8 = vector.broadcast %broadcast_in_dim3A : f32 to vector<16xf32>
      %parallel_loop3A = arith.constant 0 : i32
      %parallel_loop3A_9 = arith.constant 8192 : i32
      %parallel_loop3A_10 = arith.constant 16 : i32
      %parallel_loop3A_11:4 = scf.for %parallel_loop3A_36 = %parallel_loop3A to %parallel_loop3A_9 step %parallel_loop3A_10 iter_args(%parallel_loop3A_37 = %broadcast_in_dim3A_8, %parallel_loop3A_38 = %broadcast_in_dim3A_8, %parallel_loop3A_39 = %broadcast_in_dim3A_8, %parallel_loop3A_40 = %broadcast_in_dim3A_8) -> (vector<16xf32>, vector<16xf32>, vector<16xf32>, vector<16xf32>)  : i32 {
        %parallel_loop3A_41 = arith.sitofp %parallel_loop3A_36 : i32 to f32
        %parallel_loop3A_42 = vector.broadcast %parallel_loop3A_41 : f32 to vector<16xf32>
        %parallel_loop3A_43 = arith.addf %parallel_loop3A_42, %convert_element_type3A_7 : vector<16xf32>
        %parallel_loop3A_44 = arith.constant 5.000000e-01 : f32
        %parallel_loop3A_45 = vector.broadcast %parallel_loop3A_44 : f32 to vector<16xf32>
        %parallel_loop3A_46 = arith.addf %parallel_loop3A_43, %parallel_loop3A_45 : vector<16xf32>
        %parallel_loop3A_47 = arith.constant 4.096000e+03 : f32
        %parallel_loop3A_48 = vector.broadcast %parallel_loop3A_47 : f32 to vector<16xf32>
        %parallel_loop3A_49 = arith.subf %parallel_loop3A_46, %parallel_loop3A_48 : vector<16xf32>
        %parallel_loop3A_50 = arith.constant 0.001953125 : f32
        %parallel_loop3A_51 = vector.broadcast %parallel_loop3A_50 : f32 to vector<16xf32>
        %parallel_loop3A_52 = arith.mulf %parallel_loop3A_49, %parallel_loop3A_51 : vector<16xf32>
        %parallel_loop3A_53 = arith.constant 0.000000e+00 : f32
        %parallel_loop3A_54 = vector.broadcast %parallel_loop3A_53 : f32 to vector<16xf32>
        %parallel_loop3A_55 = arith.subf %parallel_loop3A_54, %parallel_loop3A_52 : vector<16xf32>
        %parallel_loop3A_56 = math.exp %parallel_loop3A_55 : vector<16xf32>
        %parallel_loop3A_57 = arith.constant 1.000000e+00 : f32
        %parallel_loop3A_58 = vector.broadcast %parallel_loop3A_57 : f32 to vector<16xf32>
        %parallel_loop3A_59 = arith.addf %parallel_loop3A_58, %parallel_loop3A_56 : vector<16xf32>
        %parallel_loop3A_60 = arith.constant 1.000000e+00 : f32
        %parallel_loop3A_61 = vector.broadcast %parallel_loop3A_60 : f32 to vector<16xf32>
        %parallel_loop3A_62 = arith.divf %parallel_loop3A_61, %parallel_loop3A_59 : vector<16xf32>
        %parallel_loop3A_63 = arith.index_cast %parallel_loop3A_36 : i32 to index
        %parallel_loop3A_64 = tpu.vector_load %arg4[%parallel_loop3A_63] {strides = array<i32>} : memref<16384xf32, #tpu.memory_space<vmem>>, vector<16xf32>,
        %parallel_loop3A_65 = arith.index_cast %parallel_loop3A_36 : i32 to index
        %parallel_loop3A_66 = tpu.vector_load %arg5[%parallel_loop3A_65] {strides = array<i32>} : memref<16384xf32, #tpu.memory_space<vmem>>, vector<16xf32>,
        %parallel_loop3A_67 = arith.addf %parallel_loop3A_64, %parallel_loop3A_66 : vector<16xf32>
        %parallel_loop3A_68 = arith.constant 8192 : i32
        %parallel_loop3A_69 = arith.addi %parallel_loop3A_36, %parallel_loop3A_68 : i32
        %parallel_loop3A_70 = arith.index_cast %parallel_loop3A_69 : i32 to index
        %parallel_loop3A_71 = tpu.vector_load %arg4[%parallel_loop3A_70] {strides = array<i32>} : memref<16384xf32, #tpu.memory_space<vmem>>, vector<16xf32>,
        %parallel_loop3A_72 = arith.constant 8192 : i32
        %parallel_loop3A_73 = arith.addi %parallel_loop3A_36, %parallel_loop3A_72 : i32
        %parallel_loop3A_74 = arith.index_cast %parallel_loop3A_73 : i32 to index
        %parallel_loop3A_75 = tpu.vector_load %arg5[%parallel_loop3A_74] {strides = array<i32>} : memref<16384xf32, #tpu.memory_space<vmem>>, vector<16xf32>,
        %parallel_loop3A_76 = arith.addf %parallel_loop3A_71, %parallel_loop3A_75 : vector<16xf32>
        %parallel_loop3A_77 = arith.index_cast %parallel_loop3A_36 : i32 to index
        %parallel_loop3A_78 = tpu.vector_load %arg6[%parallel_loop3A_77] {strides = array<i32>} : memref<8192xf32, #tpu.memory_space<vmem>>, vector<16xf32>,
        tpu.vector_store %arg6[%parallel_loop3A_77], %parallel_loop3A_67 {strides = array<i32>} : memref<8192xf32, #tpu.memory_space<vmem>>, vector<16xf32>,
        %parallel_loop3A_79 = arith.index_cast %parallel_loop3A_36 : i32 to index
        %parallel_loop3A_80 = tpu.vector_load %arg7[%parallel_loop3A_79] {strides = array<i32>} : memref<8192xf32, #tpu.memory_space<vmem>>, vector<16xf32>,
        tpu.vector_store %arg7[%parallel_loop3A_79], %parallel_loop3A_62 {strides = array<i32>} : memref<8192xf32, #tpu.memory_space<vmem>>, vector<16xf32>,
        %parallel_loop3A_81 = arith.addf %parallel_loop3A_37, %parallel_loop3A_76 : vector<16xf32>
        %parallel_loop3A_82 = arith.mulf %parallel_loop3A_76, %parallel_loop3A_62 : vector<16xf32>
        %parallel_loop3A_83 = arith.addf %parallel_loop3A_39, %parallel_loop3A_82 : vector<16xf32>
        scf.yield %parallel_loop3A_38, %parallel_loop3A_81, %parallel_loop3A_40, %parallel_loop3A_83 : vector<16xf32>, vector<16xf32>, vector<16xf32>, vector<16xf32>
      } {sc.loop_unroll_factor = 4 : i64, sc.parallel_access}
      %add3A_12 = arith.addf %parallel_loop3A_11#0, %parallel_loop3A_11#1 : vector<16xf32>
      %reduce_sum3A = arith.constant true
      %reduce_sum3A_13 = vector.broadcast %reduce_sum3A : i1 to vector<16xi1>
      %reduce_sum3A_14 = tpu.scan <sum>, %add3A_12 masked %reduce_sum3A_13 : vector<16xf32>, vector<16xi1> -> vector<16xf32>
      %reduce_sum3A_15 = vector.extract %reduce_sum3A_14[15] : f32 from vector<16xf32>
      %add3A_16 = arith.addf %parallel_loop3A_11#2, %parallel_loop3A_11#3 : vector<16xf32>
      %reduce_sum3A_17 = arith.constant true
      %reduce_sum3A_18 = vector.broadcast %reduce_sum3A_17 : i1 to vector<16xi1>
      %reduce_sum3A_19 = tpu.scan <sum>, %add3A_16 masked %reduce_sum3A_18 : vector<16xf32>, vector<16xi1> -> vector<16xf32>
      %reduce_sum3A_20 = vector.extract %reduce_sum3A_19[15] : f32 from vector<16xf32>
      %scan3A = arith.constant 0.000000e+00 : f32
      %scan3A_21 = arith.constant 0 : i32
      %scan3A_22 = arith.constant 512 : i32
      %scan3A_23 = arith.addi %scan3A_21, %scan3A_22 : i32
      %scan3A_24 = arith.constant 1 : i32
      %scan3A_25:2 = scf.for %scan3A_36 = %scan3A_21 to %scan3A_23 step %scan3A_24 iter_args(%scan3A_37 = %scan3A, %scan3A_38 = %broadcast_in_dim3A_8) -> (f32, vector<16xf32>)  : i32 {
        %mul3A_39 = arith.constant 16 : i32
        %mul3A_40 = arith.muli %scan3A_36, %mul3A_39 : i32
        %sub3A_41 = arith.constant 8176 : i32
        %sub3A_42 = arith.subi %sub3A_41, %mul3A_40 : i32
        %get3A = arith.index_cast %sub3A_42 : i32 to index
        %get3A_43 = tpu.vector_load %arg6[%get3A] {strides = array<i32>} : memref<8192xf32, #tpu.memory_space<vmem>>, vector<16xf32>,
        %rev3A = arith.constant 15 : i32
        %rev3A_44 = vector.broadcast %rev3A : i32 to vector<16xi32>
        %rev3A_45 = tpu.iota {dimensions = array<i32: 0>} : vector<16xi32>
        %rev3A_46 = arith.subi %rev3A_44, %rev3A_45 : vector<16xi32>
        %rev3A_47 = tpu.dynamic_gather %get3A_43[%rev3A_46] in [0] : vector<16xf32>, vector<16xi32> -> vector<16xf32>
        %get3A_48 = arith.index_cast %sub3A_42 : i32 to index
        %get3A_49 = tpu.vector_load %arg7[%get3A_48] {strides = array<i32>} : memref<8192xf32, #tpu.memory_space<vmem>>, vector<16xf32>,
        %rev3A_50 = arith.constant 15 : i32
        %rev3A_51 = vector.broadcast %rev3A_50 : i32 to vector<16xi32>
        %rev3A_52 = tpu.iota {dimensions = array<i32: 0>} : vector<16xi32>
        %rev3A_53 = arith.subi %rev3A_51, %rev3A_52 : vector<16xi32>
        %rev3A_54 = tpu.dynamic_gather %get3A_49[%rev3A_53] in [0] : vector<16xf32>, vector<16xi32> -> vector<16xf32>
        %broadcast_in_dim3A_55 = arith.constant true
        %broadcast_in_dim3A_56 = vector.broadcast %broadcast_in_dim3A_55 : i1 to vector<16xi1>
        %masked_cumsum3A = tpu.scan <sum>, %rev3A_47 masked %broadcast_in_dim3A_56 : vector<16xf32>, vector<16xi1> -> vector<16xf32>
        %add3A_57 = vector.broadcast %scan3A_37 : f32 to vector<16xf32>
        %add3A_58 = arith.addf %add3A_57, %masked_cumsum3A : vector<16xf32>
        %sub3A_59 = arith.subf %add3A_58, %rev3A_47 : vector<16xf32>
        %add3A_60 = vector.broadcast %reduce_sum3A_15 : f32 to vector<16xf32>
        %add3A_61 = arith.addf %add3A_60, %sub3A_59 : vector<16xf32>
        %max3A = arith.constant 1.000000e+00 : f32
        %max3A_62 = vector.broadcast %max3A : f32 to vector<16xf32>
        %max3A_63 = arith.maximumf %add3A_61, %max3A_62 : vector<16xf32>
        %div3A = arith.divf %sub3A_59, %max3A_63 : vector<16xf32>
        %add3A_64 = arith.addf %sub3A_59, %rev3A_47 : vector<16xf32>
        %add3A_65 = vector.broadcast %reduce_sum3A_15 : f32 to vector<16xf32>
        %add3A_66 = arith.addf %add3A_65, %sub3A_59 : vector<16xf32>
        %add3A_67 = arith.addf %add3A_66, %rev3A_47 : vector<16xf32>
        %max3A_68 = arith.constant 1.000000e+00 : f32
        %max3A_69 = vector.broadcast %max3A_68 : f32 to vector<16xf32>
        %max3A_70 = arith.maximumf %add3A_67, %max3A_69 : vector<16xf32>
        %div3A_71 = arith.divf %add3A_64, %max3A_70 : vector<16xf32>
        %add3A_72 = arith.constant 1.000000e+00 : f32
        %add3A_73 = vector.broadcast %add3A_72 : f32 to vector<16xf32>
        %add3A_74 = arith.addf %add3A_73, %rev3A_54 : vector<16xf32>
        %sub3A_75 = arith.subf %div3A_71, %div3A : vector<16xf32>
        %mul3A_76 = arith.mulf %add3A_74, %sub3A_75 : vector<16xf32>
        %add3A_77 = arith.addf %scan3A_38, %mul3A_76 : vector<16xf32>
        %reduce_sum3A_78 = arith.constant true
        %reduce_sum3A_79 = vector.broadcast %reduce_sum3A_78 : i1 to vector<16xi1>
        %reduce_sum3A_80 = tpu.scan <sum>, %get3A_43 masked %reduce_sum3A_79 : vector<16xf32>, vector<16xi1> -> vector<16xf32>
        %reduce_sum3A_81 = vector.extract %reduce_sum3A_80[15] : f32 from vector<16xf32>
        %add3A_82 = arith.addf %scan3A_37, %reduce_sum3A_81 : f32
        scf.yield %add3A_82, %add3A_77 : f32, vector<16xf32>
      }
      %scan3A_26 = arith.constant 512 : i32
      %reduce_sum3A_27 = arith.constant true
      %reduce_sum3A_28 = vector.broadcast %reduce_sum3A_27 : i1 to vector<16xi1>
      %reduce_sum3A_29 = tpu.scan <sum>, %scan3A_25#1 masked %reduce_sum3A_28 : vector<16xf32>, vector<16xi1> -> vector<16xf32>
      %reduce_sum3A_30 = vector.extract %reduce_sum3A_29[15] : f32 from vector<16xf32>
      %sub3A = arith.subf %reduce_sum3A_15, %reduce_sum3A_20 : f32
      %mul3A_31 = arith.constant 3.81469727E-6 : f32
      %mul3A_32 = arith.mulf %sub3A, %mul3A_31 : f32
      %add3A_33 = arith.addf %reduce_sum3A_30, %mul3A_32 : f32
      %broadcast_in_dim3A_34 = vector.broadcast %add3A_33 : f32 to vector<16xf32>
      %swap3A = arith.constant 0 : index
      %swap3A_35 = tpu.vector_load %arg8[%swap3A] {strides = array<i32>} : memref<16xf32, #tpu.memory_space<vmem>>, vector<16xf32>,
      tpu.vector_store %arg8[%swap3A], %broadcast_in_dim3A_34 {strides = array<i32>} : memref<16xf32, #tpu.memory_space<vmem>>, vector<16xf32>,
      "tpu.region"() ({
        %run_scoped3A = tpu.sem_alloc : memref<!tpu.dma_semaphore, #tpu.memory_space<semaphore_mem>>
        %dma_start3A = arith.constant 0 : i32
        %dma_start3A_36 = tpu.memref_slice %arg3[%add3A, %dma_start3A] : memref<16x16xf32, #tpu.memory_space<hbm>> -> memref<1x16xf32, #tpu.memory_space<hbm>>
        %dma_start3A_37 = tpu.memref_squeeze %dma_start3A_36 : memref<1x16xf32, #tpu.memory_space<hbm>> -> memref<16xf32, #tpu.memory_space<hbm>>
        %dma_start3A_38 = arith.constant 0 : i32
        %dma_start3A_39 = tpu.memref_slice %arg3[%add3A, %dma_start3A_38] : memref<16x16xf32, #tpu.memory_space<hbm>> -> memref<1x16xf32, #tpu.memory_space<hbm>>
        %dma_start3A_40 = tpu.memref_squeeze %dma_start3A_39 : memref<1x16xf32, #tpu.memory_space<hbm>> -> memref<16xf32, #tpu.memory_space<hbm>>
        tpu.enqueue_dma source(%arg8 : memref<16xf32, #tpu.memory_space<vmem>>) target(%dma_start3A_40 : memref<16xf32, #tpu.memory_space<hbm>>) target_semaphore(%run_scoped3A : memref<!tpu.dma_semaphore, #tpu.memory_space<semaphore_mem>>)
        %dma_wait3A = arith.constant 0 : i32
        %dma_wait3A_41 = tpu.memref_slice %arg3[%add3A, %dma_wait3A] : memref<16x16xf32, #tpu.memory_space<hbm>> -> memref<1x16xf32, #tpu.memory_space<hbm>>
        %dma_wait3A_42 = tpu.memref_squeeze %dma_wait3A_41 : memref<1x16xf32, #tpu.memory_space<hbm>> -> memref<16xf32, #tpu.memory_space<hbm>>
        %dma_wait3A_43 = arith.constant 0 : i32
        %dma_wait3A_44 = tpu.memref_slice %arg3[%add3A, %dma_wait3A_43] : memref<16x16xf32, #tpu.memory_space<hbm>> -> memref<1x16xf32, #tpu.memory_space<hbm>>
        %dma_wait3A_45 = tpu.memref_squeeze %dma_wait3A_44 : memref<1x16xf32, #tpu.memory_space<hbm>> -> memref<16xf32, #tpu.memory_space<hbm>>
        tpu.wait_dma2 semaphore(%run_scoped3A : memref<!tpu.dma_semaphore, #tpu.memory_space<semaphore_mem>>) src(%arg8 : memref<16xf32, #tpu.memory_space<vmem>>) dst(%dma_wait3A_45 : memref<16xf32, #tpu.memory_space<hbm>>)
        tpu.yield
      }) : () -> ()
    } else {
    }
    return
  }
}

</mosaic_0001>

<sc_bundles>
// kernel: _sc_losses.4.cloned.1.call-start
scs
__scs_entry_jumppad:
0x0: {  	(pc) =	sbr.rel $0x88, $3  }
0x1: {  	(tag) =	ssettag $0x0;
	lr =	simm.s32 $0x1  }
0x2: {  	[smem:$0x3F9F] =	sst lr;
	_ =	strace $0xD0000000  }
0x3: {  	_ = 	snop  }
0x4: {  	_ = 	snop  }
0x5: {  	_ = 	snop  }
0x6: {  	_ = 	snop  }
0x7: {  	_ = 	snop  }
__scs_overlays_trampoline_lowered:
0x8: {  	[smem:$0x3FAE] =	sst s0  }
0x9: {  	[smem:$0x3FAF] =	sst s1  }
0xa: {  	[smem:$0x3FB0] =	sst s2  }
0xb: {  	[smem:$0x3FB1] =	sst s3  }
0xc: {  	[smem:$0x3FB2] =	sst s4  }
0xd: {  	[smem:$0x3FB3] =	sst s5  }
0xe: {  	[smem:$0x3FB4] =	sst s6  }
0xf: {  	[smem:$0x3FB5] =	sst s7  }
0x10: {  	[smem:$0x3FB6] =	sst s8  }
0x11: {  	[smem:$0x3FB7] =	sst s9;
	s0 =	simm.s32 @!p0 $0x0  }
0x12: {  	s1 =	sld [smem:$0x3F9D];
	s0 =	simm.s32 @p0 $0x1  }
0x13: {  	[smem:$0x3FB8] =	sst s0;
	s0 =	simm.s32 @!p1 $0x0  }
0x14: {  	s2 =	sld [smem:$0x3F9C];
	s0 =	simm.s32 @p1 $0x1  }
0x15: {  	[smem:$0x3FB9] =	sst s0;
	s0 =	simm.s32 @!p2 $0x0  }
0x16: {  	s3 =	sld [smem:$0x3FDB];
	s0 =	simm.s32 @p2 $0x1  }
0x17: {  	s4 =	simm.s32 $0x1BF5;
	[smem:$0x3FBB] =	sst s0  }
0x18: {  	s0 =	sld [smem:$0x3F9E];
	_ =	swait.ge [sflag:s4], $0x0  }
0x19: {  	s7 =	sld [smem:$0x3F9F]  }
0x1a: {  	s8 =	sadd.s32 $0xFFFFE003, lr  }
0x1b: {  	s9 =	sadd.s32 $0xFFFFFEF7, lr;
	s5 =	simm.s32 $0xFFFFFFFF;
	p2 =	slt.u32 s8, $0xFFFFF086  }
0x1c: {  	p1 =	slt.u32 s9, $0xF7A;
	s5 =	simm.s32 @!p2 $0x0  }
0x1d: {  	s5 =	simm.s32 @p1 $0x1;
	p0 =	seq.s32 s7, s2  }
0x1e: {  	s7 =	smul.u32 @!p0 $0xF7A, s2;
	p2 =	seq.s32 @!p0 s5, $0x0  }
0x1f: {  	s9 =	smul.u32 $0xF7A, s1;
	s8 =	simm.s32 @!p0 $0x1BF5;
	p2 =	por !p2, p0  }
0x20: {  	[sflag:s8] =	ssyncset.s32 @!p0 $0xFFFFF086;
	s6 =	sadd.s32 @!p0 s3, s7;
	s7 =	simm.s32 @!p0 $0x108  }
0x21: {  	s3 =	sadd.s32 s3, s9;
	s6 =	sadd.s32 @!p0 $0x88, s6;
	s7 =	simm.s32 @p2 $0x1082  }
0x22: {  	[simem:s7], [sflag:s8] =	dma.local @!p0 [hbm:s6], $0xF7A  }
0x23: {  	s9 =	sor.u32 $0xD0000000, s2;
	s6 =	simm.s32 $0x108;
	_ =	swait.ge @!p0 [sflag:s8], $0x0  }
0x24: {  	s3 =	sadd.s32 $0x88, s3;
	s6 =	simm.s32 @!p1 $0x1082;
	[sflag:s4] =	ssyncset.s32 $0xFFFFF086  }
0x25: {  	[simem:s6], [sflag:s4] =	dma.local [hbm:s3], $0xF7A  }
0x26: {  	[smem:$0x3F9F] =	sst s1;
	(tag) =	ssettag s2;
	_ =	strace s9  }
0x27: {  	s1 =	sld [smem:$0x3FAF]  }
0x28: {  	s2 =	sld [smem:$0x3FB0]  }
0x29: {  	s4 =	sld [smem:$0x3FB2]  }
0x2a: {  	p0 =	seq.s32 s5, $0x0;
	s5 =	sld [smem:$0x3FB3]  }
0x2b: {  	s6 =	sld [smem:$0x3FB4]  }
0x2c: {  	s7 =	sld [smem:$0x3FB5]  }
0x2d: {  	s3 =	simm.s32 $0x108;
	s8 =	sld [smem:$0x3FB6]  }
0x2e: {  	s3 =	simm.s32 @!p0 $0x1082;
	s9 =	sld [smem:$0x3FB7]  }
0x2f: {  	lr =	sadd.s32 s0, s3;
	s0 =	sld [smem:$0x3FAE]  }
0x30: {  	s3 =	sld [smem:$0x3FB1]  }
0x31: {  	[smem:$0x3FBA] =	sst s10  }
0x32: {  	s10 =	sld [smem:$0x3FB8];
	_ =	sdelay $0x3  }
0x33: {  	p0 =	seq.s32 s10, $0x1;
	s10 =	sld [smem:$0x3FBA];
	_ =	sdelay $0x3  }
0x34: {  	[smem:$0x3FBA] =	sst s10  }
0x35: {  	s10 =	sld [smem:$0x3FB9];
	_ =	sdelay $0x3  }
0x36: {  	p1 =	seq.s32 s10, $0x1;
	s10 =	sld [smem:$0x3FBA];
	_ =	sdelay $0x3  }
0x37: {  	[smem:$0x3FBA] =	sst s10  }
0x38: {  	s10 =	sld [smem:$0x3FBB]  }
0x39: {  	_ = 	snop;
	(pc) =	sbr.ind lr, $3  }
0x3a: {  	_ = 	snop  }
0x3b: {  	_ = 	snop  }
0x3c: {  	p2 =	seq.s32 s10, $0x1;
	s10 =	sld [smem:$0x3FBA]  }
0x3d: {  	_ =	shalt  }
0x3e: {  	_ =	shalt  }
0x3f: {  	_ =	shalt  }
0x40: {  	_ =	shalt  }
0x41: {  	_ =	shalt  }
0x42: {  	_ =	shalt  }
0x43: {  	_ =	shalt  }
0x44: {  	_ =	shalt  }
0x45: {  	_ =	shalt  }
0x46: {  	_ =	shalt  }
0x47: {  	_ =	shalt  }
0x48: {  	_ =	shalt  }
0x49: {  	_ =	shalt  }
0x4a: {  	_ =	shalt  }
0x4b: {  	_ =	shalt  }
0x4c: {  	_ =	shalt  }
0x4d: {  	_ =	shalt  }
0x4e: {  	_ =	shalt  }
0x4f: {  	_ =	shalt  }
0x50: {  	_ =	shalt  }
0x51: {  	_ =	shalt  }
0x52: {  	_ =	shalt  }
0x53: {  	_ =	shalt  }
0x54: {  	_ =	shalt  }
0x55: {  	_ =	shalt  }
0x56: {  	_ =	shalt  }
0x57: {  	_ =	shalt  }
0x58: {  	_ =	shalt  }
0x59: {  	_ =	shalt  }
0x5a: {  	_ =	shalt  }
0x5b: {  	_ =	shalt  }
0x5c: {  	_ =	shalt  }
0x5d: {  	_ =	shalt  }
0x5e: {  	_ =	shalt  }
0x5f: {  	_ =	shalt  }
0x60: {  	_ =	shalt  }
0x61: {  	_ =	shalt  }
0x62: {  	_ =	shalt  }
0x63: {  	_ =	shalt  }
0x64: {  	_ =	shalt  }
0x65: {  	_ =	shalt  }
0x66: {  	_ =	shalt  }
0x67: {  	_ =	shalt  }
0x68: {  	_ =	shalt  }
0x69: {  	_ =	shalt  }
0x6a: {  	_ =	shalt  }
0x6b: {  	_ =	shalt  }
0x6c: {  	_ =	shalt  }
0x6d: {  	_ =	shalt  }
0x6e: {  	_ =	shalt  }
0x6f: {  	_ =	shalt  }
0x70: {  	_ =	shalt  }
0x71: {  	_ =	shalt  }
0x72: {  	_ =	shalt  }
0x73: {  	_ =	shalt  }
0x74: {  	_ =	shalt  }
0x75: {  	_ =	shalt  }
0x76: {  	_ =	shalt  }
0x77: {  	_ =	shalt  }
0x78: {  	_ =	shalt  }
0x79: {  	_ =	shalt  }
0x7a: {  	_ =	shalt  }
0x7b: {  	_ =	shalt  }
0x7c: {  	_ =	shalt  }
0x7d: {  	_ =	shalt  }
0x7e: {  	_ =	shalt  }
0x7f: {  	_ =	shalt  }
0x80: {  	_ =	shalt  }
0x81: {  	_ =	shalt  }
0x82: {  	_ =	shalt  }
0x83: {  	_ =	shalt  }
0x84: {  	_ =	shalt  }
0x85: {  	_ =	shalt  }
0x86: {  	_ =	shalt  }
0x87: {  	_ =	shalt  }
.Lfunc_end0:
.L_simem_size_0:
called_computation_lowered:
.L_overlay_start_0:
0x88: {  	s2 =	sld [smem:$0x3FD9]  }
0x89: {  	s3 =	sld [smem:$0x3FFE];
	_ =	sdelay $0x1  }
0x8a: {  	s1 =	srdreg.scid  }
0x8b: {  	s0 =	sand.u32 $0x1, s1  }
0x8c: {  	s17 =	sshll.u32 s0, $0xA;
	s2 =	sadd.s32 s3, s2  }
0x8d: {  	s2 =	sadd.s32 s2, s17  }
0x8e: {  	[smem:$0x3FC6] =	sst s2  }
0x8f: {  	_ = 	snop  }
0x90: {  	s2 =	sld [smem:$0x3FC9]  }
0x91: {  	s18 =	sld [smem:$0x3FC8];
	(tm) =	ssettm $0x1  }
0x92: {  	s4 =	sld [smem:$0x3FFB];
	_ =	sdelay $0x3  }
0x93: {  	_ =	strace s4  }
0x94: {  	s4 =	sld [smem:$0x3FFC];
	_ =	sdelay $0x3  }
0x95: {  	_ =	strace s4  }
0x96: {  	s4 =	sld [smem:$0x3FFD];
	_ =	sdelay $0x3  }
0x97: {  	_ =	strace s4  }
0x98: {  	_ =	strace $0x8FFFFFFF  }
0x99: {  	s19 =	sld [smem:$0x3FDB];
	_ =	sdelay $0x1  }
0x9a: {  	s5 =	simm.s32 $_scs_section_size  }
0x9b: {  	s6 =	simm.s32 $_size__tile_overlayer_lowered;
	s7 =	simm.s32 $_tile_overlayer_lowered  }
0x9c: {  	s22 =	simm.s32 $0x1BFF;
	s21 =	sshll.u32 s7, $0x1;
	s4 =	sadd.s32 s5, s19  }
0x9d: {  	s8 =	simm.s32 $0x0;
	s20 =	sshll.u32 s6, $0x1;
	s6 =	sadd.s32 s21, s4  }
0x9e: {  	[timem:s8], [sflag:s22] =	dma.local [hbm:s6], s20  }
0x9f: {  	_ =	swait.ge [sflag:s22], s20  }
0xa0: {  	s5 =	ssub.s32 $0x0, s20;
	[sflag:s22] =	ssyncset.done $0x0  }
0xa1: {  	[sflag:s22] =	ssyncadd.s32 s5;
	_ =	sdelay $0x1  }
0xa2: {  	s23 =	simm.s32 $0x1B8B  }
0xa3: {  	_ =	swait.ge [sflag:s23], $0x1  }
0xa4: {  	[sflag:s23] =	ssyncset.done $0x0  }
0xa5: {  	s25 =	simm.s32 $0x1B8E;
	s24 =	sld [smem:$0x3FFE];
	[sflag:s23] =	ssyncadd.s32 $0xFFFFFFFF  }
0xa6: {  	s26 =	simm.s32 $execute0_lowered;
	[smem:$0x3FD2] =	sst s25  }
0xa7: {  	s6 =	sshll.u32 s26, $0x1;
	_ =	strace $0x80000046;
	[dreg:$0x1] =	wrdreg $0xFFFFFFFF  }
0xa8: {  	s28 =	simm.s32 $_size_execute0_lowered;
	s4 =	sadd.s32 s4, s6;
	[dreg:$0x0] =	wrdreg $0x0  }
0xa9: {  	s6 =	sshll.u32 s28, $0x1;
	[dreg:$0x2] =	wrdreg s4  }
0xaa: {  	[dreg:$0x3] =	wrdreg s6  }
0xab: {  	[dreg:$0x4] =	wrdreg $0xC0  }
0xac: {  	_ =	task [dreg:s8], $0x5FFFF  }
0xad: {  	[dreg:$0x1] =	wrdreg $0xFFFFFFFF  }
0xae: {  	[dreg:$0x0] =	wrdreg $0x60  }
0xaf: {  	[dreg:$0x2] =	wrdreg s2  }
0xb0: {  	[dreg:$0x3] =	wrdreg s18  }
0xb1: {  	[dreg:$0x4] =	wrdreg s24  }
0xb2: {  	[dreg:$0x5] =	wrdreg $0x9  }
0xb3: {  	_ =	task.clear_ibuf [dreg:s8], $0x6FFFF;
	_ =	strace $0x90000046  }
0xb4: {  	s29 =	simm.s32 $0x9;
	_ =	strace $0x80000048  }
0xb5: {  	_ =	swait.ge [sflag:s29], $0x1  }
0xb6: {  	[sflag:s29] =	ssyncadd.s32 $0xFFFFFFFF  }
0xb7: {  	_ =	strace $0x90000048  }
0xb8: {  	_ =	sfence  }
0xb9: {  	s30 =	sld [smem:$0x0];
	_ =	sdelay $0x2  }
0xba: {  	s31 =	sshll.u32 s1, $0xD;
	s1 =	sshrl.u32 s1, $0x2  }
0xbb: {  	s3 =	sand.u32 $0x4000, s31;
	s1 =	sadd.s32 s1, s30  }
0xbc: {  	s0 =	sor.u32 s3, s0;
	s1 =	sshll.u32 s1, $0x11  }
0xbd: {  	s0 =	sor.u32 s1, s0  }
0xbe: {  	s0 =	sadd.s32 $0x8F2B, s0  }
0xbf: {  	[sflag:s0] =	ssyncadd.remote.s32 $0x1  }
0xc0: {  	_ =	sfence.sel $0xFFFF  }
0xc1: {  	[dreg:$0x0] =	wrdreg $0xFFFFFFFF;
	(pc) =	sbr.abs _section_cstart, $3  }
0xc2: {  	[dreg:$0x1] =	wrdreg $0xFFFFFFFF  }
0xc3: {  	_ =	task.clear_ibuf [dreg:s8], $0x2FFFF;
	_ =	strace $0x9FFFFFFF  }
0xc4: {  	(tm) =	ssettm $0x7FFFFFFF  }
0xc5: {  	_ =	shalt  }
tec
execute0_lowered:
.L_overlay_start_1:
0x0: {  	(tag) =	ssettag $0x1  }
0x1: {  	s0 =	srdreg.scid  }
0x2: {  	s4 =	stileid.u32;
	s3 =	rddreg [dreg:$0x0]  }
0x3: {  	s6 =	rddreg [dreg:$0x2];
	s0 =	sand.u32 $0x1, s0;
	s2 =	sshll.u32 s4, $0xE  }
0x4: {  	s13 =	sshll.u32 s4, $0x7;
	s4 =	rddreg [dreg:$0x1];
	s1 =	sshll.u32 s0, $0x12  }
0x5: {  	s0 =	ssub.s32 $0x2, s0;
	s2 =	sor.u32 s2, s1;
	s1 =	simm.s32 $0x0  }
0x6: {  	s14 =	sshrl.u32 s0, $0x1;
	s5 =	sor.u32 s13, s2;
	[smem:$0x7FF] =	sst s1  }
0x7: {  	s7 =	sor.u32 $0x400, s2;
	s16 =	sor.u32 $0x800, s2;
	s18 =	sor.u32 $0xC00, s2  }
0x8: {  	s20 =	sor.u32 $0x1000, s2;
	s22 =	sor.u32 $0x1400, s2;
	s15 =	sadd.s32 s3, s7  }
0x9: {  	s24 =	sor.u32 $0x1800, s2;
	s7 =	sadd.s32 s4, s7;
	[dreg:$0x4] =	wrdreg s15  }
0xa: {  	s26 =	sor.u32 $0x1C00, s2;
	s17 =	sadd.s32 s3, s16;
	[dreg:$0x5] =	wrdreg s7  }
0xb: {  	s9 =	sor.u32 $0x2000, s2;
	s19 =	sadd.s32 s3, s18;
	[dreg:$0x6] =	wrdreg s17  }
0xc: {  	s11 =	sor.u32 $0x2400, s2;
	s21 =	sadd.s32 s3, s20;
	[dreg:$0x8] =	wrdreg s19  }
0xd: {  	s13 =	sor.u32 $0x2800, s2;
	s23 =	sadd.s32 s3, s22;
	[dreg:$0xa] =	wrdreg s21  }
0xe: {  	s30 =	sadd.s32 s3, s2;
	s25 =	sadd.s32 s3, s24;
	[dreg:$0xc] =	wrdreg s23  }
0xf: {  	s5 =	sand.u32 $0x60380, s5;
	s8 =	sadd.s32 s3, s26;
	[dreg:$0xe] =	wrdreg s25  }
0x10: {  	s10 =	sadd.s32 s3, s9;
	s12 =	sadd.s32 s3, s11;
	[dreg:$0x10] =	wrdreg s8  }
0x11: {  	s5 =	sshrl.u32 s5, $0x3;
	s7 =	sadd.s32 s4, s18;
	[dreg:$0x12] =	wrdreg s10  }
0x12: {  	[dreg:$0x14] =	wrdreg s12;
	s19 =	sadd.s32 s4, s11;
	s21 =	sadd.s32 s4, s13  }
0x13: {  	s15 =	sor.u32 $0x3000, s2;
	s17 =	sor.u32 $0x3800, s2;
	s18 =	sor.u32 $0x3C00, s2  }
0x14: {  	s8 =	simm.s32 $0x6000;
	s10 =	simm.s32 $0x2;
	s11 =	simm.s32 $0x8000  }
0x15: {  	s12 =	simm.s32 $0x3;
	s5 =	sadd.s32 s5, s6;
	s6 =	ssub.s32 s0, s14  }
0x16: {  	s0 =	sadd.s32 s4, s16;
	[dreg:$0x9] =	wrdreg s7;
	s7 =	sadd.s32 s4, s22  }
0x17: {  	s14 =	sor.u32 $0x2C00, s2;
	s16 =	sor.u32 $0x3400, s2;
	s25 =	sadd.s32 s4, s15  }
0x18: {  	s29 =	sadd.s32 s3, s17;
	s31 =	sadd.s32 s4, s17;
	[dreg:$0x7] =	wrdreg s0  }
0x19: {  	s0 =	sadd.s32 s4, s20;
	[dreg:$0xd] =	wrdreg s7;
	s7 =	sadd.s32 s4, s26  }
0x1a: {  	s20 =	sadd.s32 s3, s13;
	s22 =	sadd.s32 s3, s14;
	s23 =	sadd.s32 s4, s14  }
0x1b: {  	s26 =	sadd.s32 s3, s16;
	s28 =	sadd.s32 s4, s16;
	[dreg:$0xb] =	wrdreg s0  }
0x1c: {  	s0 =	sadd.s32 s4, s24;
	[dreg:$0x11] =	wrdreg s7;
	s24 =	sadd.s32 s3, s15  }
0x1d: {  	s7 =	simm.s32 $0x2000;
	[dreg:$0xf] =	wrdreg s0;
	s0 =	sadd.s32 s4, s9  }
0x1e: {  	s9 =	simm.s32 $0x1;
	[dreg:$0x13] =	wrdreg s0;
	s0 =	sadd.s32 s4, s2  }
0x1f: {  	s2 =	sadd.s32 s3, s18;
	s3 =	sadd.s32 s4, s18;
	s4 =	sadd.s32 $0x800, s5  }
0x20: {  	v0 =	vimm.f32 $0.0e+00;
	v1 =	vimm.f32 $1.000000000e+00;
	s5 =	smax.u32 s6, $0x1;
	s6 =	simm.s32 $0x4000;
	_ =	strace $0x80000047  }
.LBB2_1:
0x21: {  	s13 =	simm.s32 $0x8020  }
0x22: {  	[tilespmem:s13+$0xFFFFFFE0] =	vst v0  }
0x23: {  	[tilespmem:s13+$0x10] =	vst v0  }
0x24: {  	s14 =	simm.s32 $0x0;
	[tilespmem:s13+$0x0] =	vst v0  }
.LBB2_2:
0x25: {  	s14 =	sadd.s32 $0x40, s14  }
0x26: {  	[tilespmem:s13+$0xFFFFFFF0] =	vst v0;
	s13 =	sadd.s32 $0x40, s13;
	p0 =	slt.u32 s14, $0x3FC0  }
.Ltmp0:
0x27: {  	[tilespmem:s13+$0xFFFFFFE0] =	vst v0;
	(pc) =	sbr.rel @p0 .LBB2_2-.Ltmp0, $3  }
0x28: {  	_ =	sdelay $0x1  }
0x29: {  	[tilespmem:s13+$0x10] =	vst v0  }
0x2a: {  	[tilespmem:s13+$0x0] =	vst v0  }
0x2b: {  	[tilespmem:s13+$0xFFFFFFF0] =	vst v0;
	s18 =	simm.s32 $0x0  }
0x2c: {  	[tilespmem:s18], [sflag:$0x1] =	stream.linear.gather [hbm4b:s30+s18], $0x2000, $0x38;
	[tilespmem:$0xC000] =	vst v63  }
0x2d: {  	_ = 	snop  }
0x2e: {  	[tilespmem:s6], [sflag:$0x2] =	stream.linear.gather [hbm4b:s0+s18], $0x2000, $0x38;
	[tilespmem:$0xC000] =	vst v63  }
0x2f: {  	s14 =	rddreg [dreg:$0x4]  }
0x30: {  	[tilespmem:s7], [sflag:$0x1] =	stream.linear.gather [hbm4b:s14+s18], $0x2000, $0x38;
	[tilespmem:$0xC000] =	vst v63  }
0x31: {  	s15 =	rddreg [dreg:$0x5]  }
0x32: {  	[tilespmem:s8], [sflag:$0x2] =	stream.linear.gather [hbm4b:s15+s18], $0x2000, $0x38;
	[tilespmem:$0xC000] =	vst v63  }
0x33: {  	_ =	swait.ge [sflag:s9], $0x2000  }
0x34: {  	[sflag:s9] =	ssyncset.done $0x0  }
0x35: {  	s16 =	simm.s32 $0x0;
	[sflag:s9] =	ssyncadd.s32 $0xFFFFE000  }
0x36: {  	s14 =	sand.u32 $0x1000, s16;
	s15 =	sand.u32 $0xC00, s18;
	_ =	swait.ge [sflag:s10], $0x2000  }
0x37: {  	s13 =	sand.u32 $0x380, s18;
	s14 =	sor.u32 s14, s15;
	[sflag:s10] =	ssyncset.done $0x0  }
0x38: {  	s16 =	sor.u32 s13, s14;
	[sflag:s10] =	ssyncadd.s32 $0xFFFFE000  }
0x39: {  	v2 =	vld [tilespmem:s16+$0x70]  }
0x3a: {  	v3 =	vld [tilespmem:s16+$0x0]  }
0x3b: {  	v4 =	vld [tilespmem:s16+$0x10]  }
0x3c: {  	v5 =	vld [tilespmem:s16+$0x20]  }
0x3d: {  	v6 =	vld [tilespmem:s16+$0x30]  }
0x3e: {  	v7 =	vld [tilespmem:s16+$0x40]  }
0x3f: {  	v8 =	vld [tilespmem:s16+$0x50]  }
0x40: {  	v9 =	vld [tilespmem:s16+$0x60]  }
0x41: {  	v10 =	vld [tilespmem:s16+$0x4070]  }
0x42: {  	v11 =	vld [tilespmem:s16+$0x4000]  }
0x43: {  	v13 =	vld [tilespmem:s16+$0x4030]  }
0x44: {  	v14 =	vld [tilespmem:s16+$0x4040];
	v2 =	vmul.f32 $5.120000000e+02, v2;
	v3 =	vmul.f32 $5.120000000e+02, v3  }
0x45: {  	v4 =	vmul.f32 $5.120000000e+02, v4;
	v5 =	vmul.f32 $5.120000000e+02, v5  }
0x46: {  	v6 =	vmul.f32 $5.120000000e+02, v6;
	v7 =	vmul.f32 $5.120000000e+02, v7;
	v2 =	vadd.f32 $4.096000000e+03, v2  }
0x47: {  	v15 =	vld [tilespmem:s16+$0x4050];
	v8 =	vmul.f32 $5.120000000e+02, v8;
	v9 =	vmul.f32 $5.120000000e+02, v9;
	v10 =	vshll.u32 v10, $0xD  }
0x48: {  	v11 =	vshll.u32 v11, $0xD;
	v13 =	vshll.u32 v13, $0xD;
	v2 =	vmax.f32 v2, $0.0e+00  }
0x49: {  	v14 =	vshll.u32 v14, $0xD;
	v3 =	vadd.f32 $4.096000000e+03, v3;
	v2 =	vmin.f32 v2, $8.191000000e+03  }
0x4a: {  	v4 =	vadd.f32 $4.096000000e+03, v4;
	v5 =	vadd.f32 $4.096000000e+03, v5;
	v2 =	vtrunc.f32 v2  }
0x4b: {  	v6 =	vadd.f32 $4.096000000e+03, v6;
	v7 =	vadd.f32 $4.096000000e+03, v7;
	v2 =	vcvt.f32.s32 v2  }
0x4c: {  	v15 =	vshll.u32 v15, $0xD;
	v8 =	vadd.f32 $4.096000000e+03, v8;
	v9 =	vadd.f32 $4.096000000e+03, v9  }
0x4d: {  	s13 =	simm.s32 $0x80;
	s14 =	simm.s32 $0x400;
	v3 =	vmax.f32 v3, $0.0e+00;
	v4 =	vmax.f32 v4, $0.0e+00;
	v2 =	vadd.s32 v2, v10  }
0x4e: {  	s15 =	simm.s32 $0x20;
	s17 =	sand.u32 $0x1000, s13;
	s18 =	sand.u32 $0xC00, s14;
	v12 =	vld [tilespmem:s16+$0x4010];
	v5 =	vmax.f32 v5, $0.0e+00;
	v6 =	vmax.f32 v6, $0.0e+00;
	v7 =	vmax.f32 v7, $0.0e+00  }
0x4f: {  	s17 =	sor.u32 s17, s18;
	s18 =	sand.u32 $0x380, s15;
	v16 =	vld [tilespmem:s16+$0x4060];
	v8 =	vmax.f32 v8, $0.0e+00;
	v9 =	vmax.f32 v9, $0.0e+00;
	v3 =	vmin.f32 v3, $8.191000000e+03  }
0x50: {  	v4 =	vmin.f32 v4, $8.191000000e+03;
	v5 =	vmin.f32 v5, $8.191000000e+03;
	v6 =	vmin.f32 v6, $8.191000000e+03;
	v10 =	vld [tilespmem:s16+$0x4020];
	s16 =	sor.u32 s18, s17  }
0x51: {  	v7 =	vmin.f32 v7, $8.191000000e+03;
	v3 =	vtrunc.f32 v3;
	v4 =	vtrunc.f32 v4;
	v18 =	vld [tilespmem:s16+$0x10]  }
0x52: {  	v8 =	vmin.f32 v8, $8.191000000e+03;
	v5 =	vtrunc.f32 v5;
	v6 =	vtrunc.f32 v6;
	[tilespmem:v2+s11+$0x0] =	vst.idx.add.f32.msk $0xffff, v1  }
0x53: {  	v8 =	vtrunc.f32 v8;
	v3 =	vcvt.f32.s32 v3;
	v2 =	vshll.u32 v12, $0xD;
	v12 =	vld [tilespmem:s16+$0x70]  }
0x54: {  	v9 =	vmin.f32 v9, $8.191000000e+03;
	v7 =	vtrunc.f32 v7;
	v8 =	vcvt.f32.s32 v8;
	v17 =	vld [tilespmem:s16+$0x0]  }
0x55: {  	v4 =	vcvt.f32.s32 v4;
	v7 =	vcvt.f32.s32 v7;
	v20 =	vadd.s32 v3, v11;
	v11 =	vld [tilespmem:s16+$0x30]  }
0x56: {  	v5 =	vcvt.f32.s32 v5;
	v6 =	vcvt.f32.s32 v6;
	v3 =	vadd.s32 v8, v15  }
0x57: {  	v10 =	vshll.u32 v10, $0xD;
	v21 =	vadd.s32 v4, v2;
	v4 =	vadd.s32 v7, v14;
	v7 =	vld [tilespmem:s16+$0x50]  }
0x58: {  	v22 =	vadd.s32 v5, v10;
	v10 =	vld [tilespmem:s16+$0x40];
	v8 =	vmul.f32 $5.120000000e+02, v18;
	v2 =	vmul.f32 $5.120000000e+02, v12  }
0x59: {  	v9 =	vtrunc.f32 v9;
	v19 =	vld [tilespmem:s16+$0x20];
	v5 =	vadd.s32 v6, v13;
	v6 =	vmul.f32 $5.120000000e+02, v17  }
0x5a: {  	v14 =	vld [tilespmem:s16+$0x4070];
	v15 =	vadd.f32 $4.096000000e+03, v8;
	v8 =	vmul.f32 $5.120000000e+02, v11;
	v13 =	vadd.f32 $4.096000000e+03, v2  }
0x5b: {  	v16 =	vshll.u32 v16, $0xD;
	v9 =	vcvt.f32.s32 v9;
	v6 =	vadd.f32 $4.096000000e+03, v6;
	v12 =	vld [tilespmem:s16+$0x60]  }
0x5c: {  	v23 =	vld [tilespmem:s16+$0x4000];
	v17 =	vadd.f32 $4.096000000e+03, v8;
	v18 =	vmul.f32 $5.120000000e+02, v7;
	v13 =	vmax.f32 v13, $0.0e+00  }
0x5d: {  	[tilespmem:v20+s11+$0x0] =	vst.idx.add.f32.msk $0xffff, v1;
	v2 =	vadd.s32 v9, v16;
	v16 =	vmul.f32 $5.120000000e+02, v10;
	v13 =	vmin.f32 v13, $8.191000000e+03  }
0x5e: {  	v11 =	vld [tilespmem:s16+$0x4010];
	v15 =	vmax.f32 v15, $0.0e+00;
	v9 =	vmul.f32 $5.120000000e+02, v19;
	v7 =	vtrunc.f32 v13  }
0x5f: {  	v8 =	vld [tilespmem:s16+$0x4030];
	v18 =	vadd.f32 $4.096000000e+03, v18;
	v13 =	vadd.f32 $4.096000000e+03, v16;
	v16 =	vcvt.f32.s32 v7  }
0x60: {  	v14 =	vshll.u32 v14, $0xD;
	v20 =	vmin.f32 v15, $8.191000000e+03;
	[tilespmem:v21+s11+$0x0] =	vst.idx.add.f32.msk $0xffff, v1;
	v12 =	vmul.f32 $5.120000000e+02, v12  }
0x61: {  	[tilespmem:v22+s11+$0x0] =	vst.idx.add.f32.msk $0xffff, v1;
	v9 =	vadd.f32 $4.096000000e+03, v9;
	v25 =	vmax.f32 v18, $0.0e+00;
	v24 =	vadd.s32 v16, v14  }
0x62: {  	v10 =	vld [tilespmem:s16+$0x4020];
	v19 =	vmax.f32 v6, $0.0e+00;
	v15 =	vmin.f32 v25, $8.191000000e+03;
	v12 =	vadd.f32 $4.096000000e+03, v12  }
0x63: {  	v6 =	vld [tilespmem:s16+$0x4050];
	v13 =	vmax.f32 v13, $0.0e+00;
	v14 =	vmax.f32 v9, $0.0e+00;
	v16 =	vmax.f32 v17, $0.0e+00  }
0x64: {  	v7 =	vld [tilespmem:s16+$0x4040];
	v17 =	vmin.f32 v19, $8.191000000e+03;
	v12 =	vmax.f32 v12, $0.0e+00;
	v19 =	vmin.f32 v14, $8.191000000e+03  }
0x65: {  	v9 =	vld [tilespmem:s16+$0x4060];
	v18 =	vmin.f32 v16, $8.191000000e+03;
	v16 =	vmin.f32 v13, $8.191000000e+03;
	v13 =	vmin.f32 v12, $8.191000000e+03  }
0x66: {  	v17 =	vtrunc.f32 v17;
	v12 =	vshll.u32 v23, $0xD;
	v14 =	vtrunc.f32 v20;
	[tilespmem:v24+s11+$0x0] =	vst.idx.add.f32.msk $0xffff, v1  }
.LBB2_4:
0x67: {  	s13 =	sadd.s32 $0x80, s13;
	v11 =	vshll.u32 v11, $0xD;
	v19 =	vtrunc.f32 v19;
	v18 =	vtrunc.f32 v18;
	s14 =	sadd.s32 $0x400, s14;
	[tilespmem:v5+s11+$0x0] =	vst.idx.add.f32.msk $0xffff, v1  }
0x68: {  	v5 =	vshll.u32 v10, $0xD;
	v10 =	vtrunc.f32 v16;
	v15 =	vtrunc.f32 v15;
	s15 =	sadd.s32 $0x20, s15;
	s16 =	sand.u32 $0x1000, s13;
	s17 =	sand.u32 $0xC00, s14;
	[tilespmem:v4+s11+$0x0] =	vst.idx.add.f32.msk $0xffff, v1  }
0x69: {  	v8 =	vshll.u32 v8, $0xD;
	v13 =	vtrunc.f32 v13;
	p0 =	slt.u32 s13, $0x1F80;
	v4 =	vcvt.f32.s32 v17;
	s16 =	sor.u32 s16, s17;
	s17 =	sand.u32 $0x380, s15;
	[tilespmem:v3+s11+$0x0] =	vst.idx.add.f32.msk $0xffff, v1  }
0x6a: {  	v7 =	vshll.u32 v7, $0xD;
	v3 =	vcvt.f32.s32 v14;
	v14 =	vcvt.f32.s32 v19;
	s16 =	sor.u32 s17, s16;
	[tilespmem:v2+s11+$0x0] =	vst.idx.add.f32.msk $0xffff, v1  }
0x6b: {  	v6 =	vshll.u32 v6, $0xD;
	v10 =	vcvt.f32.s32 v10;
	v2 =	vcvt.f32.s32 v18;
	v16 =	vld [tilespmem:s16+$0x70]  }
0x6c: {  	v9 =	vshll.u32 v9, $0xD;
	v15 =	vcvt.f32.s32 v15;
	v13 =	vcvt.f32.s32 v13;
	v17 =	vld [tilespmem:s16+$0x0]  }
0x6d: {  	v12 =	vadd.s32 v4, v12;
	v20 =	vadd.s32 v3, v11;
	v14 =	vadd.s32 v14, v5;
	v18 =	vld [tilespmem:s16+$0x10]  }
0x6e: {  	v4 =	vadd.s32 v10, v7;
	v3 =	vadd.s32 v15, v6;
	v5 =	vadd.s32 v2, v8;
	v11 =	vld [tilespmem:s16+$0x20]  }
0x6f: {  	v2 =	vadd.s32 v13, v9;
	v6 =	vld [tilespmem:s16+$0x30]  }
0x70: {  	v7 =	vld [tilespmem:s16+$0x40];
	v8 =	vmul.f32 $5.120000000e+02, v16  }
0x71: {  	v9 =	vmul.f32 $5.120000000e+02, v17;
	v13 =	vld [tilespmem:s16+$0x50]  }
0x72: {  	v10 =	vmul.f32 $5.120000000e+02, v18;
	v15 =	vld [tilespmem:s16+$0x60];
	v8 =	vadd.f32 $4.096000000e+03, v8  }
0x73: {  	v9 =	vadd.f32 $4.096000000e+03, v9;
	v16 =	vmul.f32 $5.120000000e+02, v11;
	v17 =	vld [tilespmem:s16+$0x4070]  }
0x74: {  	v21 =	vld [tilespmem:s16+$0x4000];
	v18 =	vadd.f32 $4.096000000e+03, v10;
	v6 =	vmul.f32 $5.120000000e+02, v6;
	v8 =	vmax.f32 v8, $0.0e+00  }
0x75: {  	v11 =	vld [tilespmem:s16+$0x4010];
	v16 =	vadd.f32 $4.096000000e+03, v16;
	v7 =	vmul.f32 $5.120000000e+02, v7;
	v8 =	vmin.f32 v8, $8.191000000e+03  }
0x76: {  	v10 =	vld [tilespmem:s16+$0x4020];
	v19 =	vadd.f32 $4.096000000e+03, v6;
	v6 =	vmul.f32 $5.120000000e+02, v13;
	v13 =	vtrunc.f32 v8  }
0x77: {  	v8 =	vld [tilespmem:s16+$0x4030];
	v22 =	vadd.f32 $4.096000000e+03, v7;
	v15 =	vmul.f32 $5.120000000e+02, v15;
	v13 =	vcvt.f32.s32 v13  }
0x78: {  	v23 =	vmax.f32 v9, $0.0e+00;
	v7 =	vld [tilespmem:s16+$0x4040];
	v24 =	vadd.f32 $4.096000000e+03, v6;
	v9 =	vshll.u32 v17, $0xD  }
0x79: {  	v17 =	vmax.f32 v18, $0.0e+00;
	v6 =	vld [tilespmem:s16+$0x4050];
	v15 =	vadd.f32 $4.096000000e+03, v15;
	v25 =	vadd.s32 v13, v9  }
.Ltmp1:
0x7a: {  	v13 =	vmax.f32 v16, $0.0e+00;
	v16 =	vmax.f32 v19, $0.0e+00;
	v22 =	vmax.f32 v22, $0.0e+00;
	v9 =	vld [tilespmem:s16+$0x4060];
	(pc) =	sbr.rel @p0 .LBB2_4-.Ltmp1, $4  }
0x7b: {  	v23 =	vmin.f32 v23, $8.191000000e+03;
	v24 =	vmax.f32 v24, $0.0e+00;
	v26 =	vmax.f32 v15, $0.0e+00;
	[tilespmem:v12+s11+$0x0] =	vst.idx.add.f32.msk $0xffff, v1  }
0x7c: {  	v27 =	vmin.f32 v17, $8.191000000e+03;
	v19 =	vmin.f32 v13, $8.191000000e+03;
	v18 =	vmin.f32 v16, $8.191000000e+03;
	[tilespmem:v20+s11+$0x0] =	vst.idx.add.f32.msk $0xffff, v1  }
0x7d: {  	v16 =	vmin.f32 v22, $8.191000000e+03;
	v15 =	vmin.f32 v24, $8.191000000e+03;
	v13 =	vmin.f32 v26, $8.191000000e+03;
	[tilespmem:v14+s11+$0x0] =	vst.idx.add.f32.msk $0xffff, v1  }
0x7e: {  	v17 =	vtrunc.f32 v23;
	v12 =	vshll.u32 v21, $0xD;
	v14 =	vtrunc.f32 v27;
	[tilespmem:v25+s11+$0x0] =	vst.idx.add.f32.msk $0xffff, v1  }
0x7f: {  	v19 =	vtrunc.f32 v19  }
0x80: {  	v11 =	vshll.u32 v11, $0xD;
	v18 =	vtrunc.f32 v18;
	v17 =	vcvt.f32.s32 v17  }
0x81: {  	v10 =	vshll.u32 v10, $0xD;
	v16 =	vtrunc.f32 v16;
	v14 =	vcvt.f32.s32 v14  }
0x82: {  	v15 =	vtrunc.f32 v15;
	v19 =	vcvt.f32.s32 v19;
	v12 =	vadd.s32 v17, v12  }
0x83: {  	[tilespmem:v5+s11+$0x0] =	vst.idx.add.f32.msk $0xffff, v1;
	v5 =	vshll.u32 v8, $0xD;
	v8 =	vcvt.f32.s32 v18;
	v11 =	vadd.s32 v14, v11  }
0x84: {  	[tilespmem:v4+s11+$0x0] =	vst.idx.add.f32.msk $0xffff, v1;
	v4 =	vtrunc.f32 v13;
	v13 =	vcvt.f32.s32 v16;
	v10 =	vadd.s32 v19, v10  }
0x85: {  	[tilespmem:v3+s11+$0x0] =	vst.idx.add.f32.msk $0xffff, v1;
	v3 =	vshll.u32 v7, $0xD;
	v7 =	vcvt.f32.s32 v15;
	v5 =	vadd.s32 v8, v5  }
0x86: {  	[tilespmem:v2+s11+$0x0] =	vst.idx.add.f32.msk $0xffff, v1;
	v2 =	vshll.u32 v6, $0xD;
	v4 =	vcvt.f32.s32 v4;
	v3 =	vadd.s32 v13, v3  }
0x87: {  	v6 =	vshll.u32 v9, $0xD;
	v2 =	vadd.s32 v7, v2;
	[tilespmem:v12+s11+$0x0] =	vst.idx.add.f32.msk $0xffff, v1  }
0x88: {  	v4 =	vadd.s32 v4, v6;
	[tilespmem:v11+s11+$0x0] =	vst.idx.add.f32.msk $0xffff, v1  }
0x89: {  	[tilespmem:v10+s11+$0x0] =	vst.idx.add.f32.msk $0xffff, v1  }
0x8a: {  	[tilespmem:v5+s11+$0x0] =	vst.idx.add.f32.msk $0xffff, v1  }
0x8b: {  	[tilespmem:v3+s11+$0x0] =	vst.idx.add.f32.msk $0xffff, v1  }
0x8c: {  	[tilespmem:v2+s11+$0x0] =	vst.idx.add.f32.msk $0xffff, v1  }
0x8d: {  	[tilespmem:v4+s11+$0x0] =	vst.idx.add.f32.msk $0xffff, v1  }
0x8e: {  	s13 =	simm.s32 $0x0;
	s14 =	rddreg [dreg:$0x6]  }
0x8f: {  	[tilespmem:s13], [sflag:$0x1] =	stream.linear.gather [hbm4b:s14+s13], $0x2000, $0x38;
	[tilespmem:$0xC000] =	vst v63  }
0x90: {  	s15 =	rddreg [dreg:$0x7]  }
0x91: {  	[tilespmem:s6], [sflag:$0x2] =	stream.linear.gather [hbm4b:s15+s13], $0x2000, $0x38;
	[tilespmem:$0xC000] =	vst v63  }
0x92: {  	_ =	swait.ge [sflag:s9], $0x2000  }
0x93: {  	[sflag:s9] =	ssyncset.done $0x0  }
0x94: {  	s16 =	simm.s32 $0x0;
	[sflag:s9] =	ssyncadd.s32 $0xFFFFE000  }
0x95: {  	s14 =	sand.u32 $0x1000, s16;
	s15 =	sand.u32 $0xC00, s13;
	_ =	swait.ge [sflag:s10], $0x2000  }
0x96: {  	s13 =	sand.u32 $0x380, s13;
	s14 =	sor.u32 s14, s15;
	[sflag:s10] =	ssyncset.done $0x0  }
0x97: {  	s16 =	sor.u32 s13, s14;
	[sflag:s10] =	ssyncadd.s32 $0xFFFFE000  }
0x98: {  	v2 =	vld [tilespmem:s16+$0x2070]  }
0x99: {  	v3 =	vld [tilespmem:s16+$0x2000]  }
0x9a: {  	v4 =	vld [tilespmem:s16+$0x2010]  }
0x9b: {  	v5 =	vld [tilespmem:s16+$0x2020]  }
0x9c: {  	v6 =	vld [tilespmem:s16+$0x2030]  }
0x9d: {  	v7 =	vld [tilespmem:s16+$0x2040]  }
0x9e: {  	v8 =	vld [tilespmem:s16+$0x2050]  }
0x9f: {  	v9 =	vld [tilespmem:s16+$0x2060]  }
0xa0: {  	v10 =	vld [tilespmem:s16+$0x6070]  }
0xa1: {  	v11 =	vld [tilespmem:s16+$0x6000]  }
0xa2: {  	v13 =	vld [tilespmem:s16+$0x6030]  }
0xa3: {  	v14 =	vld [tilespmem:s16+$0x6040];
	v2 =	vmul.f32 $5.120000000e+02, v2;
	v3 =	vmul.f32 $5.120000000e+02, v3  }
0xa4: {  	v4 =	vmul.f32 $5.120000000e+02, v4;
	v5 =	vmul.f32 $5.120000000e+02, v5  }
0xa5: {  	v6 =	vmul.f32 $5.120000000e+02, v6;
	v7 =	vmul.f32 $5.120000000e+02, v7;
	v2 =	vadd.f32 $4.096000000e+03, v2  }
0xa6: {  	v15 =	vld [tilespmem:s16+$0x6050];
	v8 =	vmul.f32 $5.120000000e+02, v8;
	v9 =	vmul.f32 $5.120000000e+02, v9;
	v10 =	vshll.u32 v10, $0xD  }
0xa7: {  	v11 =	vshll.u32 v11, $0xD;
	v13 =	vshll.u32 v13, $0xD;
	v2 =	vmax.f32 v2, $0.0e+00  }
0xa8: {  	v14 =	vshll.u32 v14, $0xD;
	v3 =	vadd.f32 $4.096000000e+03, v3;
	v2 =	vmin.f32 v2, $8.191000000e+03  }
0xa9: {  	v4 =	vadd.f32 $4.096000000e+03, v4;
	v5 =	vadd.f32 $4.096000000e+03, v5;
	v2 =	vtrunc.f32 v2  }
0xaa: {  	v6 =	vadd.f32 $4.096000000e+03, v6;
	v7 =	vadd.f32 $4.096000000e+03, v7;
	v2 =	vcvt.f32.s32 v2  }
0xab: {  	v15 =	vshll.u32 v15, $0xD;
	v8 =	vadd.f32 $4.096000000e+03, v8;
	v9 =	vadd.f32 $4.096000000e+03, v9  }
0xac: {  	s13 =	simm.s32 $0x80;
	s14 =	simm.s32 $0x400;
	v3 =	vmax.f32 v3, $0.0e+00;
	v4 =	vmax.f32 v4, $0.0e+00;
	v2 =	vadd.s32 v2, v10  }
0xad: {  	s15 =	simm.s32 $0x20;
	s17 =	sand.u32 $0x1000, s13;
	s18 =	sand.u32 $0xC00, s14;
	v12 =	vld [tilespmem:s16+$0x6010];
	v5 =	vmax.f32 v5, $0.0e+00;
	v6 =	vmax.f32 v6, $0.0e+00;
	v7 =	vmax.f32 v7, $0.0e+00  }
0xae: {  	s17 =	sor.u32 s17, s18;
	s18 =	sand.u32 $0x380, s15;
	v16 =	vld [tilespmem:s16+$0x6060];
	v8 =	vmax.f32 v8, $0.0e+00;
	v9 =	vmax.f32 v9, $0.0e+00;
	v3 =	vmin.f32 v3, $8.191000000e+03  }
0xaf: {  	v4 =	vmin.f32 v4, $8.191000000e+03;
	v5 =	vmin.f32 v5, $8.191000000e+03;
	v6 =	vmin.f32 v6, $8.191000000e+03;
	v10 =	vld [tilespmem:s16+$0x6020];
	s16 =	sor.u32 s18, s17  }
0xb0: {  	v7 =	vmin.f32 v7, $8.191000000e+03;
	v3 =	vtrunc.f32 v3;
	v4 =	vtrunc.f32 v4;
	v18 =	vld [tilespmem:s16+$0x2010]  }
0xb1: {  	v8 =	vmin.f32 v8, $8.191000000e+03;
	v5 =	vtrunc.f32 v5;
	v6 =	vtrunc.f32 v6;
	[tilespmem:v2+s11+$0x0] =	vst.idx.add.f32.msk $0xffff, v1  }
0xb2: {  	v8 =	vtrunc.f32 v8;
	v3 =	vcvt.f32.s32 v3;
	v2 =	vshll.u32 v12, $0xD;
	v12 =	vld [tilespmem:s16+$0x2070]  }
0xb3: {  	v9 =	vmin.f32 v9, $8.191000000e+03;
	v7 =	vtrunc.f32 v7;
	v8 =	vcvt.f32.s32 v8;
	v17 =	vld [tilespmem:s16+$0x2000]  }
0xb4: {  	v4 =	vcvt.f32.s32 v4;
	v7 =	vcvt.f32.s32 v7;
	v20 =	vadd.s32 v3, v11;
	v11 =	vld [tilespmem:s16+$0x2030]  }
0xb5: {  	v5 =	vcvt.f32.s32 v5;
	v6 =	vcvt.f32.s32 v6;
	v3 =	vadd.s32 v8, v15  }
0xb6: {  	v10 =	vshll.u32 v10, $0xD;
	v21 =	vadd.s32 v4, v2;
	v4 =	vadd.s32 v7, v14;
	v7 =	vld [tilespmem:s16+$0x2050]  }
0xb7: {  	v22 =	vadd.s32 v5, v10;
	v10 =	vld [tilespmem:s16+$0x2040];
	v8 =	vmul.f32 $5.120000000e+02, v18;
	v2 =	vmul.f32 $5.120000000e+02, v12  }
0xb8: {  	v9 =	vtrunc.f32 v9;
	v19 =	vld [tilespmem:s16+$0x2020];
	v5 =	vadd.s32 v6, v13;
	v6 =	vmul.f32 $5.120000000e+02, v17  }
0xb9: {  	v14 =	vld [tilespmem:s16+$0x6070];
	v15 =	vadd.f32 $4.096000000e+03, v8;
	v8 =	vmul.f32 $5.120000000e+02, v11;
	v13 =	vadd.f32 $4.096000000e+03, v2  }
0xba: {  	v16 =	vshll.u32 v16, $0xD;
	v9 =	vcvt.f32.s32 v9;
	v6 =	vadd.f32 $4.096000000e+03, v6;
	v12 =	vld [tilespmem:s16+$0x2060]  }
0xbb: {  	v23 =	vld [tilespmem:s16+$0x6000];
	v17 =	vadd.f32 $4.096000000e+03, v8;
	v18 =	vmul.f32 $5.120000000e+02, v7;
	v13 =	vmax.f32 v13, $0.0e+00  }
0xbc: {  	[tilespmem:v20+s11+$0x0] =	vst.idx.add.f32.msk $0xffff, v1;
	v2 =	vadd.s32 v9, v16;
	v16 =	vmul.f32 $5.120000000e+02, v10;
	v13 =	vmin.f32 v13, $8.191000000e+03  }
0xbd: {  	v11 =	vld [tilespmem:s16+$0x6010];
	v15 =	vmax.f32 v15, $0.0e+00;
	v9 =	vmul.f32 $5.120000000e+02, v19;
	v7 =	vtrunc.f32 v13  }
0xbe: {  	v8 =	vld [tilespmem:s16+$0x6030];
	v18 =	vadd.f32 $4.096000000e+03, v18;
	v13 =	vadd.f32 $4.096000000e+03, v16;
	v16 =	vcvt.f32.s32 v7  }
0xbf: {  	v14 =	vshll.u32 v14, $0xD;
	v20 =	vmin.f32 v15, $8.191000000e+03;
	[tilespmem:v21+s11+$0x0] =	vst.idx.add.f32.msk $0xffff, v1;
	v12 =	vmul.f32 $5.120000000e+02, v12  }
0xc0: {  	[tilespmem:v22+s11+$0x0] =	vst.idx.add.f32.msk $0xffff, v1;
	v9 =	vadd.f32 $4.096000000e+03, v9;
	v25 =	vmax.f32 v18, $0.0e+00;
	v24 =	vadd.s32 v16, v14  }
0xc1: {  	v10 =	vld [tilespmem:s16+$0x6020];
	v19 =	vmax.f32 v6, $0.0e+00;
	v15 =	vmin.f32 v25, $8.191000000e+03;
	v12 =	vadd.f32 $4.096000000e+03, v12  }
0xc2: {  	v6 =	vld [tilespmem:s16+$0x6050];
	v13 =	vmax.f32 v13, $0.0e+00;
	v14 =	vmax.f32 v9, $0.0e+00;
	v16 =	vmax.f32 v17, $0.0e+00  }
0xc3: {  	v7 =	vld [tilespmem:s16+$0x6040];
	v17 =	vmin.f32 v19, $8.191000000e+03;
	v12 =	vmax.f32 v12, $0.0e+00;
	v19 =	vmin.f32 v14, $8.191000000e+03  }
0xc4: {  	v9 =	vld [tilespmem:s16+$0x6060];
	v18 =	vmin.f32 v16, $8.191000000e+03;
	v16 =	vmin.f32 v13, $8.191000000e+03;
	v13 =	vmin.f32 v12, $8.191000000e+03  }
0xc5: {  	v17 =	vtrunc.f32 v17;
	v12 =	vshll.u32 v23, $0xD;
	v14 =	vtrunc.f32 v20;
	[tilespmem:v24+s11+$0x0] =	vst.idx.add.f32.msk $0xffff, v1  }
.LBB2_6:
0xc6: {  	s13 =	sadd.s32 $0x80, s13;
	v11 =	vshll.u32 v11, $0xD;
	v19 =	vtrunc.f32 v19;
	v18 =	vtrunc.f32 v18;
	s14 =	sadd.s32 $0x400, s14;
	[tilespmem:v5+s11+$0x0] =	vst.idx.add.f32.msk $0xffff, v1  }
0xc7: {  	v5 =	vshll.u32 v10, $0xD;
	v10 =	vtrunc.f32 v16;
	v15 =	vtrunc.f32 v15;
	s15 =	sadd.s32 $0x20, s15;
	s16 =	sand.u32 $0x1000, s13;
	s17 =	sand.u32 $0xC00, s14;
	[tilespmem:v4+s11+$0x0] =	vst.idx.add.f32.msk $0xffff, v1  }
0xc8: {  	v8 =	vshll.u32 v8, $0xD;
	v13 =	vtrunc.f32 v13;
	p0 =	slt.u32 s13, $0x1F80;
	v4 =	vcvt.f32.s32 v17;
	s16 =	sor.u32 s16, s17;
	s17 =	sand.u32 $0x380, s15;
	[tilespmem:v3+s11+$0x0] =	vst.idx.add.f32.msk $0xffff, v1  }
0xc9: {  	v7 =	vshll.u32 v7, $0xD;
	v3 =	vcvt.f32.s32 v14;
	v14 =	vcvt.f32.s32 v19;
	s16 =	sor.u32 s17, s16;
	[tilespmem:v2+s11+$0x0] =	vst.idx.add.f32.msk $0xffff, v1  }
0xca: {  	v6 =	vshll.u32 v6, $0xD;
	v10 =	vcvt.f32.s32 v10;
	v2 =	vcvt.f32.s32 v18;
	v16 =	vld [tilespmem:s16+$0x2070]  }
0xcb: {  	v9 =	vshll.u32 v9, $0xD;
	v15 =	vcvt.f32.s32 v15;
	v13 =	vcvt.f32.s32 v13;
	v17 =	vld [tilespmem:s16+$0x2000]  }
0xcc: {  	v12 =	vadd.s32 v4, v12;
	v20 =	vadd.s32 v3, v11;
	v14 =	vadd.s32 v14, v5;
	v18 =	vld [tilespmem:s16+$0x2010]  }
0xcd: {  	v4 =	vadd.s32 v10, v7;
	v3 =	vadd.s32 v15, v6;
	v5 =	vadd.s32 v2, v8;
	v11 =	vld [tilespmem:s16+$0x2020]  }
0xce: {  	v2 =	vadd.s32 v13, v9;
	v6 =	vld [tilespmem:s16+$0x2030]  }
0xcf: {  	v7 =	vld [tilespmem:s16+$0x2040];
	v8 =	vmul.f32 $5.120000000e+02, v16  }
0xd0: {  	v9 =	vmul.f32 $5.120000000e+02, v17;
	v13 =	vld [tilespmem:s16+$0x2050]  }
0xd1: {  	v10 =	vmul.f32 $5.120000000e+02, v18;
	v15 =	vld [tilespmem:s16+$0x2060];
	v8 =	vadd.f32 $4.096000000e+03, v8  }
0xd2: {  	v9 =	vadd.f32 $4.096000000e+03, v9;
	v16 =	vmul.f32 $5.120000000e+02, v11;
	v17 =	vld [tilespmem:s16+$0x6070]  }
0xd3: {  	v21 =	vld [tilespmem:s16+$0x6000];
	v18 =	vadd.f32 $4.096000000e+03, v10;
	v6 =	vmul.f32 $5.120000000e+02, v6;
	v8 =	vmax.f32 v8, $0.0e+00  }
0xd4: {  	v11 =	vld [tilespmem:s16+$0x6010];
	v16 =	vadd.f32 $4.096000000e+03, v16;
	v7 =	vmul.f32 $5.120000000e+02, v7;
	v8 =	vmin.f32 v8, $8.191000000e+03  }
0xd5: {  	v10 =	vld [tilespmem:s16+$0x6020];
	v19 =	vadd.f32 $4.096000000e+03, v6;
	v6 =	vmul.f32 $5.120000000e+02, v13;
	v13 =	vtrunc.f32 v8  }
0xd6: {  	v8 =	vld [tilespmem:s16+$0x6030];
	v22 =	vadd.f32 $4.096000000e+03, v7;
	v15 =	vmul.f32 $5.120000000e+02, v15;
	v13 =	vcvt.f32.s32 v13  }
0xd7: {  	v23 =	vmax.f32 v9, $0.0e+00;
	v7 =	vld [tilespmem:s16+$0x6040];
	v24 =	vadd.f32 $4.096000000e+03, v6;
	v9 =	vshll.u32 v17, $0xD  }
0xd8: {  	v17 =	vmax.f32 v18, $0.0e+00;
	v6 =	vld [tilespmem:s16+$0x6050];
	v15 =	vadd.f32 $4.096000000e+03, v15;
	v25 =	vadd.s32 v13, v9  }
.Ltmp2:
0xd9: {  	v13 =	vmax.f32 v16, $0.0e+00;
	v16 =	vmax.f32 v19, $0.0e+00;
	v22 =	vmax.f32 v22, $0.0e+00;
	v9 =	vld [tilespmem:s16+$0x6060];
	(pc) =	sbr.rel @p0 .LBB2_6-.Ltmp2, $4  }
0xda: {  	v23 =	vmin.f32 v23, $8.191000000e+03;
	v24 =	vmax.f32 v24, $0.0e+00;
	v26 =	vmax.f32 v15, $0.0e+00;
	[tilespmem:v12+s11+$0x0] =	vst.idx.add.f32.msk $0xffff, v1  }
0xdb: {  	v27 =	vmin.f32 v17, $8.191000000e+03;
	v19 =	vmin.f32 v13, $8.191000000e+03;
	v18 =	vmin.f32 v16, $8.191000000e+03;
	[tilespmem:v20+s11+$0x0] =	vst.idx.add.f32.msk $0xffff, v1  }
0xdc: {  	v16 =	vmin.f32 v22, $8.191000000e+03;
	v15 =	vmin.f32 v24, $8.191000000e+03;
	v13 =	vmin.f32 v26, $8.191000000e+03;
	[tilespmem:v14+s11+$0x0] =	vst.idx.add.f32.msk $0xffff, v1  }
0xdd: {  	v17 =	vtrunc.f32 v23;
	v12 =	vshll.u32 v21, $0xD;
	v14 =	vtrunc.f32 v27;
	[tilespmem:v25+s11+$0x0] =	vst.idx.add.f32.msk $0xffff, v1  }
0xde: {  	v19 =	vtrunc.f32 v19  }
0xdf: {  	v11 =	vshll.u32 v11, $0xD;
	v18 =	vtrunc.f32 v18;
	v17 =	vcvt.f32.s32 v17  }
0xe0: {  	v10 =	vshll.u32 v10, $0xD;
	v16 =	vtrunc.f32 v16;
	v14 =	vcvt.f32.s32 v14  }
0xe1: {  	v15 =	vtrunc.f32 v15;
	v19 =	vcvt.f32.s32 v19;
	v12 =	vadd.s32 v17, v12  }
0xe2: {  	[tilespmem:v5+s11+$0x0] =	vst.idx.add.f32.msk $0xffff, v1;
	v5 =	vshll.u32 v8, $0xD;
	v8 =	vcvt.f32.s32 v18;
	v11 =	vadd.s32 v14, v11  }
0xe3: {  	[tilespmem:v4+s11+$0x0] =	vst.idx.add.f32.msk $0xffff, v1;
	v4 =	vtrunc.f32 v13;
	v13 =	vcvt.f32.s32 v16;
	v10 =	vadd.s32 v19, v10  }
0xe4: {  	[tilespmem:v3+s11+$0x0] =	vst.idx.add.f32.msk $0xffff, v1;
	v3 =	vshll.u32 v7, $0xD;
	v7 =	vcvt.f32.s32 v15;
	v5 =	vadd.s32 v8, v5  }
0xe5: {  	[tilespmem:v2+s11+$0x0] =	vst.idx.add.f32.msk $0xffff, v1;
	v2 =	vshll.u32 v6, $0xD;
	v4 =	vcvt.f32.s32 v4;
	v3 =	vadd.s32 v13, v3  }
0xe6: {  	v6 =	vshll.u32 v9, $0xD;
	v2 =	vadd.s32 v7, v2;
	[tilespmem:v12+s11+$0x0] =	vst.idx.add.f32.msk $0xffff, v1  }
0xe7: {  	v4 =	vadd.s32 v4, v6;
	[tilespmem:v11+s11+$0x0] =	vst.idx.add.f32.msk $0xffff, v1  }
0xe8: {  	[tilespmem:v10+s11+$0x0] =	vst.idx.add.f32.msk $0xffff, v1  }
0xe9: {  	[tilespmem:v5+s11+$0x0] =	vst.idx.add.f32.msk $0xffff, v1  }
0xea: {  	[tilespmem:v3+s11+$0x0] =	vst.idx.add.f32.msk $0xffff, v1  }
0xeb: {  	[tilespmem:v2+s11+$0x0] =	vst.idx.add.f32.msk $0xffff, v1  }
0xec: {  	[tilespmem:v4+s11+$0x0] =	vst.idx.add.f32.msk $0xffff, v1  }
0xed: {  	s13 =	simm.s32 $0x0;
	s14 =	rddreg [dreg:$0x8]  }
0xee: {  	[tilespmem:s7], [sflag:$0x1] =	stream.linear.gather [hbm4b:s14+s13], $0x2000, $0x38;
	[tilespmem:$0xC000] =	vst v63  }
0xef: {  	s15 =	rddreg [dreg:$0x9]  }
0xf0: {  	[tilespmem:s8], [sflag:$0x2] =	stream.linear.gather [hbm4b:s15+s13], $0x2000, $0x38;
	[tilespmem:$0xC000] =	vst v63  }
0xf1: {  	_ =	swait.ge [sflag:s9], $0x2000  }
0xf2: {  	[sflag:s9] =	ssyncset.done $0x0  }
0xf3: {  	s16 =	simm.s32 $0x0;
	[sflag:s9] =	ssyncadd.s32 $0xFFFFE000  }
0xf4: {  	s14 =	sand.u32 $0x1000, s16;
	s15 =	sand.u32 $0xC00, s13;
	_ =	swait.ge [sflag:s10], $0x2000  }
0xf5: {  	s13 =	sand.u32 $0x380, s13;
	s14 =	sor.u32 s14, s15;
	[sflag:s10] =	ssyncset.done $0x0  }
0xf6: {  	s16 =	sor.u32 s13, s14;
	[sflag:s10] =	ssyncadd.s32 $0xFFFFE000  }
0xf7: {  	v2 =	vld [tilespmem:s16+$0x70]  }
0xf8: {  	v3 =	vld [tilespmem:s16+$0x0]  }
0xf9: {  	v4 =	vld [tilespmem:s16+$0x10]  }
0xfa: {  	v5 =	vld [tilespmem:s16+$0x20]  }
0xfb: {  	v6 =	vld [tilespmem:s16+$0x30]  }
0xfc: {  	v7 =	vld [tilespmem:s16+$0x40]  }
0xfd: {  	v8 =	vld [tilespmem:s16+$0x50]  }
0xfe: {  	v9 =	vld [tilespmem:s16+$0x60]  }
0xff: {  	v10 =	vld [tilespmem:s16+$0x4070]  }
0x100: {  	v11 =	vld [tilespmem:s16+$0x4000]  }
0x101: {  	v13 =	vld [tilespmem:s16+$0x4030]  }
0x102: {  	v14 =	vld [tilespmem:s16+$0x4040];
	v2 =	vmul.f32 $5.120000000e+02, v2;
	v3 =	vmul.f32 $5.120000000e+02, v3  }
0x103: {  	v4 =	vmul.f32 $5.120000000e+02, v4;
	v5 =	vmul.f32 $5.120000000e+02, v5  }
0x104: {  	v6 =	vmul.f32 $5.120000000e+02, v6;
	v7 =	vmul.f32 $5.120000000e+02, v7;
	v2 =	vadd.f32 $4.096000000e+03, v2  }
0x105: {  	v15 =	vld [tilespmem:s16+$0x4050];
	v8 =	vmul.f32 $5.120000000e+02, v8;
	v9 =	vmul.f32 $5.120000000e+02, v9;
	v10 =	vshll.u32 v10, $0xD  }
0x106: {  	v11 =	vshll.u32 v11, $0xD;
	v13 =	vshll.u32 v13, $0xD;
	v2 =	vmax.f32 v2, $0.0e+00  }
0x107: {  	v14 =	vshll.u32 v14, $0xD;
	v3 =	vadd.f32 $4.096000000e+03, v3;
	v2 =	vmin.f32 v2, $8.191000000e+03  }
0x108: {  	v4 =	vadd.f32 $4.096000000e+03, v4;
	v5 =	vadd.f32 $4.096000000e+03, v5;
	v2 =	vtrunc.f32 v2  }
0x109: {  	v6 =	vadd.f32 $4.096000000e+03, v6;
	v7 =	vadd.f32 $4.096000000e+03, v7;
	v2 =	vcvt.f32.s32 v2  }
0x10a: {  	v15 =	vshll.u32 v15, $0xD;
	v8 =	vadd.f32 $4.096000000e+03, v8;
	v9 =	vadd.f32 $4.096000000e+03, v9  }
0x10b: {  	s13 =	simm.s32 $0x80;
	s14 =	simm.s32 $0x400;
	v3 =	vmax.f32 v3, $0.0e+00;
	v4 =	vmax.f32 v4, $0.0e+00;
	v2 =	vadd.s32 v2, v10  }
0x10c: {  	s15 =	simm.s32 $0x20;
	s17 =	sand.u32 $0x1000, s13;
	s18 =	sand.u32 $0xC00, s14;
	v12 =	vld [tilespmem:s16+$0x4010];
	v5 =	vmax.f32 v5, $0.0e+00;
	v6 =	vmax.f32 v6, $0.0e+00;
	v7 =	vmax.f32 v7, $0.0e+00  }
0x10d: {  	s17 =	sor.u32 s17, s18;
	s18 =	sand.u32 $0x380, s15;
	v16 =	vld [tilespmem:s16+$0x4060];
	v8 =	vmax.f32 v8, $0.0e+00;
	v9 =	vmax.f32 v9, $0.0e+00;
	v3 =	vmin.f32 v3, $8.191000000e+03  }
0x10e: {  	v4 =	vmin.f32 v4, $8.191000000e+03;
	v5 =	vmin.f32 v5, $8.191000000e+03;
	v6 =	vmin.f32 v6, $8.191000000e+03;
	v10 =	vld [tilespmem:s16+$0x4020];
	s16 =	sor.u32 s18, s17  }
0x10f: {  	v7 =	vmin.f32 v7, $8.191000000e+03;
	v3 =	vtrunc.f32 v3;
	v4 =	vtrunc.f32 v4;
	v18 =	vld [tilespmem:s16+$0x10]  }
0x110: {  	v8 =	vmin.f32 v8, $8.191000000e+03;
	v5 =	vtrunc.f32 v5;
	v6 =	vtrunc.f32 v6;
	[tilespmem:v2+s11+$0x0] =	vst.idx.add.f32.msk $0xffff, v1  }
0x111: {  	v8 =	vtrunc.f32 v8;
	v3 =	vcvt.f32.s32 v3;
	v2 =	vshll.u32 v12, $0xD;
	v12 =	vld [tilespmem:s16+$0x70]  }
0x112: {  	v9 =	vmin.f32 v9, $8.191000000e+03;
	v7 =	vtrunc.f32 v7;
	v8 =	vcvt.f32.s32 v8;
	v17 =	vld [tilespmem:s16+$0x0]  }
0x113: {  	v4 =	vcvt.f32.s32 v4;
	v7 =	vcvt.f32.s32 v7;
	v20 =	vadd.s32 v3, v11;
	v11 =	vld [tilespmem:s16+$0x30]  }
0x114: {  	v5 =	vcvt.f32.s32 v5;
	v6 =	vcvt.f32.s32 v6;
	v3 =	vadd.s32 v8, v15  }
0x115: {  	v10 =	vshll.u32 v10, $0xD;
	v21 =	vadd.s32 v4, v2;
	v4 =	vadd.s32 v7, v14;
	v7 =	vld [tilespmem:s16+$0x50]  }
0x116: {  	v22 =	vadd.s32 v5, v10;
	v10 =	vld [tilespmem:s16+$0x40];
	v8 =	vmul.f32 $5.120000000e+02, v18;
	v2 =	vmul.f32 $5.120000000e+02, v12  }
0x117: {  	v9 =	vtrunc.f32 v9;
	v19 =	vld [tilespmem:s16+$0x20];
	v5 =	vadd.s32 v6, v13;
	v6 =	vmul.f32 $5.120000000e+02, v17  }
0x118: {  	v14 =	vld [tilespmem:s16+$0x4070];
	v15 =	vadd.f32 $4.096000000e+03, v8;
	v8 =	vmul.f32 $5.120000000e+02, v11;
	v13 =	vadd.f32 $4.096000000e+03, v2  }
0x119: {  	v16 =	vshll.u32 v16, $0xD;
	v9 =	vcvt.f32.s32 v9;
	v6 =	vadd.f32 $4.096000000e+03, v6;
	v12 =	vld [tilespmem:s16+$0x60]  }
0x11a: {  	v23 =	vld [tilespmem:s16+$0x4000];
	v17 =	vadd.f32 $4.096000000e+03, v8;
	v18 =	vmul.f32 $5.120000000e+02, v7;
	v13 =	vmax.f32 v13, $0.0e+00  }
0x11b: {  	[tilespmem:v20+s11+$0x0] =	vst.idx.add.f32.msk $0xffff, v1;
	v2 =	vadd.s32 v9, v16;
	v16 =	vmul.f32 $5.120000000e+02, v10;
	v13 =	vmin.f32 v13, $8.191000000e+03  }
0x11c: {  	v11 =	vld [tilespmem:s16+$0x4010];
	v15 =	vmax.f32 v15, $0.0e+00;
	v9 =	vmul.f32 $5.120000000e+02, v19;
	v7 =	vtrunc.f32 v13  }
0x11d: {  	v8 =	vld [tilespmem:s16+$0x4030];
	v18 =	vadd.f32 $4.096000000e+03, v18;
	v13 =	vadd.f32 $4.096000000e+03, v16;
	v16 =	vcvt.f32.s32 v7  }
0x11e: {  	v14 =	vshll.u32 v14, $0xD;
	v20 =	vmin.f32 v15, $8.191000000e+03;
	[tilespmem:v21+s11+$0x0] =	vst.idx.add.f32.msk $0xffff, v1;
	v12 =	vmul.f32 $5.120000000e+02, v12  }
0x11f: {  	[tilespmem:v22+s11+$0x0] =	vst.idx.add.f32.msk $0xffff, v1;
	v9 =	vadd.f32 $4.096000000e+03, v9;
	v25 =	vmax.f32 v18, $0.0e+00;
	v24 =	vadd.s32 v16, v14  }
0x120: {  	v10 =	vld [tilespmem:s16+$0x4020];
	v19 =	vmax.f32 v6, $0.0e+00;
	v15 =	vmin.f32 v25, $8.191000000e+03;
	v12 =	vadd.f32 $4.096000000e+03, v12  }
0x121: {  	v6 =	vld [tilespmem:s16+$0x4050];
	v13 =	vmax.f32 v13, $0.0e+00;
	v14 =	vmax.f32 v9, $0.0e+00;
	v16 =	vmax.f32 v17, $0.0e+00  }
0x122: {  	v7 =	vld [tilespmem:s16+$0x4040];
	v17 =	vmin.f32 v19, $8.191000000e+03;
	v12 =	vmax.f32 v12, $0.0e+00;
	v19 =	vmin.f32 v14, $8.191000000e+03  }
0x123: {  	v9 =	vld [tilespmem:s16+$0x4060];
	v18 =	vmin.f32 v16, $8.191000000e+03;
	v16 =	vmin.f32 v13, $8.191000000e+03;
	v13 =	vmin.f32 v12, $8.191000000e+03  }
0x124: {  	v17 =	vtrunc.f32 v17;
	v12 =	vshll.u32 v23, $0xD;
	v14 =	vtrunc.f32 v20;
	[tilespmem:v24+s11+$0x0] =	vst.idx.add.f32.msk $0xffff, v1  }
.LBB2_8:
0x125: {  	s13 =	sadd.s32 $0x80, s13;
	v11 =	vshll.u32 v11, $0xD;
	v19 =	vtrunc.f32 v19;
	v18 =	vtrunc.f32 v18;
	s14 =	sadd.s32 $0x400, s14;
	[tilespmem:v5+s11+$0x0] =	vst.idx.add.f32.msk $0xffff, v1  }
0x126: {  	v5 =	vshll.u32 v10, $0xD;
	v10 =	vtrunc.f32 v16;
	v15 =	vtrunc.f32 v15;
	s15 =	sadd.s32 $0x20, s15;
	s16 =	sand.u32 $0x1000, s13;
	s17 =	sand.u32 $0xC00, s14;
	[tilespmem:v4+s11+$0x0] =	vst.idx.add.f32.msk $0xffff, v1  }
0x127: {  	v8 =	vshll.u32 v8, $0xD;
	v13 =	vtrunc.f32 v13;
	p0 =	slt.u32 s13, $0x1F80;
	v4 =	vcvt.f32.s32 v17;
	s16 =	sor.u32 s16, s17;
	s17 =	sand.u32 $0x380, s15;
	[tilespmem:v3+s11+$0x0] =	vst.idx.add.f32.msk $0xffff, v1  }
0x128: {  	v7 =	vshll.u32 v7, $0xD;
	v3 =	vcvt.f32.s32 v14;
	v14 =	vcvt.f32.s32 v19;
	s16 =	sor.u32 s17, s16;
	[tilespmem:v2+s11+$0x0] =	vst.idx.add.f32.msk $0xffff, v1  }
0x129: {  	v6 =	vshll.u32 v6, $0xD;
	v10 =	vcvt.f32.s32 v10;
	v2 =	vcvt.f32.s32 v18;
	v16 =	vld [tilespmem:s16+$0x70]  }
0x12a: {  	v9 =	vshll.u32 v9, $0xD;
	v15 =	vcvt.f32.s32 v15;
	v13 =	vcvt.f32.s32 v13;
	v17 =	vld [tilespmem:s16+$0x0]  }
0x12b: {  	v12 =	vadd.s32 v4, v12;
	v20 =	vadd.s32 v3, v11;
	v14 =	vadd.s32 v14, v5;
	v18 =	vld [tilespmem:s16+$0x10]  }
0x12c: {  	v4 =	vadd.s32 v10, v7;
	v3 =	vadd.s32 v15, v6;
	v5 =	vadd.s32 v2, v8;
	v11 =	vld [tilespmem:s16+$0x20]  }
0x12d: {  	v2 =	vadd.s32 v13, v9;
	v6 =	vld [tilespmem:s16+$0x30]  }
0x12e: {  	v7 =	vld [tilespmem:s16+$0x40];
	v8 =	vmul.f32 $5.120000000e+02, v16  }
0x12f: {  	v9 =	vmul.f32 $5.120000000e+02, v17;
	v13 =	vld [tilespmem:s16+$0x50]  }
0x130: {  	v10 =	vmul.f32 $5.120000000e+02, v18;
	v15 =	vld [tilespmem:s16+$0x60];
	v8 =	vadd.f32 $4.096000000e+03, v8  }
0x131: {  	v9 =	vadd.f32 $4.096000000e+03, v9;
	v16 =	vmul.f32 $5.120000000e+02, v11;
	v17 =	vld [tilespmem:s16+$0x4070]  }
0x132: {  	v21 =	vld [tilespmem:s16+$0x4000];
	v18 =	vadd.f32 $4.096000000e+03, v10;
	v6 =	vmul.f32 $5.120000000e+02, v6;
	v8 =	vmax.f32 v8, $0.0e+00  }
0x133: {  	v11 =	vld [tilespmem:s16+$0x4010];
	v16 =	vadd.f32 $4.096000000e+03, v16;
	v7 =	vmul.f32 $5.120000000e+02, v7;
	v8 =	vmin.f32 v8, $8.191000000e+03  }
0x134: {  	v10 =	vld [tilespmem:s16+$0x4020];
	v19 =	vadd.f32 $4.096000000e+03, v6;
	v6 =	vmul.f32 $5.120000000e+02, v13;
	v13 =	vtrunc.f32 v8  }
0x135: {  	v8 =	vld [tilespmem:s16+$0x4030];
	v22 =	vadd.f32 $4.096000000e+03, v7;
	v15 =	vmul.f32 $5.120000000e+02, v15;
	v13 =	vcvt.f32.s32 v13  }
0x136: {  	v23 =	vmax.f32 v9, $0.0e+00;
	v7 =	vld [tilespmem:s16+$0x4040];
	v24 =	vadd.f32 $4.096000000e+03, v6;
	v9 =	vshll.u32 v17, $0xD  }
0x137: {  	v17 =	vmax.f32 v18, $0.0e+00;
	v6 =	vld [tilespmem:s16+$0x4050];
	v15 =	vadd.f32 $4.096000000e+03, v15;
	v25 =	vadd.s32 v13, v9  }
.Ltmp3:
0x138: {  	v13 =	vmax.f32 v16, $0.0e+00;
	v16 =	vmax.f32 v19, $0.0e+00;
	v22 =	vmax.f32 v22, $0.0e+00;
	v9 =	vld [tilespmem:s16+$0x4060];
	(pc) =	sbr.rel @p0 .LBB2_8-.Ltmp3, $4  }
0x139: {  	v23 =	vmin.f32 v23, $8.191000000e+03;
	v24 =	vmax.f32 v24, $0.0e+00;
	v26 =	vmax.f32 v15, $0.0e+00;
	[tilespmem:v12+s11+$0x0] =	vst.idx.add.f32.msk $0xffff, v1  }
0x13a: {  	v27 =	vmin.f32 v17, $8.191000000e+03;
	v19 =	vmin.f32 v13, $8.191000000e+03;
	v18 =	vmin.f32 v16, $8.191000000e+03;
	[tilespmem:v20+s11+$0x0] =	vst.idx.add.f32.msk $0xffff, v1  }
0x13b: {  	v16 =	vmin.f32 v22, $8.191000000e+03;
	v15 =	vmin.f32 v24, $8.191000000e+03;
	v13 =	vmin.f32 v26, $8.191000000e+03;
	[tilespmem:v14+s11+$0x0] =	vst.idx.add.f32.msk $0xffff, v1  }
0x13c: {  	v17 =	vtrunc.f32 v23;
	v12 =	vshll.u32 v21, $0xD;
	v14 =	vtrunc.f32 v27;
	[tilespmem:v25+s11+$0x0] =	vst.idx.add.f32.msk $0xffff, v1  }
0x13d: {  	v19 =	vtrunc.f32 v19  }
0x13e: {  	v11 =	vshll.u32 v11, $0xD;
	v18 =	vtrunc.f32 v18;
	v17 =	vcvt.f32.s32 v17  }
0x13f: {  	v10 =	vshll.u32 v10, $0xD;
	v16 =	vtrunc.f32 v16;
	v14 =	vcvt.f32.s32 v14  }
0x140: {  	v15 =	vtrunc.f32 v15;
	v19 =	vcvt.f32.s32 v19;
	v12 =	vadd.s32 v17, v12  }
0x141: {  	[tilespmem:v5+s11+$0x0] =	vst.idx.add.f32.msk $0xffff, v1;
	v5 =	vshll.u32 v8, $0xD;
	v8 =	vcvt.f32.s32 v18;
	v11 =	vadd.s32 v14, v11  }
0x142: {  	[tilespmem:v4+s11+$0x0] =	vst.idx.add.f32.msk $0xffff, v1;
	v4 =	vtrunc.f32 v13;
	v13 =	vcvt.f32.s32 v16;
	v10 =	vadd.s32 v19, v10  }
0x143: {  	[tilespmem:v3+s11+$0x0] =	vst.idx.add.f32.msk $0xffff, v1;
	v3 =	vshll.u32 v7, $0xD;
	v7 =	vcvt.f32.s32 v15;
	v5 =	vadd.s32 v8, v5  }
0x144: {  	[tilespmem:v2+s11+$0x0] =	vst.idx.add.f32.msk $0xffff, v1;
	v2 =	vshll.u32 v6, $0xD;
	v4 =	vcvt.f32.s32 v4;
	v3 =	vadd.s32 v13, v3  }
0x145: {  	v6 =	vshll.u32 v9, $0xD;
	v2 =	vadd.s32 v7, v2;
	[tilespmem:v12+s11+$0x0] =	vst.idx.add.f32.msk $0xffff, v1  }
0x146: {  	v4 =	vadd.s32 v4, v6;
	[tilespmem:v11+s11+$0x0] =	vst.idx.add.f32.msk $0xffff, v1  }
0x147: {  	[tilespmem:v10+s11+$0x0] =	vst.idx.add.f32.msk $0xffff, v1  }
0x148: {  	[tilespmem:v5+s11+$0x0] =	vst.idx.add.f32.msk $0xffff, v1  }
0x149: {  	[tilespmem:v3+s11+$0x0] =	vst.idx.add.f32.msk $0xffff, v1  }
0x14a: {  	[tilespmem:v2+s11+$0x0] =	vst.idx.add.f32.msk $0xffff, v1  }
0x14b: {  	[tilespmem:v4+s11+$0x0] =	vst.idx.add.f32.msk $0xffff, v1  }
0x14c: {  	s13 =	simm.s32 $0x0;
	s14 =	rddreg [dreg:$0xa]  }
0x14d: {  	[tilespmem:s13], [sflag:$0x1] =	stream.linear.gather [hbm4b:s14+s13], $0x2000, $0x38;
	[tilespmem:$0xC000] =	vst v63  }
0x14e: {  	s15 =	rddreg [dreg:$0xb]  }
0x14f: {  	[tilespmem:s6], [sflag:$0x2] =	stream.linear.gather [hbm4b:s15+s13], $0x2000, $0x38;
	[tilespmem:$0xC000] =	vst v63  }
0x150: {  	_ =	swait.ge [sflag:s9], $0x2000  }
0x151: {  	[sflag:s9] =	ssyncset.done $0x0  }
0x152: {  	s16 =	simm.s32 $0x0;
	[sflag:s9] =	ssyncadd.s32 $0xFFFFE000  }
0x153: {  	s14 =	sand.u32 $0x1000, s16;
	s15 =	sand.u32 $0xC00, s13;
	_ =	swait.ge [sflag:s10], $0x2000  }
0x154: {  	s13 =	sand.u32 $0x380, s13;
	s14 =	sor.u32 s14, s15;
	[sflag:s10] =	ssyncset.done $0x0  }
0x155: {  	s16 =	sor.u32 s13, s14;
	[sflag:s10] =	ssyncadd.s32 $0xFFFFE000  }
0x156: {  	v2 =	vld [tilespmem:s16+$0x2070]  }
0x157: {  	v3 =	vld [tilespmem:s16+$0x2000]  }
0x158: {  	v4 =	vld [tilespmem:s16+$0x2010]  }
0x159: {  	v5 =	vld [tilespmem:s16+$0x2020]  }
0x15a: {  	v6 =	vld [tilespmem:s16+$0x2030]  }
0x15b: {  	v7 =	vld [tilespmem:s16+$0x2040]  }
0x15c: {  	v8 =	vld [tilespmem:s16+$0x2050]  }
0x15d: {  	v9 =	vld [tilespmem:s16+$0x2060]  }
0x15e: {  	v10 =	vld [tilespmem:s16+$0x6070]  }
0x15f: {  	v11 =	vld [tilespmem:s16+$0x6000]  }
0x160: {  	v13 =	vld [tilespmem:s16+$0x6030]  }
0x161: {  	v14 =	vld [tilespmem:s16+$0x6040];
	v2 =	vmul.f32 $5.120000000e+02, v2;
	v3 =	vmul.f32 $5.120000000e+02, v3  }
0x162: {  	v4 =	vmul.f32 $5.120000000e+02, v4;
	v5 =	vmul.f32 $5.120000000e+02, v5  }
0x163: {  	v6 =	vmul.f32 $5.120000000e+02, v6;
	v7 =	vmul.f32 $5.120000000e+02, v7;
	v2 =	vadd.f32 $4.096000000e+03, v2  }
0x164: {  	v15 =	vld [tilespmem:s16+$0x6050];
	v8 =	vmul.f32 $5.120000000e+02, v8;
	v9 =	vmul.f32 $5.120000000e+02, v9;
	v10 =	vshll.u32 v10, $0xD  }
0x165: {  	v11 =	vshll.u32 v11, $0xD;
	v13 =	vshll.u32 v13, $0xD;
	v2 =	vmax.f32 v2, $0.0e+00  }
0x166: {  	v14 =	vshll.u32 v14, $0xD;
	v3 =	vadd.f32 $4.096000000e+03, v3;
	v2 =	vmin.f32 v2, $8.191000000e+03  }
0x167: {  	v4 =	vadd.f32 $4.096000000e+03, v4;
	v5 =	vadd.f32 $4.096000000e+03, v5;
	v2 =	vtrunc.f32 v2  }
0x168: {  	v6 =	vadd.f32 $4.096000000e+03, v6;
	v7 =	vadd.f32 $4.096000000e+03, v7;
	v2 =	vcvt.f32.s32 v2  }
0x169: {  	v15 =	vshll.u32 v15, $0xD;
	v8 =	vadd.f32 $4.096000000e+03, v8;
	v9 =	vadd.f32 $4.096000000e+03, v9  }
0x16a: {  	s13 =	simm.s32 $0x80;
	s14 =	simm.s32 $0x400;
	v3 =	vmax.f32 v3, $0.0e+00;
	v4 =	vmax.f32 v4, $0.0e+00;
	v2 =	vadd.s32 v2, v10  }
0x16b: {  	s15 =	simm.s32 $0x20;
	s17 =	sand.u32 $0x1000, s13;
	s18 =	sand.u32 $0xC00, s14;
	v12 =	vld [tilespmem:s16+$0x6010];
	v5 =	vmax.f32 v5, $0.0e+00;
	v6 =	vmax.f32 v6, $0.0e+00;
	v7 =	vmax.f32 v7, $0.0e+00  }
0x16c: {  	s17 =	sor.u32 s17, s18;
	s18 =	sand.u32 $0x380, s15;
	v16 =	vld [tilespmem:s16+$0x6060];
	v8 =	vmax.f32 v8, $0.0e+00;
	v9 =	vmax.f32 v9, $0.0e+00;
	v3 =	vmin.f32 v3, $8.191000000e+03  }
0x16d: {  	v4 =	vmin.f32 v4, $8.191000000e+03;
	v5 =	vmin.f32 v5, $8.191000000e+03;
	v6 =	vmin.f32 v6, $8.191000000e+03;
	v10 =	vld [tilespmem:s16+$0x6020];
	s16 =	sor.u32 s18, s17  }
0x16e: {  	v7 =	vmin.f32 v7, $8.191000000e+03;
	v3 =	vtrunc.f32 v3;
	v4 =	vtrunc.f32 v4;
	v18 =	vld [tilespmem:s16+$0x2010]  }
0x16f: {  	v8 =	vmin.f32 v8, $8.191000000e+03;
	v5 =	vtrunc.f32 v5;
	v6 =	vtrunc.f32 v6;
	[tilespmem:v2+s11+$0x0] =	vst.idx.add.f32.msk $0xffff, v1  }
0x170: {  	v8 =	vtrunc.f32 v8;
	v3 =	vcvt.f32.s32 v3;
	v2 =	vshll.u32 v12, $0xD;
	v12 =	vld [tilespmem:s16+$0x2070]  }
0x171: {  	v9 =	vmin.f32 v9, $8.191000000e+03;
	v7 =	vtrunc.f32 v7;
	v8 =	vcvt.f32.s32 v8;
	v17 =	vld [tilespmem:s16+$0x2000]  }
0x172: {  	v4 =	vcvt.f32.s32 v4;
	v7 =	vcvt.f32.s32 v7;
	v20 =	vadd.s32 v3, v11;
	v11 =	vld [tilespmem:s16+$0x2030]  }
0x173: {  	v5 =	vcvt.f32.s32 v5;
	v6 =	vcvt.f32.s32 v6;
	v3 =	vadd.s32 v8, v15  }
0x174: {  	v10 =	vshll.u32 v10, $0xD;
	v21 =	vadd.s32 v4, v2;
	v4 =	vadd.s32 v7, v14;
	v7 =	vld [tilespmem:s16+$0x2050]  }
0x175: {  	v22 =	vadd.s32 v5, v10;
	v10 =	vld [tilespmem:s16+$0x2040];
	v8 =	vmul.f32 $5.120000000e+02, v18;
	v2 =	vmul.f32 $5.120000000e+02, v12  }
0x176: {  	v9 =	vtrunc.f32 v9;
	v19 =	vld [tilespmem:s16+$0x2020];
	v5 =	vadd.s32 v6, v13;
	v6 =	vmul.f32 $5.120000000e+02, v17  }
0x177: {  	v14 =	vld [tilespmem:s16+$0x6070];
	v15 =	vadd.f32 $4.096000000e+03, v8;
	v8 =	vmul.f32 $5.120000000e+02, v11;
	v13 =	vadd.f32 $4.096000000e+03, v2  }
0x178: {  	v16 =	vshll.u32 v16, $0xD;
	v9 =	vcvt.f32.s32 v9;
	v6 =	vadd.f32 $4.096000000e+03, v6;
	v12 =	vld [tilespmem:s16+$0x2060]  }
0x179: {  	v23 =	vld [tilespmem:s16+$0x6000];
	v17 =	vadd.f32 $4.096000000e+03, v8;
	v18 =	vmul.f32 $5.120000000e+02, v7;
	v13 =	vmax.f32 v13, $0.0e+00  }
0x17a: {  	[tilespmem:v20+s11+$0x0] =	vst.idx.add.f32.msk $0xffff, v1;
	v2 =	vadd.s32 v9, v16;
	v16 =	vmul.f32 $5.120000000e+02, v10;
	v13 =	vmin.f32 v13, $8.191000000e+03  }
0x17b: {  	v11 =	vld [tilespmem:s16+$0x6010];
	v15 =	vmax.f32 v15, $0.0e+00;
	v9 =	vmul.f32 $5.120000000e+02, v19;
	v7 =	vtrunc.f32 v13  }
0x17c: {  	v8 =	vld [tilespmem:s16+$0x6030];
	v18 =	vadd.f32 $4.096000000e+03, v18;
	v13 =	vadd.f32 $4.096000000e+03, v16;
	v16 =	vcvt.f32.s32 v7  }
0x17d: {  	v14 =	vshll.u32 v14, $0xD;
	v20 =	vmin.f32 v15, $8.191000000e+03;
	[tilespmem:v21+s11+$0x0] =	vst.idx.add.f32.msk $0xffff, v1;
	v12 =	vmul.f32 $5.120000000e+02, v12  }
0x17e: {  	[tilespmem:v22+s11+$0x0] =	vst.idx.add.f32.msk $0xffff, v1;
	v9 =	vadd.f32 $4.096000000e+03, v9;
	v25 =	vmax.f32 v18, $0.0e+00;
	v24 =	vadd.s32 v16, v14  }
0x17f: {  	v10 =	vld [tilespmem:s16+$0x6020];
	v19 =	vmax.f32 v6, $0.0e+00;
	v15 =	vmin.f32 v25, $8.191000000e+03;
	v12 =	vadd.f32 $4.096000000e+03, v12  }
0x180: {  	v6 =	vld [tilespmem:s16+$0x6050];
	v13 =	vmax.f32 v13, $0.0e+00;
	v14 =	vmax.f32 v9, $0.0e+00;
	v16 =	vmax.f32 v17, $0.0e+00  }
0x181: {  	v7 =	vld [tilespmem:s16+$0x6040];
	v17 =	vmin.f32 v19, $8.191000000e+03;
	v12 =	vmax.f32 v12, $0.0e+00;
	v19 =	vmin.f32 v14, $8.191000000e+03  }
0x182: {  	v9 =	vld [tilespmem:s16+$0x6060];
	v18 =	vmin.f32 v16, $8.191000000e+03;
	v16 =	vmin.f32 v13, $8.191000000e+03;
	v13 =	vmin.f32 v12, $8.191000000e+03  }
0x183: {  	v17 =	vtrunc.f32 v17;
	v12 =	vshll.u32 v23, $0xD;
	v14 =	vtrunc.f32 v20;
	[tilespmem:v24+s11+$0x0] =	vst.idx.add.f32.msk $0xffff, v1  }
.LBB2_10:
0x184: {  	s13 =	sadd.s32 $0x80, s13;
	v11 =	vshll.u32 v11, $0xD;
	v19 =	vtrunc.f32 v19;
	v18 =	vtrunc.f32 v18;
	s14 =	sadd.s32 $0x400, s14;
	[tilespmem:v5+s11+$0x0] =	vst.idx.add.f32.msk $0xffff, v1  }
0x185: {  	v5 =	vshll.u32 v10, $0xD;
	v10 =	vtrunc.f32 v16;
	v15 =	vtrunc.f32 v15;
	s15 =	sadd.s32 $0x20, s15;
	s16 =	sand.u32 $0x1000, s13;
	s17 =	sand.u32 $0xC00, s14;
	[tilespmem:v4+s11+$0x0] =	vst.idx.add.f32.msk $0xffff, v1  }
0x186: {  	v8 =	vshll.u32 v8, $0xD;
	v13 =	vtrunc.f32 v13;
	p0 =	slt.u32 s13, $0x1F80;
	v4 =	vcvt.f32.s32 v17;
	s16 =	sor.u32 s16, s17;
	s17 =	sand.u32 $0x380, s15;
	[tilespmem:v3+s11+$0x0] =	vst.idx.add.f32.msk $0xffff, v1  }
0x187: {  	v7 =	vshll.u32 v7, $0xD;
	v3 =	vcvt.f32.s32 v14;
	v14 =	vcvt.f32.s32 v19;
	s16 =	sor.u32 s17, s16;
	[tilespmem:v2+s11+$0x0] =	vst.idx.add.f32.msk $0xffff, v1  }
0x188: {  	v6 =	vshll.u32 v6, $0xD;
	v10 =	vcvt.f32.s32 v10;
	v2 =	vcvt.f32.s32 v18;
	v16 =	vld [tilespmem:s16+$0x2070]  }
0x189: {  	v9 =	vshll.u32 v9, $0xD;
	v15 =	vcvt.f32.s32 v15;
	v13 =	vcvt.f32.s32 v13;
	v17 =	vld [tilespmem:s16+$0x2000]  }
0x18a: {  	v12 =	vadd.s32 v4, v12;
	v20 =	vadd.s32 v3, v11;
	v14 =	vadd.s32 v14, v5;
	v18 =	vld [tilespmem:s16+$0x2010]  }
0x18b: {  	v4 =	vadd.s32 v10, v7;
	v3 =	vadd.s32 v15, v6;
	v5 =	vadd.s32 v2, v8;
	v11 =	vld [tilespmem:s16+$0x2020]  }
0x18c: {  	v2 =	vadd.s32 v13, v9;
	v6 =	vld [tilespmem:s16+$0x2030]  }
0x18d: {  	v7 =	vld [tilespmem:s16+$0x2040];
	v8 =	vmul.f32 $5.120000000e+02, v16  }
0x18e: {  	v9 =	vmul.f32 $5.120000000e+02, v17;
	v13 =	vld [tilespmem:s16+$0x2050]  }
0x18f: {  	v10 =	vmul.f32 $5.120000000e+02, v18;
	v15 =	vld [tilespmem:s16+$0x2060];
	v8 =	vadd.f32 $4.096000000e+03, v8  }
0x190: {  	v9 =	vadd.f32 $4.096000000e+03, v9;
	v16 =	vmul.f32 $5.120000000e+02, v11;
	v17 =	vld [tilespmem:s16+$0x6070]  }
0x191: {  	v21 =	vld [tilespmem:s16+$0x6000];
	v18 =	vadd.f32 $4.096000000e+03, v10;
	v6 =	vmul.f32 $5.120000000e+02, v6;
	v8 =	vmax.f32 v8, $0.0e+00  }
0x192: {  	v11 =	vld [tilespmem:s16+$0x6010];
	v16 =	vadd.f32 $4.096000000e+03, v16;
	v7 =	vmul.f32 $5.120000000e+02, v7;
	v8 =	vmin.f32 v8, $8.191000000e+03  }
0x193: {  	v10 =	vld [tilespmem:s16+$0x6020];
	v19 =	vadd.f32 $4.096000000e+03, v6;
	v6 =	vmul.f32 $5.120000000e+02, v13;
	v13 =	vtrunc.f32 v8  }
0x194: {  	v8 =	vld [tilespmem:s16+$0x6030];
	v22 =	vadd.f32 $4.096000000e+03, v7;
	v15 =	vmul.f32 $5.120000000e+02, v15;
	v13 =	vcvt.f32.s32 v13  }
0x195: {  	v23 =	vmax.f32 v9, $0.0e+00;
	v7 =	vld [tilespmem:s16+$0x6040];
	v24 =	vadd.f32 $4.096000000e+03, v6;
	v9 =	vshll.u32 v17, $0xD  }
0x196: {  	v17 =	vmax.f32 v18, $0.0e+00;
	v6 =	vld [tilespmem:s16+$0x6050];
	v15 =	vadd.f32 $4.096000000e+03, v15;
	v25 =	vadd.s32 v13, v9  }
.Ltmp4:
0x197: {  	v13 =	vmax.f32 v16, $0.0e+00;
	v16 =	vmax.f32 v19, $0.0e+00;
	v22 =	vmax.f32 v22, $0.0e+00;
	v9 =	vld [tilespmem:s16+$0x6060];
	(pc) =	sbr.rel @p0 .LBB2_10-.Ltmp4, $4  }
0x198: {  	v23 =	vmin.f32 v23, $8.191000000e+03;
	v24 =	vmax.f32 v24, $0.0e+00;
	v26 =	vmax.f32 v15, $0.0e+00;
	[tilespmem:v12+s11+$0x0] =	vst.idx.add.f32.msk $0xffff, v1  }
0x199: {  	v27 =	vmin.f32 v17, $8.191000000e+03;
	v19 =	vmin.f32 v13, $8.191000000e+03;
	v18 =	vmin.f32 v16, $8.191000000e+03;
	[tilespmem:v20+s11+$0x0] =	vst.idx.add.f32.msk $0xffff, v1  }
0x19a: {  	v16 =	vmin.f32 v22, $8.191000000e+03;
	v15 =	vmin.f32 v24, $8.191000000e+03;
	v13 =	vmin.f32 v26, $8.191000000e+03;
	[tilespmem:v14+s11+$0x0] =	vst.idx.add.f32.msk $0xffff, v1  }
0x19b: {  	v17 =	vtrunc.f32 v23;
	v12 =	vshll.u32 v21, $0xD;
	v14 =	vtrunc.f32 v27;
	[tilespmem:v25+s11+$0x0] =	vst.idx.add.f32.msk $0xffff, v1  }
0x19c: {  	v19 =	vtrunc.f32 v19  }
0x19d: {  	v11 =	vshll.u32 v11, $0xD;
	v18 =	vtrunc.f32 v18;
	v17 =	vcvt.f32.s32 v17  }
0x19e: {  	v10 =	vshll.u32 v10, $0xD;
	v16 =	vtrunc.f32 v16;
	v14 =	vcvt.f32.s32 v14  }
0x19f: {  	v15 =	vtrunc.f32 v15;
	v19 =	vcvt.f32.s32 v19;
	v12 =	vadd.s32 v17, v12  }
0x1a0: {  	[tilespmem:v5+s11+$0x0] =	vst.idx.add.f32.msk $0xffff, v1;
	v5 =	vshll.u32 v8, $0xD;
	v8 =	vcvt.f32.s32 v18;
	v11 =	vadd.s32 v14, v11  }
0x1a1: {  	[tilespmem:v4+s11+$0x0] =	vst.idx.add.f32.msk $0xffff, v1;
	v4 =	vtrunc.f32 v13;
	v13 =	vcvt.f32.s32 v16;
	v10 =	vadd.s32 v19, v10  }
0x1a2: {  	[tilespmem:v3+s11+$0x0] =	vst.idx.add.f32.msk $0xffff, v1;
	v3 =	vshll.u32 v7, $0xD;
	v7 =	vcvt.f32.s32 v15;
	v5 =	vadd.s32 v8, v5  }
0x1a3: {  	[tilespmem:v2+s11+$0x0] =	vst.idx.add.f32.msk $0xffff, v1;
	v2 =	vshll.u32 v6, $0xD;
	v4 =	vcvt.f32.s32 v4;
	v3 =	vadd.s32 v13, v3  }
0x1a4: {  	v6 =	vshll.u32 v9, $0xD;
	v2 =	vadd.s32 v7, v2;
	[tilespmem:v12+s11+$0x0] =	vst.idx.add.f32.msk $0xffff, v1  }
0x1a5: {  	v4 =	vadd.s32 v4, v6;
	[tilespmem:v11+s11+$0x0] =	vst.idx.add.f32.msk $0xffff, v1  }
0x1a6: {  	[tilespmem:v10+s11+$0x0] =	vst.idx.add.f32.msk $0xffff, v1  }
0x1a7: {  	[tilespmem:v5+s11+$0x0] =	vst.idx.add.f32.msk $0xffff, v1  }
0x1a8: {  	[tilespmem:v3+s11+$0x0] =	vst.idx.add.f32.msk $0xffff, v1  }
0x1a9: {  	[tilespmem:v2+s11+$0x0] =	vst.idx.add.f32.msk $0xffff, v1  }
0x1aa: {  	[tilespmem:v4+s11+$0x0] =	vst.idx.add.f32.msk $0xffff, v1  }
0x1ab: {  	s13 =	simm.s32 $0x0;
	s14 =	rddreg [dreg:$0xc]  }
0x1ac: {  	[tilespmem:s7], [sflag:$0x1] =	stream.linear.gather [hbm4b:s14+s13], $0x2000, $0x38;
	[tilespmem:$0xC000] =	vst v63  }
0x1ad: {  	s15 =	rddreg [dreg:$0xd]  }
0x1ae: {  	[tilespmem:s8], [sflag:$0x2] =	stream.linear.gather [hbm4b:s15+s13], $0x2000, $0x38;
	[tilespmem:$0xC000] =	vst v63  }
0x1af: {  	_ =	swait.ge [sflag:s9], $0x2000  }
0x1b0: {  	[sflag:s9] =	ssyncset.done $0x0  }
0x1b1: {  	s16 =	simm.s32 $0x0;
	[sflag:s9] =	ssyncadd.s32 $0xFFFFE000  }
0x1b2: {  	s14 =	sand.u32 $0x1000, s16;
	s15 =	sand.u32 $0xC00, s13;
	_ =	swait.ge [sflag:s10], $0x2000  }
0x1b3: {  	s13 =	sand.u32 $0x380, s13;
	s14 =	sor.u32 s14, s15;
	[sflag:s10] =	ssyncset.done $0x0  }
0x1b4: {  	s16 =	sor.u32 s13, s14;
	[sflag:s10] =	ssyncadd.s32 $0xFFFFE000  }
0x1b5: {  	v2 =	vld [tilespmem:s16+$0x70]  }
0x1b6: {  	v3 =	vld [tilespmem:s16+$0x0]  }
0x1b7: {  	v4 =	vld [tilespmem:s16+$0x10]  }
0x1b8: {  	v5 =	vld [tilespmem:s16+$0x20]  }
0x1b9: {  	v6 =	vld [tilespmem:s16+$0x30]  }
0x1ba: {  	v7 =	vld [tilespmem:s16+$0x40]  }
0x1bb: {  	v8 =	vld [tilespmem:s16+$0x50]  }
0x1bc: {  	v9 =	vld [tilespmem:s16+$0x60]  }
0x1bd: {  	v10 =	vld [tilespmem:s16+$0x4070]  }
0x1be: {  	v11 =	vld [tilespmem:s16+$0x4000]  }
0x1bf: {  	v13 =	vld [tilespmem:s16+$0x4030]  }
0x1c0: {  	v14 =	vld [tilespmem:s16+$0x4040];
	v2 =	vmul.f32 $5.120000000e+02, v2;
	v3 =	vmul.f32 $5.120000000e+02, v3  }
0x1c1: {  	v4 =	vmul.f32 $5.120000000e+02, v4;
	v5 =	vmul.f32 $5.120000000e+02, v5  }
0x1c2: {  	v6 =	vmul.f32 $5.120000000e+02, v6;
	v7 =	vmul.f32 $5.120000000e+02, v7;
	v2 =	vadd.f32 $4.096000000e+03, v2  }
0x1c3: {  	v15 =	vld [tilespmem:s16+$0x4050];
	v8 =	vmul.f32 $5.120000000e+02, v8;
	v9 =	vmul.f32 $5.120000000e+02, v9;
	v10 =	vshll.u32 v10, $0xD  }
0x1c4: {  	v11 =	vshll.u32 v11, $0xD;
	v13 =	vshll.u32 v13, $0xD;
	v2 =	vmax.f32 v2, $0.0e+00  }
0x1c5: {  	v14 =	vshll.u32 v14, $0xD;
	v3 =	vadd.f32 $4.096000000e+03, v3;
	v2 =	vmin.f32 v2, $8.191000000e+03  }
0x1c6: {  	v4 =	vadd.f32 $4.096000000e+03, v4;
	v5 =	vadd.f32 $4.096000000e+03, v5;
	v2 =	vtrunc.f32 v2  }
0x1c7: {  	v6 =	vadd.f32 $4.096000000e+03, v6;
	v7 =	vadd.f32 $4.096000000e+03, v7;
	v2 =	vcvt.f32.s32 v2  }
0x1c8: {  	v15 =	vshll.u32 v15, $0xD;
	v8 =	vadd.f32 $4.096000000e+03, v8;
	v9 =	vadd.f32 $4.096000000e+03, v9  }
0x1c9: {  	s13 =	simm.s32 $0x80;
	s14 =	simm.s32 $0x400;
	v3 =	vmax.f32 v3, $0.0e+00;
	v4 =	vmax.f32 v4, $0.0e+00;
	v2 =	vadd.s32 v2, v10  }
0x1ca: {  	s15 =	simm.s32 $0x20;
	s17 =	sand.u32 $0x1000, s13;
	s18 =	sand.u32 $0xC00, s14;
	v12 =	vld [tilespmem:s16+$0x4010];
	v5 =	vmax.f32 v5, $0.0e+00;
	v6 =	vmax.f32 v6, $0.0e+00;
	v7 =	vmax.f32 v7, $0.0e+00  }
0x1cb: {  	s17 =	sor.u32 s17, s18;
	s18 =	sand.u32 $0x380, s15;
	v16 =	vld [tilespmem:s16+$0x4060];
	v8 =	vmax.f32 v8, $0.0e+00;
	v9 =	vmax.f32 v9, $0.0e+00;
	v3 =	vmin.f32 v3, $8.191000000e+03  }
0x1cc: {  	v4 =	vmin.f32 v4, $8.191000000e+03;
	v5 =	vmin.f32 v5, $8.191000000e+03;
	v6 =	vmin.f32 v6, $8.191000000e+03;
	v10 =	vld [tilespmem:s16+$0x4020];
	s16 =	sor.u32 s18, s17  }
0x1cd: {  	v7 =	vmin.f32 v7, $8.191000000e+03;
	v3 =	vtrunc.f32 v3;
	v4 =	vtrunc.f32 v4;
	v18 =	vld [tilespmem:s16+$0x10]  }
0x1ce: {  	v8 =	vmin.f32 v8, $8.191000000e+03;
	v5 =	vtrunc.f32 v5;
	v6 =	vtrunc.f32 v6;
	[tilespmem:v2+s11+$0x0] =	vst.idx.add.f32.msk $0xffff, v1  }
0x1cf: {  	v8 =	vtrunc.f32 v8;
	v3 =	vcvt.f32.s32 v3;
	v2 =	vshll.u32 v12, $0xD;
	v12 =	vld [tilespmem:s16+$0x70]  }
0x1d0: {  	v9 =	vmin.f32 v9, $8.191000000e+03;
	v7 =	vtrunc.f32 v7;
	v8 =	vcvt.f32.s32 v8;
	v17 =	vld [tilespmem:s16+$0x0]  }
0x1d1: {  	v4 =	vcvt.f32.s32 v4;
	v7 =	vcvt.f32.s32 v7;
	v20 =	vadd.s32 v3, v11;
	v11 =	vld [tilespmem:s16+$0x30]  }
0x1d2: {  	v5 =	vcvt.f32.s32 v5;
	v6 =	vcvt.f32.s32 v6;
	v3 =	vadd.s32 v8, v15  }
0x1d3: {  	v10 =	vshll.u32 v10, $0xD;
	v21 =	vadd.s32 v4, v2;
	v4 =	vadd.s32 v7, v14;
	v7 =	vld [tilespmem:s16+$0x50]  }
0x1d4: {  	v22 =	vadd.s32 v5, v10;
	v10 =	vld [tilespmem:s16+$0x40];
	v8 =	vmul.f32 $5.120000000e+02, v18;
	v2 =	vmul.f32 $5.120000000e+02, v12  }
0x1d5: {  	v9 =	vtrunc.f32 v9;
	v19 =	vld [tilespmem:s16+$0x20];
	v5 =	vadd.s32 v6, v13;
	v6 =	vmul.f32 $5.120000000e+02, v17  }
0x1d6: {  	v14 =	vld [tilespmem:s16+$0x4070];
	v15 =	vadd.f32 $4.096000000e+03, v8;
	v8 =	vmul.f32 $5.120000000e+02, v11;
	v13 =	vadd.f32 $4.096000000e+03, v2  }
0x1d7: {  	v16 =	vshll.u32 v16, $0xD;
	v9 =	vcvt.f32.s32 v9;
	v6 =	vadd.f32 $4.096000000e+03, v6;
	v12 =	vld [tilespmem:s16+$0x60]  }
0x1d8: {  	v23 =	vld [tilespmem:s16+$0x4000];
	v17 =	vadd.f32 $4.096000000e+03, v8;
	v18 =	vmul.f32 $5.120000000e+02, v7;
	v13 =	vmax.f32 v13, $0.0e+00  }
0x1d9: {  	[tilespmem:v20+s11+$0x0] =	vst.idx.add.f32.msk $0xffff, v1;
	v2 =	vadd.s32 v9, v16;
	v16 =	vmul.f32 $5.120000000e+02, v10;
	v13 =	vmin.f32 v13, $8.191000000e+03  }
0x1da: {  	v11 =	vld [tilespmem:s16+$0x4010];
	v15 =	vmax.f32 v15, $0.0e+00;
	v9 =	vmul.f32 $5.120000000e+02, v19;
	v7 =	vtrunc.f32 v13  }
0x1db: {  	v8 =	vld [tilespmem:s16+$0x4030];
	v18 =	vadd.f32 $4.096000000e+03, v18;
	v13 =	vadd.f32 $4.096000000e+03, v16;
	v16 =	vcvt.f32.s32 v7  }
0x1dc: {  	v14 =	vshll.u32 v14, $0xD;
	v20 =	vmin.f32 v15, $8.191000000e+03;
	[tilespmem:v21+s11+$0x0] =	vst.idx.add.f32.msk $0xffff, v1;
	v12 =	vmul.f32 $5.120000000e+02, v12  }
0x1dd: {  	[tilespmem:v22+s11+$0x0] =	vst.idx.add.f32.msk $0xffff, v1;
	v9 =	vadd.f32 $4.096000000e+03, v9;
	v25 =	vmax.f32 v18, $0.0e+00;
	v24 =	vadd.s32 v16, v14  }
0x1de: {  	v10 =	vld [tilespmem:s16+$0x4020];
	v19 =	vmax.f32 v6, $0.0e+00;
	v15 =	vmin.f32 v25, $8.191000000e+03;
	v12 =	vadd.f32 $4.096000000e+03, v12  }
0x1df: {  	v6 =	vld [tilespmem:s16+$0x4050];
	v13 =	vmax.f32 v13, $0.0e+00;
	v14 =	vmax.f32 v9, $0.0e+00;
	v16 =	vmax.f32 v17, $0.0e+00  }
0x1e0: {  	v7 =	vld [tilespmem:s16+$0x4040];
	v17 =	vmin.f32 v19, $8.191000000e+03;
	v12 =	vmax.f32 v12, $0.0e+00;
	v19 =	vmin.f32 v14, $8.191000000e+03  }
0x1e1: {  	v9 =	vld [tilespmem:s16+$0x4060];
	v18 =	vmin.f32 v16, $8.191000000e+03;
	v16 =	vmin.f32 v13, $8.191000000e+03;
	v13 =	vmin.f32 v12, $8.191000000e+03  }
0x1e2: {  	v17 =	vtrunc.f32 v17;
	v12 =	vshll.u32 v23, $0xD;
	v14 =	vtrunc.f32 v20;
	[tilespmem:v24+s11+$0x0] =	vst.idx.add.f32.msk $0xffff, v1  }
.LBB2_12:
0x1e3: {  	s13 =	sadd.s32 $0x80, s13;
	v11 =	vshll.u32 v11, $0xD;
	v19 =	vtrunc.f32 v19;
	v18 =	vtrunc.f32 v18;
	s14 =	sadd.s32 $0x400, s14;
	[tilespmem:v5+s11+$0x0] =	vst.idx.add.f32.msk $0xffff, v1  }
0x1e4: {  	v5 =	vshll.u32 v10, $0xD;
	v10 =	vtrunc.f32 v16;
	v15 =	vtrunc.f32 v15;
	s15 =	sadd.s32 $0x20, s15;
	s16 =	sand.u32 $0x1000, s13;
	s17 =	sand.u32 $0xC00, s14;
	[tilespmem:v4+s11+$0x0] =	vst.idx.add.f32.msk $0xffff, v1  }
0x1e5: {  	v8 =	vshll.u32 v8, $0xD;
	v13 =	vtrunc.f32 v13;
	p0 =	slt.u32 s13, $0x1F80;
	v4 =	vcvt.f32.s32 v17;
	s16 =	sor.u32 s16, s17;
	s17 =	sand.u32 $0x380, s15;
	[tilespmem:v3+s11+$0x0] =	vst.idx.add.f32.msk $0xffff, v1  }
0x1e6: {  	v7 =	vshll.u32 v7, $0xD;
	v3 =	vcvt.f32.s32 v14;
	v14 =	vcvt.f32.s32 v19;
	s16 =	sor.u32 s17, s16;
	[tilespmem:v2+s11+$0x0] =	vst.idx.add.f32.msk $0xffff, v1  }
0x1e7: {  	v6 =	vshll.u32 v6, $0xD;
	v10 =	vcvt.f32.s32 v10;
	v2 =	vcvt.f32.s32 v18;
	v16 =	vld [tilespmem:s16+$0x70]  }
0x1e8: {  	v9 =	vshll.u32 v9, $0xD;
	v15 =	vcvt.f32.s32 v15;
	v13 =	vcvt.f32.s32 v13;
	v17 =	vld [tilespmem:s16+$0x0]  }
0x1e9: {  	v12 =	vadd.s32 v4, v12;
	v20 =	vadd.s32 v3, v11;
	v14 =	vadd.s32 v14, v5;
	v18 =	vld [tilespmem:s16+$0x10]  }
0x1ea: {  	v4 =	vadd.s32 v10, v7;
	v3 =	vadd.s32 v15, v6;
	v5 =	vadd.s32 v2, v8;
	v11 =	vld [tilespmem:s16+$0x20]  }
0x1eb: {  	v2 =	vadd.s32 v13, v9;
	v6 =	vld [tilespmem:s16+$0x30]  }
0x1ec: {  	v7 =	vld [tilespmem:s16+$0x40];
	v8 =	vmul.f32 $5.120000000e+02, v16  }
0x1ed: {  	v9 =	vmul.f32 $5.120000000e+02, v17;
	v13 =	vld [tilespmem:s16+$0x50]  }
0x1ee: {  	v10 =	vmul.f32 $5.120000000e+02, v18;
	v15 =	vld [tilespmem:s16+$0x60];
	v8 =	vadd.f32 $4.096000000e+03, v8  }
0x1ef: {  	v9 =	vadd.f32 $4.096000000e+03, v9;
	v16 =	vmul.f32 $5.120000000e+02, v11;
	v17 =	vld [tilespmem:s16+$0x4070]  }
0x1f0: {  	v21 =	vld [tilespmem:s16+$0x4000];
	v18 =	vadd.f32 $4.096000000e+03, v10;
	v6 =	vmul.f32 $5.120000000e+02, v6;
	v8 =	vmax.f32 v8, $0.0e+00  }
0x1f1: {  	v11 =	vld [tilespmem:s16+$0x4010];
	v16 =	vadd.f32 $4.096000000e+03, v16;
	v7 =	vmul.f32 $5.120000000e+02, v7;
	v8 =	vmin.f32 v8, $8.191000000e+03  }
0x1f2: {  	v10 =	vld [tilespmem:s16+$0x4020];
	v19 =	vadd.f32 $4.096000000e+03, v6;
	v6 =	vmul.f32 $5.120000000e+02, v13;
	v13 =	vtrunc.f32 v8  }
0x1f3: {  	v8 =	vld [tilespmem:s16+$0x4030];
	v22 =	vadd.f32 $4.096000000e+03, v7;
	v15 =	vmul.f32 $5.120000000e+02, v15;
	v13 =	vcvt.f32.s32 v13  }
0x1f4: {  	v23 =	vmax.f32 v9, $0.0e+00;
	v7 =	vld [tilespmem:s16+$0x4040];
	v24 =	vadd.f32 $4.096000000e+03, v6;
	v9 =	vshll.u32 v17, $0xD  }
0x1f5: {  	v17 =	vmax.f32 v18, $0.0e+00;
	v6 =	vld [tilespmem:s16+$0x4050];
	v15 =	vadd.f32 $4.096000000e+03, v15;
	v25 =	vadd.s32 v13, v9  }
.Ltmp5:
0x1f6: {  	v13 =	vmax.f32 v16, $0.0e+00;
	v16 =	vmax.f32 v19, $0.0e+00;
	v22 =	vmax.f32 v22, $0.0e+00;
	v9 =	vld [tilespmem:s16+$0x4060];
	(pc) =	sbr.rel @p0 .LBB2_12-.Ltmp5, $4  }
0x1f7: {  	v23 =	vmin.f32 v23, $8.191000000e+03;
	v24 =	vmax.f32 v24, $0.0e+00;
	v26 =	vmax.f32 v15, $0.0e+00;
	[tilespmem:v12+s11+$0x0] =	vst.idx.add.f32.msk $0xffff, v1  }
0x1f8: {  	v27 =	vmin.f32 v17, $8.191000000e+03;
	v19 =	vmin.f32 v13, $8.191000000e+03;
	v18 =	vmin.f32 v16, $8.191000000e+03;
	[tilespmem:v20+s11+$0x0] =	vst.idx.add.f32.msk $0xffff, v1  }
0x1f9: {  	v16 =	vmin.f32 v22, $8.191000000e+03;
	v15 =	vmin.f32 v24, $8.191000000e+03;
	v13 =	vmin.f32 v26, $8.191000000e+03;
	[tilespmem:v14+s11+$0x0] =	vst.idx.add.f32.msk $0xffff, v1  }
0x1fa: {  	v17 =	vtrunc.f32 v23;
	v12 =	vshll.u32 v21, $0xD;
	v14 =	vtrunc.f32 v27;
	[tilespmem:v25+s11+$0x0] =	vst.idx.add.f32.msk $0xffff, v1  }
0x1fb: {  	v19 =	vtrunc.f32 v19  }
0x1fc: {  	v11 =	vshll.u32 v11, $0xD;
	v18 =	vtrunc.f32 v18;
	v17 =	vcvt.f32.s32 v17  }
0x1fd: {  	v10 =	vshll.u32 v10, $0xD;
	v16 =	vtrunc.f32 v16;
	v14 =	vcvt.f32.s32 v14  }
0x1fe: {  	v15 =	vtrunc.f32 v15;
	v19 =	vcvt.f32.s32 v19;
	v12 =	vadd.s32 v17, v12  }
0x1ff: {  	[tilespmem:v5+s11+$0x0] =	vst.idx.add.f32.msk $0xffff, v1;
	v5 =	vshll.u32 v8, $0xD;
	v8 =	vcvt.f32.s32 v18;
	v11 =	vadd.s32 v14, v11  }
0x200: {  	[tilespmem:v4+s11+$0x0] =	vst.idx.add.f32.msk $0xffff, v1;
	v4 =	vtrunc.f32 v13;
	v13 =	vcvt.f32.s32 v16;
	v10 =	vadd.s32 v19, v10  }
0x201: {  	[tilespmem:v3+s11+$0x0] =	vst.idx.add.f32.msk $0xffff, v1;
	v3 =	vshll.u32 v7, $0xD;
	v7 =	vcvt.f32.s32 v15;
	v5 =	vadd.s32 v8, v5  }
0x202: {  	[tilespmem:v2+s11+$0x0] =	vst.idx.add.f32.msk $0xffff, v1;
	v2 =	vshll.u32 v6, $0xD;
	v4 =	vcvt.f32.s32 v4;
	v3 =	vadd.s32 v13, v3  }
0x203: {  	v6 =	vshll.u32 v9, $0xD;
	v2 =	vadd.s32 v7, v2;
	[tilespmem:v12+s11+$0x0] =	vst.idx.add.f32.msk $0xffff, v1  }
0x204: {  	v4 =	vadd.s32 v4, v6;
	[tilespmem:v11+s11+$0x0] =	vst.idx.add.f32.msk $0xffff, v1  }
0x205: {  	[tilespmem:v10+s11+$0x0] =	vst.idx.add.f32.msk $0xffff, v1  }
0x206: {  	[tilespmem:v5+s11+$0x0] =	vst.idx.add.f32.msk $0xffff, v1  }
0x207: {  	[tilespmem:v3+s11+$0x0] =	vst.idx.add.f32.msk $0xffff, v1  }
0x208: {  	[tilespmem:v2+s11+$0x0] =	vst.idx.add.f32.msk $0xffff, v1  }
0x209: {  	[tilespmem:v4+s11+$0x0] =	vst.idx.add.f32.msk $0xffff, v1  }
0x20a: {  	s13 =	simm.s32 $0x0;
	s14 =	rddreg [dreg:$0xe]  }
0x20b: {  	[tilespmem:s13], [sflag:$0x1] =	stream.linear.gather [hbm4b:s14+s13], $0x2000, $0x38;
	[tilespmem:$0xC000] =	vst v63  }
0x20c: {  	s15 =	rddreg [dreg:$0xf]  }
0x20d: {  	[tilespmem:s6], [sflag:$0x2] =	stream.linear.gather [hbm4b:s15+s13], $0x2000, $0x38;
	[tilespmem:$0xC000] =	vst v63  }
0x20e: {  	_ =	swait.ge [sflag:s9], $0x2000  }
0x20f: {  	[sflag:s9] =	ssyncset.done $0x0  }
0x210: {  	s16 =	simm.s32 $0x0;
	[sflag:s9] =	ssyncadd.s32 $0xFFFFE000  }
0x211: {  	s14 =	sand.u32 $0x1000, s16;
	s15 =	sand.u32 $0xC00, s13;
	_ =	swait.ge [sflag:s10], $0x2000  }
0x212: {  	s13 =	sand.u32 $0x380, s13;
	s14 =	sor.u32 s14, s15;
	[sflag:s10] =	ssyncset.done $0x0  }
0x213: {  	s16 =	sor.u32 s13, s14;
	[sflag:s10] =	ssyncadd.s32 $0xFFFFE000  }
0x214: {  	v2 =	vld [tilespmem:s16+$0x2070]  }
0x215: {  	v3 =	vld [tilespmem:s16+$0x2000]  }
0x216: {  	v4 =	vld [tilespmem:s16+$0x2010]  }
0x217: {  	v5 =	vld [tilespmem:s16+$0x2020]  }
0x218: {  	v6 =	vld [tilespmem:s16+$0x2030]  }
0x219: {  	v7 =	vld [tilespmem:s16+$0x2040]  }
0x21a: {  	v8 =	vld [tilespmem:s16+$0x2050]  }
0x21b: {  	v9 =	vld [tilespmem:s16+$0x2060]  }
0x21c: {  	v10 =	vld [tilespmem:s16+$0x6070]  }
0x21d: {  	v11 =	vld [tilespmem:s16+$0x6000]  }
0x21e: {  	v13 =	vld [tilespmem:s16+$0x6030]  }
0x21f: {  	v14 =	vld [tilespmem:s16+$0x6040];
	v2 =	vmul.f32 $5.120000000e+02, v2;
	v3 =	vmul.f32 $5.120000000e+02, v3  }
0x220: {  	v4 =	vmul.f32 $5.120000000e+02, v4;
	v5 =	vmul.f32 $5.120000000e+02, v5  }
0x221: {  	v6 =	vmul.f32 $5.120000000e+02, v6;
	v7 =	vmul.f32 $5.120000000e+02, v7;
	v2 =	vadd.f32 $4.096000000e+03, v2  }
0x222: {  	v15 =	vld [tilespmem:s16+$0x6050];
	v8 =	vmul.f32 $5.120000000e+02, v8;
	v9 =	vmul.f32 $5.120000000e+02, v9;
	v10 =	vshll.u32 v10, $0xD  }
0x223: {  	v11 =	vshll.u32 v11, $0xD;
	v13 =	vshll.u32 v13, $0xD;
	v2 =	vmax.f32 v2, $0.0e+00  }
0x224: {  	v14 =	vshll.u32 v14, $0xD;
	v3 =	vadd.f32 $4.096000000e+03, v3;
	v2 =	vmin.f32 v2, $8.191000000e+03  }
0x225: {  	v4 =	vadd.f32 $4.096000000e+03, v4;
	v5 =	vadd.f32 $4.096000000e+03, v5;
	v2 =	vtrunc.f32 v2  }
0x226: {  	v6 =	vadd.f32 $4.096000000e+03, v6;
	v7 =	vadd.f32 $4.096000000e+03, v7;
	v2 =	vcvt.f32.s32 v2  }
0x227: {  	v15 =	vshll.u32 v15, $0xD;
	v8 =	vadd.f32 $4.096000000e+03, v8;
	v9 =	vadd.f32 $4.096000000e+03, v9  }
0x228: {  	s13 =	simm.s32 $0x80;
	s14 =	simm.s32 $0x400;
	v3 =	vmax.f32 v3, $0.0e+00;
	v4 =	vmax.f32 v4, $0.0e+00;
	v2 =	vadd.s32 v2, v10  }
0x229: {  	s15 =	simm.s32 $0x20;
	s17 =	sand.u32 $0x1000, s13;
	s18 =	sand.u32 $0xC00, s14;
	v12 =	vld [tilespmem:s16+$0x6010];
	v5 =	vmax.f32 v5, $0.0e+00;
	v6 =	vmax.f32 v6, $0.0e+00;
	v7 =	vmax.f32 v7, $0.0e+00  }
0x22a: {  	s17 =	sor.u32 s17, s18;
	s18 =	sand.u32 $0x380, s15;
	v16 =	vld [tilespmem:s16+$0x6060];
	v8 =	vmax.f32 v8, $0.0e+00;
	v9 =	vmax.f32 v9, $0.0e+00;
	v3 =	vmin.f32 v3, $8.191000000e+03  }
0x22b: {  	v4 =	vmin.f32 v4, $8.191000000e+03;
	v5 =	vmin.f32 v5, $8.191000000e+03;
	v6 =	vmin.f32 v6, $8.191000000e+03;
	v10 =	vld [tilespmem:s16+$0x6020];
	s16 =	sor.u32 s18, s17  }
0x22c: {  	v7 =	vmin.f32 v7, $8.191000000e+03;
	v3 =	vtrunc.f32 v3;
	v4 =	vtrunc.f32 v4;
	v18 =	vld [tilespmem:s16+$0x2010]  }
0x22d: {  	v8 =	vmin.f32 v8, $8.191000000e+03;
	v5 =	vtrunc.f32 v5;
	v6 =	vtrunc.f32 v6;
	[tilespmem:v2+s11+$0x0] =	vst.idx.add.f32.msk $0xffff, v1  }
0x22e: {  	v8 =	vtrunc.f32 v8;
	v3 =	vcvt.f32.s32 v3;
	v2 =	vshll.u32 v12, $0xD;
	v12 =	vld [tilespmem:s16+$0x2070]  }
0x22f: {  	v9 =	vmin.f32 v9, $8.191000000e+03;
	v7 =	vtrunc.f32 v7;
	v8 =	vcvt.f32.s32 v8;
	v17 =	vld [tilespmem:s16+$0x2000]  }
0x230: {  	v4 =	vcvt.f32.s32 v4;
	v7 =	vcvt.f32.s32 v7;
	v20 =	vadd.s32 v3, v11;
	v11 =	vld [tilespmem:s16+$0x2030]  }
0x231: {  	v5 =	vcvt.f32.s32 v5;
	v6 =	vcvt.f32.s32 v6;
	v3 =	vadd.s32 v8, v15  }
0x232: {  	v10 =	vshll.u32 v10, $0xD;
	v21 =	vadd.s32 v4, v2;
	v4 =	vadd.s32 v7, v14;
	v7 =	vld [tilespmem:s16+$0x2050]  }
0x233: {  	v22 =	vadd.s32 v5, v10;
	v10 =	vld [tilespmem:s16+$0x2040];
	v8 =	vmul.f32 $5.120000000e+02, v18;
	v2 =	vmul.f32 $5.120000000e+02, v12  }
0x234: {  	v9 =	vtrunc.f32 v9;
	v19 =	vld [tilespmem:s16+$0x2020];
	v5 =	vadd.s32 v6, v13;
	v6 =	vmul.f32 $5.120000000e+02, v17  }
0x235: {  	v14 =	vld [tilespmem:s16+$0x6070];
	v15 =	vadd.f32 $4.096000000e+03, v8;
	v8 =	vmul.f32 $5.120000000e+02, v11;
	v13 =	vadd.f32 $4.096000000e+03, v2  }
0x236: {  	v16 =	vshll.u32 v16, $0xD;
	v9 =	vcvt.f32.s32 v9;
	v6 =	vadd.f32 $4.096000000e+03, v6;
	v12 =	vld [tilespmem:s16+$0x2060]  }
0x237: {  	v23 =	vld [tilespmem:s16+$0x6000];
	v17 =	vadd.f32 $4.096000000e+03, v8;
	v18 =	vmul.f32 $5.120000000e+02, v7;
	v13 =	vmax.f32 v13, $0.0e+00  }
0x238: {  	[tilespmem:v20+s11+$0x0] =	vst.idx.add.f32.msk $0xffff, v1;
	v2 =	vadd.s32 v9, v16;
	v16 =	vmul.f32 $5.120000000e+02, v10;
	v13 =	vmin.f32 v13, $8.191000000e+03  }
0x239: {  	v11 =	vld [tilespmem:s16+$0x6010];
	v15 =	vmax.f32 v15, $0.0e+00;
	v9 =	vmul.f32 $5.120000000e+02, v19;
	v7 =	vtrunc.f32 v13  }
0x23a: {  	v8 =	vld [tilespmem:s16+$0x6030];
	v18 =	vadd.f32 $4.096000000e+03, v18;
	v13 =	vadd.f32 $4.096000000e+03, v16;
	v16 =	vcvt.f32.s32 v7  }
0x23b: {  	v14 =	vshll.u32 v14, $0xD;
	v20 =	vmin.f32 v15, $8.191000000e+03;
	[tilespmem:v21+s11+$0x0] =	vst.idx.add.f32.msk $0xffff, v1;
	v12 =	vmul.f32 $5.120000000e+02, v12  }
0x23c: {  	[tilespmem:v22+s11+$0x0] =	vst.idx.add.f32.msk $0xffff, v1;
	v9 =	vadd.f32 $4.096000000e+03, v9;
	v25 =	vmax.f32 v18, $0.0e+00;
	v24 =	vadd.s32 v16, v14  }
0x23d: {  	v10 =	vld [tilespmem:s16+$0x6020];
	v19 =	vmax.f32 v6, $0.0e+00;
	v15 =	vmin.f32 v25, $8.191000000e+03;
	v12 =	vadd.f32 $4.096000000e+03, v12  }
0x23e: {  	v6 =	vld [tilespmem:s16+$0x6050];
	v13 =	vmax.f32 v13, $0.0e+00;
	v14 =	vmax.f32 v9, $0.0e+00;
	v16 =	vmax.f32 v17, $0.0e+00  }
0x23f: {  	v7 =	vld [tilespmem:s16+$0x6040];
	v17 =	vmin.f32 v19, $8.191000000e+03;
	v12 =	vmax.f32 v12, $0.0e+00;
	v19 =	vmin.f32 v14, $8.191000000e+03  }
0x240: {  	v9 =	vld [tilespmem:s16+$0x6060];
	v18 =	vmin.f32 v16, $8.191000000e+03;
	v16 =	vmin.f32 v13, $8.191000000e+03;
	v13 =	vmin.f32 v12, $8.191000000e+03  }
0x241: {  	v17 =	vtrunc.f32 v17;
	v12 =	vshll.u32 v23, $0xD;
	v14 =	vtrunc.f32 v20;
	[tilespmem:v24+s11+$0x0] =	vst.idx.add.f32.msk $0xffff, v1  }
.LBB2_14:
0x242: {  	s13 =	sadd.s32 $0x80, s13;
	v11 =	vshll.u32 v11, $0xD;
	v19 =	vtrunc.f32 v19;
	v18 =	vtrunc.f32 v18;
	s14 =	sadd.s32 $0x400, s14;
	[tilespmem:v5+s11+$0x0] =	vst.idx.add.f32.msk $0xffff, v1  }
0x243: {  	v5 =	vshll.u32 v10, $0xD;
	v10 =	vtrunc.f32 v16;
	v15 =	vtrunc.f32 v15;
	s15 =	sadd.s32 $0x20, s15;
	s16 =	sand.u32 $0x1000, s13;
	s17 =	sand.u32 $0xC00, s14;
	[tilespmem:v4+s11+$0x0] =	vst.idx.add.f32.msk $0xffff, v1  }
0x244: {  	v8 =	vshll.u32 v8, $0xD;
	v13 =	vtrunc.f32 v13;
	p0 =	slt.u32 s13, $0x1F80;
	v4 =	vcvt.f32.s32 v17;
	s16 =	sor.u32 s16, s17;
	s17 =	sand.u32 $0x380, s15;
	[tilespmem:v3+s11+$0x0] =	vst.idx.add.f32.msk $0xffff, v1  }
0x245: {  	v7 =	vshll.u32 v7, $0xD;
	v3 =	vcvt.f32.s32 v14;
	v14 =	vcvt.f32.s32 v19;
	s16 =	sor.u32 s17, s16;
	[tilespmem:v2+s11+$0x0] =	vst.idx.add.f32.msk $0xffff, v1  }
0x246: {  	v6 =	vshll.u32 v6, $0xD;
	v10 =	vcvt.f32.s32 v10;
	v2 =	vcvt.f32.s32 v18;
	v16 =	vld [tilespmem:s16+$0x2070]  }
0x247: {  	v9 =	vshll.u32 v9, $0xD;
	v15 =	vcvt.f32.s32 v15;
	v13 =	vcvt.f32.s32 v13;
	v17 =	vld [tilespmem:s16+$0x2000]  }
0x248: {  	v12 =	vadd.s32 v4, v12;
	v20 =	vadd.s32 v3, v11;
	v14 =	vadd.s32 v14, v5;
	v18 =	vld [tilespmem:s16+$0x2010]  }
0x249: {  	v4 =	vadd.s32 v10, v7;
	v3 =	vadd.s32 v15, v6;
	v5 =	vadd.s32 v2, v8;
	v11 =	vld [tilespmem:s16+$0x2020]  }
0x24a: {  	v2 =	vadd.s32 v13, v9;
	v6 =	vld [tilespmem:s16+$0x2030]  }
0x24b: {  	v7 =	vld [tilespmem:s16+$0x2040];
	v8 =	vmul.f32 $5.120000000e+02, v16  }
0x24c: {  	v9 =	vmul.f32 $5.120000000e+02, v17;
	v13 =	vld [tilespmem:s16+$0x2050]  }
0x24d: {  	v10 =	vmul.f32 $5.120000000e+02, v18;
	v15 =	vld [tilespmem:s16+$0x2060];
	v8 =	vadd.f32 $4.096000000e+03, v8  }
0x24e: {  	v9 =	vadd.f32 $4.096000000e+03, v9;
	v16 =	vmul.f32 $5.120000000e+02, v11;
	v17 =	vld [tilespmem:s16+$0x6070]  }
0x24f: {  	v21 =	vld [tilespmem:s16+$0x6000];
	v18 =	vadd.f32 $4.096000000e+03, v10;
	v6 =	vmul.f32 $5.120000000e+02, v6;
	v8 =	vmax.f32 v8, $0.0e+00  }
0x250: {  	v11 =	vld [tilespmem:s16+$0x6010];
	v16 =	vadd.f32 $4.096000000e+03, v16;
	v7 =	vmul.f32 $5.120000000e+02, v7;
	v8 =	vmin.f32 v8, $8.191000000e+03  }
0x251: {  	v10 =	vld [tilespmem:s16+$0x6020];
	v19 =	vadd.f32 $4.096000000e+03, v6;
	v6 =	vmul.f32 $5.120000000e+02, v13;
	v13 =	vtrunc.f32 v8  }
0x252: {  	v8 =	vld [tilespmem:s16+$0x6030];
	v22 =	vadd.f32 $4.096000000e+03, v7;
	v15 =	vmul.f32 $5.120000000e+02, v15;
	v13 =	vcvt.f32.s32 v13  }
0x253: {  	v23 =	vmax.f32 v9, $0.0e+00;
	v7 =	vld [tilespmem:s16+$0x6040];
	v24 =	vadd.f32 $4.096000000e+03, v6;
	v9 =	vshll.u32 v17, $0xD  }
0x254: {  	v17 =	vmax.f32 v18, $0.0e+00;
	v6 =	vld [tilespmem:s16+$0x6050];
	v15 =	vadd.f32 $4.096000000e+03, v15;
	v25 =	vadd.s32 v13, v9  }
.Ltmp6:
0x255: {  	v13 =	vmax.f32 v16, $0.0e+00;
	v16 =	vmax.f32 v19, $0.0e+00;
	v22 =	vmax.f32 v22, $0.0e+00;
	v9 =	vld [tilespmem:s16+$0x6060];
	(pc) =	sbr.rel @p0 .LBB2_14-.Ltmp6, $4  }
0x256: {  	v23 =	vmin.f32 v23, $8.191000000e+03;
	v24 =	vmax.f32 v24, $0.0e+00;
	v26 =	vmax.f32 v15, $0.0e+00;
	[tilespmem:v12+s11+$0x0] =	vst.idx.add.f32.msk $0xffff, v1  }
0x257: {  	v27 =	vmin.f32 v17, $8.191000000e+03;
	v19 =	vmin.f32 v13, $8.191000000e+03;
	v18 =	vmin.f32 v16, $8.191000000e+03;
	[tilespmem:v20+s11+$0x0] =	vst.idx.add.f32.msk $0xffff, v1  }
0x258: {  	v16 =	vmin.f32 v22, $8.191000000e+03;
	v15 =	vmin.f32 v24, $8.191000000e+03;
	v13 =	vmin.f32 v26, $8.191000000e+03;
	[tilespmem:v14+s11+$0x0] =	vst.idx.add.f32.msk $0xffff, v1  }
0x259: {  	v17 =	vtrunc.f32 v23;
	v12 =	vshll.u32 v21, $0xD;
	v14 =	vtrunc.f32 v27;
	[tilespmem:v25+s11+$0x0] =	vst.idx.add.f32.msk $0xffff, v1  }
0x25a: {  	v19 =	vtrunc.f32 v19  }
0x25b: {  	v11 =	vshll.u32 v11, $0xD;
	v18 =	vtrunc.f32 v18;
	v17 =	vcvt.f32.s32 v17  }
0x25c: {  	v10 =	vshll.u32 v10, $0xD;
	v16 =	vtrunc.f32 v16;
	v14 =	vcvt.f32.s32 v14  }
0x25d: {  	v15 =	vtrunc.f32 v15;
	v19 =	vcvt.f32.s32 v19;
	v12 =	vadd.s32 v17, v12  }
0x25e: {  	[tilespmem:v5+s11+$0x0] =	vst.idx.add.f32.msk $0xffff, v1;
	v5 =	vshll.u32 v8, $0xD;
	v8 =	vcvt.f32.s32 v18;
	v11 =	vadd.s32 v14, v11  }
0x25f: {  	[tilespmem:v4+s11+$0x0] =	vst.idx.add.f32.msk $0xffff, v1;
	v4 =	vtrunc.f32 v13;
	v13 =	vcvt.f32.s32 v16;
	v10 =	vadd.s32 v19, v10  }
0x260: {  	[tilespmem:v3+s11+$0x0] =	vst.idx.add.f32.msk $0xffff, v1;
	v3 =	vshll.u32 v7, $0xD;
	v7 =	vcvt.f32.s32 v15;
	v5 =	vadd.s32 v8, v5  }
0x261: {  	[tilespmem:v2+s11+$0x0] =	vst.idx.add.f32.msk $0xffff, v1;
	v2 =	vshll.u32 v6, $0xD;
	v4 =	vcvt.f32.s32 v4;
	v3 =	vadd.s32 v13, v3  }
0x262: {  	v6 =	vshll.u32 v9, $0xD;
	v2 =	vadd.s32 v7, v2;
	[tilespmem:v12+s11+$0x0] =	vst.idx.add.f32.msk $0xffff, v1  }
0x263: {  	v4 =	vadd.s32 v4, v6;
	[tilespmem:v11+s11+$0x0] =	vst.idx.add.f32.msk $0xffff, v1  }
0x264: {  	[tilespmem:v10+s11+$0x0] =	vst.idx.add.f32.msk $0xffff, v1  }
0x265: {  	[tilespmem:v5+s11+$0x0] =	vst.idx.add.f32.msk $0xffff, v1  }
0x266: {  	[tilespmem:v3+s11+$0x0] =	vst.idx.add.f32.msk $0xffff, v1  }
0x267: {  	[tilespmem:v2+s11+$0x0] =	vst.idx.add.f32.msk $0xffff, v1  }
0x268: {  	[tilespmem:v4+s11+$0x0] =	vst.idx.add.f32.msk $0xffff, v1  }
0x269: {  	s13 =	simm.s32 $0x0;
	s14 =	rddreg [dreg:$0x10]  }
0x26a: {  	[tilespmem:s7], [sflag:$0x1] =	stream.linear.gather [hbm4b:s14+s13], $0x2000, $0x38;
	[tilespmem:$0xC000] =	vst v63  }
0x26b: {  	s15 =	rddreg [dreg:$0x11]  }
0x26c: {  	[tilespmem:s8], [sflag:$0x2] =	stream.linear.gather [hbm4b:s15+s13], $0x2000, $0x38;
	[tilespmem:$0xC000] =	vst v63  }
0x26d: {  	_ =	swait.ge [sflag:s9], $0x2000  }
0x26e: {  	[sflag:s9] =	ssyncset.done $0x0  }
0x26f: {  	s16 =	simm.s32 $0x0;
	[sflag:s9] =	ssyncadd.s32 $0xFFFFE000  }
0x270: {  	s14 =	sand.u32 $0x1000, s16;
	s15 =	sand.u32 $0xC00, s13;
	_ =	swait.ge [sflag:s10], $0x2000  }
0x271: {  	s13 =	sand.u32 $0x380, s13;
	s14 =	sor.u32 s14, s15;
	[sflag:s10] =	ssyncset.done $0x0  }
0x272: {  	s16 =	sor.u32 s13, s14;
	[sflag:s10] =	ssyncadd.s32 $0xFFFFE000  }
0x273: {  	v2 =	vld [tilespmem:s16+$0x70]  }
0x274: {  	v3 =	vld [tilespmem:s16+$0x0]  }
0x275: {  	v4 =	vld [tilespmem:s16+$0x10]  }
0x276: {  	v5 =	vld [tilespmem:s16+$0x20]  }
0x277: {  	v6 =	vld [tilespmem:s16+$0x30]  }
0x278: {  	v7 =	vld [tilespmem:s16+$0x40]  }
0x279: {  	v8 =	vld [tilespmem:s16+$0x50]  }
0x27a: {  	v9 =	vld [tilespmem:s16+$0x60]  }
0x27b: {  	v10 =	vld [tilespmem:s16+$0x4070]  }
0x27c: {  	v11 =	vld [tilespmem:s16+$0x4000]  }
0x27d: {  	v13 =	vld [tilespmem:s16+$0x4030]  }
0x27e: {  	v14 =	vld [tilespmem:s16+$0x4040];
	v2 =	vmul.f32 $5.120000000e+02, v2;
	v3 =	vmul.f32 $5.120000000e+02, v3  }
0x27f: {  	v4 =	vmul.f32 $5.120000000e+02, v4;
	v5 =	vmul.f32 $5.120000000e+02, v5  }
0x280: {  	v6 =	vmul.f32 $5.120000000e+02, v6;
	v7 =	vmul.f32 $5.120000000e+02, v7;
	v2 =	vadd.f32 $4.096000000e+03, v2  }
0x281: {  	v15 =	vld [tilespmem:s16+$0x4050];
	v8 =	vmul.f32 $5.120000000e+02, v8;
	v9 =	vmul.f32 $5.120000000e+02, v9;
	v10 =	vshll.u32 v10, $0xD  }
0x282: {  	v11 =	vshll.u32 v11, $0xD;
	v13 =	vshll.u32 v13, $0xD;
	v2 =	vmax.f32 v2, $0.0e+00  }
0x283: {  	v14 =	vshll.u32 v14, $0xD;
	v3 =	vadd.f32 $4.096000000e+03, v3;
	v2 =	vmin.f32 v2, $8.191000000e+03  }
0x284: {  	v4 =	vadd.f32 $4.096000000e+03, v4;
	v5 =	vadd.f32 $4.096000000e+03, v5;
	v2 =	vtrunc.f32 v2  }
0x285: {  	v6 =	vadd.f32 $4.096000000e+03, v6;
	v7 =	vadd.f32 $4.096000000e+03, v7;
	v2 =	vcvt.f32.s32 v2  }
0x286: {  	v15 =	vshll.u32 v15, $0xD;
	v8 =	vadd.f32 $4.096000000e+03, v8;
	v9 =	vadd.f32 $4.096000000e+03, v9  }
0x287: {  	s13 =	simm.s32 $0x80;
	s14 =	simm.s32 $0x400;
	v3 =	vmax.f32 v3, $0.0e+00;
	v4 =	vmax.f32 v4, $0.0e+00;
	v2 =	vadd.s32 v2, v10  }
0x288: {  	s15 =	simm.s32 $0x20;
	s17 =	sand.u32 $0x1000, s13;
	s18 =	sand.u32 $0xC00, s14;
	v12 =	vld [tilespmem:s16+$0x4010];
	v5 =	vmax.f32 v5, $0.0e+00;
	v6 =	vmax.f32 v6, $0.0e+00;
	v7 =	vmax.f32 v7, $0.0e+00  }
0x289: {  	s17 =	sor.u32 s17, s18;
	s18 =	sand.u32 $0x380, s15;
	v16 =	vld [tilespmem:s16+$0x4060];
	v8 =	vmax.f32 v8, $0.0e+00;
	v9 =	vmax.f32 v9, $0.0e+00;
	v3 =	vmin.f32 v3, $8.191000000e+03  }
0x28a: {  	v4 =	vmin.f32 v4, $8.191000000e+03;
	v5 =	vmin.f32 v5, $8.191000000e+03;
	v6 =	vmin.f32 v6, $8.191000000e+03;
	v10 =	vld [tilespmem:s16+$0x4020];
	s16 =	sor.u32 s18, s17  }
0x28b: {  	v7 =	vmin.f32 v7, $8.191000000e+03;
	v3 =	vtrunc.f32 v3;
	v4 =	vtrunc.f32 v4;
	v18 =	vld [tilespmem:s16+$0x10]  }
0x28c: {  	v8 =	vmin.f32 v8, $8.191000000e+03;
	v5 =	vtrunc.f32 v5;
	v6 =	vtrunc.f32 v6;
	[tilespmem:v2+s11+$0x0] =	vst.idx.add.f32.msk $0xffff, v1  }
0x28d: {  	v8 =	vtrunc.f32 v8;
	v3 =	vcvt.f32.s32 v3;
	v2 =	vshll.u32 v12, $0xD;
	v12 =	vld [tilespmem:s16+$0x70]  }
0x28e: {  	v9 =	vmin.f32 v9, $8.191000000e+03;
	v7 =	vtrunc.f32 v7;
	v8 =	vcvt.f32.s32 v8;
	v17 =	vld [tilespmem:s16+$0x0]  }
0x28f: {  	v4 =	vcvt.f32.s32 v4;
	v7 =	vcvt.f32.s32 v7;
	v20 =	vadd.s32 v3, v11;
	v11 =	vld [tilespmem:s16+$0x30]  }
0x290: {  	v5 =	vcvt.f32.s32 v5;
	v6 =	vcvt.f32.s32 v6;
	v3 =	vadd.s32 v8, v15  }
0x291: {  	v10 =	vshll.u32 v10, $0xD;
	v21 =	vadd.s32 v4, v2;
	v4 =	vadd.s32 v7, v14;
	v7 =	vld [tilespmem:s16+$0x50]  }
0x292: {  	v22 =	vadd.s32 v5, v10;
	v10 =	vld [tilespmem:s16+$0x40];
	v8 =	vmul.f32 $5.120000000e+02, v18;
	v2 =	vmul.f32 $5.120000000e+02, v12  }
0x293: {  	v9 =	vtrunc.f32 v9;
	v19 =	vld [tilespmem:s16+$0x20];
	v5 =	vadd.s32 v6, v13;
	v6 =	vmul.f32 $5.120000000e+02, v17  }
0x294: {  	v14 =	vld [tilespmem:s16+$0x4070];
	v15 =	vadd.f32 $4.096000000e+03, v8;
	v8 =	vmul.f32 $5.120000000e+02, v11;
	v13 =	vadd.f32 $4.096000000e+03, v2  }
0x295: {  	v16 =	vshll.u32 v16, $0xD;
	v9 =	vcvt.f32.s32 v9;
	v6 =	vadd.f32 $4.096000000e+03, v6;
	v12 =	vld [tilespmem:s16+$0x60]  }
0x296: {  	v23 =	vld [tilespmem:s16+$0x4000];
	v17 =	vadd.f32 $4.096000000e+03, v8;
	v18 =	vmul.f32 $5.120000000e+02, v7;
	v13 =	vmax.f32 v13, $0.0e+00  }
0x297: {  	[tilespmem:v20+s11+$0x0] =	vst.idx.add.f32.msk $0xffff, v1;
	v2 =	vadd.s32 v9, v16;
	v16 =	vmul.f32 $5.120000000e+02, v10;
	v13 =	vmin.f32 v13, $8.191000000e+03  }
0x298: {  	v11 =	vld [tilespmem:s16+$0x4010];
	v15 =	vmax.f32 v15, $0.0e+00;
	v9 =	vmul.f32 $5.120000000e+02, v19;
	v7 =	vtrunc.f32 v13  }
0x299: {  	v8 =	vld [tilespmem:s16+$0x4030];
	v18 =	vadd.f32 $4.096000000e+03, v18;
	v13 =	vadd.f32 $4.096000000e+03, v16;
	v16 =	vcvt.f32.s32 v7  }
0x29a: {  	v14 =	vshll.u32 v14, $0xD;
	v20 =	vmin.f32 v15, $8.191000000e+03;
	[tilespmem:v21+s11+$0x0] =	vst.idx.add.f32.msk $0xffff, v1;
	v12 =	vmul.f32 $5.120000000e+02, v12  }
0x29b: {  	[tilespmem:v22+s11+$0x0] =	vst.idx.add.f32.msk $0xffff, v1;
	v9 =	vadd.f32 $4.096000000e+03, v9;
	v25 =	vmax.f32 v18, $0.0e+00;
	v24 =	vadd.s32 v16, v14  }
0x29c: {  	v10 =	vld [tilespmem:s16+$0x4020];
	v19 =	vmax.f32 v6, $0.0e+00;
	v15 =	vmin.f32 v25, $8.191000000e+03;
	v12 =	vadd.f32 $4.096000000e+03, v12  }
0x29d: {  	v6 =	vld [tilespmem:s16+$0x4050];
	v13 =	vmax.f32 v13, $0.0e+00;
	v14 =	vmax.f32 v9, $0.0e+00;
	v16 =	vmax.f32 v17, $0.0e+00  }
0x29e: {  	v7 =	vld [tilespmem:s16+$0x4040];
	v17 =	vmin.f32 v19, $8.191000000e+03;
	v12 =	vmax.f32 v12, $0.0e+00;
	v19 =	vmin.f32 v14, $8.191000000e+03  }
0x29f: {  	v9 =	vld [tilespmem:s16+$0x4060];
	v18 =	vmin.f32 v16, $8.191000000e+03;
	v16 =	vmin.f32 v13, $8.191000000e+03;
	v13 =	vmin.f32 v12, $8.191000000e+03  }
0x2a0: {  	v17 =	vtrunc.f32 v17;
	v12 =	vshll.u32 v23, $0xD;
	v14 =	vtrunc.f32 v20;
	[tilespmem:v24+s11+$0x0] =	vst.idx.add.f32.msk $0xffff, v1  }
.LBB2_16:
0x2a1: {  	s13 =	sadd.s32 $0x80, s13;
	v11 =	vshll.u32 v11, $0xD;
	v19 =	vtrunc.f32 v19;
	v18 =	vtrunc.f32 v18;
	s14 =	sadd.s32 $0x400, s14;
	[tilespmem:v5+s11+$0x0] =	vst.idx.add.f32.msk $0xffff, v1  }
0x2a2: {  	v5 =	vshll.u32 v10, $0xD;
	v10 =	vtrunc.f32 v16;
	v15 =	vtrunc.f32 v15;
	s15 =	sadd.s32 $0x20, s15;
	s16 =	sand.u32 $0x1000, s13;
	s17 =	sand.u32 $0xC00, s14;
	[tilespmem:v4+s11+$0x0] =	vst.idx.add.f32.msk $0xffff, v1  }
0x2a3: {  	v8 =	vshll.u32 v8, $0xD;
	v13 =	vtrunc.f32 v13;
	p0 =	slt.u32 s13, $0x1F80;
	v4 =	vcvt.f32.s32 v17;
	s16 =	sor.u32 s16, s17;
	s17 =	sand.u32 $0x380, s15;
	[tilespmem:v3+s11+$0x0] =	vst.idx.add.f32.msk $0xffff, v1  }
0x2a4: {  	v7 =	vshll.u32 v7, $0xD;
	v3 =	vcvt.f32.s32 v14;
	v14 =	vcvt.f32.s32 v19;
	s16 =	sor.u32 s17, s16;
	[tilespmem:v2+s11+$0x0] =	vst.idx.add.f32.msk $0xffff, v1  }
0x2a5: {  	v6 =	vshll.u32 v6, $0xD;
	v10 =	vcvt.f32.s32 v10;
	v2 =	vcvt.f32.s32 v18;
	v16 =	vld [tilespmem:s16+$0x70]  }
0x2a6: {  	v9 =	vshll.u32 v9, $0xD;
	v15 =	vcvt.f32.s32 v15;
	v13 =	vcvt.f32.s32 v13;
	v17 =	vld [tilespmem:s16+$0x0]  }
0x2a7: {  	v12 =	vadd.s32 v4, v12;
	v20 =	vadd.s32 v3, v11;
	v14 =	vadd.s32 v14, v5;
	v18 =	vld [tilespmem:s16+$0x10]  }
0x2a8: {  	v4 =	vadd.s32 v10, v7;
	v3 =	vadd.s32 v15, v6;
	v5 =	vadd.s32 v2, v8;
	v11 =	vld [tilespmem:s16+$0x20]  }
0x2a9: {  	v2 =	vadd.s32 v13, v9;
	v6 =	vld [tilespmem:s16+$0x30]  }
0x2aa: {  	v7 =	vld [tilespmem:s16+$0x40];
	v8 =	vmul.f32 $5.120000000e+02, v16  }
0x2ab: {  	v9 =	vmul.f32 $5.120000000e+02, v17;
	v13 =	vld [tilespmem:s16+$0x50]  }
0x2ac: {  	v10 =	vmul.f32 $5.120000000e+02, v18;
	v15 =	vld [tilespmem:s16+$0x60];
	v8 =	vadd.f32 $4.096000000e+03, v8  }
0x2ad: {  	v9 =	vadd.f32 $4.096000000e+03, v9;
	v16 =	vmul.f32 $5.120000000e+02, v11;
	v17 =	vld [tilespmem:s16+$0x4070]  }
0x2ae: {  	v21 =	vld [tilespmem:s16+$0x4000];
	v18 =	vadd.f32 $4.096000000e+03, v10;
	v6 =	vmul.f32 $5.120000000e+02, v6;
	v8 =	vmax.f32 v8, $0.0e+00  }
0x2af: {  	v11 =	vld [tilespmem:s16+$0x4010];
	v16 =	vadd.f32 $4.096000000e+03, v16;
	v7 =	vmul.f32 $5.120000000e+02, v7;
	v8 =	vmin.f32 v8, $8.191000000e+03  }
0x2b0: {  	v10 =	vld [tilespmem:s16+$0x4020];
	v19 =	vadd.f32 $4.096000000e+03, v6;
	v6 =	vmul.f32 $5.120000000e+02, v13;
	v13 =	vtrunc.f32 v8  }
0x2b1: {  	v8 =	vld [tilespmem:s16+$0x4030];
	v22 =	vadd.f32 $4.096000000e+03, v7;
	v15 =	vmul.f32 $5.120000000e+02, v15;
	v13 =	vcvt.f32.s32 v13  }
0x2b2: {  	v23 =	vmax.f32 v9, $0.0e+00;
	v7 =	vld [tilespmem:s16+$0x4040];
	v24 =	vadd.f32 $4.096000000e+03, v6;
	v9 =	vshll.u32 v17, $0xD  }
0x2b3: {  	v17 =	vmax.f32 v18, $0.0e+00;
	v6 =	vld [tilespmem:s16+$0x4050];
	v15 =	vadd.f32 $4.096000000e+03, v15;
	v25 =	vadd.s32 v13, v9  }
.Ltmp7:
0x2b4: {  	v13 =	vmax.f32 v16, $0.0e+00;
	v16 =	vmax.f32 v19, $0.0e+00;
	v22 =	vmax.f32 v22, $0.0e+00;
	v9 =	vld [tilespmem:s16+$0x4060];
	(pc) =	sbr.rel @p0 .LBB2_16-.Ltmp7, $4  }
0x2b5: {  	v23 =	vmin.f32 v23, $8.191000000e+03;
	v24 =	vmax.f32 v24, $0.0e+00;
	v26 =	vmax.f32 v15, $0.0e+00;
	[tilespmem:v12+s11+$0x0] =	vst.idx.add.f32.msk $0xffff, v1  }
0x2b6: {  	v27 =	vmin.f32 v17, $8.191000000e+03;
	v19 =	vmin.f32 v13, $8.191000000e+03;
	v18 =	vmin.f32 v16, $8.191000000e+03;
	[tilespmem:v20+s11+$0x0] =	vst.idx.add.f32.msk $0xffff, v1  }
0x2b7: {  	v16 =	vmin.f32 v22, $8.191000000e+03;
	v15 =	vmin.f32 v24, $8.191000000e+03;
	v13 =	vmin.f32 v26, $8.191000000e+03;
	[tilespmem:v14+s11+$0x0] =	vst.idx.add.f32.msk $0xffff, v1  }
0x2b8: {  	v17 =	vtrunc.f32 v23;
	v12 =	vshll.u32 v21, $0xD;
	v14 =	vtrunc.f32 v27;
	[tilespmem:v25+s11+$0x0] =	vst.idx.add.f32.msk $0xffff, v1  }
0x2b9: {  	v19 =	vtrunc.f32 v19  }
0x2ba: {  	v11 =	vshll.u32 v11, $0xD;
	v18 =	vtrunc.f32 v18;
	v17 =	vcvt.f32.s32 v17  }
0x2bb: {  	v10 =	vshll.u32 v10, $0xD;
	v16 =	vtrunc.f32 v16;
	v14 =	vcvt.f32.s32 v14  }
0x2bc: {  	v15 =	vtrunc.f32 v15;
	v19 =	vcvt.f32.s32 v19;
	v12 =	vadd.s32 v17, v12  }
0x2bd: {  	[tilespmem:v5+s11+$0x0] =	vst.idx.add.f32.msk $0xffff, v1;
	v5 =	vshll.u32 v8, $0xD;
	v8 =	vcvt.f32.s32 v18;
	v11 =	vadd.s32 v14, v11  }
0x2be: {  	[tilespmem:v4+s11+$0x0] =	vst.idx.add.f32.msk $0xffff, v1;
	v4 =	vtrunc.f32 v13;
	v13 =	vcvt.f32.s32 v16;
	v10 =	vadd.s32 v19, v10  }
0x2bf: {  	[tilespmem:v3+s11+$0x0] =	vst.idx.add.f32.msk $0xffff, v1;
	v3 =	vshll.u32 v7, $0xD;
	v7 =	vcvt.f32.s32 v15;
	v5 =	vadd.s32 v8, v5  }
0x2c0: {  	[tilespmem:v2+s11+$0x0] =	vst.idx.add.f32.msk $0xffff, v1;
	v2 =	vshll.u32 v6, $0xD;
	v4 =	vcvt.f32.s32 v4;
	v3 =	vadd.s32 v13, v3  }
0x2c1: {  	v6 =	vshll.u32 v9, $0xD;
	v2 =	vadd.s32 v7, v2;
	[tilespmem:v12+s11+$0x0] =	vst.idx.add.f32.msk $0xffff, v1  }
0x2c2: {  	v4 =	vadd.s32 v4, v6;
	[tilespmem:v11+s11+$0x0] =	vst.idx.add.f32.msk $0xffff, v1  }
0x2c3: {  	[tilespmem:v10+s11+$0x0] =	vst.idx.add.f32.msk $0xffff, v1  }
0x2c4: {  	[tilespmem:v5+s11+$0x0] =	vst.idx.add.f32.msk $0xffff, v1  }
0x2c5: {  	[tilespmem:v3+s11+$0x0] =	vst.idx.add.f32.msk $0xffff, v1  }
0x2c6: {  	[tilespmem:v2+s11+$0x0] =	vst.idx.add.f32.msk $0xffff, v1  }
0x2c7: {  	[tilespmem:v4+s11+$0x0] =	vst.idx.add.f32.msk $0xffff, v1  }
0x2c8: {  	s13 =	simm.s32 $0x0;
	s14 =	rddreg [dreg:$0x12]  }
0x2c9: {  	[tilespmem:s13], [sflag:$0x1] =	stream.linear.gather [hbm4b:s14+s13], $0x2000, $0x38;
	[tilespmem:$0xC000] =	vst v63  }
0x2ca: {  	s15 =	rddreg [dreg:$0x13]  }
0x2cb: {  	[tilespmem:s6], [sflag:$0x2] =	stream.linear.gather [hbm4b:s15+s13], $0x2000, $0x38;
	[tilespmem:$0xC000] =	vst v63  }
0x2cc: {  	_ =	swait.ge [sflag:s9], $0x2000  }
0x2cd: {  	[sflag:s9] =	ssyncset.done $0x0  }
0x2ce: {  	s16 =	simm.s32 $0x0;
	[sflag:s9] =	ssyncadd.s32 $0xFFFFE000  }
0x2cf: {  	s14 =	sand.u32 $0x1000, s16;
	s15 =	sand.u32 $0xC00, s13;
	_ =	swait.ge [sflag:s10], $0x2000  }
0x2d0: {  	s13 =	sand.u32 $0x380, s13;
	s14 =	sor.u32 s14, s15;
	[sflag:s10] =	ssyncset.done $0x0  }
0x2d1: {  	s16 =	sor.u32 s13, s14;
	[sflag:s10] =	ssyncadd.s32 $0xFFFFE000  }
0x2d2: {  	v2 =	vld [tilespmem:s16+$0x2070]  }
0x2d3: {  	v3 =	vld [tilespmem:s16+$0x2000]  }
0x2d4: {  	v4 =	vld [tilespmem:s16+$0x2010]  }
0x2d5: {  	v5 =	vld [tilespmem:s16+$0x2020]  }
0x2d6: {  	v6 =	vld [tilespmem:s16+$0x2030]  }
0x2d7: {  	v7 =	vld [tilespmem:s16+$0x2040]  }
0x2d8: {  	v8 =	vld [tilespmem:s16+$0x2050]  }
0x2d9: {  	v9 =	vld [tilespmem:s16+$0x2060]  }
0x2da: {  	v10 =	vld [tilespmem:s16+$0x6070]  }
0x2db: {  	v11 =	vld [tilespmem:s16+$0x6000]  }
0x2dc: {  	v13 =	vld [tilespmem:s16+$0x6030]  }
0x2dd: {  	v14 =	vld [tilespmem:s16+$0x6040];
	v2 =	vmul.f32 $5.120000000e+02, v2;
	v3 =	vmul.f32 $5.120000000e+02, v3  }
0x2de: {  	v4 =	vmul.f32 $5.120000000e+02, v4;
	v5 =	vmul.f32 $5.120000000e+02, v5  }
0x2df: {  	v6 =	vmul.f32 $5.120000000e+02, v6;
	v7 =	vmul.f32 $5.120000000e+02, v7;
	v2 =	vadd.f32 $4.096000000e+03, v2  }
0x2e0: {  	v15 =	vld [tilespmem:s16+$0x6050];
	v8 =	vmul.f32 $5.120000000e+02, v8;
	v9 =	vmul.f32 $5.120000000e+02, v9;
	v10 =	vshll.u32 v10, $0xD  }
0x2e1: {  	v11 =	vshll.u32 v11, $0xD;
	v13 =	vshll.u32 v13, $0xD;
	v2 =	vmax.f32 v2, $0.0e+00  }
0x2e2: {  	v14 =	vshll.u32 v14, $0xD;
	v3 =	vadd.f32 $4.096000000e+03, v3;
	v2 =	vmin.f32 v2, $8.191000000e+03  }
0x2e3: {  	v4 =	vadd.f32 $4.096000000e+03, v4;
	v5 =	vadd.f32 $4.096000000e+03, v5;
	v2 =	vtrunc.f32 v2  }
0x2e4: {  	v6 =	vadd.f32 $4.096000000e+03, v6;
	v7 =	vadd.f32 $4.096000000e+03, v7;
	v2 =	vcvt.f32.s32 v2  }
0x2e5: {  	v15 =	vshll.u32 v15, $0xD;
	v8 =	vadd.f32 $4.096000000e+03, v8;
	v9 =	vadd.f32 $4.096000000e+03, v9  }
0x2e6: {  	s13 =	simm.s32 $0x80;
	s14 =	simm.s32 $0x400;
	v3 =	vmax.f32 v3, $0.0e+00;
	v4 =	vmax.f32 v4, $0.0e+00;
	v2 =	vadd.s32 v2, v10  }
0x2e7: {  	s15 =	simm.s32 $0x20;
	s17 =	sand.u32 $0x1000, s13;
	s18 =	sand.u32 $0xC00, s14;
	v12 =	vld [tilespmem:s16+$0x6010];
	v5 =	vmax.f32 v5, $0.0e+00;
	v6 =	vmax.f32 v6, $0.0e+00;
	v7 =	vmax.f32 v7, $0.0e+00  }
0x2e8: {  	s17 =	sor.u32 s17, s18;
	s18 =	sand.u32 $0x380, s15;
	v16 =	vld [tilespmem:s16+$0x6060];
	v8 =	vmax.f32 v8, $0.0e+00;
	v9 =	vmax.f32 v9, $0.0e+00;
	v3 =	vmin.f32 v3, $8.191000000e+03  }
0x2e9: {  	v4 =	vmin.f32 v4, $8.191000000e+03;
	v5 =	vmin.f32 v5, $8.191000000e+03;
	v6 =	vmin.f32 v6, $8.191000000e+03;
	v10 =	vld [tilespmem:s16+$0x6020];
	s16 =	sor.u32 s18, s17  }
0x2ea: {  	v7 =	vmin.f32 v7, $8.191000000e+03;
	v3 =	vtrunc.f32 v3;
	v4 =	vtrunc.f32 v4;
	v18 =	vld [tilespmem:s16+$0x2010]  }
0x2eb: {  	v8 =	vmin.f32 v8, $8.191000000e+03;
	v5 =	vtrunc.f32 v5;
	v6 =	vtrunc.f32 v6;
	[tilespmem:v2+s11+$0x0] =	vst.idx.add.f32.msk $0xffff, v1  }
0x2ec: {  	v8 =	vtrunc.f32 v8;
	v3 =	vcvt.f32.s32 v3;
	v2 =	vshll.u32 v12, $0xD;
	v12 =	vld [tilespmem:s16+$0x2070]  }
0x2ed: {  	v9 =	vmin.f32 v9, $8.191000000e+03;
	v7 =	vtrunc.f32 v7;
	v8 =	vcvt.f32.s32 v8;
	v17 =	vld [tilespmem:s16+$0x2000]  }
0x2ee: {  	v4 =	vcvt.f32.s32 v4;
	v7 =	vcvt.f32.s32 v7;
	v20 =	vadd.s32 v3, v11;
	v11 =	vld [tilespmem:s16+$0x2030]  }
0x2ef: {  	v5 =	vcvt.f32.s32 v5;
	v6 =	vcvt.f32.s32 v6;
	v3 =	vadd.s32 v8, v15  }
0x2f0: {  	v10 =	vshll.u32 v10, $0xD;
	v21 =	vadd.s32 v4, v2;
	v4 =	vadd.s32 v7, v14;
	v7 =	vld [tilespmem:s16+$0x2050]  }
0x2f1: {  	v22 =	vadd.s32 v5, v10;
	v10 =	vld [tilespmem:s16+$0x2040];
	v8 =	vmul.f32 $5.120000000e+02, v18;
	v2 =	vmul.f32 $5.120000000e+02, v12  }
0x2f2: {  	v9 =	vtrunc.f32 v9;
	v19 =	vld [tilespmem:s16+$0x2020];
	v5 =	vadd.s32 v6, v13;
	v6 =	vmul.f32 $5.120000000e+02, v17  }
0x2f3: {  	v14 =	vld [tilespmem:s16+$0x6070];
	v15 =	vadd.f32 $4.096000000e+03, v8;
	v8 =	vmul.f32 $5.120000000e+02, v11;
	v13 =	vadd.f32 $4.096000000e+03, v2  }
0x2f4: {  	v16 =	vshll.u32 v16, $0xD;
	v9 =	vcvt.f32.s32 v9;
	v6 =	vadd.f32 $4.096000000e+03, v6;
	v12 =	vld [tilespmem:s16+$0x2060]  }
0x2f5: {  	v23 =	vld [tilespmem:s16+$0x6000];
	v17 =	vadd.f32 $4.096000000e+03, v8;
	v18 =	vmul.f32 $5.120000000e+02, v7;
	v13 =	vmax.f32 v13, $0.0e+00  }
0x2f6: {  	[tilespmem:v20+s11+$0x0] =	vst.idx.add.f32.msk $0xffff, v1;
	v2 =	vadd.s32 v9, v16;
	v16 =	vmul.f32 $5.120000000e+02, v10;
	v13 =	vmin.f32 v13, $8.191000000e+03  }
0x2f7: {  	v11 =	vld [tilespmem:s16+$0x6010];
	v15 =	vmax.f32 v15, $0.0e+00;
	v9 =	vmul.f32 $5.120000000e+02, v19;
	v7 =	vtrunc.f32 v13  }
0x2f8: {  	v8 =	vld [tilespmem:s16+$0x6030];
	v18 =	vadd.f32 $4.096000000e+03, v18;
	v13 =	vadd.f32 $4.096000000e+03, v16;
	v16 =	vcvt.f32.s32 v7  }
0x2f9: {  	v14 =	vshll.u32 v14, $0xD;
	v20 =	vmin.f32 v15, $8.191000000e+03;
	[tilespmem:v21+s11+$0x0] =	vst.idx.add.f32.msk $0xffff, v1;
	v12 =	vmul.f32 $5.120000000e+02, v12  }
0x2fa: {  	[tilespmem:v22+s11+$0x0] =	vst.idx.add.f32.msk $0xffff, v1;
	v9 =	vadd.f32 $4.096000000e+03, v9;
	v25 =	vmax.f32 v18, $0.0e+00;
	v24 =	vadd.s32 v16, v14  }
0x2fb: {  	v10 =	vld [tilespmem:s16+$0x6020];
	v19 =	vmax.f32 v6, $0.0e+00;
	v15 =	vmin.f32 v25, $8.191000000e+03;
	v12 =	vadd.f32 $4.096000000e+03, v12  }
0x2fc: {  	v6 =	vld [tilespmem:s16+$0x6050];
	v13 =	vmax.f32 v13, $0.0e+00;
	v14 =	vmax.f32 v9, $0.0e+00;
	v16 =	vmax.f32 v17, $0.0e+00  }
0x2fd: {  	v7 =	vld [tilespmem:s16+$0x6040];
	v17 =	vmin.f32 v19, $8.191000000e+03;
	v12 =	vmax.f32 v12, $0.0e+00;
	v19 =	vmin.f32 v14, $8.191000000e+03  }
0x2fe: {  	v9 =	vld [tilespmem:s16+$0x6060];
	v18 =	vmin.f32 v16, $8.191000000e+03;
	v16 =	vmin.f32 v13, $8.191000000e+03;
	v13 =	vmin.f32 v12, $8.191000000e+03  }
0x2ff: {  	v17 =	vtrunc.f32 v17;
	v12 =	vshll.u32 v23, $0xD;
	v14 =	vtrunc.f32 v20;
	[tilespmem:v24+s11+$0x0] =	vst.idx.add.f32.msk $0xffff, v1  }
.LBB2_18:
0x300: {  	s13 =	sadd.s32 $0x80, s13;
	v11 =	vshll.u32 v11, $0xD;
	v19 =	vtrunc.f32 v19;
	v18 =	vtrunc.f32 v18;
	s14 =	sadd.s32 $0x400, s14;
	[tilespmem:v5+s11+$0x0] =	vst.idx.add.f32.msk $0xffff, v1  }
0x301: {  	v5 =	vshll.u32 v10, $0xD;
	v10 =	vtrunc.f32 v16;
	v15 =	vtrunc.f32 v15;
	s15 =	sadd.s32 $0x20, s15;
	s16 =	sand.u32 $0x1000, s13;
	s17 =	sand.u32 $0xC00, s14;
	[tilespmem:v4+s11+$0x0] =	vst.idx.add.f32.msk $0xffff, v1  }
0x302: {  	v8 =	vshll.u32 v8, $0xD;
	v13 =	vtrunc.f32 v13;
	p0 =	slt.u32 s13, $0x1F80;
	v4 =	vcvt.f32.s32 v17;
	s16 =	sor.u32 s16, s17;
	s17 =	sand.u32 $0x380, s15;
	[tilespmem:v3+s11+$0x0] =	vst.idx.add.f32.msk $0xffff, v1  }
0x303: {  	v7 =	vshll.u32 v7, $0xD;
	v3 =	vcvt.f32.s32 v14;
	v14 =	vcvt.f32.s32 v19;
	s16 =	sor.u32 s17, s16;
	[tilespmem:v2+s11+$0x0] =	vst.idx.add.f32.msk $0xffff, v1  }
0x304: {  	v6 =	vshll.u32 v6, $0xD;
	v10 =	vcvt.f32.s32 v10;
	v2 =	vcvt.f32.s32 v18;
	v16 =	vld [tilespmem:s16+$0x2070]  }
0x305: {  	v9 =	vshll.u32 v9, $0xD;
	v15 =	vcvt.f32.s32 v15;
	v13 =	vcvt.f32.s32 v13;
	v17 =	vld [tilespmem:s16+$0x2000]  }
0x306: {  	v12 =	vadd.s32 v4, v12;
	v20 =	vadd.s32 v3, v11;
	v14 =	vadd.s32 v14, v5;
	v18 =	vld [tilespmem:s16+$0x2010]  }
0x307: {  	v4 =	vadd.s32 v10, v7;
	v3 =	vadd.s32 v15, v6;
	v5 =	vadd.s32 v2, v8;
	v11 =	vld [tilespmem:s16+$0x2020]  }
0x308: {  	v2 =	vadd.s32 v13, v9;
	v6 =	vld [tilespmem:s16+$0x2030]  }
0x309: {  	v7 =	vld [tilespmem:s16+$0x2040];
	v8 =	vmul.f32 $5.120000000e+02, v16  }
0x30a: {  	v9 =	vmul.f32 $5.120000000e+02, v17;
	v13 =	vld [tilespmem:s16+$0x2050]  }
0x30b: {  	v10 =	vmul.f32 $5.120000000e+02, v18;
	v15 =	vld [tilespmem:s16+$0x2060];
	v8 =	vadd.f32 $4.096000000e+03, v8  }
0x30c: {  	v9 =	vadd.f32 $4.096000000e+03, v9;
	v16 =	vmul.f32 $5.120000000e+02, v11;
	v17 =	vld [tilespmem:s16+$0x6070]  }
0x30d: {  	v21 =	vld [tilespmem:s16+$0x6000];
	v18 =	vadd.f32 $4.096000000e+03, v10;
	v6 =	vmul.f32 $5.120000000e+02, v6;
	v8 =	vmax.f32 v8, $0.0e+00  }
0x30e: {  	v11 =	vld [tilespmem:s16+$0x6010];
	v16 =	vadd.f32 $4.096000000e+03, v16;
	v7 =	vmul.f32 $5.120000000e+02, v7;
	v8 =	vmin.f32 v8, $8.191000000e+03  }
0x30f: {  	v10 =	vld [tilespmem:s16+$0x6020];
	v19 =	vadd.f32 $4.096000000e+03, v6;
	v6 =	vmul.f32 $5.120000000e+02, v13;
	v13 =	vtrunc.f32 v8  }
0x310: {  	v8 =	vld [tilespmem:s16+$0x6030];
	v22 =	vadd.f32 $4.096000000e+03, v7;
	v15 =	vmul.f32 $5.120000000e+02, v15;
	v13 =	vcvt.f32.s32 v13  }
0x311: {  	v23 =	vmax.f32 v9, $0.0e+00;
	v7 =	vld [tilespmem:s16+$0x6040];
	v24 =	vadd.f32 $4.096000000e+03, v6;
	v9 =	vshll.u32 v17, $0xD  }
0x312: {  	v17 =	vmax.f32 v18, $0.0e+00;
	v6 =	vld [tilespmem:s16+$0x6050];
	v15 =	vadd.f32 $4.096000000e+03, v15;
	v25 =	vadd.s32 v13, v9  }
.Ltmp8:
0x313: {  	v13 =	vmax.f32 v16, $0.0e+00;
	v16 =	vmax.f32 v19, $0.0e+00;
	v22 =	vmax.f32 v22, $0.0e+00;
	v9 =	vld [tilespmem:s16+$0x6060];
	(pc) =	sbr.rel @p0 .LBB2_18-.Ltmp8, $4  }
0x314: {  	v23 =	vmin.f32 v23, $8.191000000e+03;
	v24 =	vmax.f32 v24, $0.0e+00;
	v26 =	vmax.f32 v15, $0.0e+00;
	[tilespmem:v12+s11+$0x0] =	vst.idx.add.f32.msk $0xffff, v1  }
0x315: {  	v27 =	vmin.f32 v17, $8.191000000e+03;
	v19 =	vmin.f32 v13, $8.191000000e+03;
	v18 =	vmin.f32 v16, $8.191000000e+03;
	[tilespmem:v20+s11+$0x0] =	vst.idx.add.f32.msk $0xffff, v1  }
0x316: {  	v16 =	vmin.f32 v22, $8.191000000e+03;
	v15 =	vmin.f32 v24, $8.191000000e+03;
	v13 =	vmin.f32 v26, $8.191000000e+03;
	[tilespmem:v14+s11+$0x0] =	vst.idx.add.f32.msk $0xffff, v1  }
0x317: {  	v17 =	vtrunc.f32 v23;
	v12 =	vshll.u32 v21, $0xD;
	v14 =	vtrunc.f32 v27;
	[tilespmem:v25+s11+$0x0] =	vst.idx.add.f32.msk $0xffff, v1  }
0x318: {  	v19 =	vtrunc.f32 v19  }
0x319: {  	v11 =	vshll.u32 v11, $0xD;
	v18 =	vtrunc.f32 v18;
	v17 =	vcvt.f32.s32 v17  }
0x31a: {  	v10 =	vshll.u32 v10, $0xD;
	v16 =	vtrunc.f32 v16;
	v14 =	vcvt.f32.s32 v14  }
0x31b: {  	v15 =	vtrunc.f32 v15;
	v19 =	vcvt.f32.s32 v19;
	v12 =	vadd.s32 v17, v12  }
0x31c: {  	[tilespmem:v5+s11+$0x0] =	vst.idx.add.f32.msk $0xffff, v1;
	v5 =	vshll.u32 v8, $0xD;
	v8 =	vcvt.f32.s32 v18;
	v11 =	vadd.s32 v14, v11  }
0x31d: {  	[tilespmem:v4+s11+$0x0] =	vst.idx.add.f32.msk $0xffff, v1;
	v4 =	vtrunc.f32 v13;
	v13 =	vcvt.f32.s32 v16;
	v10 =	vadd.s32 v19, v10  }
0x31e: {  	[tilespmem:v3+s11+$0x0] =	vst.idx.add.f32.msk $0xffff, v1;
	v3 =	vshll.u32 v7, $0xD;
	v7 =	vcvt.f32.s32 v15;
	v5 =	vadd.s32 v8, v5  }
0x31f: {  	[tilespmem:v2+s11+$0x0] =	vst.idx.add.f32.msk $0xffff, v1;
	v2 =	vshll.u32 v6, $0xD;
	v4 =	vcvt.f32.s32 v4;
	v3 =	vadd.s32 v13, v3  }
0x320: {  	v6 =	vshll.u32 v9, $0xD;
	v2 =	vadd.s32 v7, v2;
	[tilespmem:v12+s11+$0x0] =	vst.idx.add.f32.msk $0xffff, v1  }
0x321: {  	v4 =	vadd.s32 v4, v6;
	[tilespmem:v11+s11+$0x0] =	vst.idx.add.f32.msk $0xffff, v1  }
0x322: {  	[tilespmem:v10+s11+$0x0] =	vst.idx.add.f32.msk $0xffff, v1  }
0x323: {  	[tilespmem:v5+s11+$0x0] =	vst.idx.add.f32.msk $0xffff, v1  }
0x324: {  	[tilespmem:v3+s11+$0x0] =	vst.idx.add.f32.msk $0xffff, v1  }
0x325: {  	[tilespmem:v2+s11+$0x0] =	vst.idx.add.f32.msk $0xffff, v1  }
0x326: {  	[tilespmem:v4+s11+$0x0] =	vst.idx.add.f32.msk $0xffff, v1  }
0x327: {  	s13 =	simm.s32 $0x0;
	s14 =	rddreg [dreg:$0x14]  }
0x328: {  	[tilespmem:s7], [sflag:$0x1] =	stream.linear.gather [hbm4b:s14+s13], $0x2000, $0x38;
	[tilespmem:$0xC000] =	vst v63  }
0x329: {  	_ = 	snop  }
0x32a: {  	[tilespmem:s8], [sflag:$0x2] =	stream.linear.gather [hbm4b:s19+s13], $0x2000, $0x38;
	[tilespmem:$0xC000] =	vst v63  }
0x32b: {  	_ =	swait.ge [sflag:s9], $0x2000  }
0x32c: {  	[sflag:s9] =	ssyncset.done $0x0  }
0x32d: {  	s16 =	simm.s32 $0x0;
	[sflag:s9] =	ssyncadd.s32 $0xFFFFE000  }
0x32e: {  	s15 =	sand.u32 $0xC00, s13;
	s14 =	sand.u32 $0x1000, s16;
	_ =	swait.ge [sflag:s10], $0x2000  }
0x32f: {  	s14 =	sor.u32 s14, s15;
	s13 =	sand.u32 $0x380, s13;
	[sflag:s10] =	ssyncset.done $0x0  }
0x330: {  	s16 =	sor.u32 s13, s14;
	[sflag:s10] =	ssyncadd.s32 $0xFFFFE000  }
0x331: {  	v2 =	vld [tilespmem:s16+$0x70]  }
0x332: {  	v3 =	vld [tilespmem:s16+$0x0]  }
0x333: {  	v4 =	vld [tilespmem:s16+$0x10]  }
0x334: {  	v5 =	vld [tilespmem:s16+$0x20]  }
0x335: {  	v6 =	vld [tilespmem:s16+$0x30]  }
0x336: {  	v7 =	vld [tilespmem:s16+$0x40]  }
0x337: {  	v8 =	vld [tilespmem:s16+$0x50]  }
0x338: {  	v9 =	vld [tilespmem:s16+$0x60]  }
0x339: {  	v10 =	vld [tilespmem:s16+$0x4070]  }
0x33a: {  	v11 =	vld [tilespmem:s16+$0x4000]  }
0x33b: {  	v13 =	vld [tilespmem:s16+$0x4030]  }
0x33c: {  	v14 =	vld [tilespmem:s16+$0x4040];
	v2 =	vmul.f32 $5.120000000e+02, v2;
	v3 =	vmul.f32 $5.120000000e+02, v3  }
0x33d: {  	v4 =	vmul.f32 $5.120000000e+02, v4;
	v5 =	vmul.f32 $5.120000000e+02, v5  }
0x33e: {  	v6 =	vmul.f32 $5.120000000e+02, v6;
	v7 =	vmul.f32 $5.120000000e+02, v7;
	v2 =	vadd.f32 $4.096000000e+03, v2  }
0x33f: {  	v15 =	vld [tilespmem:s16+$0x4050];
	v8 =	vmul.f32 $5.120000000e+02, v8;
	v9 =	vmul.f32 $5.120000000e+02, v9;
	v10 =	vshll.u32 v10, $0xD  }
0x340: {  	v11 =	vshll.u32 v11, $0xD;
	v13 =	vshll.u32 v13, $0xD;
	v2 =	vmax.f32 v2, $0.0e+00  }
0x341: {  	v14 =	vshll.u32 v14, $0xD;
	v3 =	vadd.f32 $4.096000000e+03, v3;
	v2 =	vmin.f32 v2, $8.191000000e+03  }
0x342: {  	v4 =	vadd.f32 $4.096000000e+03, v4;
	v5 =	vadd.f32 $4.096000000e+03, v5;
	v2 =	vtrunc.f32 v2  }
0x343: {  	v6 =	vadd.f32 $4.096000000e+03, v6;
	v7 =	vadd.f32 $4.096000000e+03, v7;
	v2 =	vcvt.f32.s32 v2  }
0x344: {  	v15 =	vshll.u32 v15, $0xD;
	v8 =	vadd.f32 $4.096000000e+03, v8;
	v9 =	vadd.f32 $4.096000000e+03, v9  }
0x345: {  	s13 =	simm.s32 $0x80;
	s14 =	simm.s32 $0x400;
	v3 =	vmax.f32 v3, $0.0e+00;
	v4 =	vmax.f32 v4, $0.0e+00;
	v2 =	vadd.s32 v2, v10  }
0x346: {  	s15 =	simm.s32 $0x20;
	s17 =	sand.u32 $0x1000, s13;
	s18 =	sand.u32 $0xC00, s14;
	v12 =	vld [tilespmem:s16+$0x4010];
	v5 =	vmax.f32 v5, $0.0e+00;
	v6 =	vmax.f32 v6, $0.0e+00;
	v7 =	vmax.f32 v7, $0.0e+00  }
0x347: {  	s17 =	sor.u32 s17, s18;
	s18 =	sand.u32 $0x380, s15;
	v16 =	vld [tilespmem:s16+$0x4060];
	v8 =	vmax.f32 v8, $0.0e+00;
	v9 =	vmax.f32 v9, $0.0e+00;
	v3 =	vmin.f32 v3, $8.191000000e+03  }
0x348: {  	v4 =	vmin.f32 v4, $8.191000000e+03;
	v5 =	vmin.f32 v5, $8.191000000e+03;
	v6 =	vmin.f32 v6, $8.191000000e+03;
	v10 =	vld [tilespmem:s16+$0x4020];
	s16 =	sor.u32 s18, s17  }
0x349: {  	v7 =	vmin.f32 v7, $8.191000000e+03;
	v3 =	vtrunc.f32 v3;
	v4 =	vtrunc.f32 v4;
	v18 =	vld [tilespmem:s16+$0x10]  }
0x34a: {  	v8 =	vmin.f32 v8, $8.191000000e+03;
	v5 =	vtrunc.f32 v5;
	v6 =	vtrunc.f32 v6;
	[tilespmem:v2+s11+$0x0] =	vst.idx.add.f32.msk $0xffff, v1  }
0x34b: {  	v8 =	vtrunc.f32 v8;
	v3 =	vcvt.f32.s32 v3;
	v2 =	vshll.u32 v12, $0xD;
	v12 =	vld [tilespmem:s16+$0x70]  }
0x34c: {  	v9 =	vmin.f32 v9, $8.191000000e+03;
	v7 =	vtrunc.f32 v7;
	v8 =	vcvt.f32.s32 v8;
	v17 =	vld [tilespmem:s16+$0x0]  }
0x34d: {  	v4 =	vcvt.f32.s32 v4;
	v7 =	vcvt.f32.s32 v7;
	v20 =	vadd.s32 v3, v11;
	v11 =	vld [tilespmem:s16+$0x30]  }
0x34e: {  	v5 =	vcvt.f32.s32 v5;
	v6 =	vcvt.f32.s32 v6;
	v3 =	vadd.s32 v8, v15  }
0x34f: {  	v10 =	vshll.u32 v10, $0xD;
	v21 =	vadd.s32 v4, v2;
	v4 =	vadd.s32 v7, v14;
	v7 =	vld [tilespmem:s16+$0x50]  }
0x350: {  	v22 =	vadd.s32 v5, v10;
	v10 =	vld [tilespmem:s16+$0x40];
	v8 =	vmul.f32 $5.120000000e+02, v18;
	v2 =	vmul.f32 $5.120000000e+02, v12  }
0x351: {  	v9 =	vtrunc.f32 v9;
	v19 =	vld [tilespmem:s16+$0x20];
	v5 =	vadd.s32 v6, v13;
	v6 =	vmul.f32 $5.120000000e+02, v17  }
0x352: {  	v14 =	vld [tilespmem:s16+$0x4070];
	v15 =	vadd.f32 $4.096000000e+03, v8;
	v8 =	vmul.f32 $5.120000000e+02, v11;
	v13 =	vadd.f32 $4.096000000e+03, v2  }
0x353: {  	v16 =	vshll.u32 v16, $0xD;
	v9 =	vcvt.f32.s32 v9;
	v6 =	vadd.f32 $4.096000000e+03, v6;
	v12 =	vld [tilespmem:s16+$0x60]  }
0x354: {  	v23 =	vld [tilespmem:s16+$0x4000];
	v17 =	vadd.f32 $4.096000000e+03, v8;
	v18 =	vmul.f32 $5.120000000e+02, v7;
	v13 =	vmax.f32 v13, $0.0e+00  }
0x355: {  	[tilespmem:v20+s11+$0x0] =	vst.idx.add.f32.msk $0xffff, v1;
	v2 =	vadd.s32 v9, v16;
	v16 =	vmul.f32 $5.120000000e+02, v10;
	v13 =	vmin.f32 v13, $8.191000000e+03  }
0x356: {  	v11 =	vld [tilespmem:s16+$0x4010];
	v15 =	vmax.f32 v15, $0.0e+00;
	v9 =	vmul.f32 $5.120000000e+02, v19;
	v7 =	vtrunc.f32 v13  }
0x357: {  	v8 =	vld [tilespmem:s16+$0x4030];
	v18 =	vadd.f32 $4.096000000e+03, v18;
	v13 =	vadd.f32 $4.096000000e+03, v16;
	v16 =	vcvt.f32.s32 v7  }
0x358: {  	v14 =	vshll.u32 v14, $0xD;
	v20 =	vmin.f32 v15, $8.191000000e+03;
	[tilespmem:v21+s11+$0x0] =	vst.idx.add.f32.msk $0xffff, v1;
	v12 =	vmul.f32 $5.120000000e+02, v12  }
0x359: {  	[tilespmem:v22+s11+$0x0] =	vst.idx.add.f32.msk $0xffff, v1;
	v9 =	vadd.f32 $4.096000000e+03, v9;
	v25 =	vmax.f32 v18, $0.0e+00;
	v24 =	vadd.s32 v16, v14  }
0x35a: {  	v10 =	vld [tilespmem:s16+$0x4020];
	v19 =	vmax.f32 v6, $0.0e+00;
	v15 =	vmin.f32 v25, $8.191000000e+03;
	v12 =	vadd.f32 $4.096000000e+03, v12  }
0x35b: {  	v6 =	vld [tilespmem:s16+$0x4050];
	v13 =	vmax.f32 v13, $0.0e+00;
	v14 =	vmax.f32 v9, $0.0e+00;
	v16 =	vmax.f32 v17, $0.0e+00  }
0x35c: {  	v7 =	vld [tilespmem:s16+$0x4040];
	v17 =	vmin.f32 v19, $8.191000000e+03;
	v12 =	vmax.f32 v12, $0.0e+00;
	v19 =	vmin.f32 v14, $8.191000000e+03  }
0x35d: {  	v9 =	vld [tilespmem:s16+$0x4060];
	v18 =	vmin.f32 v16, $8.191000000e+03;
	v16 =	vmin.f32 v13, $8.191000000e+03;
	v13 =	vmin.f32 v12, $8.191000000e+03  }
0x35e: {  	v17 =	vtrunc.f32 v17;
	v12 =	vshll.u32 v23, $0xD;
	v14 =	vtrunc.f32 v20;
	[tilespmem:v24+s11+$0x0] =	vst.idx.add.f32.msk $0xffff, v1  }
.LBB2_20:
0x35f: {  	s13 =	sadd.s32 $0x80, s13;
	v11 =	vshll.u32 v11, $0xD;
	v19 =	vtrunc.f32 v19;
	v18 =	vtrunc.f32 v18;
	s14 =	sadd.s32 $0x400, s14;
	[tilespmem:v5+s11+$0x0] =	vst.idx.add.f32.msk $0xffff, v1  }
0x360: {  	v5 =	vshll.u32 v10, $0xD;
	v10 =	vtrunc.f32 v16;
	v15 =	vtrunc.f32 v15;
	s15 =	sadd.s32 $0x20, s15;
	s16 =	sand.u32 $0x1000, s13;
	s17 =	sand.u32 $0xC00, s14;
	[tilespmem:v4+s11+$0x0] =	vst.idx.add.f32.msk $0xffff, v1  }
0x361: {  	v8 =	vshll.u32 v8, $0xD;
	v13 =	vtrunc.f32 v13;
	p0 =	slt.u32 s13, $0x1F80;
	v4 =	vcvt.f32.s32 v17;
	s16 =	sor.u32 s16, s17;
	s17 =	sand.u32 $0x380, s15;
	[tilespmem:v3+s11+$0x0] =	vst.idx.add.f32.msk $0xffff, v1  }
0x362: {  	v7 =	vshll.u32 v7, $0xD;
	v3 =	vcvt.f32.s32 v14;
	v14 =	vcvt.f32.s32 v19;
	s16 =	sor.u32 s17, s16;
	[tilespmem:v2+s11+$0x0] =	vst.idx.add.f32.msk $0xffff, v1  }
0x363: {  	v6 =	vshll.u32 v6, $0xD;
	v10 =	vcvt.f32.s32 v10;
	v2 =	vcvt.f32.s32 v18;
	v16 =	vld [tilespmem:s16+$0x70]  }
0x364: {  	v9 =	vshll.u32 v9, $0xD;
	v15 =	vcvt.f32.s32 v15;
	v13 =	vcvt.f32.s32 v13;
	v17 =	vld [tilespmem:s16+$0x0]  }
0x365: {  	v12 =	vadd.s32 v4, v12;
	v20 =	vadd.s32 v3, v11;
	v14 =	vadd.s32 v14, v5;
	v18 =	vld [tilespmem:s16+$0x10]  }
0x366: {  	v4 =	vadd.s32 v10, v7;
	v3 =	vadd.s32 v15, v6;
	v5 =	vadd.s32 v2, v8;
	v11 =	vld [tilespmem:s16+$0x20]  }
0x367: {  	v2 =	vadd.s32 v13, v9;
	v6 =	vld [tilespmem:s16+$0x30]  }
0x368: {  	v7 =	vld [tilespmem:s16+$0x40];
	v8 =	vmul.f32 $5.120000000e+02, v16  }
0x369: {  	v9 =	vmul.f32 $5.120000000e+02, v17;
	v13 =	vld [tilespmem:s16+$0x50]  }
0x36a: {  	v10 =	vmul.f32 $5.120000000e+02, v18;
	v15 =	vld [tilespmem:s16+$0x60];
	v8 =	vadd.f32 $4.096000000e+03, v8  }
0x36b: {  	v9 =	vadd.f32 $4.096000000e+03, v9;
	v16 =	vmul.f32 $5.120000000e+02, v11;
	v17 =	vld [tilespmem:s16+$0x4070]  }
0x36c: {  	v21 =	vld [tilespmem:s16+$0x4000];
	v18 =	vadd.f32 $4.096000000e+03, v10;
	v6 =	vmul.f32 $5.120000000e+02, v6;
	v8 =	vmax.f32 v8, $0.0e+00  }
0x36d: {  	v11 =	vld [tilespmem:s16+$0x4010];
	v16 =	vadd.f32 $4.096000000e+03, v16;
	v7 =	vmul.f32 $5.120000000e+02, v7;
	v8 =	vmin.f32 v8, $8.191000000e+03  }
0x36e: {  	v10 =	vld [tilespmem:s16+$0x4020];
	v19 =	vadd.f32 $4.096000000e+03, v6;
	v6 =	vmul.f32 $5.120000000e+02, v13;
	v13 =	vtrunc.f32 v8  }
0x36f: {  	v8 =	vld [tilespmem:s16+$0x4030];
	v22 =	vadd.f32 $4.096000000e+03, v7;
	v15 =	vmul.f32 $5.120000000e+02, v15;
	v13 =	vcvt.f32.s32 v13  }
0x370: {  	v23 =	vmax.f32 v9, $0.0e+00;
	v7 =	vld [tilespmem:s16+$0x4040];
	v24 =	vadd.f32 $4.096000000e+03, v6;
	v9 =	vshll.u32 v17, $0xD  }
0x371: {  	v17 =	vmax.f32 v18, $0.0e+00;
	v6 =	vld [tilespmem:s16+$0x4050];
	v15 =	vadd.f32 $4.096000000e+03, v15;
	v25 =	vadd.s32 v13, v9  }
.Ltmp9:
0x372: {  	v13 =	vmax.f32 v16, $0.0e+00;
	v16 =	vmax.f32 v19, $0.0e+00;
	v22 =	vmax.f32 v22, $0.0e+00;
	v9 =	vld [tilespmem:s16+$0x4060];
	(pc) =	sbr.rel @p0 .LBB2_20-.Ltmp9, $4  }
0x373: {  	v23 =	vmin.f32 v23, $8.191000000e+03;
	v24 =	vmax.f32 v24, $0.0e+00;
	v26 =	vmax.f32 v15, $0.0e+00;
	[tilespmem:v12+s11+$0x0] =	vst.idx.add.f32.msk $0xffff, v1  }
0x374: {  	v27 =	vmin.f32 v17, $8.191000000e+03;
	v19 =	vmin.f32 v13, $8.191000000e+03;
	v18 =	vmin.f32 v16, $8.191000000e+03;
	[tilespmem:v20+s11+$0x0] =	vst.idx.add.f32.msk $0xffff, v1  }
0x375: {  	v16 =	vmin.f32 v22, $8.191000000e+03;
	v15 =	vmin.f32 v24, $8.191000000e+03;
	v13 =	vmin.f32 v26, $8.191000000e+03;
	[tilespmem:v14+s11+$0x0] =	vst.idx.add.f32.msk $0xffff, v1  }
0x376: {  	v17 =	vtrunc.f32 v23;
	v12 =	vshll.u32 v21, $0xD;
	v14 =	vtrunc.f32 v27;
	[tilespmem:v25+s11+$0x0] =	vst.idx.add.f32.msk $0xffff, v1  }
0x377: {  	v19 =	vtrunc.f32 v19  }
0x378: {  	v11 =	vshll.u32 v11, $0xD;
	v18 =	vtrunc.f32 v18;
	v17 =	vcvt.f32.s32 v17  }
0x379: {  	v10 =	vshll.u32 v10, $0xD;
	v16 =	vtrunc.f32 v16;
	v14 =	vcvt.f32.s32 v14  }
0x37a: {  	v15 =	vtrunc.f32 v15;
	v19 =	vcvt.f32.s32 v19;
	v12 =	vadd.s32 v17, v12  }
0x37b: {  	[tilespmem:v5+s11+$0x0] =	vst.idx.add.f32.msk $0xffff, v1;
	v5 =	vshll.u32 v8, $0xD;
	v8 =	vcvt.f32.s32 v18;
	v11 =	vadd.s32 v14, v11  }
0x37c: {  	[tilespmem:v4+s11+$0x0] =	vst.idx.add.f32.msk $0xffff, v1;
	v4 =	vtrunc.f32 v13;
	v13 =	vcvt.f32.s32 v16;
	v10 =	vadd.s32 v19, v10  }
0x37d: {  	[tilespmem:v3+s11+$0x0] =	vst.idx.add.f32.msk $0xffff, v1;
	v3 =	vshll.u32 v7, $0xD;
	v7 =	vcvt.f32.s32 v15;
	v5 =	vadd.s32 v8, v5  }
0x37e: {  	[tilespmem:v2+s11+$0x0] =	vst.idx.add.f32.msk $0xffff, v1;
	v2 =	vshll.u32 v6, $0xD;
	v4 =	vcvt.f32.s32 v4;
	v3 =	vadd.s32 v13, v3  }
0x37f: {  	v6 =	vshll.u32 v9, $0xD;
	v2 =	vadd.s32 v7, v2;
	[tilespmem:v12+s11+$0x0] =	vst.idx.add.f32.msk $0xffff, v1  }
0x380: {  	v4 =	vadd.s32 v4, v6;
	[tilespmem:v11+s11+$0x0] =	vst.idx.add.f32.msk $0xffff, v1  }
0x381: {  	[tilespmem:v10+s11+$0x0] =	vst.idx.add.f32.msk $0xffff, v1  }
0x382: {  	[tilespmem:v5+s11+$0x0] =	vst.idx.add.f32.msk $0xffff, v1  }
0x383: {  	[tilespmem:v3+s11+$0x0] =	vst.idx.add.f32.msk $0xffff, v1  }
0x384: {  	[tilespmem:v2+s11+$0x0] =	vst.idx.add.f32.msk $0xffff, v1  }
0x385: {  	s13 =	simm.s32 $0x0;
	[tilespmem:v4+s11+$0x0] =	vst.idx.add.f32.msk $0xffff, v1  }
0x386: {  	[tilespmem:s13], [sflag:$0x1] =	stream.linear.gather [hbm4b:s20+s13], $0x2000, $0x38;
	[tilespmem:$0xC000] =	vst v63  }
0x387: {  	_ = 	snop  }
0x388: {  	[tilespmem:s6], [sflag:$0x2] =	stream.linear.gather [hbm4b:s21+s13], $0x2000, $0x38;
	[tilespmem:$0xC000] =	vst v63  }
0x389: {  	_ =	swait.ge [sflag:s9], $0x2000  }
0x38a: {  	[sflag:s9] =	ssyncset.done $0x0  }
0x38b: {  	s14 =	simm.s32 $0x0;
	[sflag:s9] =	ssyncadd.s32 $0xFFFFE000  }
0x38c: {  	s14 =	sand.u32 $0x1000, s14;
	s15 =	sand.u32 $0xC00, s13;
	_ =	swait.ge [sflag:s10], $0x2000  }
0x38d: {  	s14 =	sor.u32 s14, s15;
	s13 =	sand.u32 $0x380, s13;
	[sflag:s10] =	ssyncset.done $0x0  }
0x38e: {  	s16 =	sor.u32 s13, s14;
	[sflag:s10] =	ssyncadd.s32 $0xFFFFE000  }
0x38f: {  	v2 =	vld [tilespmem:s16+$0x2070]  }
0x390: {  	v3 =	vld [tilespmem:s16+$0x2000]  }
0x391: {  	v4 =	vld [tilespmem:s16+$0x2010]  }
0x392: {  	v5 =	vld [tilespmem:s16+$0x2020]  }
0x393: {  	v6 =	vld [tilespmem:s16+$0x2030]  }
0x394: {  	v7 =	vld [tilespmem:s16+$0x2040]  }
0x395: {  	v8 =	vld [tilespmem:s16+$0x2050]  }
0x396: {  	v9 =	vld [tilespmem:s16+$0x2060]  }
0x397: {  	v10 =	vld [tilespmem:s16+$0x6070]  }
0x398: {  	v11 =	vld [tilespmem:s16+$0x6000]  }
0x399: {  	v13 =	vld [tilespmem:s16+$0x6030]  }
0x39a: {  	v14 =	vld [tilespmem:s16+$0x6040];
	v2 =	vmul.f32 $5.120000000e+02, v2;
	v3 =	vmul.f32 $5.120000000e+02, v3  }
0x39b: {  	v4 =	vmul.f32 $5.120000000e+02, v4;
	v5 =	vmul.f32 $5.120000000e+02, v5  }
0x39c: {  	v6 =	vmul.f32 $5.120000000e+02, v6;
	v7 =	vmul.f32 $5.120000000e+02, v7;
	v2 =	vadd.f32 $4.096000000e+03, v2  }
0x39d: {  	v15 =	vld [tilespmem:s16+$0x6050];
	v8 =	vmul.f32 $5.120000000e+02, v8;
	v9 =	vmul.f32 $5.120000000e+02, v9;
	v10 =	vshll.u32 v10, $0xD  }
0x39e: {  	v11 =	vshll.u32 v11, $0xD;
	v13 =	vshll.u32 v13, $0xD;
	v2 =	vmax.f32 v2, $0.0e+00  }
0x39f: {  	v14 =	vshll.u32 v14, $0xD;
	v3 =	vadd.f32 $4.096000000e+03, v3;
	v2 =	vmin.f32 v2, $8.191000000e+03  }
0x3a0: {  	v4 =	vadd.f32 $4.096000000e+03, v4;
	v5 =	vadd.f32 $4.096000000e+03, v5;
	v2 =	vtrunc.f32 v2  }
0x3a1: {  	v6 =	vadd.f32 $4.096000000e+03, v6;
	v7 =	vadd.f32 $4.096000000e+03, v7;
	v2 =	vcvt.f32.s32 v2  }
0x3a2: {  	v15 =	vshll.u32 v15, $0xD;
	v8 =	vadd.f32 $4.096000000e+03, v8;
	v9 =	vadd.f32 $4.096000000e+03, v9  }
0x3a3: {  	s13 =	simm.s32 $0x80;
	s14 =	simm.s32 $0x400;
	v3 =	vmax.f32 v3, $0.0e+00;
	v4 =	vmax.f32 v4, $0.0e+00;
	v2 =	vadd.s32 v2, v10  }
0x3a4: {  	s15 =	simm.s32 $0x20;
	s17 =	sand.u32 $0x1000, s13;
	s18 =	sand.u32 $0xC00, s14;
	v12 =	vld [tilespmem:s16+$0x6010];
	v5 =	vmax.f32 v5, $0.0e+00;
	v6 =	vmax.f32 v6, $0.0e+00;
	v7 =	vmax.f32 v7, $0.0e+00  }
0x3a5: {  	s17 =	sor.u32 s17, s18;
	s18 =	sand.u32 $0x380, s15;
	v16 =	vld [tilespmem:s16+$0x6060];
	v8 =	vmax.f32 v8, $0.0e+00;
	v9 =	vmax.f32 v9, $0.0e+00;
	v3 =	vmin.f32 v3, $8.191000000e+03  }
0x3a6: {  	v4 =	vmin.f32 v4, $8.191000000e+03;
	v5 =	vmin.f32 v5, $8.191000000e+03;
	v6 =	vmin.f32 v6, $8.191000000e+03;
	v10 =	vld [tilespmem:s16+$0x6020];
	s16 =	sor.u32 s18, s17  }
0x3a7: {  	v7 =	vmin.f32 v7, $8.191000000e+03;
	v3 =	vtrunc.f32 v3;
	v4 =	vtrunc.f32 v4;
	v18 =	vld [tilespmem:s16+$0x2010]  }
0x3a8: {  	v8 =	vmin.f32 v8, $8.191000000e+03;
	v5 =	vtrunc.f32 v5;
	v6 =	vtrunc.f32 v6;
	[tilespmem:v2+s11+$0x0] =	vst.idx.add.f32.msk $0xffff, v1  }
0x3a9: {  	v8 =	vtrunc.f32 v8;
	v3 =	vcvt.f32.s32 v3;
	v2 =	vshll.u32 v12, $0xD;
	v12 =	vld [tilespmem:s16+$0x2070]  }
0x3aa: {  	v9 =	vmin.f32 v9, $8.191000000e+03;
	v7 =	vtrunc.f32 v7;
	v8 =	vcvt.f32.s32 v8;
	v17 =	vld [tilespmem:s16+$0x2000]  }
0x3ab: {  	v4 =	vcvt.f32.s32 v4;
	v7 =	vcvt.f32.s32 v7;
	v20 =	vadd.s32 v3, v11;
	v11 =	vld [tilespmem:s16+$0x2030]  }
0x3ac: {  	v5 =	vcvt.f32.s32 v5;
	v6 =	vcvt.f32.s32 v6;
	v3 =	vadd.s32 v8, v15  }
0x3ad: {  	v10 =	vshll.u32 v10, $0xD;
	v21 =	vadd.s32 v4, v2;
	v4 =	vadd.s32 v7, v14;
	v7 =	vld [tilespmem:s16+$0x2050]  }
0x3ae: {  	v22 =	vadd.s32 v5, v10;
	v10 =	vld [tilespmem:s16+$0x2040];
	v8 =	vmul.f32 $5.120000000e+02, v18;
	v2 =	vmul.f32 $5.120000000e+02, v12  }
0x3af: {  	v9 =	vtrunc.f32 v9;
	v19 =	vld [tilespmem:s16+$0x2020];
	v5 =	vadd.s32 v6, v13;
	v6 =	vmul.f32 $5.120000000e+02, v17  }
0x3b0: {  	v14 =	vld [tilespmem:s16+$0x6070];
	v15 =	vadd.f32 $4.096000000e+03, v8;
	v8 =	vmul.f32 $5.120000000e+02, v11;
	v13 =	vadd.f32 $4.096000000e+03, v2  }
0x3b1: {  	v16 =	vshll.u32 v16, $0xD;
	v9 =	vcvt.f32.s32 v9;
	v6 =	vadd.f32 $4.096000000e+03, v6;
	v12 =	vld [tilespmem:s16+$0x2060]  }
0x3b2: {  	v23 =	vld [tilespmem:s16+$0x6000];
	v17 =	vadd.f32 $4.096000000e+03, v8;
	v18 =	vmul.f32 $5.120000000e+02, v7;
	v13 =	vmax.f32 v13, $0.0e+00  }
0x3b3: {  	[tilespmem:v20+s11+$0x0] =	vst.idx.add.f32.msk $0xffff, v1;
	v2 =	vadd.s32 v9, v16;
	v16 =	vmul.f32 $5.120000000e+02, v10;
	v13 =	vmin.f32 v13, $8.191000000e+03  }
0x3b4: {  	v11 =	vld [tilespmem:s16+$0x6010];
	v15 =	vmax.f32 v15, $0.0e+00;
	v9 =	vmul.f32 $5.120000000e+02, v19;
	v7 =	vtrunc.f32 v13  }
0x3b5: {  	v8 =	vld [tilespmem:s16+$0x6030];
	v18 =	vadd.f32 $4.096000000e+03, v18;
	v13 =	vadd.f32 $4.096000000e+03, v16;
	v16 =	vcvt.f32.s32 v7  }
0x3b6: {  	v14 =	vshll.u32 v14, $0xD;
	v20 =	vmin.f32 v15, $8.191000000e+03;
	[tilespmem:v21+s11+$0x0] =	vst.idx.add.f32.msk $0xffff, v1;
	v12 =	vmul.f32 $5.120000000e+02, v12  }
0x3b7: {  	[tilespmem:v22+s11+$0x0] =	vst.idx.add.f32.msk $0xffff, v1;
	v9 =	vadd.f32 $4.096000000e+03, v9;
	v25 =	vmax.f32 v18, $0.0e+00;
	v24 =	vadd.s32 v16, v14  }
0x3b8: {  	v10 =	vld [tilespmem:s16+$0x6020];
	v19 =	vmax.f32 v6, $0.0e+00;
	v15 =	vmin.f32 v25, $8.191000000e+03;
	v12 =	vadd.f32 $4.096000000e+03, v12  }
0x3b9: {  	v6 =	vld [tilespmem:s16+$0x6050];
	v13 =	vmax.f32 v13, $0.0e+00;
	v14 =	vmax.f32 v9, $0.0e+00;
	v16 =	vmax.f32 v17, $0.0e+00  }
0x3ba: {  	v7 =	vld [tilespmem:s16+$0x6040];
	v17 =	vmin.f32 v19, $8.191000000e+03;
	v12 =	vmax.f32 v12, $0.0e+00;
	v19 =	vmin.f32 v14, $8.191000000e+03  }
0x3bb: {  	v9 =	vld [tilespmem:s16+$0x6060];
	v18 =	vmin.f32 v16, $8.191000000e+03;
	v16 =	vmin.f32 v13, $8.191000000e+03;
	v13 =	vmin.f32 v12, $8.191000000e+03  }
0x3bc: {  	v17 =	vtrunc.f32 v17;
	v12 =	vshll.u32 v23, $0xD;
	v14 =	vtrunc.f32 v20;
	[tilespmem:v24+s11+$0x0] =	vst.idx.add.f32.msk $0xffff, v1  }
.LBB2_22:
0x3bd: {  	s13 =	sadd.s32 $0x80, s13;
	v11 =	vshll.u32 v11, $0xD;
	v19 =	vtrunc.f32 v19;
	v18 =	vtrunc.f32 v18;
	s14 =	sadd.s32 $0x400, s14;
	[tilespmem:v5+s11+$0x0] =	vst.idx.add.f32.msk $0xffff, v1  }
0x3be: {  	v5 =	vshll.u32 v10, $0xD;
	v10 =	vtrunc.f32 v16;
	v15 =	vtrunc.f32 v15;
	s15 =	sadd.s32 $0x20, s15;
	s16 =	sand.u32 $0x1000, s13;
	s17 =	sand.u32 $0xC00, s14;
	[tilespmem:v4+s11+$0x0] =	vst.idx.add.f32.msk $0xffff, v1  }
0x3bf: {  	v8 =	vshll.u32 v8, $0xD;
	v13 =	vtrunc.f32 v13;
	p0 =	slt.u32 s13, $0x1F80;
	v4 =	vcvt.f32.s32 v17;
	s16 =	sor.u32 s16, s17;
	s17 =	sand.u32 $0x380, s15;
	[tilespmem:v3+s11+$0x0] =	vst.idx.add.f32.msk $0xffff, v1  }
0x3c0: {  	v7 =	vshll.u32 v7, $0xD;
	v3 =	vcvt.f32.s32 v14;
	v14 =	vcvt.f32.s32 v19;
	s16 =	sor.u32 s17, s16;
	[tilespmem:v2+s11+$0x0] =	vst.idx.add.f32.msk $0xffff, v1  }
0x3c1: {  	v6 =	vshll.u32 v6, $0xD;
	v10 =	vcvt.f32.s32 v10;
	v2 =	vcvt.f32.s32 v18;
	v16 =	vld [tilespmem:s16+$0x2070]  }
0x3c2: {  	v9 =	vshll.u32 v9, $0xD;
	v15 =	vcvt.f32.s32 v15;
	v13 =	vcvt.f32.s32 v13;
	v17 =	vld [tilespmem:s16+$0x2000]  }
0x3c3: {  	v12 =	vadd.s32 v4, v12;
	v20 =	vadd.s32 v3, v11;
	v14 =	vadd.s32 v14, v5;
	v18 =	vld [tilespmem:s16+$0x2010]  }
0x3c4: {  	v4 =	vadd.s32 v10, v7;
	v3 =	vadd.s32 v15, v6;
	v5 =	vadd.s32 v2, v8;
	v11 =	vld [tilespmem:s16+$0x2020]  }
0x3c5: {  	v2 =	vadd.s32 v13, v9;
	v6 =	vld [tilespmem:s16+$0x2030]  }
0x3c6: {  	v7 =	vld [tilespmem:s16+$0x2040];
	v8 =	vmul.f32 $5.120000000e+02, v16  }
0x3c7: {  	v9 =	vmul.f32 $5.120000000e+02, v17;
	v13 =	vld [tilespmem:s16+$0x2050]  }
0x3c8: {  	v10 =	vmul.f32 $5.120000000e+02, v18;
	v15 =	vld [tilespmem:s16+$0x2060];
	v8 =	vadd.f32 $4.096000000e+03, v8  }
0x3c9: {  	v9 =	vadd.f32 $4.096000000e+03, v9;
	v16 =	vmul.f32 $5.120000000e+02, v11;
	v17 =	vld [tilespmem:s16+$0x6070]  }
0x3ca: {  	v21 =	vld [tilespmem:s16+$0x6000];
	v18 =	vadd.f32 $4.096000000e+03, v10;
	v6 =	vmul.f32 $5.120000000e+02, v6;
	v8 =	vmax.f32 v8, $0.0e+00  }
0x3cb: {  	v11 =	vld [tilespmem:s16+$0x6010];
	v16 =	vadd.f32 $4.096000000e+03, v16;
	v7 =	vmul.f32 $5.120000000e+02, v7;
	v8 =	vmin.f32 v8, $8.191000000e+03  }
0x3cc: {  	v10 =	vld [tilespmem:s16+$0x6020];
	v19 =	vadd.f32 $4.096000000e+03, v6;
	v6 =	vmul.f32 $5.120000000e+02, v13;
	v13 =	vtrunc.f32 v8  }
0x3cd: {  	v8 =	vld [tilespmem:s16+$0x6030];
	v22 =	vadd.f32 $4.096000000e+03, v7;
	v15 =	vmul.f32 $5.120000000e+02, v15;
	v13 =	vcvt.f32.s32 v13  }
0x3ce: {  	v23 =	vmax.f32 v9, $0.0e+00;
	v7 =	vld [tilespmem:s16+$0x6040];
	v24 =	vadd.f32 $4.096000000e+03, v6;
	v9 =	vshll.u32 v17, $0xD  }
0x3cf: {  	v17 =	vmax.f32 v18, $0.0e+00;
	v6 =	vld [tilespmem:s16+$0x6050];
	v15 =	vadd.f32 $4.096000000e+03, v15;
	v25 =	vadd.s32 v13, v9  }
.Ltmp10:
0x3d0: {  	v13 =	vmax.f32 v16, $0.0e+00;
	v16 =	vmax.f32 v19, $0.0e+00;
	v22 =	vmax.f32 v22, $0.0e+00;
	v9 =	vld [tilespmem:s16+$0x6060];
	(pc) =	sbr.rel @p0 .LBB2_22-.Ltmp10, $4  }
0x3d1: {  	v23 =	vmin.f32 v23, $8.191000000e+03;
	v24 =	vmax.f32 v24, $0.0e+00;
	v26 =	vmax.f32 v15, $0.0e+00;
	[tilespmem:v12+s11+$0x0] =	vst.idx.add.f32.msk $0xffff, v1  }
0x3d2: {  	v27 =	vmin.f32 v17, $8.191000000e+03;
	v19 =	vmin.f32 v13, $8.191000000e+03;
	v18 =	vmin.f32 v16, $8.191000000e+03;
	[tilespmem:v20+s11+$0x0] =	vst.idx.add.f32.msk $0xffff, v1  }
0x3d3: {  	v16 =	vmin.f32 v22, $8.191000000e+03;
	v15 =	vmin.f32 v24, $8.191000000e+03;
	v13 =	vmin.f32 v26, $8.191000000e+03;
	[tilespmem:v14+s11+$0x0] =	vst.idx.add.f32.msk $0xffff, v1  }
0x3d4: {  	v17 =	vtrunc.f32 v23;
	v12 =	vshll.u32 v21, $0xD;
	v14 =	vtrunc.f32 v27;
	[tilespmem:v25+s11+$0x0] =	vst.idx.add.f32.msk $0xffff, v1  }
0x3d5: {  	v19 =	vtrunc.f32 v19  }
0x3d6: {  	v11 =	vshll.u32 v11, $0xD;
	v18 =	vtrunc.f32 v18;
	v17 =	vcvt.f32.s32 v17  }
0x3d7: {  	v10 =	vshll.u32 v10, $0xD;
	v16 =	vtrunc.f32 v16;
	v14 =	vcvt.f32.s32 v14  }
0x3d8: {  	v15 =	vtrunc.f32 v15;
	v19 =	vcvt.f32.s32 v19;
	v12 =	vadd.s32 v17, v12  }
0x3d9: {  	[tilespmem:v5+s11+$0x0] =	vst.idx.add.f32.msk $0xffff, v1;
	v5 =	vshll.u32 v8, $0xD;
	v8 =	vcvt.f32.s32 v18;
	v11 =	vadd.s32 v14, v11  }
0x3da: {  	[tilespmem:v4+s11+$0x0] =	vst.idx.add.f32.msk $0xffff, v1;
	v4 =	vtrunc.f32 v13;
	v13 =	vcvt.f32.s32 v16;
	v10 =	vadd.s32 v19, v10  }
0x3db: {  	[tilespmem:v3+s11+$0x0] =	vst.idx.add.f32.msk $0xffff, v1;
	v3 =	vshll.u32 v7, $0xD;
	v7 =	vcvt.f32.s32 v15;
	v5 =	vadd.s32 v8, v5  }
0x3dc: {  	[tilespmem:v2+s11+$0x0] =	vst.idx.add.f32.msk $0xffff, v1;
	v2 =	vshll.u32 v6, $0xD;
	v4 =	vcvt.f32.s32 v4;
	v3 =	vadd.s32 v13, v3  }
0x3dd: {  	v6 =	vshll.u32 v9, $0xD;
	v2 =	vadd.s32 v7, v2;
	[tilespmem:v12+s11+$0x0] =	vst.idx.add.f32.msk $0xffff, v1  }
0x3de: {  	v4 =	vadd.s32 v4, v6;
	[tilespmem:v11+s11+$0x0] =	vst.idx.add.f32.msk $0xffff, v1  }
0x3df: {  	[tilespmem:v10+s11+$0x0] =	vst.idx.add.f32.msk $0xffff, v1  }
0x3e0: {  	[tilespmem:v5+s11+$0x0] =	vst.idx.add.f32.msk $0xffff, v1  }
0x3e1: {  	[tilespmem:v3+s11+$0x0] =	vst.idx.add.f32.msk $0xffff, v1  }
0x3e2: {  	[tilespmem:v2+s11+$0x0] =	vst.idx.add.f32.msk $0xffff, v1  }
0x3e3: {  	s13 =	simm.s32 $0x0;
	[tilespmem:v4+s11+$0x0] =	vst.idx.add.f32.msk $0xffff, v1  }
0x3e4: {  	[tilespmem:s7], [sflag:$0x1] =	stream.linear.gather [hbm4b:s22+s13], $0x2000, $0x38;
	[tilespmem:$0xC000] =	vst v63  }
0x3e5: {  	_ = 	snop  }
0x3e6: {  	[tilespmem:s8], [sflag:$0x2] =	stream.linear.gather [hbm4b:s23+s13], $0x2000, $0x38;
	[tilespmem:$0xC000] =	vst v63  }
0x3e7: {  	_ =	swait.ge [sflag:s9], $0x2000  }
0x3e8: {  	[sflag:s9] =	ssyncset.done $0x0  }
0x3e9: {  	s14 =	simm.s32 $0x0;
	[sflag:s9] =	ssyncadd.s32 $0xFFFFE000  }
0x3ea: {  	s14 =	sand.u32 $0x1000, s14;
	s15 =	sand.u32 $0xC00, s13;
	_ =	swait.ge [sflag:s10], $0x2000  }
0x3eb: {  	s14 =	sor.u32 s14, s15;
	s13 =	sand.u32 $0x380, s13;
	[sflag:s10] =	ssyncset.done $0x0  }
0x3ec: {  	s16 =	sor.u32 s13, s14;
	[sflag:s10] =	ssyncadd.s32 $0xFFFFE000  }
0x3ed: {  	v2 =	vld [tilespmem:s16+$0x70]  }
0x3ee: {  	v3 =	vld [tilespmem:s16+$0x0]  }
0x3ef: {  	v4 =	vld [tilespmem:s16+$0x10]  }
0x3f0: {  	v5 =	vld [tilespmem:s16+$0x20]  }
0x3f1: {  	v6 =	vld [tilespmem:s16+$0x30]  }
0x3f2: {  	v7 =	vld [tilespmem:s16+$0x40]  }
0x3f3: {  	v8 =	vld [tilespmem:s16+$0x50]  }
0x3f4: {  	v9 =	vld [tilespmem:s16+$0x60]  }
0x3f5: {  	v10 =	vld [tilespmem:s16+$0x4070]  }
0x3f6: {  	v11 =	vld [tilespmem:s16+$0x4000]  }
0x3f7: {  	v13 =	vld [tilespmem:s16+$0x4030]  }
0x3f8: {  	v14 =	vld [tilespmem:s16+$0x4040];
	v2 =	vmul.f32 $5.120000000e+02, v2;
	v3 =	vmul.f32 $5.120000000e+02, v3  }
0x3f9: {  	v4 =	vmul.f32 $5.120000000e+02, v4;
	v5 =	vmul.f32 $5.120000000e+02, v5  }
0x3fa: {  	v6 =	vmul.f32 $5.120000000e+02, v6;
	v7 =	vmul.f32 $5.120000000e+02, v7;
	v2 =	vadd.f32 $4.096000000e+03, v2  }
0x3fb: {  	v15 =	vld [tilespmem:s16+$0x4050];
	v8 =	vmul.f32 $5.120000000e+02, v8;
	v9 =	vmul.f32 $5.120000000e+02, v9;
	v10 =	vshll.u32 v10, $0xD  }
0x3fc: {  	v11 =	vshll.u32 v11, $0xD;
	v13 =	vshll.u32 v13, $0xD;
	v2 =	vmax.f32 v2, $0.0e+00  }
0x3fd: {  	v14 =	vshll.u32 v14, $0xD;
	v3 =	vadd.f32 $4.096000000e+03, v3;
	v2 =	vmin.f32 v2, $8.191000000e+03  }
0x3fe: {  	v4 =	vadd.f32 $4.096000000e+03, v4;
	v5 =	vadd.f32 $4.096000000e+03, v5;
	v2 =	vtrunc.f32 v2  }
0x3ff: {  	v6 =	vadd.f32 $4.096000000e+03, v6;
	v7 =	vadd.f32 $4.096000000e+03, v7;
	v2 =	vcvt.f32.s32 v2  }
0x400: {  	v15 =	vshll.u32 v15, $0xD;
	v8 =	vadd.f32 $4.096000000e+03, v8;
	v9 =	vadd.f32 $4.096000000e+03, v9  }
0x401: {  	s13 =	simm.s32 $0x80;
	s14 =	simm.s32 $0x400;
	v3 =	vmax.f32 v3, $0.0e+00;
	v4 =	vmax.f32 v4, $0.0e+00;
	v2 =	vadd.s32 v2, v10  }
0x402: {  	s15 =	simm.s32 $0x20;
	s17 =	sand.u32 $0x1000, s13;
	s18 =	sand.u32 $0xC00, s14;
	v12 =	vld [tilespmem:s16+$0x4010];
	v5 =	vmax.f32 v5, $0.0e+00;
	v6 =	vmax.f32 v6, $0.0e+00;
	v7 =	vmax.f32 v7, $0.0e+00  }
0x403: {  	s17 =	sor.u32 s17, s18;
	s18 =	sand.u32 $0x380, s15;
	v16 =	vld [tilespmem:s16+$0x4060];
	v8 =	vmax.f32 v8, $0.0e+00;
	v9 =	vmax.f32 v9, $0.0e+00;
	v3 =	vmin.f32 v3, $8.191000000e+03  }
0x404: {  	v4 =	vmin.f32 v4, $8.191000000e+03;
	v5 =	vmin.f32 v5, $8.191000000e+03;
	v6 =	vmin.f32 v6, $8.191000000e+03;
	v10 =	vld [tilespmem:s16+$0x4020];
	s16 =	sor.u32 s18, s17  }
0x405: {  	v7 =	vmin.f32 v7, $8.191000000e+03;
	v3 =	vtrunc.f32 v3;
	v4 =	vtrunc.f32 v4;
	v18 =	vld [tilespmem:s16+$0x10]  }
0x406: {  	v8 =	vmin.f32 v8, $8.191000000e+03;
	v5 =	vtrunc.f32 v5;
	v6 =	vtrunc.f32 v6;
	[tilespmem:v2+s11+$0x0] =	vst.idx.add.f32.msk $0xffff, v1  }
0x407: {  	v8 =	vtrunc.f32 v8;
	v3 =	vcvt.f32.s32 v3;
	v2 =	vshll.u32 v12, $0xD;
	v12 =	vld [tilespmem:s16+$0x70]  }
0x408: {  	v9 =	vmin.f32 v9, $8.191000000e+03;
	v7 =	vtrunc.f32 v7;
	v8 =	vcvt.f32.s32 v8;
	v17 =	vld [tilespmem:s16+$0x0]  }
0x409: {  	v4 =	vcvt.f32.s32 v4;
	v7 =	vcvt.f32.s32 v7;
	v20 =	vadd.s32 v3, v11;
	v11 =	vld [tilespmem:s16+$0x30]  }
0x40a: {  	v5 =	vcvt.f32.s32 v5;
	v6 =	vcvt.f32.s32 v6;
	v3 =	vadd.s32 v8, v15  }
0x40b: {  	v10 =	vshll.u32 v10, $0xD;
	v21 =	vadd.s32 v4, v2;
	v4 =	vadd.s32 v7, v14;
	v7 =	vld [tilespmem:s16+$0x50]  }
0x40c: {  	v22 =	vadd.s32 v5, v10;
	v10 =	vld [tilespmem:s16+$0x40];
	v8 =	vmul.f32 $5.120000000e+02, v18;
	v2 =	vmul.f32 $5.120000000e+02, v12  }
0x40d: {  	v9 =	vtrunc.f32 v9;
	v19 =	vld [tilespmem:s16+$0x20];
	v5 =	vadd.s32 v6, v13;
	v6 =	vmul.f32 $5.120000000e+02, v17  }
0x40e: {  	v14 =	vld [tilespmem:s16+$0x4070];
	v15 =	vadd.f32 $4.096000000e+03, v8;
	v8 =	vmul.f32 $5.120000000e+02, v11;
	v13 =	vadd.f32 $4.096000000e+03, v2  }
0x40f: {  	v16 =	vshll.u32 v16, $0xD;
	v9 =	vcvt.f32.s32 v9;
	v6 =	vadd.f32 $4.096000000e+03, v6;
	v12 =	vld [tilespmem:s16+$0x60]  }
0x410: {  	v23 =	vld [tilespmem:s16+$0x4000];
	v17 =	vadd.f32 $4.096000000e+03, v8;
	v18 =	vmul.f32 $5.120000000e+02, v7;
	v13 =	vmax.f32 v13, $0.0e+00  }
0x411: {  	[tilespmem:v20+s11+$0x0] =	vst.idx.add.f32.msk $0xffff, v1;
	v2 =	vadd.s32 v9, v16;
	v16 =	vmul.f32 $5.120000000e+02, v10;
	v13 =	vmin.f32 v13, $8.191000000e+03  }
0x412: {  	v11 =	vld [tilespmem:s16+$0x4010];
	v15 =	vmax.f32 v15, $0.0e+00;
	v9 =	vmul.f32 $5.120000000e+02, v19;
	v7 =	vtrunc.f32 v13  }
0x413: {  	v8 =	vld [tilespmem:s16+$0x4030];
	v18 =	vadd.f32 $4.096000000e+03, v18;
	v13 =	vadd.f32 $4.096000000e+03, v16;
	v16 =	vcvt.f32.s32 v7  }
0x414: {  	v14 =	vshll.u32 v14, $0xD;
	v20 =	vmin.f32 v15, $8.191000000e+03;
	[tilespmem:v21+s11+$0x0] =	vst.idx.add.f32.msk $0xffff, v1;
	v12 =	vmul.f32 $5.120000000e+02, v12  }
0x415: {  	[tilespmem:v22+s11+$0x0] =	vst.idx.add.f32.msk $0xffff, v1;
	v9 =	vadd.f32 $4.096000000e+03, v9;
	v25 =	vmax.f32 v18, $0.0e+00;
	v24 =	vadd.s32 v16, v14  }
0x416: {  	v10 =	vld [tilespmem:s16+$0x4020];
	v19 =	vmax.f32 v6, $0.0e+00;
	v15 =	vmin.f32 v25, $8.191000000e+03;
	v12 =	vadd.f32 $4.096000000e+03, v12  }
0x417: {  	v6 =	vld [tilespmem:s16+$0x4050];
	v13 =	vmax.f32 v13, $0.0e+00;
	v14 =	vmax.f32 v9, $0.0e+00;
	v16 =	vmax.f32 v17, $0.0e+00  }
0x418: {  	v7 =	vld [tilespmem:s16+$0x4040];
	v17 =	vmin.f32 v19, $8.191000000e+03;
	v12 =	vmax.f32 v12, $0.0e+00;
	v19 =	vmin.f32 v14, $8.191000000e+03  }
0x419: {  	v9 =	vld [tilespmem:s16+$0x4060];
	v18 =	vmin.f32 v16, $8.191000000e+03;
	v16 =	vmin.f32 v13, $8.191000000e+03;
	v13 =	vmin.f32 v12, $8.191000000e+03  }
0x41a: {  	v17 =	vtrunc.f32 v17;
	v12 =	vshll.u32 v23, $0xD;
	v14 =	vtrunc.f32 v20;
	[tilespmem:v24+s11+$0x0] =	vst.idx.add.f32.msk $0xffff, v1  }
.LBB2_24:
0x41b: {  	s13 =	sadd.s32 $0x80, s13;
	v11 =	vshll.u32 v11, $0xD;
	v19 =	vtrunc.f32 v19;
	v18 =	vtrunc.f32 v18;
	s14 =	sadd.s32 $0x400, s14;
	[tilespmem:v5+s11+$0x0] =	vst.idx.add.f32.msk $0xffff, v1  }
0x41c: {  	v5 =	vshll.u32 v10, $0xD;
	v10 =	vtrunc.f32 v16;
	v15 =	vtrunc.f32 v15;
	s15 =	sadd.s32 $0x20, s15;
	s16 =	sand.u32 $0x1000, s13;
	s17 =	sand.u32 $0xC00, s14;
	[tilespmem:v4+s11+$0x0] =	vst.idx.add.f32.msk $0xffff, v1  }
0x41d: {  	v8 =	vshll.u32 v8, $0xD;
	v13 =	vtrunc.f32 v13;
	p0 =	slt.u32 s13, $0x1F80;
	v4 =	vcvt.f32.s32 v17;
	s16 =	sor.u32 s16, s17;
	s17 =	sand.u32 $0x380, s15;
	[tilespmem:v3+s11+$0x0] =	vst.idx.add.f32.msk $0xffff, v1  }
0x41e: {  	v7 =	vshll.u32 v7, $0xD;
	v3 =	vcvt.f32.s32 v14;
	v14 =	vcvt.f32.s32 v19;
	s16 =	sor.u32 s17, s16;
	[tilespmem:v2+s11+$0x0] =	vst.idx.add.f32.msk $0xffff, v1  }
0x41f: {  	v6 =	vshll.u32 v6, $0xD;
	v10 =	vcvt.f32.s32 v10;
	v2 =	vcvt.f32.s32 v18;
	v16 =	vld [tilespmem:s16+$0x70]  }
0x420: {  	v9 =	vshll.u32 v9, $0xD;
	v15 =	vcvt.f32.s32 v15;
	v13 =	vcvt.f32.s32 v13;
	v17 =	vld [tilespmem:s16+$0x0]  }
0x421: {  	v12 =	vadd.s32 v4, v12;
	v20 =	vadd.s32 v3, v11;
	v14 =	vadd.s32 v14, v5;
	v18 =	vld [tilespmem:s16+$0x10]  }
0x422: {  	v4 =	vadd.s32 v10, v7;
	v3 =	vadd.s32 v15, v6;
	v5 =	vadd.s32 v2, v8;
	v11 =	vld [tilespmem:s16+$0x20]  }
0x423: {  	v2 =	vadd.s32 v13, v9;
	v6 =	vld [tilespmem:s16+$0x30]  }
0x424: {  	v7 =	vld [tilespmem:s16+$0x40];
	v8 =	vmul.f32 $5.120000000e+02, v16  }
0x425: {  	v9 =	vmul.f32 $5.120000000e+02, v17;
	v13 =	vld [tilespmem:s16+$0x50]  }
0x426: {  	v10 =	vmul.f32 $5.120000000e+02, v18;
	v15 =	vld [tilespmem:s16+$0x60];
	v8 =	vadd.f32 $4.096000000e+03, v8  }
0x427: {  	v9 =	vadd.f32 $4.096000000e+03, v9;
	v16 =	vmul.f32 $5.120000000e+02, v11;
	v17 =	vld [tilespmem:s16+$0x4070]  }
0x428: {  	v21 =	vld [tilespmem:s16+$0x4000];
	v18 =	vadd.f32 $4.096000000e+03, v10;
	v6 =	vmul.f32 $5.120000000e+02, v6;
	v8 =	vmax.f32 v8, $0.0e+00  }
0x429: {  	v11 =	vld [tilespmem:s16+$0x4010];
	v16 =	vadd.f32 $4.096000000e+03, v16;
	v7 =	vmul.f32 $5.120000000e+02, v7;
	v8 =	vmin.f32 v8, $8.191000000e+03  }
0x42a: {  	v10 =	vld [tilespmem:s16+$0x4020];
	v19 =	vadd.f32 $4.096000000e+03, v6;
	v6 =	vmul.f32 $5.120000000e+02, v13;
	v13 =	vtrunc.f32 v8  }
0x42b: {  	v8 =	vld [tilespmem:s16+$0x4030];
	v22 =	vadd.f32 $4.096000000e+03, v7;
	v15 =	vmul.f32 $5.120000000e+02, v15;
	v13 =	vcvt.f32.s32 v13  }
0x42c: {  	v23 =	vmax.f32 v9, $0.0e+00;
	v7 =	vld [tilespmem:s16+$0x4040];
	v24 =	vadd.f32 $4.096000000e+03, v6;
	v9 =	vshll.u32 v17, $0xD  }
0x42d: {  	v17 =	vmax.f32 v18, $0.0e+00;
	v6 =	vld [tilespmem:s16+$0x4050];
	v15 =	vadd.f32 $4.096000000e+03, v15;
	v25 =	vadd.s32 v13, v9  }
.Ltmp11:
0x42e: {  	v13 =	vmax.f32 v16, $0.0e+00;
	v16 =	vmax.f32 v19, $0.0e+00;
	v22 =	vmax.f32 v22, $0.0e+00;
	v9 =	vld [tilespmem:s16+$0x4060];
	(pc) =	sbr.rel @p0 .LBB2_24-.Ltmp11, $4  }
0x42f: {  	v23 =	vmin.f32 v23, $8.191000000e+03;
	v24 =	vmax.f32 v24, $0.0e+00;
	v26 =	vmax.f32 v15, $0.0e+00;
	[tilespmem:v12+s11+$0x0] =	vst.idx.add.f32.msk $0xffff, v1  }
0x430: {  	v27 =	vmin.f32 v17, $8.191000000e+03;
	v19 =	vmin.f32 v13, $8.191000000e+03;
	v18 =	vmin.f32 v16, $8.191000000e+03;
	[tilespmem:v20+s11+$0x0] =	vst.idx.add.f32.msk $0xffff, v1  }
0x431: {  	v16 =	vmin.f32 v22, $8.191000000e+03;
	v15 =	vmin.f32 v24, $8.191000000e+03;
	v13 =	vmin.f32 v26, $8.191000000e+03;
	[tilespmem:v14+s11+$0x0] =	vst.idx.add.f32.msk $0xffff, v1  }
0x432: {  	v17 =	vtrunc.f32 v23;
	v12 =	vshll.u32 v21, $0xD;
	v14 =	vtrunc.f32 v27;
	[tilespmem:v25+s11+$0x0] =	vst.idx.add.f32.msk $0xffff, v1  }
0x433: {  	v19 =	vtrunc.f32 v19  }
0x434: {  	v11 =	vshll.u32 v11, $0xD;
	v18 =	vtrunc.f32 v18;
	v17 =	vcvt.f32.s32 v17  }
0x435: {  	v10 =	vshll.u32 v10, $0xD;
	v16 =	vtrunc.f32 v16;
	v14 =	vcvt.f32.s32 v14  }
0x436: {  	v15 =	vtrunc.f32 v15;
	v19 =	vcvt.f32.s32 v19;
	v12 =	vadd.s32 v17, v12  }
0x437: {  	[tilespmem:v5+s11+$0x0] =	vst.idx.add.f32.msk $0xffff, v1;
	v5 =	vshll.u32 v8, $0xD;
	v8 =	vcvt.f32.s32 v18;
	v11 =	vadd.s32 v14, v11  }
0x438: {  	[tilespmem:v4+s11+$0x0] =	vst.idx.add.f32.msk $0xffff, v1;
	v4 =	vtrunc.f32 v13;
	v13 =	vcvt.f32.s32 v16;
	v10 =	vadd.s32 v19, v10  }
0x439: {  	[tilespmem:v3+s11+$0x0] =	vst.idx.add.f32.msk $0xffff, v1;
	v3 =	vshll.u32 v7, $0xD;
	v7 =	vcvt.f32.s32 v15;
	v5 =	vadd.s32 v8, v5  }
0x43a: {  	[tilespmem:v2+s11+$0x0] =	vst.idx.add.f32.msk $0xffff, v1;
	v2 =	vshll.u32 v6, $0xD;
	v4 =	vcvt.f32.s32 v4;
	v3 =	vadd.s32 v13, v3  }
0x43b: {  	v6 =	vshll.u32 v9, $0xD;
	v2 =	vadd.s32 v7, v2;
	[tilespmem:v12+s11+$0x0] =	vst.idx.add.f32.msk $0xffff, v1  }
0x43c: {  	v4 =	vadd.s32 v4, v6;
	[tilespmem:v11+s11+$0x0] =	vst.idx.add.f32.msk $0xffff, v1  }
0x43d: {  	[tilespmem:v10+s11+$0x0] =	vst.idx.add.f32.msk $0xffff, v1  }
0x43e: {  	[tilespmem:v5+s11+$0x0] =	vst.idx.add.f32.msk $0xffff, v1  }
0x43f: {  	[tilespmem:v3+s11+$0x0] =	vst.idx.add.f32.msk $0xffff, v1  }
0x440: {  	[tilespmem:v2+s11+$0x0] =	vst.idx.add.f32.msk $0xffff, v1  }
0x441: {  	s13 =	simm.s32 $0x0;
	[tilespmem:v4+s11+$0x0] =	vst.idx.add.f32.msk $0xffff, v1  }
0x442: {  	[tilespmem:s13], [sflag:$0x1] =	stream.linear.gather [hbm4b:s24+s13], $0x2000, $0x38;
	[tilespmem:$0xC000] =	vst v63  }
0x443: {  	_ = 	snop  }
0x444: {  	[tilespmem:s6], [sflag:$0x2] =	stream.linear.gather [hbm4b:s25+s13], $0x2000, $0x38;
	[tilespmem:$0xC000] =	vst v63  }
0x445: {  	_ =	swait.ge [sflag:s9], $0x2000  }
0x446: {  	[sflag:s9] =	ssyncset.done $0x0  }
0x447: {  	s14 =	simm.s32 $0x0;
	[sflag:s9] =	ssyncadd.s32 $0xFFFFE000  }
0x448: {  	s14 =	sand.u32 $0x1000, s14;
	s15 =	sand.u32 $0xC00, s13;
	_ =	swait.ge [sflag:s10], $0x2000  }
0x449: {  	s14 =	sor.u32 s14, s15;
	s13 =	sand.u32 $0x380, s13;
	[sflag:s10] =	ssyncset.done $0x0  }
0x44a: {  	s16 =	sor.u32 s13, s14;
	[sflag:s10] =	ssyncadd.s32 $0xFFFFE000  }
0x44b: {  	v2 =	vld [tilespmem:s16+$0x2070]  }
0x44c: {  	v3 =	vld [tilespmem:s16+$0x2000]  }
0x44d: {  	v4 =	vld [tilespmem:s16+$0x2010]  }
0x44e: {  	v5 =	vld [tilespmem:s16+$0x2020]  }
0x44f: {  	v6 =	vld [tilespmem:s16+$0x2030]  }
0x450: {  	v7 =	vld [tilespmem:s16+$0x2040]  }
0x451: {  	v8 =	vld [tilespmem:s16+$0x2050]  }
0x452: {  	v9 =	vld [tilespmem:s16+$0x2060]  }
0x453: {  	v10 =	vld [tilespmem:s16+$0x6070]  }
0x454: {  	v11 =	vld [tilespmem:s16+$0x6000]  }
0x455: {  	v13 =	vld [tilespmem:s16+$0x6030]  }
0x456: {  	v14 =	vld [tilespmem:s16+$0x6040];
	v2 =	vmul.f32 $5.120000000e+02, v2;
	v3 =	vmul.f32 $5.120000000e+02, v3  }
0x457: {  	v4 =	vmul.f32 $5.120000000e+02, v4;
	v5 =	vmul.f32 $5.120000000e+02, v5  }
0x458: {  	v6 =	vmul.f32 $5.120000000e+02, v6;
	v7 =	vmul.f32 $5.120000000e+02, v7;
	v2 =	vadd.f32 $4.096000000e+03, v2  }
0x459: {  	v15 =	vld [tilespmem:s16+$0x6050];
	v8 =	vmul.f32 $5.120000000e+02, v8;
	v9 =	vmul.f32 $5.120000000e+02, v9;
	v10 =	vshll.u32 v10, $0xD  }
0x45a: {  	v11 =	vshll.u32 v11, $0xD;
	v13 =	vshll.u32 v13, $0xD;
	v2 =	vmax.f32 v2, $0.0e+00  }
0x45b: {  	v14 =	vshll.u32 v14, $0xD;
	v3 =	vadd.f32 $4.096000000e+03, v3;
	v2 =	vmin.f32 v2, $8.191000000e+03  }
0x45c: {  	v4 =	vadd.f32 $4.096000000e+03, v4;
	v5 =	vadd.f32 $4.096000000e+03, v5;
	v2 =	vtrunc.f32 v2  }
0x45d: {  	v6 =	vadd.f32 $4.096000000e+03, v6;
	v7 =	vadd.f32 $4.096000000e+03, v7;
	v2 =	vcvt.f32.s32 v2  }
0x45e: {  	v15 =	vshll.u32 v15, $0xD;
	v8 =	vadd.f32 $4.096000000e+03, v8;
	v9 =	vadd.f32 $4.096000000e+03, v9  }
0x45f: {  	s13 =	simm.s32 $0x80;
	s14 =	simm.s32 $0x400;
	v3 =	vmax.f32 v3, $0.0e+00;
	v4 =	vmax.f32 v4, $0.0e+00;
	v2 =	vadd.s32 v2, v10  }
0x460: {  	s15 =	simm.s32 $0x20;
	s17 =	sand.u32 $0x1000, s13;
	s18 =	sand.u32 $0xC00, s14;
	v12 =	vld [tilespmem:s16+$0x6010];
	v5 =	vmax.f32 v5, $0.0e+00;
	v6 =	vmax.f32 v6, $0.0e+00;
	v7 =	vmax.f32 v7, $0.0e+00  }
0x461: {  	s17 =	sor.u32 s17, s18;
	s18 =	sand.u32 $0x380, s15;
	v16 =	vld [tilespmem:s16+$0x6060];
	v8 =	vmax.f32 v8, $0.0e+00;
	v9 =	vmax.f32 v9, $0.0e+00;
	v3 =	vmin.f32 v3, $8.191000000e+03  }
0x462: {  	v4 =	vmin.f32 v4, $8.191000000e+03;
	v5 =	vmin.f32 v5, $8.191000000e+03;
	v6 =	vmin.f32 v6, $8.191000000e+03;
	v10 =	vld [tilespmem:s16+$0x6020];
	s16 =	sor.u32 s18, s17  }
0x463: {  	v7 =	vmin.f32 v7, $8.191000000e+03;
	v3 =	vtrunc.f32 v3;
	v4 =	vtrunc.f32 v4;
	v18 =	vld [tilespmem:s16+$0x2010]  }
0x464: {  	v8 =	vmin.f32 v8, $8.191000000e+03;
	v5 =	vtrunc.f32 v5;
	v6 =	vtrunc.f32 v6;
	[tilespmem:v2+s11+$0x0] =	vst.idx.add.f32.msk $0xffff, v1  }
0x465: {  	v8 =	vtrunc.f32 v8;
	v3 =	vcvt.f32.s32 v3;
	v2 =	vshll.u32 v12, $0xD;
	v12 =	vld [tilespmem:s16+$0x2070]  }
0x466: {  	v9 =	vmin.f32 v9, $8.191000000e+03;
	v7 =	vtrunc.f32 v7;
	v8 =	vcvt.f32.s32 v8;
	v17 =	vld [tilespmem:s16+$0x2000]  }
0x467: {  	v4 =	vcvt.f32.s32 v4;
	v7 =	vcvt.f32.s32 v7;
	v20 =	vadd.s32 v3, v11;
	v11 =	vld [tilespmem:s16+$0x2030]  }
0x468: {  	v5 =	vcvt.f32.s32 v5;
	v6 =	vcvt.f32.s32 v6;
	v3 =	vadd.s32 v8, v15  }
0x469: {  	v10 =	vshll.u32 v10, $0xD;
	v21 =	vadd.s32 v4, v2;
	v4 =	vadd.s32 v7, v14;
	v7 =	vld [tilespmem:s16+$0x2050]  }
0x46a: {  	v22 =	vadd.s32 v5, v10;
	v10 =	vld [tilespmem:s16+$0x2040];
	v8 =	vmul.f32 $5.120000000e+02, v18;
	v2 =	vmul.f32 $5.120000000e+02, v12  }
0x46b: {  	v9 =	vtrunc.f32 v9;
	v19 =	vld [tilespmem:s16+$0x2020];
	v5 =	vadd.s32 v6, v13;
	v6 =	vmul.f32 $5.120000000e+02, v17  }
0x46c: {  	v14 =	vld [tilespmem:s16+$0x6070];
	v15 =	vadd.f32 $4.096000000e+03, v8;
	v8 =	vmul.f32 $5.120000000e+02, v11;
	v13 =	vadd.f32 $4.096000000e+03, v2  }
0x46d: {  	v16 =	vshll.u32 v16, $0xD;
	v9 =	vcvt.f32.s32 v9;
	v6 =	vadd.f32 $4.096000000e+03, v6;
	v12 =	vld [tilespmem:s16+$0x2060]  }
0x46e: {  	v23 =	vld [tilespmem:s16+$0x6000];
	v17 =	vadd.f32 $4.096000000e+03, v8;
	v18 =	vmul.f32 $5.120000000e+02, v7;
	v13 =	vmax.f32 v13, $0.0e+00  }
0x46f: {  	[tilespmem:v20+s11+$0x0] =	vst.idx.add.f32.msk $0xffff, v1;
	v2 =	vadd.s32 v9, v16;
	v16 =	vmul.f32 $5.120000000e+02, v10;
	v13 =	vmin.f32 v13, $8.191000000e+03  }
0x470: {  	v11 =	vld [tilespmem:s16+$0x6010];
	v15 =	vmax.f32 v15, $0.0e+00;
	v9 =	vmul.f32 $5.120000000e+02, v19;
	v7 =	vtrunc.f32 v13  }
0x471: {  	v8 =	vld [tilespmem:s16+$0x6030];
	v18 =	vadd.f32 $4.096000000e+03, v18;
	v13 =	vadd.f32 $4.096000000e+03, v16;
	v16 =	vcvt.f32.s32 v7  }
0x472: {  	v14 =	vshll.u32 v14, $0xD;
	v20 =	vmin.f32 v15, $8.191000000e+03;
	[tilespmem:v21+s11+$0x0] =	vst.idx.add.f32.msk $0xffff, v1;
	v12 =	vmul.f32 $5.120000000e+02, v12  }
0x473: {  	[tilespmem:v22+s11+$0x0] =	vst.idx.add.f32.msk $0xffff, v1;
	v9 =	vadd.f32 $4.096000000e+03, v9;
	v25 =	vmax.f32 v18, $0.0e+00;
	v24 =	vadd.s32 v16, v14  }
0x474: {  	v10 =	vld [tilespmem:s16+$0x6020];
	v19 =	vmax.f32 v6, $0.0e+00;
	v15 =	vmin.f32 v25, $8.191000000e+03;
	v12 =	vadd.f32 $4.096000000e+03, v12  }
0x475: {  	v6 =	vld [tilespmem:s16+$0x6050];
	v13 =	vmax.f32 v13, $0.0e+00;
	v14 =	vmax.f32 v9, $0.0e+00;
	v16 =	vmax.f32 v17, $0.0e+00  }
0x476: {  	v7 =	vld [tilespmem:s16+$0x6040];
	v17 =	vmin.f32 v19, $8.191000000e+03;
	v12 =	vmax.f32 v12, $0.0e+00;
	v19 =	vmin.f32 v14, $8.191000000e+03  }
0x477: {  	v9 =	vld [tilespmem:s16+$0x6060];
	v18 =	vmin.f32 v16, $8.191000000e+03;
	v16 =	vmin.f32 v13, $8.191000000e+03;
	v13 =	vmin.f32 v12, $8.191000000e+03  }
0x478: {  	v17 =	vtrunc.f32 v17;
	v12 =	vshll.u32 v23, $0xD;
	v14 =	vtrunc.f32 v20;
	[tilespmem:v24+s11+$0x0] =	vst.idx.add.f32.msk $0xffff, v1  }
.LBB2_26:
0x479: {  	s13 =	sadd.s32 $0x80, s13;
	v11 =	vshll.u32 v11, $0xD;
	v19 =	vtrunc.f32 v19;
	v18 =	vtrunc.f32 v18;
	s14 =	sadd.s32 $0x400, s14;
	[tilespmem:v5+s11+$0x0] =	vst.idx.add.f32.msk $0xffff, v1  }
0x47a: {  	v5 =	vshll.u32 v10, $0xD;
	v10 =	vtrunc.f32 v16;
	v15 =	vtrunc.f32 v15;
	s15 =	sadd.s32 $0x20, s15;
	s16 =	sand.u32 $0x1000, s13;
	s17 =	sand.u32 $0xC00, s14;
	[tilespmem:v4+s11+$0x0] =	vst.idx.add.f32.msk $0xffff, v1  }
0x47b: {  	v8 =	vshll.u32 v8, $0xD;
	v13 =	vtrunc.f32 v13;
	p0 =	slt.u32 s13, $0x1F80;
	v4 =	vcvt.f32.s32 v17;
	s16 =	sor.u32 s16, s17;
	s17 =	sand.u32 $0x380, s15;
	[tilespmem:v3+s11+$0x0] =	vst.idx.add.f32.msk $0xffff, v1  }
0x47c: {  	v7 =	vshll.u32 v7, $0xD;
	v3 =	vcvt.f32.s32 v14;
	v14 =	vcvt.f32.s32 v19;
	s16 =	sor.u32 s17, s16;
	[tilespmem:v2+s11+$0x0] =	vst.idx.add.f32.msk $0xffff, v1  }
0x47d: {  	v6 =	vshll.u32 v6, $0xD;
	v10 =	vcvt.f32.s32 v10;
	v2 =	vcvt.f32.s32 v18;
	v16 =	vld [tilespmem:s16+$0x2070]  }
0x47e: {  	v9 =	vshll.u32 v9, $0xD;
	v15 =	vcvt.f32.s32 v15;
	v13 =	vcvt.f32.s32 v13;
	v17 =	vld [tilespmem:s16+$0x2000]  }
0x47f: {  	v12 =	vadd.s32 v4, v12;
	v20 =	vadd.s32 v3, v11;
	v14 =	vadd.s32 v14, v5;
	v18 =	vld [tilespmem:s16+$0x2010]  }
0x480: {  	v4 =	vadd.s32 v10, v7;
	v3 =	vadd.s32 v15, v6;
	v5 =	vadd.s32 v2, v8;
	v11 =	vld [tilespmem:s16+$0x2020]  }
0x481: {  	v2 =	vadd.s32 v13, v9;
	v6 =	vld [tilespmem:s16+$0x2030]  }
0x482: {  	v7 =	vld [tilespmem:s16+$0x2040];
	v8 =	vmul.f32 $5.120000000e+02, v16  }
0x483: {  	v9 =	vmul.f32 $5.120000000e+02, v17;
	v13 =	vld [tilespmem:s16+$0x2050]  }
0x484: {  	v10 =	vmul.f32 $5.120000000e+02, v18;
	v15 =	vld [tilespmem:s16+$0x2060];
	v8 =	vadd.f32 $4.096000000e+03, v8  }
0x485: {  	v9 =	vadd.f32 $4.096000000e+03, v9;
	v16 =	vmul.f32 $5.120000000e+02, v11;
	v17 =	vld [tilespmem:s16+$0x6070]  }
0x486: {  	v21 =	vld [tilespmem:s16+$0x6000];
	v18 =	vadd.f32 $4.096000000e+03, v10;
	v6 =	vmul.f32 $5.120000000e+02, v6;
	v8 =	vmax.f32 v8, $0.0e+00  }
0x487: {  	v11 =	vld [tilespmem:s16+$0x6010];
	v16 =	vadd.f32 $4.096000000e+03, v16;
	v7 =	vmul.f32 $5.120000000e+02, v7;
	v8 =	vmin.f32 v8, $8.191000000e+03  }
0x488: {  	v10 =	vld [tilespmem:s16+$0x6020];
	v19 =	vadd.f32 $4.096000000e+03, v6;
	v6 =	vmul.f32 $5.120000000e+02, v13;
	v13 =	vtrunc.f32 v8  }
0x489: {  	v8 =	vld [tilespmem:s16+$0x6030];
	v22 =	vadd.f32 $4.096000000e+03, v7;
	v15 =	vmul.f32 $5.120000000e+02, v15;
	v13 =	vcvt.f32.s32 v13  }
0x48a: {  	v23 =	vmax.f32 v9, $0.0e+00;
	v7 =	vld [tilespmem:s16+$0x6040];
	v24 =	vadd.f32 $4.096000000e+03, v6;
	v9 =	vshll.u32 v17, $0xD  }
0x48b: {  	v17 =	vmax.f32 v18, $0.0e+00;
	v6 =	vld [tilespmem:s16+$0x6050];
	v15 =	vadd.f32 $4.096000000e+03, v15;
	v25 =	vadd.s32 v13, v9  }
.Ltmp12:
0x48c: {  	v13 =	vmax.f32 v16, $0.0e+00;
	v16 =	vmax.f32 v19, $0.0e+00;
	v22 =	vmax.f32 v22, $0.0e+00;
	v9 =	vld [tilespmem:s16+$0x6060];
	(pc) =	sbr.rel @p0 .LBB2_26-.Ltmp12, $4  }
0x48d: {  	v23 =	vmin.f32 v23, $8.191000000e+03;
	v24 =	vmax.f32 v24, $0.0e+00;
	v26 =	vmax.f32 v15, $0.0e+00;
	[tilespmem:v12+s11+$0x0] =	vst.idx.add.f32.msk $0xffff, v1  }
0x48e: {  	v27 =	vmin.f32 v17, $8.191000000e+03;
	v19 =	vmin.f32 v13, $8.191000000e+03;
	v18 =	vmin.f32 v16, $8.191000000e+03;
	[tilespmem:v20+s11+$0x0] =	vst.idx.add.f32.msk $0xffff, v1  }
0x48f: {  	v16 =	vmin.f32 v22, $8.191000000e+03;
	v15 =	vmin.f32 v24, $8.191000000e+03;
	v13 =	vmin.f32 v26, $8.191000000e+03;
	[tilespmem:v14+s11+$0x0] =	vst.idx.add.f32.msk $0xffff, v1  }
0x490: {  	v17 =	vtrunc.f32 v23;
	v12 =	vshll.u32 v21, $0xD;
	v14 =	vtrunc.f32 v27;
	[tilespmem:v25+s11+$0x0] =	vst.idx.add.f32.msk $0xffff, v1  }
0x491: {  	v19 =	vtrunc.f32 v19  }
0x492: {  	v11 =	vshll.u32 v11, $0xD;
	v18 =	vtrunc.f32 v18;
	v17 =	vcvt.f32.s32 v17  }
0x493: {  	v10 =	vshll.u32 v10, $0xD;
	v16 =	vtrunc.f32 v16;
	v14 =	vcvt.f32.s32 v14  }
0x494: {  	v15 =	vtrunc.f32 v15;
	v19 =	vcvt.f32.s32 v19;
	v12 =	vadd.s32 v17, v12  }
0x495: {  	[tilespmem:v5+s11+$0x0] =	vst.idx.add.f32.msk $0xffff, v1;
	v5 =	vshll.u32 v8, $0xD;
	v8 =	vcvt.f32.s32 v18;
	v11 =	vadd.s32 v14, v11  }
0x496: {  	[tilespmem:v4+s11+$0x0] =	vst.idx.add.f32.msk $0xffff, v1;
	v4 =	vtrunc.f32 v13;
	v13 =	vcvt.f32.s32 v16;
	v10 =	vadd.s32 v19, v10  }
0x497: {  	[tilespmem:v3+s11+$0x0] =	vst.idx.add.f32.msk $0xffff, v1;
	v3 =	vshll.u32 v7, $0xD;
	v7 =	vcvt.f32.s32 v15;
	v5 =	vadd.s32 v8, v5  }
0x498: {  	[tilespmem:v2+s11+$0x0] =	vst.idx.add.f32.msk $0xffff, v1;
	v2 =	vshll.u32 v6, $0xD;
	v4 =	vcvt.f32.s32 v4;
	v3 =	vadd.s32 v13, v3  }
0x499: {  	v6 =	vshll.u32 v9, $0xD;
	v2 =	vadd.s32 v7, v2;
	[tilespmem:v12+s11+$0x0] =	vst.idx.add.f32.msk $0xffff, v1  }
0x49a: {  	v4 =	vadd.s32 v4, v6;
	[tilespmem:v11+s11+$0x0] =	vst.idx.add.f32.msk $0xffff, v1  }
0x49b: {  	[tilespmem:v10+s11+$0x0] =	vst.idx.add.f32.msk $0xffff, v1  }
0x49c: {  	[tilespmem:v5+s11+$0x0] =	vst.idx.add.f32.msk $0xffff, v1  }
0x49d: {  	[tilespmem:v3+s11+$0x0] =	vst.idx.add.f32.msk $0xffff, v1  }
0x49e: {  	[tilespmem:v2+s11+$0x0] =	vst.idx.add.f32.msk $0xffff, v1  }
0x49f: {  	s13 =	simm.s32 $0x0;
	[tilespmem:v4+s11+$0x0] =	vst.idx.add.f32.msk $0xffff, v1  }
0x4a0: {  	[tilespmem:s7], [sflag:$0x1] =	stream.linear.gather [hbm4b:s26+s13], $0x2000, $0x38;
	[tilespmem:$0xC000] =	vst v63  }
0x4a1: {  	_ = 	snop  }
0x4a2: {  	[tilespmem:s8], [sflag:$0x2] =	stream.linear.gather [hbm4b:s28+s13], $0x2000, $0x38;
	[tilespmem:$0xC000] =	vst v63  }
0x4a3: {  	_ =	swait.ge [sflag:s9], $0x2000  }
0x4a4: {  	[sflag:s9] =	ssyncset.done $0x0  }
0x4a5: {  	s14 =	simm.s32 $0x0;
	[sflag:s9] =	ssyncadd.s32 $0xFFFFE000  }
0x4a6: {  	s14 =	sand.u32 $0x1000, s14;
	s15 =	sand.u32 $0xC00, s13;
	_ =	swait.ge [sflag:s10], $0x2000  }
0x4a7: {  	s14 =	sor.u32 s14, s15;
	s13 =	sand.u32 $0x380, s13;
	[sflag:s10] =	ssyncset.done $0x0  }
0x4a8: {  	s16 =	sor.u32 s13, s14;
	[sflag:s10] =	ssyncadd.s32 $0xFFFFE000  }
0x4a9: {  	v2 =	vld [tilespmem:s16+$0x70]  }
0x4aa: {  	v3 =	vld [tilespmem:s16+$0x0]  }
0x4ab: {  	v4 =	vld [tilespmem:s16+$0x10]  }
0x4ac: {  	v5 =	vld [tilespmem:s16+$0x20]  }
0x4ad: {  	v6 =	vld [tilespmem:s16+$0x30]  }
0x4ae: {  	v7 =	vld [tilespmem:s16+$0x40]  }
0x4af: {  	v8 =	vld [tilespmem:s16+$0x50]  }
0x4b0: {  	v9 =	vld [tilespmem:s16+$0x60]  }
0x4b1: {  	v10 =	vld [tilespmem:s16+$0x4070]  }
0x4b2: {  	v11 =	vld [tilespmem:s16+$0x4000]  }
0x4b3: {  	v13 =	vld [tilespmem:s16+$0x4030]  }
0x4b4: {  	v14 =	vld [tilespmem:s16+$0x4040];
	v2 =	vmul.f32 $5.120000000e+02, v2;
	v3 =	vmul.f32 $5.120000000e+02, v3  }
0x4b5: {  	v4 =	vmul.f32 $5.120000000e+02, v4;
	v5 =	vmul.f32 $5.120000000e+02, v5  }
0x4b6: {  	v6 =	vmul.f32 $5.120000000e+02, v6;
	v7 =	vmul.f32 $5.120000000e+02, v7;
	v2 =	vadd.f32 $4.096000000e+03, v2  }
0x4b7: {  	v15 =	vld [tilespmem:s16+$0x4050];
	v8 =	vmul.f32 $5.120000000e+02, v8;
	v9 =	vmul.f32 $5.120000000e+02, v9;
	v10 =	vshll.u32 v10, $0xD  }
0x4b8: {  	v11 =	vshll.u32 v11, $0xD;
	v13 =	vshll.u32 v13, $0xD;
	v2 =	vmax.f32 v2, $0.0e+00  }
0x4b9: {  	v14 =	vshll.u32 v14, $0xD;
	v3 =	vadd.f32 $4.096000000e+03, v3;
	v2 =	vmin.f32 v2, $8.191000000e+03  }
0x4ba: {  	v4 =	vadd.f32 $4.096000000e+03, v4;
	v5 =	vadd.f32 $4.096000000e+03, v5;
	v2 =	vtrunc.f32 v2  }
0x4bb: {  	v6 =	vadd.f32 $4.096000000e+03, v6;
	v7 =	vadd.f32 $4.096000000e+03, v7;
	v2 =	vcvt.f32.s32 v2  }
0x4bc: {  	v15 =	vshll.u32 v15, $0xD;
	v8 =	vadd.f32 $4.096000000e+03, v8;
	v9 =	vadd.f32 $4.096000000e+03, v9  }
0x4bd: {  	s13 =	simm.s32 $0x80;
	s14 =	simm.s32 $0x400;
	v3 =	vmax.f32 v3, $0.0e+00;
	v4 =	vmax.f32 v4, $0.0e+00;
	v2 =	vadd.s32 v2, v10  }
0x4be: {  	s15 =	simm.s32 $0x20;
	s17 =	sand.u32 $0x1000, s13;
	s18 =	sand.u32 $0xC00, s14;
	v12 =	vld [tilespmem:s16+$0x4010];
	v5 =	vmax.f32 v5, $0.0e+00;
	v6 =	vmax.f32 v6, $0.0e+00;
	v7 =	vmax.f32 v7, $0.0e+00  }
0x4bf: {  	s17 =	sor.u32 s17, s18;
	s18 =	sand.u32 $0x380, s15;
	v16 =	vld [tilespmem:s16+$0x4060];
	v8 =	vmax.f32 v8, $0.0e+00;
	v9 =	vmax.f32 v9, $0.0e+00;
	v3 =	vmin.f32 v3, $8.191000000e+03  }
0x4c0: {  	v4 =	vmin.f32 v4, $8.191000000e+03;
	v5 =	vmin.f32 v5, $8.191000000e+03;
	v6 =	vmin.f32 v6, $8.191000000e+03;
	v10 =	vld [tilespmem:s16+$0x4020];
	s16 =	sor.u32 s18, s17  }
0x4c1: {  	v7 =	vmin.f32 v7, $8.191000000e+03;
	v3 =	vtrunc.f32 v3;
	v4 =	vtrunc.f32 v4;
	v18 =	vld [tilespmem:s16+$0x10]  }
0x4c2: {  	v8 =	vmin.f32 v8, $8.191000000e+03;
	v5 =	vtrunc.f32 v5;
	v6 =	vtrunc.f32 v6;
	[tilespmem:v2+s11+$0x0] =	vst.idx.add.f32.msk $0xffff, v1  }
0x4c3: {  	v8 =	vtrunc.f32 v8;
	v3 =	vcvt.f32.s32 v3;
	v2 =	vshll.u32 v12, $0xD;
	v12 =	vld [tilespmem:s16+$0x70]  }
0x4c4: {  	v9 =	vmin.f32 v9, $8.191000000e+03;
	v7 =	vtrunc.f32 v7;
	v8 =	vcvt.f32.s32 v8;
	v17 =	vld [tilespmem:s16+$0x0]  }
0x4c5: {  	v4 =	vcvt.f32.s32 v4;
	v7 =	vcvt.f32.s32 v7;
	v20 =	vadd.s32 v3, v11;
	v11 =	vld [tilespmem:s16+$0x30]  }
0x4c6: {  	v5 =	vcvt.f32.s32 v5;
	v6 =	vcvt.f32.s32 v6;
	v3 =	vadd.s32 v8, v15  }
0x4c7: {  	v10 =	vshll.u32 v10, $0xD;
	v21 =	vadd.s32 v4, v2;
	v4 =	vadd.s32 v7, v14;
	v7 =	vld [tilespmem:s16+$0x50]  }
0x4c8: {  	v22 =	vadd.s32 v5, v10;
	v10 =	vld [tilespmem:s16+$0x40];
	v8 =	vmul.f32 $5.120000000e+02, v18;
	v2 =	vmul.f32 $5.120000000e+02, v12  }
0x4c9: {  	v9 =	vtrunc.f32 v9;
	v19 =	vld [tilespmem:s16+$0x20];
	v5 =	vadd.s32 v6, v13;
	v6 =	vmul.f32 $5.120000000e+02, v17  }
0x4ca: {  	v14 =	vld [tilespmem:s16+$0x4070];
	v15 =	vadd.f32 $4.096000000e+03, v8;
	v8 =	vmul.f32 $5.120000000e+02, v11;
	v13 =	vadd.f32 $4.096000000e+03, v2  }
0x4cb: {  	v16 =	vshll.u32 v16, $0xD;
	v9 =	vcvt.f32.s32 v9;
	v6 =	vadd.f32 $4.096000000e+03, v6;
	v12 =	vld [tilespmem:s16+$0x60]  }
0x4cc: {  	v23 =	vld [tilespmem:s16+$0x4000];
	v17 =	vadd.f32 $4.096000000e+03, v8;
	v18 =	vmul.f32 $5.120000000e+02, v7;
	v13 =	vmax.f32 v13, $0.0e+00  }
0x4cd: {  	[tilespmem:v20+s11+$0x0] =	vst.idx.add.f32.msk $0xffff, v1;
	v2 =	vadd.s32 v9, v16;
	v16 =	vmul.f32 $5.120000000e+02, v10;
	v13 =	vmin.f32 v13, $8.191000000e+03  }
0x4ce: {  	v11 =	vld [tilespmem:s16+$0x4010];
	v15 =	vmax.f32 v15, $0.0e+00;
	v9 =	vmul.f32 $5.120000000e+02, v19;
	v7 =	vtrunc.f32 v13  }
0x4cf: {  	v8 =	vld [tilespmem:s16+$0x4030];
	v18 =	vadd.f32 $4.096000000e+03, v18;
	v13 =	vadd.f32 $4.096000000e+03, v16;
	v16 =	vcvt.f32.s32 v7  }
0x4d0: {  	v14 =	vshll.u32 v14, $0xD;
	v20 =	vmin.f32 v15, $8.191000000e+03;
	[tilespmem:v21+s11+$0x0] =	vst.idx.add.f32.msk $0xffff, v1;
	v12 =	vmul.f32 $5.120000000e+02, v12  }
0x4d1: {  	[tilespmem:v22+s11+$0x0] =	vst.idx.add.f32.msk $0xffff, v1;
	v9 =	vadd.f32 $4.096000000e+03, v9;
	v25 =	vmax.f32 v18, $0.0e+00;
	v24 =	vadd.s32 v16, v14  }
0x4d2: {  	v10 =	vld [tilespmem:s16+$0x4020];
	v19 =	vmax.f32 v6, $0.0e+00;
	v15 =	vmin.f32 v25, $8.191000000e+03;
	v12 =	vadd.f32 $4.096000000e+03, v12  }
0x4d3: {  	v6 =	vld [tilespmem:s16+$0x4050];
	v13 =	vmax.f32 v13, $0.0e+00;
	v14 =	vmax.f32 v9, $0.0e+00;
	v16 =	vmax.f32 v17, $0.0e+00  }
0x4d4: {  	v7 =	vld [tilespmem:s16+$0x4040];
	v17 =	vmin.f32 v19, $8.191000000e+03;
	v12 =	vmax.f32 v12, $0.0e+00;
	v19 =	vmin.f32 v14, $8.191000000e+03  }
0x4d5: {  	v9 =	vld [tilespmem:s16+$0x4060];
	v18 =	vmin.f32 v16, $8.191000000e+03;
	v16 =	vmin.f32 v13, $8.191000000e+03;
	v13 =	vmin.f32 v12, $8.191000000e+03  }
0x4d6: {  	v17 =	vtrunc.f32 v17;
	v12 =	vshll.u32 v23, $0xD;
	v14 =	vtrunc.f32 v20;
	[tilespmem:v24+s11+$0x0] =	vst.idx.add.f32.msk $0xffff, v1  }
.LBB2_28:
0x4d7: {  	s13 =	sadd.s32 $0x80, s13;
	v11 =	vshll.u32 v11, $0xD;
	v19 =	vtrunc.f32 v19;
	v18 =	vtrunc.f32 v18;
	s14 =	sadd.s32 $0x400, s14;
	[tilespmem:v5+s11+$0x0] =	vst.idx.add.f32.msk $0xffff, v1  }
0x4d8: {  	v5 =	vshll.u32 v10, $0xD;
	v10 =	vtrunc.f32 v16;
	v15 =	vtrunc.f32 v15;
	s15 =	sadd.s32 $0x20, s15;
	s16 =	sand.u32 $0x1000, s13;
	s17 =	sand.u32 $0xC00, s14;
	[tilespmem:v4+s11+$0x0] =	vst.idx.add.f32.msk $0xffff, v1  }
0x4d9: {  	v8 =	vshll.u32 v8, $0xD;
	v13 =	vtrunc.f32 v13;
	p0 =	slt.u32 s13, $0x1F80;
	v4 =	vcvt.f32.s32 v17;
	s16 =	sor.u32 s16, s17;
	s17 =	sand.u32 $0x380, s15;
	[tilespmem:v3+s11+$0x0] =	vst.idx.add.f32.msk $0xffff, v1  }
0x4da: {  	v7 =	vshll.u32 v7, $0xD;
	v3 =	vcvt.f32.s32 v14;
	v14 =	vcvt.f32.s32 v19;
	s16 =	sor.u32 s17, s16;
	[tilespmem:v2+s11+$0x0] =	vst.idx.add.f32.msk $0xffff, v1  }
0x4db: {  	v6 =	vshll.u32 v6, $0xD;
	v10 =	vcvt.f32.s32 v10;
	v2 =	vcvt.f32.s32 v18;
	v16 =	vld [tilespmem:s16+$0x70]  }
0x4dc: {  	v9 =	vshll.u32 v9, $0xD;
	v15 =	vcvt.f32.s32 v15;
	v13 =	vcvt.f32.s32 v13;
	v17 =	vld [tilespmem:s16+$0x0]  }
0x4dd: {  	v12 =	vadd.s32 v4, v12;
	v20 =	vadd.s32 v3, v11;
	v14 =	vadd.s32 v14, v5;
	v18 =	vld [tilespmem:s16+$0x10]  }
0x4de: {  	v4 =	vadd.s32 v10, v7;
	v3 =	vadd.s32 v15, v6;
	v5 =	vadd.s32 v2, v8;
	v11 =	vld [tilespmem:s16+$0x20]  }
0x4df: {  	v2 =	vadd.s32 v13, v9;
	v6 =	vld [tilespmem:s16+$0x30]  }
0x4e0: {  	v7 =	vld [tilespmem:s16+$0x40];
	v8 =	vmul.f32 $5.120000000e+02, v16  }
0x4e1: {  	v9 =	vmul.f32 $5.120000000e+02, v17;
	v13 =	vld [tilespmem:s16+$0x50]  }
0x4e2: {  	v10 =	vmul.f32 $5.120000000e+02, v18;
	v15 =	vld [tilespmem:s16+$0x60];
	v8 =	vadd.f32 $4.096000000e+03, v8  }
0x4e3: {  	v9 =	vadd.f32 $4.096000000e+03, v9;
	v16 =	vmul.f32 $5.120000000e+02, v11;
	v17 =	vld [tilespmem:s16+$0x4070]  }
0x4e4: {  	v21 =	vld [tilespmem:s16+$0x4000];
	v18 =	vadd.f32 $4.096000000e+03, v10;
	v6 =	vmul.f32 $5.120000000e+02, v6;
	v8 =	vmax.f32 v8, $0.0e+00  }
0x4e5: {  	v11 =	vld [tilespmem:s16+$0x4010];
	v16 =	vadd.f32 $4.096000000e+03, v16;
	v7 =	vmul.f32 $5.120000000e+02, v7;
	v8 =	vmin.f32 v8, $8.191000000e+03  }
0x4e6: {  	v10 =	vld [tilespmem:s16+$0x4020];
	v19 =	vadd.f32 $4.096000000e+03, v6;
	v6 =	vmul.f32 $5.120000000e+02, v13;
	v13 =	vtrunc.f32 v8  }
0x4e7: {  	v8 =	vld [tilespmem:s16+$0x4030];
	v22 =	vadd.f32 $4.096000000e+03, v7;
	v15 =	vmul.f32 $5.120000000e+02, v15;
	v13 =	vcvt.f32.s32 v13  }
0x4e8: {  	v23 =	vmax.f32 v9, $0.0e+00;
	v7 =	vld [tilespmem:s16+$0x4040];
	v24 =	vadd.f32 $4.096000000e+03, v6;
	v9 =	vshll.u32 v17, $0xD  }
0x4e9: {  	v17 =	vmax.f32 v18, $0.0e+00;
	v6 =	vld [tilespmem:s16+$0x4050];
	v15 =	vadd.f32 $4.096000000e+03, v15;
	v25 =	vadd.s32 v13, v9  }
.Ltmp13:
0x4ea: {  	v13 =	vmax.f32 v16, $0.0e+00;
	v16 =	vmax.f32 v19, $0.0e+00;
	v22 =	vmax.f32 v22, $0.0e+00;
	v9 =	vld [tilespmem:s16+$0x4060];
	(pc) =	sbr.rel @p0 .LBB2_28-.Ltmp13, $4  }
0x4eb: {  	v23 =	vmin.f32 v23, $8.191000000e+03;
	v24 =	vmax.f32 v24, $0.0e+00;
	v26 =	vmax.f32 v15, $0.0e+00;
	[tilespmem:v12+s11+$0x0] =	vst.idx.add.f32.msk $0xffff, v1  }
0x4ec: {  	v27 =	vmin.f32 v17, $8.191000000e+03;
	v19 =	vmin.f32 v13, $8.191000000e+03;
	v18 =	vmin.f32 v16, $8.191000000e+03;
	[tilespmem:v20+s11+$0x0] =	vst.idx.add.f32.msk $0xffff, v1  }
0x4ed: {  	v16 =	vmin.f32 v22, $8.191000000e+03;
	v15 =	vmin.f32 v24, $8.191000000e+03;
	v13 =	vmin.f32 v26, $8.191000000e+03;
	[tilespmem:v14+s11+$0x0] =	vst.idx.add.f32.msk $0xffff, v1  }
0x4ee: {  	v17 =	vtrunc.f32 v23;
	v12 =	vshll.u32 v21, $0xD;
	v14 =	vtrunc.f32 v27;
	[tilespmem:v25+s11+$0x0] =	vst.idx.add.f32.msk $0xffff, v1  }
0x4ef: {  	v19 =	vtrunc.f32 v19  }
0x4f0: {  	v11 =	vshll.u32 v11, $0xD;
	v18 =	vtrunc.f32 v18;
	v17 =	vcvt.f32.s32 v17  }
0x4f1: {  	v10 =	vshll.u32 v10, $0xD;
	v16 =	vtrunc.f32 v16;
	v14 =	vcvt.f32.s32 v14  }
0x4f2: {  	v15 =	vtrunc.f32 v15;
	v19 =	vcvt.f32.s32 v19;
	v12 =	vadd.s32 v17, v12  }
0x4f3: {  	[tilespmem:v5+s11+$0x0] =	vst.idx.add.f32.msk $0xffff, v1;
	v5 =	vshll.u32 v8, $0xD;
	v8 =	vcvt.f32.s32 v18;
	v11 =	vadd.s32 v14, v11  }
0x4f4: {  	[tilespmem:v4+s11+$0x0] =	vst.idx.add.f32.msk $0xffff, v1;
	v4 =	vtrunc.f32 v13;
	v13 =	vcvt.f32.s32 v16;
	v10 =	vadd.s32 v19, v10  }
0x4f5: {  	[tilespmem:v3+s11+$0x0] =	vst.idx.add.f32.msk $0xffff, v1;
	v3 =	vshll.u32 v7, $0xD;
	v7 =	vcvt.f32.s32 v15;
	v5 =	vadd.s32 v8, v5  }
0x4f6: {  	[tilespmem:v2+s11+$0x0] =	vst.idx.add.f32.msk $0xffff, v1;
	v2 =	vshll.u32 v6, $0xD;
	v4 =	vcvt.f32.s32 v4;
	v3 =	vadd.s32 v13, v3  }
0x4f7: {  	v6 =	vshll.u32 v9, $0xD;
	v2 =	vadd.s32 v7, v2;
	[tilespmem:v12+s11+$0x0] =	vst.idx.add.f32.msk $0xffff, v1  }
0x4f8: {  	v4 =	vadd.s32 v4, v6;
	[tilespmem:v11+s11+$0x0] =	vst.idx.add.f32.msk $0xffff, v1  }
0x4f9: {  	[tilespmem:v10+s11+$0x0] =	vst.idx.add.f32.msk $0xffff, v1  }
0x4fa: {  	[tilespmem:v5+s11+$0x0] =	vst.idx.add.f32.msk $0xffff, v1  }
0x4fb: {  	[tilespmem:v3+s11+$0x0] =	vst.idx.add.f32.msk $0xffff, v1  }
0x4fc: {  	[tilespmem:v2+s11+$0x0] =	vst.idx.add.f32.msk $0xffff, v1  }
0x4fd: {  	s13 =	simm.s32 $0x0;
	[tilespmem:v4+s11+$0x0] =	vst.idx.add.f32.msk $0xffff, v1  }
0x4fe: {  	[tilespmem:s13], [sflag:$0x1] =	stream.linear.gather [hbm4b:s29+s13], $0x2000, $0x38;
	[tilespmem:$0xC000] =	vst v63  }
0x4ff: {  	_ = 	snop  }
0x500: {  	[tilespmem:s6], [sflag:$0x2] =	stream.linear.gather [hbm4b:s31+s13], $0x2000, $0x38;
	[tilespmem:$0xC000] =	vst v63  }
0x501: {  	_ =	swait.ge [sflag:s9], $0x2000  }
0x502: {  	[sflag:s9] =	ssyncset.done $0x0  }
0x503: {  	s14 =	simm.s32 $0x0;
	[sflag:s9] =	ssyncadd.s32 $0xFFFFE000  }
0x504: {  	s14 =	sand.u32 $0x1000, s14;
	s15 =	sand.u32 $0xC00, s13;
	_ =	swait.ge [sflag:s10], $0x2000  }
0x505: {  	s14 =	sor.u32 s14, s15;
	s13 =	sand.u32 $0x380, s13;
	[sflag:s10] =	ssyncset.done $0x0  }
0x506: {  	s16 =	sor.u32 s13, s14;
	[sflag:s10] =	ssyncadd.s32 $0xFFFFE000  }
0x507: {  	v2 =	vld [tilespmem:s16+$0x2070]  }
0x508: {  	v3 =	vld [tilespmem:s16+$0x2000]  }
0x509: {  	v4 =	vld [tilespmem:s16+$0x2010]  }
0x50a: {  	v5 =	vld [tilespmem:s16+$0x2020]  }
0x50b: {  	v6 =	vld [tilespmem:s16+$0x2030]  }
0x50c: {  	v7 =	vld [tilespmem:s16+$0x2040]  }
0x50d: {  	v8 =	vld [tilespmem:s16+$0x2050]  }
0x50e: {  	v9 =	vld [tilespmem:s16+$0x2060]  }
0x50f: {  	v10 =	vld [tilespmem:s16+$0x6070]  }
0x510: {  	v11 =	vld [tilespmem:s16+$0x6000]  }
0x511: {  	v13 =	vld [tilespmem:s16+$0x6030]  }
0x512: {  	v14 =	vld [tilespmem:s16+$0x6040];
	v2 =	vmul.f32 $5.120000000e+02, v2;
	v3 =	vmul.f32 $5.120000000e+02, v3  }
0x513: {  	v4 =	vmul.f32 $5.120000000e+02, v4;
	v5 =	vmul.f32 $5.120000000e+02, v5  }
0x514: {  	v6 =	vmul.f32 $5.120000000e+02, v6;
	v7 =	vmul.f32 $5.120000000e+02, v7;
	v2 =	vadd.f32 $4.096000000e+03, v2  }
0x515: {  	v15 =	vld [tilespmem:s16+$0x6050];
	v8 =	vmul.f32 $5.120000000e+02, v8;
	v9 =	vmul.f32 $5.120000000e+02, v9;
	v10 =	vshll.u32 v10, $0xD  }
0x516: {  	v11 =	vshll.u32 v11, $0xD;
	v13 =	vshll.u32 v13, $0xD;
	v2 =	vmax.f32 v2, $0.0e+00  }
0x517: {  	v14 =	vshll.u32 v14, $0xD;
	v3 =	vadd.f32 $4.096000000e+03, v3;
	v2 =	vmin.f32 v2, $8.191000000e+03  }
0x518: {  	v4 =	vadd.f32 $4.096000000e+03, v4;
	v5 =	vadd.f32 $4.096000000e+03, v5;
	v2 =	vtrunc.f32 v2  }
0x519: {  	v6 =	vadd.f32 $4.096000000e+03, v6;
	v7 =	vadd.f32 $4.096000000e+03, v7;
	v2 =	vcvt.f32.s32 v2  }
0x51a: {  	v15 =	vshll.u32 v15, $0xD;
	v8 =	vadd.f32 $4.096000000e+03, v8;
	v9 =	vadd.f32 $4.096000000e+03, v9  }
0x51b: {  	s13 =	simm.s32 $0x80;
	s14 =	simm.s32 $0x400;
	v3 =	vmax.f32 v3, $0.0e+00;
	v4 =	vmax.f32 v4, $0.0e+00;
	v2 =	vadd.s32 v2, v10  }
0x51c: {  	s15 =	simm.s32 $0x20;
	s17 =	sand.u32 $0x1000, s13;
	s18 =	sand.u32 $0xC00, s14;
	v12 =	vld [tilespmem:s16+$0x6010];
	v5 =	vmax.f32 v5, $0.0e+00;
	v6 =	vmax.f32 v6, $0.0e+00;
	v7 =	vmax.f32 v7, $0.0e+00  }
0x51d: {  	s17 =	sor.u32 s17, s18;
	s18 =	sand.u32 $0x380, s15;
	v16 =	vld [tilespmem:s16+$0x6060];
	v8 =	vmax.f32 v8, $0.0e+00;
	v9 =	vmax.f32 v9, $0.0e+00;
	v3 =	vmin.f32 v3, $8.191000000e+03  }
0x51e: {  	v4 =	vmin.f32 v4, $8.191000000e+03;
	v5 =	vmin.f32 v5, $8.191000000e+03;
	v6 =	vmin.f32 v6, $8.191000000e+03;
	v10 =	vld [tilespmem:s16+$0x6020];
	s16 =	sor.u32 s18, s17  }
0x51f: {  	v7 =	vmin.f32 v7, $8.191000000e+03;
	v3 =	vtrunc.f32 v3;
	v4 =	vtrunc.f32 v4;
	v18 =	vld [tilespmem:s16+$0x2010]  }
0x520: {  	v8 =	vmin.f32 v8, $8.191000000e+03;
	v5 =	vtrunc.f32 v5;
	v6 =	vtrunc.f32 v6;
	[tilespmem:v2+s11+$0x0] =	vst.idx.add.f32.msk $0xffff, v1  }
0x521: {  	v8 =	vtrunc.f32 v8;
	v3 =	vcvt.f32.s32 v3;
	v2 =	vshll.u32 v12, $0xD;
	v12 =	vld [tilespmem:s16+$0x2070]  }
0x522: {  	v9 =	vmin.f32 v9, $8.191000000e+03;
	v7 =	vtrunc.f32 v7;
	v8 =	vcvt.f32.s32 v8;
	v17 =	vld [tilespmem:s16+$0x2000]  }
0x523: {  	v4 =	vcvt.f32.s32 v4;
	v7 =	vcvt.f32.s32 v7;
	v20 =	vadd.s32 v3, v11;
	v11 =	vld [tilespmem:s16+$0x2030]  }
0x524: {  	v5 =	vcvt.f32.s32 v5;
	v6 =	vcvt.f32.s32 v6;
	v3 =	vadd.s32 v8, v15  }
0x525: {  	v10 =	vshll.u32 v10, $0xD;
	v21 =	vadd.s32 v4, v2;
	v4 =	vadd.s32 v7, v14;
	v7 =	vld [tilespmem:s16+$0x2050]  }
0x526: {  	v22 =	vadd.s32 v5, v10;
	v10 =	vld [tilespmem:s16+$0x2040];
	v8 =	vmul.f32 $5.120000000e+02, v18;
	v2 =	vmul.f32 $5.120000000e+02, v12  }
0x527: {  	v9 =	vtrunc.f32 v9;
	v19 =	vld [tilespmem:s16+$0x2020];
	v5 =	vadd.s32 v6, v13;
	v6 =	vmul.f32 $5.120000000e+02, v17  }
0x528: {  	v14 =	vld [tilespmem:s16+$0x6070];
	v15 =	vadd.f32 $4.096000000e+03, v8;
	v8 =	vmul.f32 $5.120000000e+02, v11;
	v13 =	vadd.f32 $4.096000000e+03, v2  }
0x529: {  	v16 =	vshll.u32 v16, $0xD;
	v9 =	vcvt.f32.s32 v9;
	v6 =	vadd.f32 $4.096000000e+03, v6;
	v12 =	vld [tilespmem:s16+$0x2060]  }
0x52a: {  	v23 =	vld [tilespmem:s16+$0x6000];
	v17 =	vadd.f32 $4.096000000e+03, v8;
	v18 =	vmul.f32 $5.120000000e+02, v7;
	v13 =	vmax.f32 v13, $0.0e+00  }
0x52b: {  	[tilespmem:v20+s11+$0x0] =	vst.idx.add.f32.msk $0xffff, v1;
	v2 =	vadd.s32 v9, v16;
	v16 =	vmul.f32 $5.120000000e+02, v10;
	v13 =	vmin.f32 v13, $8.191000000e+03  }
0x52c: {  	v11 =	vld [tilespmem:s16+$0x6010];
	v15 =	vmax.f32 v15, $0.0e+00;
	v9 =	vmul.f32 $5.120000000e+02, v19;
	v7 =	vtrunc.f32 v13  }
0x52d: {  	v8 =	vld [tilespmem:s16+$0x6030];
	v18 =	vadd.f32 $4.096000000e+03, v18;
	v13 =	vadd.f32 $4.096000000e+03, v16;
	v16 =	vcvt.f32.s32 v7  }
0x52e: {  	v14 =	vshll.u32 v14, $0xD;
	v20 =	vmin.f32 v15, $8.191000000e+03;
	[tilespmem:v21+s11+$0x0] =	vst.idx.add.f32.msk $0xffff, v1;
	v12 =	vmul.f32 $5.120000000e+02, v12  }
0x52f: {  	[tilespmem:v22+s11+$0x0] =	vst.idx.add.f32.msk $0xffff, v1;
	v9 =	vadd.f32 $4.096000000e+03, v9;
	v25 =	vmax.f32 v18, $0.0e+00;
	v24 =	vadd.s32 v16, v14  }
0x530: {  	v10 =	vld [tilespmem:s16+$0x6020];
	v19 =	vmax.f32 v6, $0.0e+00;
	v15 =	vmin.f32 v25, $8.191000000e+03;
	v12 =	vadd.f32 $4.096000000e+03, v12  }
0x531: {  	v6 =	vld [tilespmem:s16+$0x6050];
	v13 =	vmax.f32 v13, $0.0e+00;
	v14 =	vmax.f32 v9, $0.0e+00;
	v16 =	vmax.f32 v17, $0.0e+00  }
0x532: {  	v7 =	vld [tilespmem:s16+$0x6040];
	v17 =	vmin.f32 v19, $8.191000000e+03;
	v12 =	vmax.f32 v12, $0.0e+00;
	v19 =	vmin.f32 v14, $8.191000000e+03  }
0x533: {  	v9 =	vld [tilespmem:s16+$0x6060];
	v18 =	vmin.f32 v16, $8.191000000e+03;
	v16 =	vmin.f32 v13, $8.191000000e+03;
	v13 =	vmin.f32 v12, $8.191000000e+03  }
0x534: {  	v17 =	vtrunc.f32 v17;
	v12 =	vshll.u32 v23, $0xD;
	v14 =	vtrunc.f32 v20;
	[tilespmem:v24+s11+$0x0] =	vst.idx.add.f32.msk $0xffff, v1  }
.LBB2_30:
0x535: {  	s13 =	sadd.s32 $0x80, s13;
	v11 =	vshll.u32 v11, $0xD;
	v19 =	vtrunc.f32 v19;
	v18 =	vtrunc.f32 v18;
	s14 =	sadd.s32 $0x400, s14;
	[tilespmem:v5+s11+$0x0] =	vst.idx.add.f32.msk $0xffff, v1  }
0x536: {  	v5 =	vshll.u32 v10, $0xD;
	v10 =	vtrunc.f32 v16;
	v15 =	vtrunc.f32 v15;
	s15 =	sadd.s32 $0x20, s15;
	s16 =	sand.u32 $0x1000, s13;
	s17 =	sand.u32 $0xC00, s14;
	[tilespmem:v4+s11+$0x0] =	vst.idx.add.f32.msk $0xffff, v1  }
0x537: {  	v8 =	vshll.u32 v8, $0xD;
	v13 =	vtrunc.f32 v13;
	p0 =	slt.u32 s13, $0x1F80;
	v4 =	vcvt.f32.s32 v17;
	s16 =	sor.u32 s16, s17;
	s17 =	sand.u32 $0x380, s15;
	[tilespmem:v3+s11+$0x0] =	vst.idx.add.f32.msk $0xffff, v1  }
0x538: {  	v7 =	vshll.u32 v7, $0xD;
	v3 =	vcvt.f32.s32 v14;
	v14 =	vcvt.f32.s32 v19;
	s16 =	sor.u32 s17, s16;
	[tilespmem:v2+s11+$0x0] =	vst.idx.add.f32.msk $0xffff, v1  }
0x539: {  	v6 =	vshll.u32 v6, $0xD;
	v10 =	vcvt.f32.s32 v10;
	v2 =	vcvt.f32.s32 v18;
	v16 =	vld [tilespmem:s16+$0x2070]  }
0x53a: {  	v9 =	vshll.u32 v9, $0xD;
	v15 =	vcvt.f32.s32 v15;
	v13 =	vcvt.f32.s32 v13;
	v17 =	vld [tilespmem:s16+$0x2000]  }
0x53b: {  	v12 =	vadd.s32 v4, v12;
	v20 =	vadd.s32 v3, v11;
	v14 =	vadd.s32 v14, v5;
	v18 =	vld [tilespmem:s16+$0x2010]  }
0x53c: {  	v4 =	vadd.s32 v10, v7;
	v3 =	vadd.s32 v15, v6;
	v5 =	vadd.s32 v2, v8;
	v11 =	vld [tilespmem:s16+$0x2020]  }
0x53d: {  	v2 =	vadd.s32 v13, v9;
	v6 =	vld [tilespmem:s16+$0x2030]  }
0x53e: {  	v7 =	vld [tilespmem:s16+$0x2040];
	v8 =	vmul.f32 $5.120000000e+02, v16  }
0x53f: {  	v9 =	vmul.f32 $5.120000000e+02, v17;
	v13 =	vld [tilespmem:s16+$0x2050]  }
0x540: {  	v10 =	vmul.f32 $5.120000000e+02, v18;
	v15 =	vld [tilespmem:s16+$0x2060];
	v8 =	vadd.f32 $4.096000000e+03, v8  }
0x541: {  	v9 =	vadd.f32 $4.096000000e+03, v9;
	v16 =	vmul.f32 $5.120000000e+02, v11;
	v17 =	vld [tilespmem:s16+$0x6070]  }
0x542: {  	v21 =	vld [tilespmem:s16+$0x6000];
	v18 =	vadd.f32 $4.096000000e+03, v10;
	v6 =	vmul.f32 $5.120000000e+02, v6;
	v8 =	vmax.f32 v8, $0.0e+00  }
0x543: {  	v11 =	vld [tilespmem:s16+$0x6010];
	v16 =	vadd.f32 $4.096000000e+03, v16;
	v7 =	vmul.f32 $5.120000000e+02, v7;
	v8 =	vmin.f32 v8, $8.191000000e+03  }
0x544: {  	v10 =	vld [tilespmem:s16+$0x6020];
	v19 =	vadd.f32 $4.096000000e+03, v6;
	v6 =	vmul.f32 $5.120000000e+02, v13;
	v13 =	vtrunc.f32 v8  }
0x545: {  	v8 =	vld [tilespmem:s16+$0x6030];
	v22 =	vadd.f32 $4.096000000e+03, v7;
	v15 =	vmul.f32 $5.120000000e+02, v15;
	v13 =	vcvt.f32.s32 v13  }
0x546: {  	v23 =	vmax.f32 v9, $0.0e+00;
	v7 =	vld [tilespmem:s16+$0x6040];
	v24 =	vadd.f32 $4.096000000e+03, v6;
	v9 =	vshll.u32 v17, $0xD  }
0x547: {  	v17 =	vmax.f32 v18, $0.0e+00;
	v6 =	vld [tilespmem:s16+$0x6050];
	v15 =	vadd.f32 $4.096000000e+03, v15;
	v25 =	vadd.s32 v13, v9  }
.Ltmp14:
0x548: {  	v13 =	vmax.f32 v16, $0.0e+00;
	v16 =	vmax.f32 v19, $0.0e+00;
	v22 =	vmax.f32 v22, $0.0e+00;
	v9 =	vld [tilespmem:s16+$0x6060];
	(pc) =	sbr.rel @p0 .LBB2_30-.Ltmp14, $4  }
0x549: {  	v23 =	vmin.f32 v23, $8.191000000e+03;
	v24 =	vmax.f32 v24, $0.0e+00;
	v26 =	vmax.f32 v15, $0.0e+00;
	[tilespmem:v12+s11+$0x0] =	vst.idx.add.f32.msk $0xffff, v1  }
0x54a: {  	v27 =	vmin.f32 v17, $8.191000000e+03;
	v19 =	vmin.f32 v13, $8.191000000e+03;
	v18 =	vmin.f32 v16, $8.191000000e+03;
	[tilespmem:v20+s11+$0x0] =	vst.idx.add.f32.msk $0xffff, v1  }
0x54b: {  	v16 =	vmin.f32 v22, $8.191000000e+03;
	v15 =	vmin.f32 v24, $8.191000000e+03;
	v13 =	vmin.f32 v26, $8.191000000e+03;
	[tilespmem:v14+s11+$0x0] =	vst.idx.add.f32.msk $0xffff, v1  }
0x54c: {  	v17 =	vtrunc.f32 v23;
	v12 =	vshll.u32 v21, $0xD;
	v14 =	vtrunc.f32 v27;
	[tilespmem:v25+s11+$0x0] =	vst.idx.add.f32.msk $0xffff, v1  }
0x54d: {  	v19 =	vtrunc.f32 v19  }
0x54e: {  	v11 =	vshll.u32 v11, $0xD;
	v18 =	vtrunc.f32 v18;
	v17 =	vcvt.f32.s32 v17  }
0x54f: {  	v10 =	vshll.u32 v10, $0xD;
	v16 =	vtrunc.f32 v16;
	v14 =	vcvt.f32.s32 v14  }
0x550: {  	v15 =	vtrunc.f32 v15;
	v19 =	vcvt.f32.s32 v19;
	v12 =	vadd.s32 v17, v12  }
0x551: {  	[tilespmem:v5+s11+$0x0] =	vst.idx.add.f32.msk $0xffff, v1;
	v5 =	vshll.u32 v8, $0xD;
	v8 =	vcvt.f32.s32 v18;
	v11 =	vadd.s32 v14, v11  }
0x552: {  	[tilespmem:v4+s11+$0x0] =	vst.idx.add.f32.msk $0xffff, v1;
	v4 =	vtrunc.f32 v13;
	v13 =	vcvt.f32.s32 v16;
	v10 =	vadd.s32 v19, v10  }
0x553: {  	[tilespmem:v3+s11+$0x0] =	vst.idx.add.f32.msk $0xffff, v1;
	v3 =	vshll.u32 v7, $0xD;
	v7 =	vcvt.f32.s32 v15;
	v5 =	vadd.s32 v8, v5  }
0x554: {  	[tilespmem:v2+s11+$0x0] =	vst.idx.add.f32.msk $0xffff, v1;
	v2 =	vshll.u32 v6, $0xD;
	v4 =	vcvt.f32.s32 v4;
	v3 =	vadd.s32 v13, v3  }
0x555: {  	v6 =	vshll.u32 v9, $0xD;
	v2 =	vadd.s32 v7, v2;
	[tilespmem:v12+s11+$0x0] =	vst.idx.add.f32.msk $0xffff, v1  }
0x556: {  	v4 =	vadd.s32 v4, v6;
	[tilespmem:v11+s11+$0x0] =	vst.idx.add.f32.msk $0xffff, v1  }
0x557: {  	[tilespmem:v10+s11+$0x0] =	vst.idx.add.f32.msk $0xffff, v1  }
0x558: {  	[tilespmem:v5+s11+$0x0] =	vst.idx.add.f32.msk $0xffff, v1  }
0x559: {  	[tilespmem:v3+s11+$0x0] =	vst.idx.add.f32.msk $0xffff, v1  }
0x55a: {  	[tilespmem:v2+s11+$0x0] =	vst.idx.add.f32.msk $0xffff, v1  }
0x55b: {  	s13 =	simm.s32 $0x0;
	[tilespmem:v4+s11+$0x0] =	vst.idx.add.f32.msk $0xffff, v1  }
0x55c: {  	[tilespmem:s7], [sflag:$0x1] =	stream.linear.gather [hbm4b:s2+s13], $0x2000, $0x38;
	[tilespmem:$0xC000] =	vst v63  }
0x55d: {  	_ = 	snop  }
0x55e: {  	[tilespmem:s8], [sflag:$0x2] =	stream.linear.gather [hbm4b:s3+s13], $0x2000, $0x38;
	[tilespmem:$0xC000] =	vst v63  }
0x55f: {  	_ =	swait.ge [sflag:s9], $0x2000  }
0x560: {  	[sflag:s9] =	ssyncset.done $0x0  }
0x561: {  	s14 =	simm.s32 $0x0;
	[sflag:s9] =	ssyncadd.s32 $0xFFFFE000  }
0x562: {  	s14 =	sand.u32 $0x1000, s14;
	s15 =	sand.u32 $0xC00, s13;
	_ =	swait.ge [sflag:s10], $0x2000  }
0x563: {  	s14 =	sor.u32 s14, s15;
	s13 =	sand.u32 $0x380, s13;
	[sflag:s10] =	ssyncset.done $0x0  }
0x564: {  	s16 =	sor.u32 s13, s14;
	[sflag:s10] =	ssyncadd.s32 $0xFFFFE000  }
0x565: {  	v2 =	vld [tilespmem:s16+$0x70]  }
0x566: {  	v3 =	vld [tilespmem:s16+$0x0]  }
0x567: {  	v4 =	vld [tilespmem:s16+$0x10]  }
0x568: {  	v5 =	vld [tilespmem:s16+$0x20]  }
0x569: {  	v6 =	vld [tilespmem:s16+$0x30]  }
0x56a: {  	v7 =	vld [tilespmem:s16+$0x40]  }
0x56b: {  	v8 =	vld [tilespmem:s16+$0x50]  }
0x56c: {  	v9 =	vld [tilespmem:s16+$0x60]  }
0x56d: {  	v10 =	vld [tilespmem:s16+$0x4070]  }
0x56e: {  	v11 =	vld [tilespmem:s16+$0x4000]  }
0x56f: {  	v13 =	vld [tilespmem:s16+$0x4030]  }
0x570: {  	v14 =	vld [tilespmem:s16+$0x4040];
	v2 =	vmul.f32 $5.120000000e+02, v2;
	v3 =	vmul.f32 $5.120000000e+02, v3  }
0x571: {  	v4 =	vmul.f32 $5.120000000e+02, v4;
	v5 =	vmul.f32 $5.120000000e+02, v5  }
0x572: {  	v6 =	vmul.f32 $5.120000000e+02, v6;
	v7 =	vmul.f32 $5.120000000e+02, v7;
	v2 =	vadd.f32 $4.096000000e+03, v2  }
0x573: {  	v15 =	vld [tilespmem:s16+$0x4050];
	v8 =	vmul.f32 $5.120000000e+02, v8;
	v9 =	vmul.f32 $5.120000000e+02, v9;
	v10 =	vshll.u32 v10, $0xD  }
0x574: {  	v11 =	vshll.u32 v11, $0xD;
	v13 =	vshll.u32 v13, $0xD;
	v2 =	vmax.f32 v2, $0.0e+00  }
0x575: {  	v14 =	vshll.u32 v14, $0xD;
	v3 =	vadd.f32 $4.096000000e+03, v3;
	v2 =	vmin.f32 v2, $8.191000000e+03  }
0x576: {  	v4 =	vadd.f32 $4.096000000e+03, v4;
	v5 =	vadd.f32 $4.096000000e+03, v5;
	v2 =	vtrunc.f32 v2  }
0x577: {  	v6 =	vadd.f32 $4.096000000e+03, v6;
	v7 =	vadd.f32 $4.096000000e+03, v7;
	v2 =	vcvt.f32.s32 v2  }
0x578: {  	v15 =	vshll.u32 v15, $0xD;
	v8 =	vadd.f32 $4.096000000e+03, v8;
	v9 =	vadd.f32 $4.096000000e+03, v9  }
0x579: {  	s13 =	simm.s32 $0x80;
	s14 =	simm.s32 $0x400;
	v3 =	vmax.f32 v3, $0.0e+00;
	v4 =	vmax.f32 v4, $0.0e+00;
	v2 =	vadd.s32 v2, v10  }
0x57a: {  	s15 =	simm.s32 $0x20;
	s17 =	sand.u32 $0x1000, s13;
	s18 =	sand.u32 $0xC00, s14;
	v12 =	vld [tilespmem:s16+$0x4010];
	v5 =	vmax.f32 v5, $0.0e+00;
	v6 =	vmax.f32 v6, $0.0e+00;
	v7 =	vmax.f32 v7, $0.0e+00  }
0x57b: {  	s17 =	sor.u32 s17, s18;
	s18 =	sand.u32 $0x380, s15;
	v16 =	vld [tilespmem:s16+$0x4060];
	v8 =	vmax.f32 v8, $0.0e+00;
	v9 =	vmax.f32 v9, $0.0e+00;
	v3 =	vmin.f32 v3, $8.191000000e+03  }
0x57c: {  	v4 =	vmin.f32 v4, $8.191000000e+03;
	v5 =	vmin.f32 v5, $8.191000000e+03;
	v6 =	vmin.f32 v6, $8.191000000e+03;
	v10 =	vld [tilespmem:s16+$0x4020];
	s16 =	sor.u32 s18, s17  }
0x57d: {  	v7 =	vmin.f32 v7, $8.191000000e+03;
	v3 =	vtrunc.f32 v3;
	v4 =	vtrunc.f32 v4;
	v18 =	vld [tilespmem:s16+$0x10]  }
0x57e: {  	v8 =	vmin.f32 v8, $8.191000000e+03;
	v5 =	vtrunc.f32 v5;
	v6 =	vtrunc.f32 v6;
	[tilespmem:v2+s11+$0x0] =	vst.idx.add.f32.msk $0xffff, v1  }
0x57f: {  	v8 =	vtrunc.f32 v8;
	v3 =	vcvt.f32.s32 v3;
	v2 =	vshll.u32 v12, $0xD;
	v12 =	vld [tilespmem:s16+$0x70]  }
0x580: {  	v9 =	vmin.f32 v9, $8.191000000e+03;
	v7 =	vtrunc.f32 v7;
	v8 =	vcvt.f32.s32 v8;
	v17 =	vld [tilespmem:s16+$0x0]  }
0x581: {  	v4 =	vcvt.f32.s32 v4;
	v7 =	vcvt.f32.s32 v7;
	v20 =	vadd.s32 v3, v11;
	v11 =	vld [tilespmem:s16+$0x30]  }
0x582: {  	v5 =	vcvt.f32.s32 v5;
	v6 =	vcvt.f32.s32 v6;
	v3 =	vadd.s32 v8, v15  }
0x583: {  	v10 =	vshll.u32 v10, $0xD;
	v21 =	vadd.s32 v4, v2;
	v4 =	vadd.s32 v7, v14;
	v7 =	vld [tilespmem:s16+$0x50]  }
0x584: {  	v22 =	vadd.s32 v5, v10;
	v10 =	vld [tilespmem:s16+$0x40];
	v8 =	vmul.f32 $5.120000000e+02, v18;
	v2 =	vmul.f32 $5.120000000e+02, v12  }
0x585: {  	v9 =	vtrunc.f32 v9;
	v19 =	vld [tilespmem:s16+$0x20];
	v5 =	vadd.s32 v6, v13;
	v6 =	vmul.f32 $5.120000000e+02, v17  }
0x586: {  	v14 =	vld [tilespmem:s16+$0x4070];
	v15 =	vadd.f32 $4.096000000e+03, v8;
	v8 =	vmul.f32 $5.120000000e+02, v11;
	v13 =	vadd.f32 $4.096000000e+03, v2  }
0x587: {  	v16 =	vshll.u32 v16, $0xD;
	v9 =	vcvt.f32.s32 v9;
	v6 =	vadd.f32 $4.096000000e+03, v6;
	v12 =	vld [tilespmem:s16+$0x60]  }
0x588: {  	v23 =	vld [tilespmem:s16+$0x4000];
	v17 =	vadd.f32 $4.096000000e+03, v8;
	v18 =	vmul.f32 $5.120000000e+02, v7;
	v13 =	vmax.f32 v13, $0.0e+00  }
0x589: {  	[tilespmem:v20+s11+$0x0] =	vst.idx.add.f32.msk $0xffff, v1;
	v2 =	vadd.s32 v9, v16;
	v16 =	vmul.f32 $5.120000000e+02, v10;
	v13 =	vmin.f32 v13, $8.191000000e+03  }
0x58a: {  	v11 =	vld [tilespmem:s16+$0x4010];
	v15 =	vmax.f32 v15, $0.0e+00;
	v9 =	vmul.f32 $5.120000000e+02, v19;
	v7 =	vtrunc.f32 v13  }
0x58b: {  	v8 =	vld [tilespmem:s16+$0x4030];
	v18 =	vadd.f32 $4.096000000e+03, v18;
	v13 =	vadd.f32 $4.096000000e+03, v16;
	v16 =	vcvt.f32.s32 v7  }
0x58c: {  	v14 =	vshll.u32 v14, $0xD;
	v20 =	vmin.f32 v15, $8.191000000e+03;
	[tilespmem:v21+s11+$0x0] =	vst.idx.add.f32.msk $0xffff, v1;
	v12 =	vmul.f32 $5.120000000e+02, v12  }
0x58d: {  	[tilespmem:v22+s11+$0x0] =	vst.idx.add.f32.msk $0xffff, v1;
	v9 =	vadd.f32 $4.096000000e+03, v9;
	v25 =	vmax.f32 v18, $0.0e+00;
	v24 =	vadd.s32 v16, v14  }
0x58e: {  	v10 =	vld [tilespmem:s16+$0x4020];
	v19 =	vmax.f32 v6, $0.0e+00;
	v15 =	vmin.f32 v25, $8.191000000e+03;
	v12 =	vadd.f32 $4.096000000e+03, v12  }
0x58f: {  	v6 =	vld [tilespmem:s16+$0x4050];
	v13 =	vmax.f32 v13, $0.0e+00;
	v14 =	vmax.f32 v9, $0.0e+00;
	v16 =	vmax.f32 v17, $0.0e+00  }
0x590: {  	v7 =	vld [tilespmem:s16+$0x4040];
	v17 =	vmin.f32 v19, $8.191000000e+03;
	v12 =	vmax.f32 v12, $0.0e+00;
	v19 =	vmin.f32 v14, $8.191000000e+03  }
0x591: {  	v9 =	vld [tilespmem:s16+$0x4060];
	v18 =	vmin.f32 v16, $8.191000000e+03;
	v16 =	vmin.f32 v13, $8.191000000e+03;
	v13 =	vmin.f32 v12, $8.191000000e+03  }
0x592: {  	v17 =	vtrunc.f32 v17;
	v12 =	vshll.u32 v23, $0xD;
	v14 =	vtrunc.f32 v20;
	[tilespmem:v24+s11+$0x0] =	vst.idx.add.f32.msk $0xffff, v1  }
.LBB2_32:
0x593: {  	s13 =	sadd.s32 $0x80, s13;
	v11 =	vshll.u32 v11, $0xD;
	v19 =	vtrunc.f32 v19;
	v18 =	vtrunc.f32 v18;
	s14 =	sadd.s32 $0x400, s14;
	[tilespmem:v5+s11+$0x0] =	vst.idx.add.f32.msk $0xffff, v1  }
0x594: {  	v5 =	vshll.u32 v10, $0xD;
	v10 =	vtrunc.f32 v16;
	v15 =	vtrunc.f32 v15;
	s15 =	sadd.s32 $0x20, s15;
	s16 =	sand.u32 $0x1000, s13;
	s17 =	sand.u32 $0xC00, s14;
	[tilespmem:v4+s11+$0x0] =	vst.idx.add.f32.msk $0xffff, v1  }
0x595: {  	v8 =	vshll.u32 v8, $0xD;
	v13 =	vtrunc.f32 v13;
	p0 =	slt.u32 s13, $0x1F80;
	v4 =	vcvt.f32.s32 v17;
	s16 =	sor.u32 s16, s17;
	s17 =	sand.u32 $0x380, s15;
	[tilespmem:v3+s11+$0x0] =	vst.idx.add.f32.msk $0xffff, v1  }
0x596: {  	v7 =	vshll.u32 v7, $0xD;
	v3 =	vcvt.f32.s32 v14;
	v14 =	vcvt.f32.s32 v19;
	s16 =	sor.u32 s17, s16;
	[tilespmem:v2+s11+$0x0] =	vst.idx.add.f32.msk $0xffff, v1  }
0x597: {  	v6 =	vshll.u32 v6, $0xD;
	v10 =	vcvt.f32.s32 v10;
	v2 =	vcvt.f32.s32 v18;
	v16 =	vld [tilespmem:s16+$0x70]  }
0x598: {  	v9 =	vshll.u32 v9, $0xD;
	v15 =	vcvt.f32.s32 v15;
	v13 =	vcvt.f32.s32 v13;
	v17 =	vld [tilespmem:s16+$0x0]  }
0x599: {  	v12 =	vadd.s32 v4, v12;
	v20 =	vadd.s32 v3, v11;
	v14 =	vadd.s32 v14, v5;
	v18 =	vld [tilespmem:s16+$0x10]  }
0x59a: {  	v4 =	vadd.s32 v10, v7;
	v3 =	vadd.s32 v15, v6;
	v5 =	vadd.s32 v2, v8;
	v11 =	vld [tilespmem:s16+$0x20]  }
0x59b: {  	v2 =	vadd.s32 v13, v9;
	v6 =	vld [tilespmem:s16+$0x30]  }
0x59c: {  	v7 =	vld [tilespmem:s16+$0x40];
	v8 =	vmul.f32 $5.120000000e+02, v16  }
0x59d: {  	v9 =	vmul.f32 $5.120000000e+02, v17;
	v13 =	vld [tilespmem:s16+$0x50]  }
0x59e: {  	v10 =	vmul.f32 $5.120000000e+02, v18;
	v15 =	vld [tilespmem:s16+$0x60];
	v8 =	vadd.f32 $4.096000000e+03, v8  }
0x59f: {  	v9 =	vadd.f32 $4.096000000e+03, v9;
	v16 =	vmul.f32 $5.120000000e+02, v11;
	v17 =	vld [tilespmem:s16+$0x4070]  }
0x5a0: {  	v21 =	vld [tilespmem:s16+$0x4000];
	v18 =	vadd.f32 $4.096000000e+03, v10;
	v6 =	vmul.f32 $5.120000000e+02, v6;
	v8 =	vmax.f32 v8, $0.0e+00  }
0x5a1: {  	v11 =	vld [tilespmem:s16+$0x4010];
	v16 =	vadd.f32 $4.096000000e+03, v16;
	v7 =	vmul.f32 $5.120000000e+02, v7;
	v8 =	vmin.f32 v8, $8.191000000e+03  }
0x5a2: {  	v10 =	vld [tilespmem:s16+$0x4020];
	v19 =	vadd.f32 $4.096000000e+03, v6;
	v6 =	vmul.f32 $5.120000000e+02, v13;
	v13 =	vtrunc.f32 v8  }
0x5a3: {  	v8 =	vld [tilespmem:s16+$0x4030];
	v22 =	vadd.f32 $4.096000000e+03, v7;
	v15 =	vmul.f32 $5.120000000e+02, v15;
	v13 =	vcvt.f32.s32 v13  }
0x5a4: {  	v23 =	vmax.f32 v9, $0.0e+00;
	v7 =	vld [tilespmem:s16+$0x4040];
	v24 =	vadd.f32 $4.096000000e+03, v6;
	v9 =	vshll.u32 v17, $0xD  }
0x5a5: {  	v17 =	vmax.f32 v18, $0.0e+00;
	v6 =	vld [tilespmem:s16+$0x4050];
	v15 =	vadd.f32 $4.096000000e+03, v15;
	v25 =	vadd.s32 v13, v9  }
.Ltmp15:
0x5a6: {  	v13 =	vmax.f32 v16, $0.0e+00;
	v16 =	vmax.f32 v19, $0.0e+00;
	v22 =	vmax.f32 v22, $0.0e+00;
	v9 =	vld [tilespmem:s16+$0x4060];
	(pc) =	sbr.rel @p0 .LBB2_32-.Ltmp15, $4  }
0x5a7: {  	v23 =	vmin.f32 v23, $8.191000000e+03;
	v24 =	vmax.f32 v24, $0.0e+00;
	v26 =	vmax.f32 v15, $0.0e+00;
	[tilespmem:v12+s11+$0x0] =	vst.idx.add.f32.msk $0xffff, v1  }
0x5a8: {  	v27 =	vmin.f32 v17, $8.191000000e+03;
	v19 =	vmin.f32 v13, $8.191000000e+03;
	v18 =	vmin.f32 v16, $8.191000000e+03;
	[tilespmem:v20+s11+$0x0] =	vst.idx.add.f32.msk $0xffff, v1  }
0x5a9: {  	v16 =	vmin.f32 v22, $8.191000000e+03;
	v15 =	vmin.f32 v24, $8.191000000e+03;
	v13 =	vmin.f32 v26, $8.191000000e+03;
	[tilespmem:v14+s11+$0x0] =	vst.idx.add.f32.msk $0xffff, v1  }
0x5aa: {  	v17 =	vtrunc.f32 v23;
	v12 =	vshll.u32 v21, $0xD;
	v14 =	vtrunc.f32 v27;
	[tilespmem:v25+s11+$0x0] =	vst.idx.add.f32.msk $0xffff, v1  }
0x5ab: {  	v19 =	vtrunc.f32 v19  }
0x5ac: {  	v11 =	vshll.u32 v11, $0xD;
	v18 =	vtrunc.f32 v18;
	v17 =	vcvt.f32.s32 v17  }
0x5ad: {  	v10 =	vshll.u32 v10, $0xD;
	v16 =	vtrunc.f32 v16;
	v14 =	vcvt.f32.s32 v14  }
0x5ae: {  	v15 =	vtrunc.f32 v15;
	v19 =	vcvt.f32.s32 v19;
	v12 =	vadd.s32 v17, v12  }
0x5af: {  	[tilespmem:v5+s11+$0x0] =	vst.idx.add.f32.msk $0xffff, v1;
	v5 =	vshll.u32 v8, $0xD;
	v8 =	vcvt.f32.s32 v18;
	v11 =	vadd.s32 v14, v11  }
0x5b0: {  	[tilespmem:v4+s11+$0x0] =	vst.idx.add.f32.msk $0xffff, v1;
	v4 =	vtrunc.f32 v13;
	v13 =	vcvt.f32.s32 v16;
	v10 =	vadd.s32 v19, v10  }
0x5b1: {  	[tilespmem:v3+s11+$0x0] =	vst.idx.add.f32.msk $0xffff, v1;
	v3 =	vshll.u32 v7, $0xD;
	v7 =	vcvt.f32.s32 v15;
	v5 =	vadd.s32 v8, v5  }
0x5b2: {  	[tilespmem:v2+s11+$0x0] =	vst.idx.add.f32.msk $0xffff, v1;
	v2 =	vshll.u32 v6, $0xD;
	v4 =	vcvt.f32.s32 v4;
	v3 =	vadd.s32 v13, v3  }
0x5b3: {  	v6 =	vshll.u32 v9, $0xD;
	v2 =	vadd.s32 v7, v2;
	[tilespmem:v12+s11+$0x0] =	vst.idx.add.f32.msk $0xffff, v1  }
0x5b4: {  	v4 =	vadd.s32 v4, v6;
	[tilespmem:v11+s11+$0x0] =	vst.idx.add.f32.msk $0xffff, v1  }
0x5b5: {  	[tilespmem:v10+s11+$0x0] =	vst.idx.add.f32.msk $0xffff, v1  }
0x5b6: {  	[tilespmem:v5+s11+$0x0] =	vst.idx.add.f32.msk $0xffff, v1  }
0x5b7: {  	[tilespmem:v3+s11+$0x0] =	vst.idx.add.f32.msk $0xffff, v1  }
0x5b8: {  	[tilespmem:v2+s11+$0x0] =	vst.idx.add.f32.msk $0xffff, v1  }
0x5b9: {  	[tilespmem:v4+s11+$0x0] =	vst.idx.add.f32.msk $0xffff, v1  }
0x5ba: {  	_ =	swait.ge [sflag:s9], $0x2000  }
0x5bb: {  	[sflag:s9] =	ssyncset.done $0x0  }
0x5bc: {  	s13 =	simm.s32 $0x0;
	s14 =	simm.s32 $0x0;
	[sflag:s9] =	ssyncadd.s32 $0xFFFFE000  }
0x5bd: {  	s14 =	sand.u32 $0x1000, s14;
	s15 =	sand.u32 $0xC00, s13;
	_ =	swait.ge [sflag:s10], $0x2000  }
0x5be: {  	s13 =	sand.u32 $0x380, s13;
	s14 =	sor.u32 s14, s15;
	[sflag:s10] =	ssyncset.done $0x0  }
0x5bf: {  	s16 =	sor.u32 s13, s14;
	[sflag:s10] =	ssyncadd.s32 $0xFFFFE000  }
0x5c0: {  	v2 =	vld [tilespmem:s16+$0x2070]  }
0x5c1: {  	v3 =	vld [tilespmem:s16+$0x2000]  }
0x5c2: {  	v4 =	vld [tilespmem:s16+$0x2010]  }
0x5c3: {  	v5 =	vld [tilespmem:s16+$0x2020]  }
0x5c4: {  	v6 =	vld [tilespmem:s16+$0x2030]  }
0x5c5: {  	v7 =	vld [tilespmem:s16+$0x2040]  }
0x5c6: {  	v8 =	vld [tilespmem:s16+$0x2050]  }
0x5c7: {  	v9 =	vld [tilespmem:s16+$0x2060]  }
0x5c8: {  	v10 =	vld [tilespmem:s16+$0x6070]  }
0x5c9: {  	v11 =	vld [tilespmem:s16+$0x6000]  }
0x5ca: {  	v13 =	vld [tilespmem:s16+$0x6030]  }
0x5cb: {  	v14 =	vld [tilespmem:s16+$0x6040];
	v2 =	vmul.f32 $5.120000000e+02, v2;
	v3 =	vmul.f32 $5.120000000e+02, v3  }
0x5cc: {  	v4 =	vmul.f32 $5.120000000e+02, v4;
	v5 =	vmul.f32 $5.120000000e+02, v5  }
0x5cd: {  	v6 =	vmul.f32 $5.120000000e+02, v6;
	v7 =	vmul.f32 $5.120000000e+02, v7;
	v2 =	vadd.f32 $4.096000000e+03, v2  }
0x5ce: {  	v15 =	vld [tilespmem:s16+$0x6050];
	v8 =	vmul.f32 $5.120000000e+02, v8;
	v9 =	vmul.f32 $5.120000000e+02, v9;
	v10 =	vshll.u32 v10, $0xD  }
0x5cf: {  	v11 =	vshll.u32 v11, $0xD;
	v13 =	vshll.u32 v13, $0xD;
	v2 =	vmax.f32 v2, $0.0e+00  }
0x5d0: {  	v14 =	vshll.u32 v14, $0xD;
	v3 =	vadd.f32 $4.096000000e+03, v3;
	v2 =	vmin.f32 v2, $8.191000000e+03  }
0x5d1: {  	v4 =	vadd.f32 $4.096000000e+03, v4;
	v5 =	vadd.f32 $4.096000000e+03, v5;
	v2 =	vtrunc.f32 v2  }
0x5d2: {  	v6 =	vadd.f32 $4.096000000e+03, v6;
	v7 =	vadd.f32 $4.096000000e+03, v7;
	v2 =	vcvt.f32.s32 v2  }
0x5d3: {  	v15 =	vshll.u32 v15, $0xD;
	v8 =	vadd.f32 $4.096000000e+03, v8;
	v9 =	vadd.f32 $4.096000000e+03, v9  }
0x5d4: {  	s13 =	simm.s32 $0x80;
	s14 =	simm.s32 $0x400;
	v3 =	vmax.f32 v3, $0.0e+00;
	v4 =	vmax.f32 v4, $0.0e+00;
	v2 =	vadd.s32 v2, v10  }
0x5d5: {  	s15 =	simm.s32 $0x20;
	s17 =	sand.u32 $0x1000, s13;
	s18 =	sand.u32 $0xC00, s14;
	v12 =	vld [tilespmem:s16+$0x6010];
	v5 =	vmax.f32 v5, $0.0e+00;
	v6 =	vmax.f32 v6, $0.0e+00;
	v7 =	vmax.f32 v7, $0.0e+00  }
0x5d6: {  	s17 =	sor.u32 s17, s18;
	s18 =	sand.u32 $0x380, s15;
	v16 =	vld [tilespmem:s16+$0x6060];
	v8 =	vmax.f32 v8, $0.0e+00;
	v9 =	vmax.f32 v9, $0.0e+00;
	v3 =	vmin.f32 v3, $8.191000000e+03  }
0x5d7: {  	v4 =	vmin.f32 v4, $8.191000000e+03;
	v5 =	vmin.f32 v5, $8.191000000e+03;
	v6 =	vmin.f32 v6, $8.191000000e+03;
	v10 =	vld [tilespmem:s16+$0x6020];
	s16 =	sor.u32 s18, s17  }
0x5d8: {  	v7 =	vmin.f32 v7, $8.191000000e+03;
	v3 =	vtrunc.f32 v3;
	v4 =	vtrunc.f32 v4;
	v18 =	vld [tilespmem:s16+$0x2010]  }
0x5d9: {  	v8 =	vmin.f32 v8, $8.191000000e+03;
	v5 =	vtrunc.f32 v5;
	v6 =	vtrunc.f32 v6;
	[tilespmem:v2+s11+$0x0] =	vst.idx.add.f32.msk $0xffff, v1  }
0x5da: {  	v8 =	vtrunc.f32 v8;
	v3 =	vcvt.f32.s32 v3;
	v2 =	vshll.u32 v12, $0xD;
	v12 =	vld [tilespmem:s16+$0x2070]  }
0x5db: {  	v9 =	vmin.f32 v9, $8.191000000e+03;
	v7 =	vtrunc.f32 v7;
	v8 =	vcvt.f32.s32 v8;
	v17 =	vld [tilespmem:s16+$0x2000]  }
0x5dc: {  	v4 =	vcvt.f32.s32 v4;
	v7 =	vcvt.f32.s32 v7;
	v20 =	vadd.s32 v3, v11;
	v11 =	vld [tilespmem:s16+$0x2030]  }
0x5dd: {  	v5 =	vcvt.f32.s32 v5;
	v6 =	vcvt.f32.s32 v6;
	v3 =	vadd.s32 v8, v15  }
0x5de: {  	v10 =	vshll.u32 v10, $0xD;
	v21 =	vadd.s32 v4, v2;
	v4 =	vadd.s32 v7, v14;
	v7 =	vld [tilespmem:s16+$0x2050]  }
0x5df: {  	v22 =	vadd.s32 v5, v10;
	v10 =	vld [tilespmem:s16+$0x2040];
	v8 =	vmul.f32 $5.120000000e+02, v18;
	v2 =	vmul.f32 $5.120000000e+02, v12  }
0x5e0: {  	v9 =	vtrunc.f32 v9;
	v19 =	vld [tilespmem:s16+$0x2020];
	v5 =	vadd.s32 v6, v13;
	v6 =	vmul.f32 $5.120000000e+02, v17  }
0x5e1: {  	v14 =	vld [tilespmem:s16+$0x6070];
	v15 =	vadd.f32 $4.096000000e+03, v8;
	v8 =	vmul.f32 $5.120000000e+02, v11;
	v13 =	vadd.f32 $4.096000000e+03, v2  }
0x5e2: {  	v16 =	vshll.u32 v16, $0xD;
	v9 =	vcvt.f32.s32 v9;
	v6 =	vadd.f32 $4.096000000e+03, v6;
	v12 =	vld [tilespmem:s16+$0x2060]  }
0x5e3: {  	v23 =	vld [tilespmem:s16+$0x6000];
	v17 =	vadd.f32 $4.096000000e+03, v8;
	v18 =	vmul.f32 $5.120000000e+02, v7;
	v13 =	vmax.f32 v13, $0.0e+00  }
0x5e4: {  	[tilespmem:v20+s11+$0x0] =	vst.idx.add.f32.msk $0xffff, v1;
	v2 =	vadd.s32 v9, v16;
	v16 =	vmul.f32 $5.120000000e+02, v10;
	v13 =	vmin.f32 v13, $8.191000000e+03  }
0x5e5: {  	v11 =	vld [tilespmem:s16+$0x6010];
	v15 =	vmax.f32 v15, $0.0e+00;
	v9 =	vmul.f32 $5.120000000e+02, v19;
	v7 =	vtrunc.f32 v13  }
0x5e6: {  	v8 =	vld [tilespmem:s16+$0x6030];
	v18 =	vadd.f32 $4.096000000e+03, v18;
	v13 =	vadd.f32 $4.096000000e+03, v16;
	v16 =	vcvt.f32.s32 v7  }
0x5e7: {  	v14 =	vshll.u32 v14, $0xD;
	v20 =	vmin.f32 v15, $8.191000000e+03;
	[tilespmem:v21+s11+$0x0] =	vst.idx.add.f32.msk $0xffff, v1;
	v12 =	vmul.f32 $5.120000000e+02, v12  }
0x5e8: {  	[tilespmem:v22+s11+$0x0] =	vst.idx.add.f32.msk $0xffff, v1;
	v9 =	vadd.f32 $4.096000000e+03, v9;
	v25 =	vmax.f32 v18, $0.0e+00;
	v24 =	vadd.s32 v16, v14  }
0x5e9: {  	v10 =	vld [tilespmem:s16+$0x6020];
	v19 =	vmax.f32 v6, $0.0e+00;
	v15 =	vmin.f32 v25, $8.191000000e+03;
	v12 =	vadd.f32 $4.096000000e+03, v12  }
0x5ea: {  	v6 =	vld [tilespmem:s16+$0x6050];
	v13 =	vmax.f32 v13, $0.0e+00;
	v14 =	vmax.f32 v9, $0.0e+00;
	v16 =	vmax.f32 v17, $0.0e+00  }
0x5eb: {  	v7 =	vld [tilespmem:s16+$0x6040];
	v17 =	vmin.f32 v19, $8.191000000e+03;
	v12 =	vmax.f32 v12, $0.0e+00;
	v19 =	vmin.f32 v14, $8.191000000e+03  }
0x5ec: {  	v9 =	vld [tilespmem:s16+$0x6060];
	v18 =	vmin.f32 v16, $8.191000000e+03;
	v16 =	vmin.f32 v13, $8.191000000e+03;
	v13 =	vmin.f32 v12, $8.191000000e+03  }
0x5ed: {  	v17 =	vtrunc.f32 v17;
	v12 =	vshll.u32 v23, $0xD;
	v14 =	vtrunc.f32 v20;
	[tilespmem:v24+s11+$0x0] =	vst.idx.add.f32.msk $0xffff, v1  }
.LBB2_34:
0x5ee: {  	s13 =	sadd.s32 $0x80, s13;
	v11 =	vshll.u32 v11, $0xD;
	v19 =	vtrunc.f32 v19;
	v18 =	vtrunc.f32 v18;
	s14 =	sadd.s32 $0x400, s14;
	[tilespmem:v5+s11+$0x0] =	vst.idx.add.f32.msk $0xffff, v1  }
0x5ef: {  	v5 =	vshll.u32 v10, $0xD;
	v10 =	vtrunc.f32 v16;
	v15 =	vtrunc.f32 v15;
	s15 =	sadd.s32 $0x20, s15;
	s16 =	sand.u32 $0x1000, s13;
	s17 =	sand.u32 $0xC00, s14;
	[tilespmem:v4+s11+$0x0] =	vst.idx.add.f32.msk $0xffff, v1  }
0x5f0: {  	v8 =	vshll.u32 v8, $0xD;
	v13 =	vtrunc.f32 v13;
	p0 =	slt.u32 s13, $0x1F80;
	v4 =	vcvt.f32.s32 v17;
	s16 =	sor.u32 s16, s17;
	s17 =	sand.u32 $0x380, s15;
	[tilespmem:v3+s11+$0x0] =	vst.idx.add.f32.msk $0xffff, v1  }
0x5f1: {  	v7 =	vshll.u32 v7, $0xD;
	v3 =	vcvt.f32.s32 v14;
	v14 =	vcvt.f32.s32 v19;
	s16 =	sor.u32 s17, s16;
	[tilespmem:v2+s11+$0x0] =	vst.idx.add.f32.msk $0xffff, v1  }
0x5f2: {  	v6 =	vshll.u32 v6, $0xD;
	v10 =	vcvt.f32.s32 v10;
	v2 =	vcvt.f32.s32 v18;
	v16 =	vld [tilespmem:s16+$0x2070]  }
0x5f3: {  	v9 =	vshll.u32 v9, $0xD;
	v15 =	vcvt.f32.s32 v15;
	v13 =	vcvt.f32.s32 v13;
	v17 =	vld [tilespmem:s16+$0x2000]  }
0x5f4: {  	v12 =	vadd.s32 v4, v12;
	v20 =	vadd.s32 v3, v11;
	v14 =	vadd.s32 v14, v5;
	v18 =	vld [tilespmem:s16+$0x2010]  }
0x5f5: {  	v4 =	vadd.s32 v10, v7;
	v3 =	vadd.s32 v15, v6;
	v5 =	vadd.s32 v2, v8;
	v11 =	vld [tilespmem:s16+$0x2020]  }
0x5f6: {  	v2 =	vadd.s32 v13, v9;
	v6 =	vld [tilespmem:s16+$0x2030]  }
0x5f7: {  	v7 =	vld [tilespmem:s16+$0x2040];
	v8 =	vmul.f32 $5.120000000e+02, v16  }
0x5f8: {  	v9 =	vmul.f32 $5.120000000e+02, v17;
	v13 =	vld [tilespmem:s16+$0x2050]  }
0x5f9: {  	v10 =	vmul.f32 $5.120000000e+02, v18;
	v15 =	vld [tilespmem:s16+$0x2060];
	v8 =	vadd.f32 $4.096000000e+03, v8  }
0x5fa: {  	v9 =	vadd.f32 $4.096000000e+03, v9;
	v16 =	vmul.f32 $5.120000000e+02, v11;
	v17 =	vld [tilespmem:s16+$0x6070]  }
0x5fb: {  	v21 =	vld [tilespmem:s16+$0x6000];
	v18 =	vadd.f32 $4.096000000e+03, v10;
	v6 =	vmul.f32 $5.120000000e+02, v6;
	v8 =	vmax.f32 v8, $0.0e+00  }
0x5fc: {  	v11 =	vld [tilespmem:s16+$0x6010];
	v16 =	vadd.f32 $4.096000000e+03, v16;
	v7 =	vmul.f32 $5.120000000e+02, v7;
	v8 =	vmin.f32 v8, $8.191000000e+03  }
0x5fd: {  	v10 =	vld [tilespmem:s16+$0x6020];
	v19 =	vadd.f32 $4.096000000e+03, v6;
	v6 =	vmul.f32 $5.120000000e+02, v13;
	v13 =	vtrunc.f32 v8  }
0x5fe: {  	v8 =	vld [tilespmem:s16+$0x6030];
	v22 =	vadd.f32 $4.096000000e+03, v7;
	v15 =	vmul.f32 $5.120000000e+02, v15;
	v13 =	vcvt.f32.s32 v13  }
0x5ff: {  	v23 =	vmax.f32 v9, $0.0e+00;
	v7 =	vld [tilespmem:s16+$0x6040];
	v24 =	vadd.f32 $4.096000000e+03, v6;
	v9 =	vshll.u32 v17, $0xD  }
0x600: {  	v17 =	vmax.f32 v18, $0.0e+00;
	v6 =	vld [tilespmem:s16+$0x6050];
	v15 =	vadd.f32 $4.096000000e+03, v15;
	v25 =	vadd.s32 v13, v9  }
.Ltmp16:
0x601: {  	v13 =	vmax.f32 v16, $0.0e+00;
	v16 =	vmax.f32 v19, $0.0e+00;
	v22 =	vmax.f32 v22, $0.0e+00;
	v9 =	vld [tilespmem:s16+$0x6060];
	(pc) =	sbr.rel @p0 .LBB2_34-.Ltmp16, $4  }
0x602: {  	v23 =	vmin.f32 v23, $8.191000000e+03;
	v24 =	vmax.f32 v24, $0.0e+00;
	v26 =	vmax.f32 v15, $0.0e+00;
	[tilespmem:v12+s11+$0x0] =	vst.idx.add.f32.msk $0xffff, v1  }
0x603: {  	v27 =	vmin.f32 v17, $8.191000000e+03;
	v19 =	vmin.f32 v13, $8.191000000e+03;
	v18 =	vmin.f32 v16, $8.191000000e+03;
	[tilespmem:v20+s11+$0x0] =	vst.idx.add.f32.msk $0xffff, v1  }
0x604: {  	v16 =	vmin.f32 v22, $8.191000000e+03;
	v15 =	vmin.f32 v24, $8.191000000e+03;
	v13 =	vmin.f32 v26, $8.191000000e+03;
	[tilespmem:v14+s11+$0x0] =	vst.idx.add.f32.msk $0xffff, v1  }
0x605: {  	v17 =	vtrunc.f32 v23;
	v12 =	vshll.u32 v21, $0xD;
	v14 =	vtrunc.f32 v27;
	[tilespmem:v25+s11+$0x0] =	vst.idx.add.f32.msk $0xffff, v1  }
0x606: {  	v19 =	vtrunc.f32 v19  }
0x607: {  	v11 =	vshll.u32 v11, $0xD;
	v18 =	vtrunc.f32 v18;
	v17 =	vcvt.f32.s32 v17  }
0x608: {  	v10 =	vshll.u32 v10, $0xD;
	v16 =	vtrunc.f32 v16;
	v14 =	vcvt.f32.s32 v14  }
0x609: {  	v15 =	vtrunc.f32 v15;
	v19 =	vcvt.f32.s32 v19;
	v12 =	vadd.s32 v17, v12  }
0x60a: {  	[tilespmem:v5+s11+$0x0] =	vst.idx.add.f32.msk $0xffff, v1;
	v58 =	vshll.u32 v8, $0xD;
	v59 =	vcvt.f32.s32 v18;
	v11 =	vadd.s32 v14, v11  }
0x60b: {  	[tilespmem:v4+s11+$0x0] =	vst.idx.add.f32.msk $0xffff, v1;
	v60 =	vtrunc.f32 v13;
	v61 =	vcvt.f32.s32 v16;
	v10 =	vadd.s32 v19, v10  }
0x60c: {  	[tilespmem:v3+s11+$0x0] =	vst.idx.add.f32.msk $0xffff, v1;
	v3 =	vshll.u32 v7, $0xD;
	v62 =	vcvt.f32.s32 v15;
	v5 =	vadd.s32 v59, v58  }
0x60d: {  	[tilespmem:v2+s11+$0x0] =	vst.idx.add.f32.msk $0xffff, v1;
	v2 =	vshll.u32 v6, $0xD;
	v4 =	vcvt.f32.s32 v60;
	v3 =	vadd.s32 v61, v3  }
0x60e: {  	v63 =	vshll.u32 v9, $0xD;
	v2 =	vadd.s32 v62, v2;
	[tilespmem:v12+s11+$0x0] =	vst.idx.add.f32.msk $0xffff, v1  }
0x60f: {  	v4 =	vadd.s32 v4, v63;
	[tilespmem:v11+s11+$0x0] =	vst.idx.add.f32.msk $0xffff, v1  }
0x610: {  	[tilespmem:v10+s11+$0x0] =	vst.idx.add.f32.msk $0xffff, v1  }
0x611: {  	[tilespmem:v5+s11+$0x0] =	vst.idx.add.f32.msk $0xffff, v1  }
0x612: {  	s1 =	sadd.s32 $0x1, s1;
	[tilespmem:v3+s11+$0x0] =	vst.idx.add.f32.msk $0xffff, v1  }
0x613: {  	p0 =	sne.s32 s1, s5;
	[tilespmem:v2+s11+$0x0] =	vst.idx.add.f32.msk $0xffff, v1  }
.Ltmp17:
0x614: {  	s13 =	simm.s32 $0x80;
	s14 =	simm.s32 $0x400;
	[tilespmem:v4+s11+$0x0] =	vst.idx.add.f32.msk $0xffff, v1;
	(pc) =	sbr.rel @p0 .LBB2_1-.Ltmp17, $4  }
0x615: {  	[hbm4b:s4+s13] =	stream.strided.scatter [tilespmem:s11], [sflag:$0x3], $0x4000, s14, s13, $0x38;
	[tilespmem:$0xC000] =	vst v63  }
0x616: {  	_ =	swait.ge [sflag:s12], $0x4000  }
0x617: {  	[sflag:s12] =	ssyncset.done $0x0  }
0x618: {  	[sflag:s12] =	ssyncadd.s32 $0xFFFFC000  }
0x619: {  	_ =	sfence.sel $0x180000  }
0x61a: {  	[bflag:$0x0] =	sbarrier.arrive $0xFFFF  }
0x61b: {  	_ =	strace $0x90000047  }
0x61c: {  	s0 =	stileid.u32;
	[bflag:$0x2] =	sbarrier.arrive $0xFFFF  }
0x61d: {  	p0 =	sne.s32 s0, $0x0;
	s0 =	rddreg [dreg:$0x3]  }
0x61e: {  	s0 =	sadd.s32 @!p0 $0x100000, s0  }
0x61f: {  	[sflag:s0] =	ssyncadd.tile.s32 @!p0 $0x1;
	_ =	shalt  }
.Lfunc_end2:
_tile_overlayer_lowered:
.L_overlay_start_2:
0x620: {  	(tag) =	ssettag $0x2  }
0x621: {  	s0 =	rddreg [dreg:$0x0];
	s2 =	stileid.u32  }
0x622: {  	s1 =	rddreg [dreg:$0x1];
	p0 =	sne.s32 s2, $0x0  }
0x623: {  	s3 =	rddreg [dreg:$0x2];
	[bflag:$0x3] =	sbarrier.arrive $0xFFFF;
	s2 =	simm.s32 @!p0 $0x1C03  }
0x624: {  	[timem:s3], [sflag:s2] =	dma.local @!p0 [hbm:s0], s1  }
0x625: {  	s0 =	simm.s32 @!p0 $0x3  }
0x626: {  	_ =	swait.ge @!p0 [sflag:s0], s1  }
0x627: {  	s1 =	ssub.s32 @!p0 $0x0, s1;
	[sflag:s0] =	ssyncset.done @!p0 $0x0  }
0x628: {  	[sflag:s0] =	ssyncadd.s32 @!p0 s1  }
0x629: {  	[bflag:$0x3] =	sbarrier.arrive $0xFFFF  }
0x62a: {  	_ =	shalt  }

// kernel: _sc_losses.7.cloned.1.call-start
scs
__scs_entry_jumppad:
0x0: {  	(pc) =	sbr.rel $0x88, $3  }
0x1: {  	(tag) =	ssettag $0x0;
	lr =	simm.s32 $0x1  }
0x2: {  	[smem:$0x3F9F] =	sst lr;
	_ =	strace $0xD0000000  }
0x3: {  	_ = 	snop  }
0x4: {  	_ = 	snop  }
0x5: {  	_ = 	snop  }
0x6: {  	_ = 	snop  }
0x7: {  	_ = 	snop  }
__scs_overlays_trampoline_lowered:
0x8: {  	[smem:$0x3FAE] =	sst s0  }
0x9: {  	[smem:$0x3FAF] =	sst s1  }
0xa: {  	[smem:$0x3FB0] =	sst s2  }
0xb: {  	[smem:$0x3FB1] =	sst s3  }
0xc: {  	[smem:$0x3FB2] =	sst s4  }
0xd: {  	[smem:$0x3FB3] =	sst s5  }
0xe: {  	[smem:$0x3FB4] =	sst s6  }
0xf: {  	[smem:$0x3FB5] =	sst s7  }
0x10: {  	[smem:$0x3FB6] =	sst s8  }
0x11: {  	[smem:$0x3FB7] =	sst s9;
	s0 =	simm.s32 @!p0 $0x0  }
0x12: {  	s1 =	sld [smem:$0x3F9D];
	s0 =	simm.s32 @p0 $0x1  }
0x13: {  	[smem:$0x3FB8] =	sst s0;
	s0 =	simm.s32 @!p1 $0x0  }
0x14: {  	s2 =	sld [smem:$0x3F9C];
	s0 =	simm.s32 @p1 $0x1  }
0x15: {  	[smem:$0x3FB9] =	sst s0;
	s0 =	simm.s32 @!p2 $0x0  }
0x16: {  	s3 =	sld [smem:$0x3FDB];
	s0 =	simm.s32 @p2 $0x1  }
0x17: {  	s4 =	simm.s32 $0x1BF5;
	[smem:$0x3FBB] =	sst s0  }
0x18: {  	s0 =	sld [smem:$0x3F9E];
	_ =	swait.ge [sflag:s4], $0x0  }
0x19: {  	s7 =	sld [smem:$0x3F9F]  }
0x1a: {  	s8 =	sadd.s32 $0xFFFFE003, lr  }
0x1b: {  	s9 =	sadd.s32 $0xFFFFFEF7, lr;
	s5 =	simm.s32 $0xFFFFFFFF;
	p2 =	slt.u32 s8, $0xFFFFF086  }
0x1c: {  	p1 =	slt.u32 s9, $0xF7A;
	s5 =	simm.s32 @!p2 $0x0  }
0x1d: {  	s5 =	simm.s32 @p1 $0x1;
	p0 =	seq.s32 s7, s2  }
0x1e: {  	s7 =	smul.u32 @!p0 $0xF7A, s2;
	p2 =	seq.s32 @!p0 s5, $0x0  }
0x1f: {  	s9 =	smul.u32 $0xF7A, s1;
	s8 =	simm.s32 @!p0 $0x1BF5;
	p2 =	por !p2, p0  }
0x20: {  	[sflag:s8] =	ssyncset.s32 @!p0 $0xFFFFF086;
	s6 =	sadd.s32 @!p0 s3, s7;
	s7 =	simm.s32 @!p0 $0x108  }
0x21: {  	s3 =	sadd.s32 s3, s9;
	s6 =	sadd.s32 @!p0 $0x88, s6;
	s7 =	simm.s32 @p2 $0x1082  }
0x22: {  	[simem:s7], [sflag:s8] =	dma.local @!p0 [hbm:s6], $0xF7A  }
0x23: {  	s9 =	sor.u32 $0xD0000000, s2;
	s6 =	simm.s32 $0x108;
	_ =	swait.ge @!p0 [sflag:s8], $0x0  }
0x24: {  	s3 =	sadd.s32 $0x88, s3;
	s6 =	simm.s32 @!p1 $0x1082;
	[sflag:s4] =	ssyncset.s32 $0xFFFFF086  }
0x25: {  	[simem:s6], [sflag:s4] =	dma.local [hbm:s3], $0xF7A  }
0x26: {  	[smem:$0x3F9F] =	sst s1;
	(tag) =	ssettag s2;
	_ =	strace s9  }
0x27: {  	s1 =	sld [smem:$0x3FAF]  }
0x28: {  	s2 =	sld [smem:$0x3FB0]  }
0x29: {  	s4 =	sld [smem:$0x3FB2]  }
0x2a: {  	p0 =	seq.s32 s5, $0x0;
	s5 =	sld [smem:$0x3FB3]  }
0x2b: {  	s6 =	sld [smem:$0x3FB4]  }
0x2c: {  	s7 =	sld [smem:$0x3FB5]  }
0x2d: {  	s3 =	simm.s32 $0x108;
	s8 =	sld [smem:$0x3FB6]  }
0x2e: {  	s3 =	simm.s32 @!p0 $0x1082;
	s9 =	sld [smem:$0x3FB7]  }
0x2f: {  	lr =	sadd.s32 s0, s3;
	s0 =	sld [smem:$0x3FAE]  }
0x30: {  	s3 =	sld [smem:$0x3FB1]  }
0x31: {  	[smem:$0x3FBA] =	sst s10  }
0x32: {  	s10 =	sld [smem:$0x3FB8];
	_ =	sdelay $0x3  }
0x33: {  	p0 =	seq.s32 s10, $0x1;
	s10 =	sld [smem:$0x3FBA];
	_ =	sdelay $0x3  }
0x34: {  	[smem:$0x3FBA] =	sst s10  }
0x35: {  	s10 =	sld [smem:$0x3FB9];
	_ =	sdelay $0x3  }
0x36: {  	p1 =	seq.s32 s10, $0x1;
	s10 =	sld [smem:$0x3FBA];
	_ =	sdelay $0x3  }
0x37: {  	[smem:$0x3FBA] =	sst s10  }
0x38: {  	s10 =	sld [smem:$0x3FBB]  }
0x39: {  	_ = 	snop;
	(pc) =	sbr.ind lr, $3  }
0x3a: {  	_ = 	snop  }
0x3b: {  	_ = 	snop  }
0x3c: {  	p2 =	seq.s32 s10, $0x1;
	s10 =	sld [smem:$0x3FBA]  }
0x3d: {  	_ =	shalt  }
0x3e: {  	_ =	shalt  }
0x3f: {  	_ =	shalt  }
0x40: {  	_ =	shalt  }
0x41: {  	_ =	shalt  }
0x42: {  	_ =	shalt  }
0x43: {  	_ =	shalt  }
0x44: {  	_ =	shalt  }
0x45: {  	_ =	shalt  }
0x46: {  	_ =	shalt  }
0x47: {  	_ =	shalt  }
0x48: {  	_ =	shalt  }
0x49: {  	_ =	shalt  }
0x4a: {  	_ =	shalt  }
0x4b: {  	_ =	shalt  }
0x4c: {  	_ =	shalt  }
0x4d: {  	_ =	shalt  }
0x4e: {  	_ =	shalt  }
0x4f: {  	_ =	shalt  }
0x50: {  	_ =	shalt  }
0x51: {  	_ =	shalt  }
0x52: {  	_ =	shalt  }
0x53: {  	_ =	shalt  }
0x54: {  	_ =	shalt  }
0x55: {  	_ =	shalt  }
0x56: {  	_ =	shalt  }
0x57: {  	_ =	shalt  }
0x58: {  	_ =	shalt  }
0x59: {  	_ =	shalt  }
0x5a: {  	_ =	shalt  }
0x5b: {  	_ =	shalt  }
0x5c: {  	_ =	shalt  }
0x5d: {  	_ =	shalt  }
0x5e: {  	_ =	shalt  }
0x5f: {  	_ =	shalt  }
0x60: {  	_ =	shalt  }
0x61: {  	_ =	shalt  }
0x62: {  	_ =	shalt  }
0x63: {  	_ =	shalt  }
0x64: {  	_ =	shalt  }
0x65: {  	_ =	shalt  }
0x66: {  	_ =	shalt  }
0x67: {  	_ =	shalt  }
0x68: {  	_ =	shalt  }
0x69: {  	_ =	shalt  }
0x6a: {  	_ =	shalt  }
0x6b: {  	_ =	shalt  }
0x6c: {  	_ =	shalt  }
0x6d: {  	_ =	shalt  }
0x6e: {  	_ =	shalt  }
0x6f: {  	_ =	shalt  }
0x70: {  	_ =	shalt  }
0x71: {  	_ =	shalt  }
0x72: {  	_ =	shalt  }
0x73: {  	_ =	shalt  }
0x74: {  	_ =	shalt  }
0x75: {  	_ =	shalt  }
0x76: {  	_ =	shalt  }
0x77: {  	_ =	shalt  }
0x78: {  	_ =	shalt  }
0x79: {  	_ =	shalt  }
0x7a: {  	_ =	shalt  }
0x7b: {  	_ =	shalt  }
0x7c: {  	_ =	shalt  }
0x7d: {  	_ =	shalt  }
0x7e: {  	_ =	shalt  }
0x7f: {  	_ =	shalt  }
0x80: {  	_ =	shalt  }
0x81: {  	_ =	shalt  }
0x82: {  	_ =	shalt  }
0x83: {  	_ =	shalt  }
0x84: {  	_ =	shalt  }
0x85: {  	_ =	shalt  }
0x86: {  	_ =	shalt  }
0x87: {  	_ =	shalt  }
.Lfunc_end0:
.L_simem_size_0:
called_computation.1_lowered:
.L_overlay_start_0:
0x88: {  	s2 =	sld [smem:$0x3FD9]  }
0x89: {  	s3 =	sld [smem:$0x3FFE];
	_ =	sdelay $0x1  }
0x8a: {  	s1 =	srdreg.scid  }
0x8b: {  	s0 =	sand.u32 $0x1, s1  }
0x8c: {  	s17 =	sshll.u32 s0, $0xA;
	s2 =	sadd.s32 s3, s2  }
0x8d: {  	s2 =	sadd.s32 s2, s17  }
0x8e: {  	[smem:$0x3FC6] =	sst s2  }
0x8f: {  	_ = 	snop  }
0x90: {  	s2 =	sld [smem:$0x3FD0];
	(tm) =	ssettm $0x1  }
0x91: {  	s18 =	sld [smem:$0x3FFB];
	_ =	sdelay $0x3  }
0x92: {  	_ =	strace s18  }
0x93: {  	s3 =	sld [smem:$0x3FFC];
	_ =	sdelay $0x3  }
0x94: {  	_ =	strace s3  }
0x95: {  	s3 =	sld [smem:$0x3FFD];
	_ =	sdelay $0x3  }
0x96: {  	_ =	strace s3  }
0x97: {  	_ =	strace $0x8FFFFFFF  }
0x98: {  	s19 =	sld [smem:$0x3FDB];
	_ =	sdelay $0x1  }
0x99: {  	s4 =	simm.s32 $_scs_section_size  }
0x9a: {  	s5 =	simm.s32 $_size__tile_overlayer_lowered;
	s6 =	simm.s32 $_tile_overlayer_lowered  }
0x9b: {  	s22 =	simm.s32 $0x1BFF;
	s21 =	sshll.u32 s6, $0x1;
	s3 =	sadd.s32 s4, s19  }
0x9c: {  	s7 =	simm.s32 $0x0;
	s20 =	sshll.u32 s5, $0x1;
	s5 =	sadd.s32 s21, s3  }
0x9d: {  	[timem:s7], [sflag:s22] =	dma.local [hbm:s5], s20  }
0x9e: {  	_ =	swait.ge [sflag:s22], s20  }
0x9f: {  	s4 =	ssub.s32 $0x0, s20;
	[sflag:s22] =	ssyncset.done $0x0  }
0xa0: {  	[sflag:s22] =	ssyncadd.s32 s4;
	_ =	sdelay $0x1  }
0xa1: {  	s23 =	simm.s32 $0x1B8B  }
0xa2: {  	_ =	swait.ge [sflag:s23], $0x1  }
0xa3: {  	[sflag:s23] =	ssyncset.done $0x0  }
0xa4: {  	s25 =	simm.s32 $0x1B8E;
	s24 =	sld [smem:$0x3FFE];
	[sflag:s23] =	ssyncadd.s32 $0xFFFFFFFF  }
0xa5: {  	s26 =	simm.s32 $execute0_lowered;
	[smem:$0x3FD2] =	sst s25  }
0xa6: {  	s5 =	sshll.u32 s26, $0x1;
	_ =	strace $0x80000049;
	[dreg:$0x1] =	wrdreg $0xFFFFFFFF  }
0xa7: {  	s28 =	simm.s32 $_size_execute0_lowered;
	s3 =	sadd.s32 s3, s5;
	[dreg:$0x0] =	wrdreg $0x0  }
0xa8: {  	s5 =	sshll.u32 s28, $0x1;
	[dreg:$0x2] =	wrdreg s3  }
0xa9: {  	[dreg:$0x3] =	wrdreg s5  }
0xaa: {  	[dreg:$0x4] =	wrdreg $0xC0  }
0xab: {  	_ =	task [dreg:s7], $0x5FFFF  }
0xac: {  	[dreg:$0x1] =	wrdreg $0xFFFFFFFF  }
0xad: {  	[dreg:$0x0] =	wrdreg $0x60  }
0xae: {  	[dreg:$0x2] =	wrdreg s24  }
0xaf: {  	[dreg:$0x3] =	wrdreg s2  }
0xb0: {  	[dreg:$0x4] =	wrdreg $0x9  }
0xb1: {  	_ =	task.clear_ibuf [dreg:s7], $0x5FFFF;
	_ =	strace $0x90000049  }
0xb2: {  	s29 =	simm.s32 $0x9;
	_ =	strace $0x8000004B  }
0xb3: {  	_ =	swait.ge [sflag:s29], $0x1  }
0xb4: {  	[sflag:s29] =	ssyncadd.s32 $0xFFFFFFFF  }
0xb5: {  	_ =	strace $0x9000004B  }
0xb6: {  	_ =	sfence  }
0xb7: {  	s30 =	sld [smem:$0x0];
	_ =	sdelay $0x2  }
0xb8: {  	s31 =	sshll.u32 s1, $0xD;
	s1 =	sshrl.u32 s1, $0x2  }
0xb9: {  	s3 =	sand.u32 $0x4000, s31;
	s1 =	sadd.s32 s1, s30  }
0xba: {  	s0 =	sor.u32 s3, s0;
	s1 =	sshll.u32 s1, $0x11  }
0xbb: {  	s0 =	sor.u32 s1, s0  }
0xbc: {  	s0 =	sadd.s32 $0x8F2B, s0  }
0xbd: {  	[sflag:s0] =	ssyncadd.remote.s32 $0x1  }
0xbe: {  	_ =	sfence.sel $0xFFFF  }
0xbf: {  	[dreg:$0x0] =	wrdreg $0xFFFFFFFF;
	(pc) =	sbr.abs _section_cstart, $3  }
0xc0: {  	[dreg:$0x1] =	wrdreg $0xFFFFFFFF  }
0xc1: {  	_ =	task.clear_ibuf [dreg:s7], $0x2FFFF;
	_ =	strace $0x9FFFFFFF  }
0xc2: {  	(tm) =	ssettm $0x7FFFFFFF  }
0xc3: {  	_ =	shalt  }
tec
execute0_lowered:
.L_overlay_start_1:
0x0: {  	(tag) =	ssettag $0x1  }
0x1: {  	s1 =	stileid.u32  }
0x2: {  	p0 =	sgt.u32 s1, $0x7  }
.Ltmp0:
0x3: {  	_ = 	snop;
	(pc) =	sbr.rel @p0 .LBB2_7-.Ltmp0, $4  }
0x4: {  	s3 =	rddreg [dreg:$0x0]  }
0x5: {  	s4 =	rddreg [dreg:$0x1];
	s2 =	simm.s32 $0x0  }
0x6: {  	[smem:$0x7FF] =	sst s2  }
0x7: {  	s0 =	rddreg [dreg:$0x2];
	_ =	strace $0x8000004A  }
0x8: {  	v0 =	vimm.f32 $1.500000000e+01;
	vm0 =	vcmask $0x300  }
0x9: {  	vm14 =	vcmask $0x704;
	v0 =	vsel vm0, $0x0, v0  }
0xa: {  	vm15 =	vcmask $0xB08;
	v0 =	vsel vm14, $0x3F800000, v0  }
0xb: {  	vm4 =	vcmask $0xF0C;
	v0 =	vsel vm15, $0x40000000, v0  }
0xc: {  	vm5 =	vcmask $0x1310;
	v0 =	vsel vm4, $0x40400000, v0  }
0xd: {  	vm6 =	vcmask $0x1714;
	v0 =	vsel vm5, $0x40800000, v0  }
0xe: {  	vm7 =	vcmask $0x1B18;
	v0 =	vsel vm6, $0x40A00000, v0  }
0xf: {  	s5 =	srdreg.scid;
	s7 =	sshll.u32 s1, $0xC;
	vm8 =	vcmask $0x1F1C;
	v0 =	vsel vm7, $0x40C00000, v0  }
0x10: {  	s30 =	sshll.u32 s1, $0x5;
	vm9 =	vcmask $0x2320;
	s31 =	sadd.s32 $0x800, s3;
	s9 =	sshll.u32 s1, $0x4;
	v0 =	vsel vm8, $0x40E00000, v0  }
0x11: {  	vm10 =	vcmask $0x2724;
	s11 =	simm.s32 $0xC000;
	s12 =	simm.s32 $0x0;
	s6 =	sshll.u32 s5, $0xF;
	v0 =	vsel vm9, $0x41000000, v0  }
0x12: {  	vm11 =	vcmask $0x2B28;
	s5 =	sand.u32 $0x1, s5;
	s4 =	sadd.s32 s4, s9;
	s9 =	simm.s32 $0x1;
	v0 =	vsel vm10, $0x41100000, v0  }
0x13: {  	vm12 =	vcmask $0x2F2C;
	s6 =	sadd.s32 s7, s6;
	s8 =	ssub.s32 $0x2, s5;
	s5 =	sshll.u32 s5, $0x7;
	v0 =	vsel vm11, $0x41200000, v0  }
0x14: {  	vm13 =	vcmask $0x3330;
	v1 =	vlaneseq.u32;
	s7 =	simm.s32 $0x80;
	s6 =	sor.u32 s30, s6;
	s10 =	sshrl.u32 s8, $0x1;
	v0 =	vsel vm12, $0x41300000, v0  }
0x15: {  	v1 =	vmul.u32 $0xFFFFFFFF, v1;
	vm14 =	vcmask $0x3734;
	s4 =	sadd.s32 s5, s4;
	s6 =	sand.u32 $0xC060, s6;
	s8 =	ssub.s32 s8, s10;
	v0 =	vsel vm13, $0x41400000, v0  }
0x16: {  	vm15 =	vcmask $0x3B38;
	s10 =	simm.s32 $0x4000;
	s3 =	sadd.s32 s6, s31;
	s5 =	sadd.s32 s31, s6;
	v0 =	vsel vm14, $0x41500000, v0  }
0x17: {  	v1 =	vadd.s32 $0xF, v1;
	s6 =	smax.u32 s8, $0x1;
	s8 =	simm.s32 $0x400;
	s3 =	sadd.s32 $0x10, s3;
	v0 =	vsel vm15, $0x41600000, v0  }
.LBB2_2:
0x18: {  	s13 =	simm.s32 $0x0  }
0x19: {  	[tilespmem:s13], [sflag:$0x1] =	stream.strided.gather [hbm4b:s5+s7], $0x4000, s8, s7, $0x38;
	[tilespmem:$0xC080] =	vst v63  }
0x1a: {  	_ =	swait.ge [sflag:s9], $0x4000  }
0x1b: {  	[sflag:s9] =	ssyncset.done $0x0  }
0x1c: {  	[sflag:s9] =	ssyncadd.s32 $0xFFFFC000  }
0x1d: {  	[tilespmem:s10], [sflag:$0x1] =	stream.strided.gather [hbm4b:s3+s7], $0x4000, s8, s7, $0x38;
	[tilespmem:$0xC080] =	vst v63  }
0x1e: {  	_ =	swait.ge [sflag:s9], $0x4000  }
0x1f: {  	[sflag:s9] =	ssyncset.done $0x0  }
0x20: {  	s14 =	simm.s32 $0x2000;
	[sflag:s9] =	ssyncadd.s32 $0xFFFFC000  }
0x21: {  	s15 =	simm.s32 $0x10;
	v2 =	vld [tilespmem:s14+$0xFFFFE000]  }
0x22: {  	s28 =	simm.s32 $0x6000;
	s13 =	scvt.s32.f32 s13;
	s15 =	scvt.s32.f32 s15;
	v4 =	vld [tilespmem:s14+$0x10]  }
0x23: {  	v5 =	vld [tilespmem:s28+$0xFFFFE010]  }
0x24: {  	s16 =	simm.s32 $0x30;
	v3 =	vadd.f32 s13, v0;
	v6 =	vadd.f32 s15, v0;
	v7 =	vld [tilespmem:s14+$0xFFFFE010]  }
0x25: {  	s29 =	simm.s32 $0x20;
	s16 =	scvt.s32.f32 s16;
	v9 =	vld [tilespmem:s28+$0xFFFFE000]  }
0x26: {  	s15 =	scvt.s32.f32 s29;
	v3 =	vadd.f32 $5.000000000e-01, v3;
	v10 =	vadd.f32 $5.000000000e-01, v6;
	v6 =	vld [tilespmem:s28+$0x20]  }
0x27: {  	v8 =	vadd.f32 s16, v0;
	v12 =	vld [tilespmem:s28+$0x10]  }
0x28: {  	v11 =	vadd.f32 s15, v0;
	v3 =	vadd.f32 $-4.096000000e+03, v3;
	v13 =	vld [tilespmem:s28+$0xFFFFE020]  }
0x29: {  	v8 =	vadd.f32 $5.000000000e-01, v8;
	v10 =	vadd.f32 $-4.096000000e+03, v10;
	v14 =	vld [tilespmem:s28+$0xFFFFE030]  }
0x2a: {  	s30 =	simm.s32 $0x40;
	v11 =	vadd.f32 $5.000000000e-01, v11;
	v3 =	vmul.f32 $1.953125000e-03, v3;
	v15 =	vld [tilespmem:s14+$0xFFFFE030]  }
0x2b: {  	s15 =	scvt.s32.f32 s30;
	v8 =	vadd.f32 $-4.096000000e+03, v8;
	v10 =	vmul.f32 $1.953125000e-03, v10;
	v16 =	vld [tilespmem:s14+$0xFFFFE020]  }
0x2c: {  	v11 =	vadd.f32 $-4.096000000e+03, v11;
	v18 =	vld [tilespmem:s14+$0x30];
	v3 =	vsub.f32 $0.0e+00, v3  }
0x2d: {  	v17 =	vadd.f32 s15, v0;
	v8 =	vmul.f32 $1.953125000e-03, v8;
	v19 =	vld [tilespmem:s14+$0x20];
	v10 =	vsub.f32 $0.0e+00, v10  }
0x2e: {  	v11 =	vmul.f32 $1.953125000e-03, v11;
	v3 =	vmul.f32 $1.442695020e+00, v3;
	v9 =	vadd.f32 v9, v2;
	v2 =	vld [tilespmem:s14+$0x0]  }
0x2f: {  	s31 =	simm.s32 $0x50;
	v8 =	vsub.f32 $0.0e+00, v8;
	v12 =	vadd.f32 v12, v4;
	v4 =	vld [tilespmem:s28+$0x30]  }
0x30: {  	s16 =	scvt.s32.f32 s31;
	v10 =	vmul.f32 $1.442695020e+00, v10;
	v11 =	vsub.f32 $0.0e+00, v11;
	(erf) = vpow2.f32 v3;
	v3 =	vld [tilespmem:s28+$0x0]  }
0x31: {  	v8 =	vmul.f32 $1.442695020e+00, v8;
	v15 =	vadd.f32 v14, v15;
	v14 =	vadd.f32 $5.000000000e-01, v17  }
0x32: {  	s19 =	simm.s32 $0x70;
	v13 =	vadd.f32 v13, v16;
	(erf) = vpow2.f32 v10;
	v10 =	vadd.f32 s16, v0  }
0x33: {  	s18 =	simm.s32 $0x6040;
	s15 =	scvt.s32.f32 s19;
	v20 =	vadd.f32 v5, v7;
	v6 =	vadd.f32 v6, v19;
	v11 =	vmul.f32 $1.442695020e+00, v11  }
0x34: {  	s17 =	simm.s32 $0x2040;
	s20 =	simm.s32 $0x60;
	v21 =	vld [tilespmem:s18+$0x10];
	(erf) = vpow2.f32 v8;
	v10 =	vadd.f32 $5.000000000e-01, v10;
	v16 =	vadd.f32 v4, v18  }
0x35: {  	s16 =	scvt.s32.f32 s20;
	v8 =	vld [tilespmem:s17+$0xFFFFE000];
	(erf) = vpow2.f32 v11;
	v4 =	vadd.f32 s15, v0;
	v17 =	vadd.f32 v3, v2  }
0x36: {  	s24 =	simm.s32 $0xB0;
	v2 =	vld [tilespmem:s18+$0xFFFFE000];
	v3 =	vadd.f32 $-4.096000000e+03, v14;
	v14 =	vimm.f32 $0.0e+00;
	v5 =	vadd.f32 $-4.096000000e+03, v10  }
0x37: {  	v25 =	vld [tilespmem:s17+$0xFFFFE030];
	v18 =	vadd.f32 s16, v0;
	s16 =	scvt.s32.f32 s24;
	v7 =	vadd.f32 v12, v14  }
0x38: {  	v27 =	vld [tilespmem:s17+$0xFFFFE020];
	v4 =	vadd.f32 $5.000000000e-01, v4;
	v3 =	vmul.f32 $1.953125000e-03, v3;
	v5 =	vmul.f32 $1.953125000e-03, v5  }
0x39: {  	v28 =	vld [tilespmem:s17+$0x0];
	v18 =	vadd.f32 $5.000000000e-01, v18;
	v31 =	vadd.f32 s16, v0  }
0x3a: {  	s25 =	simm.s32 $0x2080;
	v11 =	vld [tilespmem:s17+$0x10];
	v4 =	vadd.f32 $-4.096000000e+03, v4;
	v3 =	vsub.f32 $0.0e+00, v3  }
0x3b: {  	v30 =	vld [tilespmem:s25+$0xFFFFE000];
	v23 =	vpop (erf);
	v24 =	vadd.f32 v2, v8;
	v2 =	vsub.f32 $0.0e+00, v5  }
0x3c: {  	v22 =	vadd.f32 v16, v7;
	v8 =	vld [tilespmem:s18+$0xFFFFE030];
	v4 =	vmul.f32 $1.953125000e-03, v4;
	v5 =	vpop (erf);
	v3 =	vmul.f32 $1.442695020e+00, v3  }
0x3d: {  	v7 =	vld [tilespmem:s18+$0xFFFFE020];
	v23 =	vadd.f32 $1.000000000e+00, v23;
	v26 =	vmul.f32 $1.442695020e+00, v2;
	v2 =	vadd.f32 $1.000000000e+00, v5;
	v5 =	vpop (erf)  }
0x3e: {  	v10 =	vld [tilespmem:s18+$0xFFFFE010];
	v4 =	vsub.f32 $0.0e+00, v4;
	(erf) = vpow2.f32 v3;
	v5 =	vadd.f32 $1.000000000e+00, v5  }
0x3f: {  	v29 =	vpop (erf);
	v3 =	vadd.f32 v21, v11;
	v11 =	vadd.f32 $-4.096000000e+03, v18;
	(erf) = vrcp.f32 v2;
	v2 =	vld [tilespmem:s18+$0x0]  }
0x40: {  	s21 =	simm.s32 $0x80;
	v18 =	vld [tilespmem:s17+$0xFFFFE010];
	v21 =	vadd.f32 $1.000000000e+00, v29;
	v29 =	vadd.f32 v17, v14  }
0x41: {  	s22 =	simm.s32 $0x90;
	s28 =	simm.s32 $0x8020;
	s15 =	scvt.s32.f32 s21;
	(erf) = vrcp.f32 v5;
	v11 =	vmul.f32 $1.953125000e-03, v11;
	v25 =	vadd.f32 v8, v25;
	v8 =	vld [tilespmem:s18+$0x30]  }
0x42: {  	s23 =	scvt.s32.f32 s22;
	[tilespmem:s28+$0xFFFFFFE0] =	vst v9;
	v9 =	vadd.f32 v3, v22;
	(erf) = vrcp.f32 v23;
	v23 =	vadd.f32 v7, v27;
	v27 =	vld [tilespmem:s17+$0x30]  }
0x43: {  	s26 =	simm.s32 $0x6080;
	v32 =	vld [tilespmem:s25+$0x10];
	(erf) = vrcp.f32 v21;
	v11 =	vsub.f32 $0.0e+00, v11;
	v21 =	vadd.f32 s15, v0  }
0x44: {  	v34 =	vld [tilespmem:s26+$0xFFFFE030];
	v4 =	vmul.f32 $1.442695020e+00, v4;
	v2 =	vadd.f32 v2, v28;
	v28 =	vadd.f32 s23, v0  }
0x45: {  	s30 =	simm.s32 $0x8060;
	(erf) = vpow2.f32 v26;
	v18 =	vadd.f32 v10, v18;
	v26 =	vld [tilespmem:s26+$0xFFFFE000];
	v10 =	vadd.f32 $5.000000000e-01, v21  }
0x46: {  	s29 =	simm.s32 $0xA0;
	[tilespmem:s30+$0xFFFFFFE0] =	vst v24;
	v24 =	vld [tilespmem:s26+$0x10];
	v21 =	vmul.f32 $1.442695020e+00, v11;
	(erf) = vpow2.f32 v4;
	v28 =	vadd.f32 $5.000000000e-01, v28  }
0x47: {  	[tilespmem:s28+$0x10] =	vst v15;
	s16 =	scvt.s32.f32 s29;
	v5 =	vld [tilespmem:s18+$0x20];
	v10 =	vadd.f32 $-4.096000000e+03, v10;
	v4 =	vadd.f32 v8, v27  }
0x48: {  	[tilespmem:s28+$0x0] =	vst v13;
	v7 =	vld [tilespmem:s17+$0x20];
	v29 =	vadd.f32 v6, v29;
	v33 =	vpop (erf);
	(erf) = vpow2.f32 v21;
	v21 =	vadd.f32 $-4.096000000e+03, v28  }
0x49: {  	[tilespmem:s28+$0xFFFFFFF0] =	vst v20;
	v11 =	vld [tilespmem:s26+$0xFFFFE010];
	v15 =	vpop (erf);
	v19 =	vmul.f32 $1.953125000e-03, v10;
	v28 =	vadd.f32 s16, v0;
	v9 =	vadd.f32 v4, v9  }
0x4a: {  	[tilespmem:s30+$0x10] =	vst v25;
	v8 =	vld [tilespmem:s25+$0xFFFFE010];
	v30 =	vadd.f32 v26, v30;
	v33 =	vadd.f32 $1.000000000e+00, v33;
	v22 =	vmul.f32 v12, v15  }
0x4b: {  	s31 =	simm.s32 $0xA020;
	[tilespmem:s30+$0x0] =	vst v23;
	v10 =	vld [tilespmem:s26+$0x20];
	v27 =	vpop (erf);
	v13 =	vmul.f32 $1.953125000e-03, v21;
	v19 =	vsub.f32 $0.0e+00, v19;
	v21 =	vadd.f32 $5.000000000e-01, v31  }
0x4c: {  	v12 =	vld [tilespmem:s25+$0x20];
	v20 =	vpop (erf);
	v28 =	vadd.f32 $5.000000000e-01, v28;
	[tilespmem:s31+$0x10] =	vst v27;
	v27 =	vmul.f32 v16, v27;
	v16 =	vadd.f32 v2, v29  }
0x4d: {  	[tilespmem:s30+$0xFFFFFFF0] =	vst v18;
	v26 =	vmul.f32 v17, v20;
	v63 =	vpop (erf);
	v17 =	vld [tilespmem:s26+$0xFFFFE020];
	v35 =	vadd.f32 v22, v14;
	v25 =	vsub.f32 $0.0e+00, v13  }
0x4e: {  	[tilespmem:s31+$0xFFFFFFF0] =	vst v15;
	v19 =	vmul.f32 $1.442695020e+00, v19;
	v23 =	vpop (erf);
	v18 =	vadd.f32 $-4.096000000e+03, v21;
	v21 =	vld [tilespmem:s25+$0xFFFFE030];
	v28 =	vadd.f32 $-4.096000000e+03, v28  }
0x4f: {  	[tilespmem:s31+$0xFFFFFFE0] =	vst v20;
	v20 =	vld [tilespmem:s26+$0x0];
	v13 =	vmul.f32 v6, v63;
	v36 =	vadd.f32 $1.000000000e+00, v23;
	v6 =	vpop (erf);
	v15 =	vadd.f32 v26, v14  }
0x50: {  	v23 =	vld [tilespmem:s25+$0xFFFFE020];
	(erf) = vpow2.f32 v19;
	v22 =	vmul.f32 $1.442695020e+00, v25;
	v14 =	vadd.f32 $1.000000000e+00, v6  }
0x51: {  	v6 =	vadd.f32 v24, v32;
	v19 =	vld [tilespmem:s25+$0x0];
	v26 =	vmul.f32 $1.953125000e-03, v18;
	(erf) = vrcp.f32 v36  }
0x52: {  	s13 =	simm.s32 $0xA060;
	s14 =	simm.s32 $0x80A0;
	[tilespmem:s31+$0x0] =	vst v63;
	v18 =	vld [tilespmem:s26+$0x30];
	v24 =	vpop (erf);
	(erf) = vrcp.f32 v14;
	v14 =	vadd.f32 v27, v35;
	v27 =	vmul.f32 $1.953125000e-03, v28  }
0x53: {  	s18 =	simm.s32 $0xC0;
	s15 =	simm.s32 $0x20C0;
	s16 =	simm.s32 $0x60C0;
	[tilespmem:s14+$0xFFFFFFE0] =	vst v30;
	v25 =	vadd.f32 $1.000000000e+00, v24;
	v24 =	vadd.f32 v34, v21;
	v21 =	vld [tilespmem:s25+$0x30];
	(erf) = vrcp.f32 v33  }
.LBB2_3:
0x54: {  	s19 =	scvt.s32.f32 s18  }
0x55: {  	v28 =	vld [tilespmem:s15+$0xFFFFE000];
	s20 =	sadd.s32 $0x10, s18;
	v17 =	vadd.f32 v17, v23;
	v23 =	vsub.f32 $0.0e+00, v26;
	(erf) = vrcp.f32 v25;
	s21 =	smov.u32 s18;
	s17 =	sadd.s32 $0x40, s18  }
0x56: {  	p0 =	slt.u32 s18, $0x1FC0;
	v15 =	vadd.f32 v13, v15;
	s20 =	scvt.s32.f32 s20;
	v25 =	vld [tilespmem:s15+$0x10];
	s22 =	sadd.s32 $0x30, s21;
	v26 =	vsub.f32 $0.0e+00, v27;
	[tilespmem:s14+$0x10] =	vst v24;
	(erf) = vpow2.f32 v22  }
0x57: {  	v13 =	vadd.f32 s19, v0;
	v22 =	vld [tilespmem:s16+$0xFFFFE010];
	s18 =	scvt.s32.f32 s22;
	v19 =	vadd.f32 v20, v19;
	[tilespmem:s14+$0x0] =	vst v17;
	v17 =	vmul.f32 $1.442695020e+00, v23  }
0x58: {  	v29 =	vadd.f32 v11, v8;
	v30 =	vadd.f32 s20, v0;
	v8 =	vld [tilespmem:s15+$0xFFFFE010];
	v23 =	vmul.f32 $1.442695020e+00, v26  }
0x59: {  	v13 =	vadd.f32 $5.000000000e-01, v13;
	v24 =	vld [tilespmem:s16+$0xFFFFE000];
	v26 =	vadd.f32 s18, v0;
	v27 =	vpop (erf);
	(erf) = vpow2.f32 v17  }
0x5a: {  	v9 =	vadd.f32 v6, v9;
	s18 =	sadd.s32 $0x20, s21;
	v17 =	vadd.f32 $5.000000000e-01, v30;
	[tilespmem:s14+$0xFFFFFFF0] =	vst v29;
	(erf) = vpow2.f32 v23;
	v11 =	vpop (erf)  }
0x5b: {  	v18 =	vadd.f32 v18, v21;
	s18 =	scvt.s32.f32 s18;
	v23 =	vadd.f32 $-4.096000000e+03, v13;
	v20 =	vpop (erf)  }
0x5c: {  	v5 =	vadd.f32 v5, v7;
	v3 =	vmul.f32 v3, v11;
	v17 =	vadd.f32 $-4.096000000e+03, v17;
	[tilespmem:s13+$0xFFFFFFF0] =	vst v11;
	v11 =	vmovc v22  }
0x5d: {  	v9 =	vadd.f32 v18, v9;
	v21 =	vadd.f32 s18, v0;
	v7 =	vmul.f32 $1.953125000e-03, v23;
	v29 =	vld [tilespmem:s16+$0x20];
	[tilespmem:s13+$0x10] =	vst v20;
	v13 =	vpop (erf)  }
0x5e: {  	v23 =	vadd.f32 $5.000000000e-01, v26;
	v24 =	vadd.f32 v24, v28;
	v17 =	vmul.f32 $1.953125000e-03, v17;
	v28 =	vld [tilespmem:s15+$0x20];
	[tilespmem:s13+$0xFFFFFFE0] =	vst v13;
	v22 =	vpop (erf)  }
0x5f: {  	v16 =	vadd.f32 v5, v16;
	v31 =	vmul.f32 v2, v13;
	v35 =	vsub.f32 $0.0e+00, v7;
	v26 =	vld [tilespmem:s16+$0x10];
	v30 =	vpop (erf);
	[tilespmem:s13+$0x0] =	vst v22  }
0x60: {  	v33 =	vadd.f32 $1.000000000e+00, v27;
	v2 =	vmovc v19;
	v13 =	vmul.f32 v5, v22;
	v5 =	vmovc v10;
	v32 =	vsub.f32 $0.0e+00, v17;
	v17 =	vld [tilespmem:s16+$0xFFFFE020]  }
0x61: {  	v14 =	vadd.f32 v3, v14;
	v21 =	vadd.f32 $5.000000000e-01, v21;
	v3 =	vmovc v6;
	v36 =	vmul.f32 $1.442695020e+00, v35;
	v34 =	vld [tilespmem:s16+$0xFFFFE030];
	v7 =	vmovc v12  }
0x62: {  	v27 =	vadd.f32 $-4.096000000e+03, v23;
	v37 =	vadd.f32 $1.000000000e+00, v30;
	v22 =	vmul.f32 $1.442695020e+00, v32;
	v32 =	vld [tilespmem:s15+$0xFFFFE030];
	v6 =	vpop (erf)  }
.Ltmp1:
0x63: {  	v15 =	vadd.f32 v31, v15;
	v23 =	vld [tilespmem:s15+$0xFFFFE020];
	(erf) = vpow2.f32 v36;
	v30 =	vadd.f32 $1.000000000e+00, v6;
	v35 =	vpop (erf);
	(pc) =	sbr.rel @p0 .LBB2_3-.Ltmp1, $4  }
0x64: {  	v31 =	vmul.f32 v4, v20;
	v4 =	vmovc v18;
	v10 =	vmovc v29;
	v19 =	vld [tilespmem:s15+$0x0];
	v6 =	vadd.f32 v26, v25;
	(erf) = vrcp.f32 v37  }
0x65: {  	s14 =	sadd.s32 $0x40, s14;
	s13 =	sadd.s32 $0x40, s13;
	v21 =	vadd.f32 $-4.096000000e+03, v21;
	v12 =	vmovc v28;
	v25 =	vadd.f32 $1.000000000e+00, v35;
	v20 =	vld [tilespmem:s16+$0x0];
	(erf) = vrcp.f32 v30  }
0x66: {  	v16 =	vadd.f32 v2, v16;
	v14 =	vadd.f32 v31, v14;
	v26 =	vmul.f32 $1.953125000e-03, v27;
	[tilespmem:s14+$0xFFFFFFE0] =	vst v24;
	v18 =	vld [tilespmem:s16+$0x30]  }
0x67: {  	s18 =	smov.u32 s17;
	v27 =	vmul.f32 $1.953125000e-03, v21;
	s16 =	sadd.s32 $0x40, s16;
	v24 =	vadd.f32 v34, v32;
	v21 =	vld [tilespmem:s15+$0x30];
	s15 =	sadd.s32 $0x40, s15;
	(erf) = vrcp.f32 v33  }
0x68: {  	v26 =	vsub.f32 $0.0e+00, v26  }
0x69: {  	v53 =	vsub.f32 $0.0e+00, v27  }
0x6a: {  	(erf) = vrcp.f32 v25;
	v26 =	vmul.f32 $1.442695020e+00, v26  }
0x6b: {  	(erf) = vpow2.f32 v22;
	v22 =	vmul.f32 $1.442695020e+00, v53  }
0x6c: {  	(erf) = vpow2.f32 v26;
	_ =	sdelay $0x1  }
0x6d: {  	(erf) = vpow2.f32 v22  }
0x6e: {  	v22 =	vpop (erf)  }
0x6f: {  	v54 =	vpop (erf)  }
0x70: {  	v55 =	vpop (erf)  }
0x71: {  	v56 =	vpop (erf)  }
0x72: {  	v28 =	vpop (erf)  }
0x73: {  	v29 =	vpop (erf)  }
0x74: {  	v29 =	vadd.f32 $1.000000000e+00, v29;
	v30 =	vpop (erf)  }
0x75: {  	v30 =	vadd.f32 $1.000000000e+00, v30  }
0x76: {  	v22 =	vadd.f32 $1.000000000e+00, v22;
	v57 =	vpop (erf);
	(erf) = vrcp.f32 v29  }
0x77: {  	v29 =	vadd.f32 $1.000000000e+00, v57;
	(erf) = vrcp.f32 v30  }
0x78: {  	v17 =	vadd.f32 v17, v23;
	(erf) = vrcp.f32 v22  }
0x79: {  	v8 =	vadd.f32 v11, v8;
	[tilespmem:s14+$0x10] =	vst v24;
	(erf) = vrcp.f32 v29  }
0x7a: {  	[tilespmem:s14+$0x0] =	vst v17  }
0x7b: {  	[tilespmem:s14+$0xFFFFFFF0] =	vst v8  }
0x7c: {  	[tilespmem:s13+$0xFFFFFFF0] =	vst v54  }
0x7d: {  	[tilespmem:s13+$0x10] =	vst v55  }
0x7e: {  	v8 =	vadd.f32 v5, v7;
	[tilespmem:s13+$0xFFFFFFE0] =	vst v56  }
0x7f: {  	s23 =	sadd.s32 $0x40, s13;
	[tilespmem:s13+$0x0] =	vst v28;
	v11 =	vpop (erf)  }
0x80: {  	v17 =	vadd.f32 v20, v19;
	v5 =	vadd.f32 v8, v16;
	v16 =	vpop (erf);
	[tilespmem:s23+$0xFFFFFFF0] =	vst v11  }
0x81: {  	v7 =	vadd.f32 v6, v9;
	v9 =	vadd.f32 v18, v21;
	[tilespmem:s23+$0x10] =	vst v16;
	v18 =	vpop (erf)  }
0x82: {  	v10 =	vadd.f32 v10, v12;
	v5 =	vadd.f32 v17, v5;
	[tilespmem:s23+$0xFFFFFFE0] =	vst v18;
	v12 =	vpop (erf)  }
0x83: {  	s24 =	simm.s32 $0x1FF0;
	[tilespmem:s23+$0x0] =	vst v12  }
0x84: {  	v7 =	vadd.f32 v9, v7;
	v5 =	vadd.f32 v10, v5;
	v19 =	vld [tilespmem:s24+$0x8000];
	_ =	sdelay $0x1  }
0x85: {  	v5 =	vadd.f32 v7, v5;
	_ =	sdelay $0x1  }
0x86: {  	s25 =	simm.s32 $0x1FE0;
	(xrf2) =	vadd.scan.msk.f32 $0xffff, v5  }
0x87: {  	v7 =	vld [tilespmem:s25+$0x8000];
	(xrf2) =	vadd.scan.msk.f32 $0xffff, v19;
	_ =	sdelay $0x3  }
0x88: {  	v19 =	vperm.xlane v19, v1  }
0x89: {  	(xrf2) =	vadd.scan.msk.f32 $0xffff, v7  }
0x8a: {  	(xrf2) =	vadd.scan.msk.f32 $0xffff, v19;
	_ =	sdelay $0x2  }
0x8b: {  	v5, _, _ =	vpop (xrf2)  }
0x8c: {  	v21, _, _ =	vpop (xrf2)  }
0x8d: {  	s15 =	simm.s32 $0x1FD0;
	(v2sf) =	vpush v21, $0xF  }
0x8e: {  	v20 =	vld [tilespmem:s15+$0x8000];
	_ =	sdelay $0x2  }
0x8f: {  	v21, _, _ =	vpop (xrf2)  }
0x90: {  	s17 =	simm.f32 $0.0e+00;
	v22 =	vperm.xlane v7, v1;
	v7, _, _ =	vpop (xrf2)  }
0x91: {  	(xrf2) =	vadd.scan.msk.f32 $0xffff, v20;
	v23 =	vadd.f32 s17, v7  }
0x92: {  	(xrf2) =	vadd.scan.msk.f32 $0xffff, v22  }
0x93: {  	s16 =	simm.s32 $0x1FC0;
	v7 =	vbroadcast v5, $0xF;
	v23 =	vsub.f32 v23, v19  }
0x94: {  	v3 =	vmul.f32 v3, v54;
	(v2sf) =	vpush v21, $0xF;
	v21 =	vld [tilespmem:s16+$0x8000]  }
0x95: {  	v13 =	vadd.f32 v13, v15;
	v15 =	vadd.f32 v23, v7  }
0x96: {  	s18 =	simm.s32 $0x1FB0;
	v4 =	vmul.f32 v4, v55;
	v3 =	vadd.f32 v3, v14  }
0x97: {  	v2 =	vmul.f32 v2, v56;
	v14 =	vld [tilespmem:s18+$0x8000];
	v58 =	vperm.xlane v20, v1;
	v20 =	vadd.f32 v15, v19  }
0x98: {  	v8 =	vmul.f32 v8, v28;
	v3 =	vadd.f32 v4, v3;
	v4 =	vmax.f32 v15, $1.000000000e+00  }
0x99: {  	v2 =	vadd.f32 v2, v13;
	(xrf2) =	vadd.scan.msk.f32 $0xffff, v21;
	(erf) = vrcp.f32 v4;
	v4 =	vmax.f32 v20, $1.000000000e+00  }
0x9a: {  	v6 =	vmul.f32 v6, v11;
	(xrf2) =	vadd.scan.msk.f32 $0xffff, v58;
	s26 =	spop (v2sf)  }
0x9b: {  	v2 =	vadd.f32 v8, v2;
	v11 =	vld [tilespmem:s15+$0xA000];
	v13, _, _ =	vpop (xrf2);
	s13 =	sadd.f32 s26, s17  }
0x9c: {  	v8 =	vmul.f32 v17, v18;
	v3 =	vadd.f32 v6, v3;
	v17 =	vld [tilespmem:s18+$0xA000];
	(xrf2) =	vadd.scan.msk.f32 $0xffff, v14;
	(erf) = vrcp.f32 v4;
	v4, _, _ =	vpop (xrf2)  }
0x9d: {  	v6 =	vmul.f32 v9, v16;
	(v2sf) =	vpush v13, $0xF;
	v9 =	vadd.f32 s13, v4  }
0x9e: {  	v16 =	vld [tilespmem:s16+$0xA000]  }
0x9f: {  	v15 =	vld [tilespmem:s25+$0xA000];
	v13 =	vsub.f32 v9, v22  }
0xa0: {  	s29 =	simm.s32 $0x1FA0;
	v10 =	vmul.f32 v10, v12;
	v8 =	vadd.f32 v8, v2;
	v2 =	vadd.f32 v6, v3  }
0xa1: {  	v6 =	vperm.xlane v17, v1;
	v17 =	vld [tilespmem:s29+$0xA000];
	v9 =	vperm.xlane v11, v1;
	v11 =	vadd.f32 v13, v7  }
0xa2: {  	v4 =	vperm.xlane v21, v1  }
0xa3: {  	v59 =	vld [tilespmem:s24+$0xA000];
	v3 =	vadd.f32 v10, v8;
	s28 =	spop (v2sf);
	v18, _, _ =	vpop (xrf2);
	v60 =	vmax.f32 v11, $1.000000000e+00;
	v11 =	vadd.f32 v11, v22  }
0xa4: {  	v10 =	vperm.xlane v16, v1;
	v20 =	vld [tilespmem:s29+$0x8000];
	v12 =	vperm.xlane v15, v1;
	v15, _, _ =	vpop (xrf2);
	(v2sf) =	vpush v18, $0xF;
	s13 =	sadd.f32 s28, s13;
	(xrf2) =	vadd.scan.msk.f32 $0xffff, v4  }
0xa5: {  	v16 =	vadd.f32 v13, v22;
	v22 =	vpop (erf);
	(erf) = vrcp.f32 v60;
	v11 =	vmax.f32 v11, $1.000000000e+00  }
0xa6: {  	v15 =	vadd.f32 s13, v15;
	(erf) = vrcp.f32 v11;
	v11 =	vperm.xlane v17, v1;
	v17, _, _ =	vpop (xrf2)  }
0xa7: {  	(v2sf) =	vpush v17, $0xF  }
0xa8: {  	v19 =	vadd.f32 v23, v19;
	v15 =	vsub.f32 v15, v58  }
0xa9: {  	v14 =	vperm.xlane v14, v1;
	v21 =	vperm.xlane v59, v1;
	v18 =	vpop (erf);
	(xrf2) =	vadd.scan.msk.f32 $0xffff, v20  }
0xaa: {  	v22 =	vmul.f32 v22, v23;
	v18 =	vmul.f32 v18, v19;
	v19 =	vadd.f32 v15, v7  }
0xab: {  	s30 =	simm.s32 $0x1F90  }
0xac: {  	s31 =	spop (v2sf);
	v61 =	vadd.f32 $1.000000000e+00, v21;
	v21 =	vld [tilespmem:s30+$0x8000];
	v62 =	vsub.f32 v18, v22;
	v63 =	vmax.f32 v19, $1.000000000e+00;
	(xrf2) =	vadd.scan.msk.f32 $0xffff, v14  }
0xad: {  	s13 =	sadd.f32 s31, s13;
	v17 =	vld [tilespmem:s30+$0xA000];
	v22 =	vadd.f32 v19, v58;
	(erf) = vrcp.f32 v63  }
0xae: {  	s14 =	simm.s32 $0x7E00;
	v8 =	vimm.f32 $0.0e+00;
	v18 =	vadd.f32 v15, v58;
	v23, _, _ =	vpop (xrf2);
	v19 =	vmul.f32 v62, v61  }
.LBB2_5:
0xaf: {  	p0 =	sne.s32 s14, $0x0;
	v23 =	vadd.f32 s13, v23;
	v22 =	vmax.f32 v22, $1.000000000e+00;
	v24 =	vpop (erf);
	v25 =	vmov v6;
	s15 =	smov.u32 s14;
	s14 =	sadd.s32 $0xFFFFFFC0, s14  }
0xb0: {  	v26 =	vperm.xlane v20, v1;
	v6 =	vmovc v11;
	(erf) = vrcp.f32 v22;
	v8 =	vadd.f32 v19, v8  }
0xb1: {  	v19 =	vmul.f32 v24, v13;
	v13 =	vmov v15;
	(xrf2) =	vadd.scan.msk.f32 $0xffff, v21;
	v20 =	vpop (erf);
	v15 =	vsub.f32 v23, v4  }
.Ltmp2:
0xb2: {  	v11 =	vperm.xlane v17, v1;
	v17 =	vmul.f32 v20, v16;
	v16 =	vmovc v18;
	v20 =	vmov v21;
	(pc) =	sbr.rel @p0 .LBB2_5-.Ltmp2, $4  }
0xb3: {  	s15 =	sshra.s32 s15, $0x2;
	v22, _, _ =	vpop (xrf2);
	v27 =	vadd.f32 v15, v7;
	v18 =	vadd.f32 v15, v4  }
0xb4: {  	v24 =	vadd.f32 $1.000000000e+00, v12;
	v12 =	vmovc v9;
	v9 =	vmov v10;
	v21 =	vld [tilespmem:s15+$0x8000];
	(xrf2) =	vadd.scan.msk.f32 $0xffff, v26;
	s16 =	spop (v2sf);
	v19 =	vsub.f32 v17, v19  }
0xb5: {  	v17 =	vld [tilespmem:s15+$0xA000];
	(v2sf) =	vpush v22, $0xF;
	v28 =	vmax.f32 v27, $1.000000000e+00;
	v22 =	vadd.f32 v27, v4;
	s13 =	sadd.f32 s16, s13;
	v4 =	vmovc v14;
	v14 =	vmovc v26  }
0xb6: {  	v10 =	vmov v25;
	v23, _, _ =	vpop (xrf2);
	(erf) = vrcp.f32 v28;
	v19 =	vmul.f32 v19, v24  }
0xb7: {  	_ =	sdelay $0x3  }
0xb8: {  	v24, _, _ =	vpop (xrf2)  }
0xb9: {  	(v2sf) =	vpush v24, $0xF;
	_ =	sdelay $0x2  }
0xba: {  	v20 =	vperm.xlane v20, v1  }
0xbb: {  	(xrf2) =	vadd.scan.msk.f32 $0xffff, v21  }
0xbc: {  	v61 =	vperm.xlane v21, v1;
	(xrf2) =	vadd.scan.msk.f32 $0xffff, v20;
	_ =	sdelay $0x1  }
0xbd: {  	(xrf2) =	vadd.scan.msk.f32 $0xffff, v61;
	_ =	sdelay $0x2  }
0xbe: {  	v23 =	vadd.f32 s13, v23;
	s14 =	spop (v2sf)  }
0xbf: {  	s25 =	sadd.f32 s14, s13  }
0xc0: {  	v23 =	vsub.f32 v23, v4;
	v62, _, _ =	vpop (xrf2)  }
0xc1: {  	v24 =	vadd.f32 s25, v62;
	s26 =	spop (v2sf)  }
0xc2: {  	v22 =	vmax.f32 v22, $1.000000000e+00;
	v25 =	vadd.f32 v23, v7;
	v26, _, _ =	vpop (xrf2);
	s13 =	sadd.f32 s26, s25  }
0xc3: {  	(erf) = vrcp.f32 v22;
	v63 =	vsub.f32 v24, v14;
	v31, _, _ =	vpop (xrf2);
	s28 =	spop (v2sf)  }
0xc4: {  	v27 =	vmax.f32 v25, $1.000000000e+00;
	v25 =	vadd.f32 v25, v4;
	v24 =	vadd.f32 s13, v31;
	s13 =	sadd.f32 s28, s13  }
0xc5: {  	(erf) = vrcp.f32 v27;
	v32 =	vadd.f32 v63, v7;
	v28, _, _ =	vpop (xrf2)  }
0xc6: {  	v25 =	vmax.f32 v25, $1.000000000e+00;
	v24 =	vsub.f32 v24, v20;
	v28 =	vadd.f32 s13, v28  }
0xc7: {  	(erf) = vrcp.f32 v25;
	v33 =	vadd.f32 v32, v14  }
0xc8: {  	v27 =	vmax.f32 v32, $1.000000000e+00;
	v29 =	vadd.f32 v24, v7;
	v28 =	vsub.f32 v28, v61  }
0xc9: {  	v30 =	vpop (erf);
	(erf) = vrcp.f32 v27;
	v25 =	vmax.f32 v33, $1.000000000e+00  }
0xca: {  	v34 =	vpop (erf);
	(erf) = vrcp.f32 v25;
	v35 =	vadd.f32 v29, v20;
	v36 =	vadd.f32 v28, v7  }
0xcb: {  	v12 =	vadd.f32 $1.000000000e+00, v12;
	v13 =	vmul.f32 v30, v13;
	v37 =	vmax.f32 v29, $1.000000000e+00  }
0xcc: {  	(erf) = vrcp.f32 v37;
	v25 =	vmax.f32 v35, $1.000000000e+00;
	v38 =	vadd.f32 v36, v61  }
0xcd: {  	v16 =	vmul.f32 v34, v16;
	(erf) = vrcp.f32 v25;
	v7 =	vmax.f32 v36, $1.000000000e+00  }
0xce: {  	v9 =	vadd.f32 $1.000000000e+00, v9;
	v39 =	vpop (erf);
	(erf) = vrcp.f32 v7;
	v41 =	vmax.f32 v38, $1.000000000e+00  }
0xcf: {  	v49 =	vadd.f32 $1.000000000e+00, v10;
	v13 =	vsub.f32 v16, v13;
	v40 =	vpop (erf);
	(erf) = vrcp.f32 v41  }
0xd0: {  	v43 =	vadd.f32 v23, v4;
	v15 =	vmul.f32 v39, v15;
	v42 =	vpop (erf);
	v7 =	vmul.f32 v40, v18  }
0xd1: {  	v8 =	vadd.f32 v19, v8;
	v12 =	vmul.f32 v13, v12;
	v46 =	vadd.f32 v63, v14;
	v44 =	vpop (erf)  }
0xd2: {  	v47 =	vmul.f32 v42, v23;
	v4 =	vmul.f32 v44, v43;
	v45 =	vpop (erf);
	v7 =	vsub.f32 v7, v15  }
0xd3: {  	v6 =	vadd.f32 $1.000000000e+00, v6;
	v8 =	vadd.f32 v12, v8;
	v50 =	vmul.f32 v45, v63;
	v48 =	vpop (erf)  }
0xd4: {  	v4 =	vsub.f32 v4, v47;
	v51 =	vmul.f32 v48, v46;
	v7 =	vmul.f32 v7, v9  }
0xd5: {  	v59 =	vadd.f32 $1.000000000e+00, v11;
	v54 =	vadd.f32 v24, v20;
	v52 =	vpop (erf)  }
0xd6: {  	v4 =	vmul.f32 v4, v49;
	v55 =	vsub.f32 v51, v50;
	v56 =	vpop (erf);
	v7 =	vadd.f32 v7, v8  }
0xd7: {  	v57 =	vadd.f32 v28, v61;
	v13 =	vmul.f32 v52, v24;
	v8 =	vmul.f32 v56, v54;
	v58 =	vpop (erf)  }
0xd8: {  	v53 =	vperm.xlane v17, v1;
	v6 =	vmul.f32 v55, v6;
	v4 =	vadd.f32 v4, v7;
	v60 =	vpop (erf)  }
0xd9: {  	v8 =	vsub.f32 v8, v13;
	v10 =	vmul.f32 v58, v28;
	v9 =	vmul.f32 v60, v57  }
0xda: {  	v2 =	vadd.f32 v2, v3;
	v61 =	vadd.f32 $1.000000000e+00, v53  }
0xdb: {  	v4 =	vadd.f32 v6, v4;
	v7 =	vmul.f32 v8, v59;
	v62 =	vsub.f32 v9, v10;
	_ =	sdelay $0x1  }
0xdc: {  	(xrf2) =	vadd.scan.msk.f32 $0xffff, v2;
	v3 =	vadd.f32 v7, v4;
	v63 =	vmul.f32 v62, v61;
	_ =	sdelay $0x1  }
0xdd: {  	v2 =	vadd.f32 v63, v3;
	_ =	sdelay $0x1  }
0xde: {  	(xrf2) =	vadd.scan.msk.f32 $0xffff, v2;
	_ =	sdelay $0x4  }
0xdf: {  	(v2sf) =	vpush v26, $0xF  }
0xe0: {  	(v2sf) =	vpush v5, $0xF;
	v2, _, _ =	vpop (xrf2)  }
0xe1: {  	(v2sf) =	vpush v2, $0xF;
	_ =	sdelay $0x2  }
0xe2: {  	v2, _, _ =	vpop (xrf2)  }
0xe3: {  	(v2sf) =	vpush v2, $0xF;
	_ =	sdelay $0x8  }
0xe4: {  	s29 =	spop (v2sf)  }
0xe5: {  	s13 =	spop (v2sf)  }
0xe6: {  	s30 =	spop (v2sf)  }
0xe7: {  	s13 =	ssub.f32 s13, s30;
	_ =	sdelay $0x1  }
0xe8: {  	s13 =	smul.f32 $3.814697270e-06, s13  }
0xe9: {  	s31 =	spop (v2sf)  }
0xea: {  	s13 =	sadd.f32 s31, s13  }
0xeb: {  	s12 =	sadd.s32 $0x1, s12  }
0xec: {  	p0 =	sne.s32 s12, s6;
	v2 =	vmov s13  }
.Ltmp3:
0xed: {  	[tilespmem:$0xC000] =	vst v2;
	(pc) =	sbr.rel @p0 .LBB2_2-.Ltmp3, $4  }
0xee: {  	[hbm4b:s4+s2] =	stream.linear.scatter [tilespmem:s11], [sflag:$0x1], $0x80, $0x38;
	[tilespmem:$0xC080] =	vst v63  }
0xef: {  	_ =	swait.ge [sflag:s9], $0x80  }
0xf0: {  	[sflag:s9] =	ssyncset.done $0x0  }
0xf1: {  	[sflag:s9] =	ssyncadd.s32 $0xFFFFFF80  }
.LBB2_7:
0xf2: {  	_ =	sfence.sel $0x180000  }
0xf3: {  	[bflag:$0x0] =	sbarrier.arrive $0xFFFF  }
0xf4: {  	p0 =	sne.s32 s1, $0x0;
	_ =	strace $0x9000004A  }
0xf5: {  	s0 =	sadd.s32 @!p0 $0x100000, s0;
	[bflag:$0x2] =	sbarrier.arrive $0xFFFF  }
0xf6: {  	[sflag:s0] =	ssyncadd.tile.s32 @!p0 $0x1;
	_ =	shalt  }
.Lfunc_end2:
_tile_overlayer_lowered:
.L_overlay_start_2:
0xf7: {  	(tag) =	ssettag $0x2  }
0xf8: {  	s0 =	rddreg [dreg:$0x0];
	s2 =	stileid.u32  }
0xf9: {  	s1 =	rddreg [dreg:$0x1];
	p0 =	sne.s32 s2, $0x0  }
0xfa: {  	s3 =	rddreg [dreg:$0x2];
	[bflag:$0x3] =	sbarrier.arrive $0xFFFF;
	s2 =	simm.s32 @!p0 $0x1C01  }
0xfb: {  	[timem:s3], [sflag:s2] =	dma.local @!p0 [hbm:s0], s1  }
0xfc: {  	s0 =	simm.s32 @!p0 $0x1  }
0xfd: {  	_ =	swait.ge @!p0 [sflag:s0], s1  }
0xfe: {  	s1 =	ssub.s32 @!p0 $0x0, s1;
	[sflag:s0] =	ssyncset.done @!p0 $0x0  }
0xff: {  	[sflag:s0] =	ssyncadd.s32 @!p0 s1  }
0x100: {  	[bflag:$0x3] =	sbarrier.arrive $0xFFFF  }
0x101: {  	_ =	shalt  }

</sc_bundles>
